<compile_context>
chip_gen: v7x
topology: tpu7x:2x2x1
jax: 0.10.2.dev20260603
libtpu: 0.0.44.dev20260713+nightly
codegen_flags: <defaults>
</compile_context>

<pallas_src>
import functools

import jax
import jax.numpy as jnp
from jax import lax
from jax.experimental import pallas as pl
from jax.experimental.pallas import tpu as pltpu
from jax.experimental.pallas import tpu_sc as plsc

N_WORDS = 4096
N_SAMPLES = 256
PATH_LEN = 128
NC = 2
NS = 16
NW = NC * NS
SPW = N_SAMPLES // NW
DPW = N_WORDS // NW


def _body(bigram_hbm, bias_hbm, start_hbm, end_hbm, samples_hbm, out_hbm,
          samp_v, idx_v, gb_v, gc_v, didx_v, dgb_v, dbb_v,
          sidx_v, eidx_v, sg_v, eg_v, part_v, sem1, sem2, sem3):
    wid = lax.axis_index("s") * NC + lax.axis_index("c")
    base = wid * SPW
    iota = lax.iota(jnp.int32, 16)

    def phys(r, c):
        return ((jnp.right_shift(r, 3) << 15) + (jnp.bitwise_and(r, 7) << 7)
                + (jnp.right_shift(c, 7) << 10) + jnp.bitwise_and(c, 127))

    h_samp = [
        pltpu.async_copy(samples_hbm.at[base + s], samp_v.at[s, pl.ds(0, PATH_LEN)], sem2)
        for s in range(SPW)
    ]
    for k in range(8):
        ivec = iota + (wid * DPW + k * 16)
        d = phys(ivec, jnp.minimum(ivec + 1, N_WORDS - 1))
        d = jnp.where(ivec < N_WORDS - 1, d, wid)
        didx_v[pl.ds(k * 16, 16)] = d
    h_dgb = pltpu.async_copy(bigram_hbm.at[didx_v], dgb_v, sem1)
    h_dbb = pltpu.async_copy(bias_hbm.at[didx_v], dbb_v, sem1)

    for h in h_samp:
        h.wait()

    z16 = jnp.zeros((16,), jnp.int32)
    for s in range(SPW):
        samp_v[s, pl.ds(PATH_LEN, 16)] = z16
        for k in range(8):
            h = samp_v[s, pl.ds(k * 16, 16)]
            t = samp_v[s, pl.ds(k * 16 + 1, 16)]
            idx_v[pl.ds(s * PATH_LEN + k * 16, 16)] = phys(h, t)
    hb = [pltpu.async_copy(bigram_hbm.at[idx_v], gb_v, sem2)]
    hc = [pltpu.async_copy(bias_hbm.at[idx_v], gc_v, sem3)]

    sidx = jnp.full((16,), wid, jnp.int32)
    eidx = jnp.full((16,), N_WORDS - 1 - wid, jnp.int32)
    for s in range(SPW):
        sidx = jnp.where(iota == s, samp_v[s, pl.ds(0, 16)][0], sidx)
        eidx = jnp.where(iota == s, samp_v[s, pl.ds(PATH_LEN - 16, 16)][15], eidx)
    sidx_v[...] = sidx
    eidx_v[...] = eidx
    hb.append(pltpu.async_copy(start_hbm.at[sidx_v], sg_v, sem2))
    hb.append(pltpu.async_copy(end_hbm.at[eidx_v], eg_v, sem2))

    f16 = lambda c: jnp.where(c, 1.0, 0.0).astype(jnp.float32)
    m15 = f16(iota < 15)
    m8 = f16(iota < SPW)

    h_dgb.wait()
    h_dbb.wait()
    dacc = jnp.zeros((16,), jnp.float32)
    for k in range(8):
        ivec = iota + (wid * DPW + k * 16)
        mk = f16(ivec < N_WORDS - 1)
        dacc = dacc + (dgb_v[pl.ds(k * 16, 16)] + dbb_v[pl.ds(k * 16, 16)]) * mk
    d = jnp.sum(dacc)

    for h in hb:
        h.wait()
    srB = jnp.zeros((16,), jnp.float32)
    for s in range(SPW):
        accb = gb_v[pl.ds(s * PATH_LEN + 7 * 16, 16)] * m15
        for k in range(7):
            accb = accb + gb_v[pl.ds(s * PATH_LEN + k * 16, 16)]
        srB = jnp.where(iota == s, jnp.sum(accb), srB)
    sr = srB + sg_v[...] * m8 + eg_v[...] * m8
    t1 = jnp.sum(sr)
    t2 = jnp.sum(sr * sr)
    s0eL = jnp.sum((sg_v[...] + eg_v[...]) * f16(iota == 8))
    d = d + s0eL * jnp.where(wid == 0, 1.0, 0.0)

    for h in hc:
        h.wait()
    pb = jnp.zeros((16,), jnp.float32)
    for s in range(SPW):
        accc = gc_v[pl.ds(s * PATH_LEN + 7 * 16, 16)] * m15
        for k in range(7):
            accc = accc + gc_v[pl.ds(s * PATH_LEN + k * 16, 16)]
        pb = jnp.where(iota == s, jnp.sum(accc), pb)
    t3 = jnp.sum(sr * pb)

    part_v[...] = (f16(iota == 0) * t1 + f16(iota == 1) * t2
                   + f16(iota == 2) * t3 + f16(iota == 3) * d)
    pltpu.sync_copy(part_v, out_hbm.at[wid])


@jax.jit
def kernel(bigram, start, end, bigram_bias, samples):
    mesh = plsc.VectorSubcoreMesh(core_axis_name="c", subcore_axis_name="s")
    launch = functools.partial(
        pl.kernel,
        mesh=mesh,
        compiler_params=pltpu.CompilerParams(needs_layout_passes=False),
        out_type=jax.ShapeDtypeStruct((NW, 16), jnp.float32),
        scratch_types=[
            pltpu.VMEM((SPW, PATH_LEN + 16), jnp.int32),
            pltpu.VMEM((SPW * PATH_LEN,), jnp.int32),
            pltpu.VMEM((SPW * PATH_LEN,), jnp.float32),
            pltpu.VMEM((SPW * PATH_LEN,), jnp.float32),
            pltpu.VMEM((DPW,), jnp.int32),
            pltpu.VMEM((DPW,), jnp.float32),
            pltpu.VMEM((DPW,), jnp.float32),
            pltpu.VMEM((16,), jnp.int32),
            pltpu.VMEM((16,), jnp.int32),
            pltpu.VMEM((16,), jnp.float32),
            pltpu.VMEM((16,), jnp.float32),
            pltpu.VMEM((16,), jnp.float32),
            pltpu.SemaphoreType.DMA,
            pltpu.SemaphoreType.DMA,
            pltpu.SemaphoreType.DMA,
        ],
    )(_body)
    def tiled_bytes_view(x):
        return x.reshape(512, 8, 32, 128).transpose(0, 2, 1, 3).reshape(-1)

    parts = launch(tiled_bytes_view(bigram), tiled_bytes_view(bigram_bias),
                   start, end, samples)
    p = parts.sum(axis=0)
    loss = (p[1] + p[2]) / p[0] - p[3]
    return (loss, 0)

# --- scband reference (transcript-rebuilt; emitter-appended) ---
"""Pipeline reference for scband-different-isloss-14714557956388 (READ-ONLY COPY).

The authoritative reference and input builder live on the scoring server;
editing this copy changes nothing except your own understanding.
"""

import jax, jax.numpy as jnp
import numpy as np


def setup_inputs(seed: int = 0) -> dict:
    key = jax.random.key(seed)
    k1, k2, k3, k4, k5 = jax.random.split(key, 5)
    n_words = 4096
    n_samples = 256
    path_len = 128
    return {
        "bigram": jax.random.uniform(k1, (n_words, n_words), dtype=jnp.float32),
        "start": jax.random.uniform(k2, (n_words,), dtype=jnp.float32),
        "end": jax.random.uniform(k3, (n_words,), dtype=jnp.float32),
        "bigram_bias": jax.random.uniform(k4, (n_words, n_words), dtype=jnp.float32),
        "samples": jax.random.randint(k5, (n_samples, path_len), 0, n_words, dtype=jnp.int32),
    }


def reference(bigram, start, end, bigram_bias, samples):
    n_words = start.shape[0]
    ar = jnp.arange(n_words)
    # target accumulators with the 'true path' marked -1
    start_t = jnp.zeros_like(start).at[0].set(-1.0)
    end_t = jnp.zeros_like(end).at[-1].set(-1.0)
    bigram_t = jnp.zeros_like(bigram).at[ar[:-1], ar[1:]].set(-1.0)
    # importance weights per sampled path (gather from score tables)
    sample_ratio = (
        start[samples[:, 0]]
        + end[samples[:, -1]]
        + bigram[samples[:, :-1], samples[:, 1:]].sum(axis=1)
    )
    sample_ratio = sample_ratio / sample_ratio.sum()
    # scatter-add sample weights onto the targets
    start_t = start_t.at[samples[:, 0]].add(sample_ratio)
    end_t = end_t.at[samples[:, -1]].add(sample_ratio)
    rows = samples[:, :-1].reshape(-1)
    cols = samples[:, 1:].reshape(-1)
    vals = jnp.repeat(sample_ratio, samples.shape[1] - 1)
    bigram_t = bigram_t.at[rows, cols].add(vals)
    loss = (
        jnp.sum(start * start_t)
        + jnp.sum(end * end_t)
        + jnp.sum(bigram * bigram_t)
        + jnp.sum(bigram_bias * bigram_t)
    )
    return (loss, 0)

if __name__ == "__main__":
    import jax
    _d = setup_inputs()
    print(jax.jit(kernel)(*tuple(_d.values())))

</pallas_src>

<mosaic_0001>
#map = affine_map<(d0, d1) -> (0)>
#map1 = affine_map<(d0, d1) -> (0, 0)>
module attributes {stable_mosaic.version = 14 : i64} {
  func.func @_body(%arg0: i32, %arg1: i32, %arg2: memref<16777216xf32, #tpu.memory_space<hbm>>, %arg3: memref<16777216xf32, #tpu.memory_space<hbm>>, %arg4: memref<4096xf32, #tpu.memory_space<hbm>>, %arg5: memref<4096xf32, #tpu.memory_space<hbm>>, %arg6: memref<256x128xi32, #tpu.memory_space<hbm>>, %arg7: memref<32x16xf32, #tpu.memory_space<hbm>>, %arg8: memref<8x144xi32, #tpu.memory_space<vmem>>, %arg9: memref<1024xi32, #tpu.memory_space<vmem>>, %arg10: memref<1024xf32, #tpu.memory_space<vmem>>, %arg11: memref<1024xf32, #tpu.memory_space<vmem>>, %arg12: memref<128xi32, #tpu.memory_space<vmem>>, %arg13: memref<128xf32, #tpu.memory_space<vmem>>, %arg14: memref<128xf32, #tpu.memory_space<vmem>>, %arg15: memref<16xi32, #tpu.memory_space<vmem>>, %arg16: memref<16xi32, #tpu.memory_space<vmem>>, %arg17: memref<16xf32, #tpu.memory_space<vmem>>, %arg18: memref<16xf32, #tpu.memory_space<vmem>>, %arg19: memref<16xf32, #tpu.memory_space<vmem>>, %arg20: memref<!tpu.dma_semaphore, #tpu.memory_space<semaphore_mem>>, %arg21: memref<!tpu.dma_semaphore, #tpu.memory_space<semaphore_mem>>, %arg22: memref<!tpu.dma_semaphore, #tpu.memory_space<semaphore_mem>>) attributes {dimension_semantics = [#tpu.dimension_semantics<core_parallel>, #tpu.dimension_semantics<subcore_parallel>], iteration_bounds = array<i64: 2, 16>, scalar_prefetch = 0 : i64, scratch_operands = 15 : i64, tpu.core_type = #tpu.core_type<sc_vector_subcore>, window_params = [{transform_indices = #map}, {transform_indices = #map}, {transform_indices = #map}, {transform_indices = #map}, {transform_indices = #map1}, {transform_indices = #map1}]} {
    %mul3A = arith.constant 2 : i32
    %mul3A_0 = arith.muli %arg1, %mul3A : i32
    %add3A = arith.addi %mul3A_0, %arg0 : i32
    %mul3A_1 = arith.constant 8 : i32
    %mul3A_2 = arith.muli %add3A, %mul3A_1 : i32
    %iota3A = tpu.iota {dimensions = array<i32: 0>} : vector<16xi32>
    %add3A_3 = arith.constant 0 : i32
    %add3A_4 = arith.addi %mul3A_2, %add3A_3 : i32
    %dma_start3A = arith.constant 0 : i32
    %dma_start3A_5 = arith.constant 0 : i32
    %dma_start3A_6 = tpu.memref_slice %arg8[%dma_start3A, %dma_start3A_5] : memref<8x144xi32, #tpu.memory_space<vmem>> -> memref<1x128xi32, #tpu.memory_space<vmem>>
    %dma_start3A_7 = tpu.memref_squeeze %dma_start3A_6 : memref<1x128xi32, #tpu.memory_space<vmem>> -> memref<128xi32, #tpu.memory_space<vmem>>
    %dma_start3A_8 = arith.constant 0 : i32
    %dma_start3A_9 = tpu.memref_slice %arg6[%add3A_4, %dma_start3A_8] : memref<256x128xi32, #tpu.memory_space<hbm>> -> memref<1x128xi32, #tpu.memory_space<hbm>>
    %dma_start3A_10 = tpu.memref_squeeze %dma_start3A_9 : memref<1x128xi32, #tpu.memory_space<hbm>> -> memref<128xi32, #tpu.memory_space<hbm>>
    %dma_start3A_11 = arith.constant 0 : i32
    %dma_start3A_12 = tpu.memref_slice %arg8[%dma_start3A, %dma_start3A_11] : memref<8x144xi32, #tpu.memory_space<vmem>> -> memref<1x128xi32, #tpu.memory_space<vmem>>
    %dma_start3A_13 = tpu.memref_squeeze %dma_start3A_12 : memref<1x128xi32, #tpu.memory_space<vmem>> -> memref<128xi32, #tpu.memory_space<vmem>>
    %dma_start3A_14 = arith.constant 0 : i32
    %dma_start3A_15 = tpu.memref_slice %arg6[%add3A_4, %dma_start3A_14] : memref<256x128xi32, #tpu.memory_space<hbm>> -> memref<1x128xi32, #tpu.memory_space<hbm>>
    %dma_start3A_16 = tpu.memref_squeeze %dma_start3A_15 : memref<1x128xi32, #tpu.memory_space<hbm>> -> memref<128xi32, #tpu.memory_space<hbm>>
    tpu.enqueue_dma source(%dma_start3A_16 : memref<128xi32, #tpu.memory_space<hbm>>) target(%dma_start3A_13 : memref<128xi32, #tpu.memory_space<vmem>>) target_semaphore(%arg21 : memref<!tpu.dma_semaphore, #tpu.memory_space<semaphore_mem>>)
    %add3A_17 = arith.constant 1 : i32
    %add3A_18 = arith.addi %mul3A_2, %add3A_17 : i32
    %dma_start3A_19 = arith.constant 1 : i32
    %dma_start3A_20 = arith.constant 0 : i32
    %dma_start3A_21 = tpu.memref_slice %arg8[%dma_start3A_19, %dma_start3A_20] : memref<8x144xi32, #tpu.memory_space<vmem>> -> memref<1x128xi32, #tpu.memory_space<vmem>>
    %dma_start3A_22 = tpu.memref_squeeze %dma_start3A_21 : memref<1x128xi32, #tpu.memory_space<vmem>> -> memref<128xi32, #tpu.memory_space<vmem>>
    %dma_start3A_23 = arith.constant 0 : i32
    %dma_start3A_24 = tpu.memref_slice %arg6[%add3A_18, %dma_start3A_23] : memref<256x128xi32, #tpu.memory_space<hbm>> -> memref<1x128xi32, #tpu.memory_space<hbm>>
    %dma_start3A_25 = tpu.memref_squeeze %dma_start3A_24 : memref<1x128xi32, #tpu.memory_space<hbm>> -> memref<128xi32, #tpu.memory_space<hbm>>
    %dma_start3A_26 = arith.constant 0 : i32
    %dma_start3A_27 = tpu.memref_slice %arg8[%dma_start3A_19, %dma_start3A_26] : memref<8x144xi32, #tpu.memory_space<vmem>> -> memref<1x128xi32, #tpu.memory_space<vmem>>
    %dma_start3A_28 = tpu.memref_squeeze %dma_start3A_27 : memref<1x128xi32, #tpu.memory_space<vmem>> -> memref<128xi32, #tpu.memory_space<vmem>>
    %dma_start3A_29 = arith.constant 0 : i32
    %dma_start3A_30 = tpu.memref_slice %arg6[%add3A_18, %dma_start3A_29] : memref<256x128xi32, #tpu.memory_space<hbm>> -> memref<1x128xi32, #tpu.memory_space<hbm>>
    %dma_start3A_31 = tpu.memref_squeeze %dma_start3A_30 : memref<1x128xi32, #tpu.memory_space<hbm>> -> memref<128xi32, #tpu.memory_space<hbm>>
    tpu.enqueue_dma source(%dma_start3A_31 : memref<128xi32, #tpu.memory_space<hbm>>) target(%dma_start3A_28 : memref<128xi32, #tpu.memory_space<vmem>>) target_semaphore(%arg21 : memref<!tpu.dma_semaphore, #tpu.memory_space<semaphore_mem>>)
    %add3A_32 = arith.constant 2 : i32
    %add3A_33 = arith.addi %mul3A_2, %add3A_32 : i32
    %dma_start3A_34 = arith.constant 2 : i32
    %dma_start3A_35 = arith.constant 0 : i32
    %dma_start3A_36 = tpu.memref_slice %arg8[%dma_start3A_34, %dma_start3A_35] : memref<8x144xi32, #tpu.memory_space<vmem>> -> memref<1x128xi32, #tpu.memory_space<vmem>>
    %dma_start3A_37 = tpu.memref_squeeze %dma_start3A_36 : memref<1x128xi32, #tpu.memory_space<vmem>> -> memref<128xi32, #tpu.memory_space<vmem>>
    %dma_start3A_38 = arith.constant 0 : i32
    %dma_start3A_39 = tpu.memref_slice %arg6[%add3A_33, %dma_start3A_38] : memref<256x128xi32, #tpu.memory_space<hbm>> -> memref<1x128xi32, #tpu.memory_space<hbm>>
    %dma_start3A_40 = tpu.memref_squeeze %dma_start3A_39 : memref<1x128xi32, #tpu.memory_space<hbm>> -> memref<128xi32, #tpu.memory_space<hbm>>
    %dma_start3A_41 = arith.constant 0 : i32
    %dma_start3A_42 = tpu.memref_slice %arg8[%dma_start3A_34, %dma_start3A_41] : memref<8x144xi32, #tpu.memory_space<vmem>> -> memref<1x128xi32, #tpu.memory_space<vmem>>
    %dma_start3A_43 = tpu.memref_squeeze %dma_start3A_42 : memref<1x128xi32, #tpu.memory_space<vmem>> -> memref<128xi32, #tpu.memory_space<vmem>>
    %dma_start3A_44 = arith.constant 0 : i32
    %dma_start3A_45 = tpu.memref_slice %arg6[%add3A_33, %dma_start3A_44] : memref<256x128xi32, #tpu.memory_space<hbm>> -> memref<1x128xi32, #tpu.memory_space<hbm>>
    %dma_start3A_46 = tpu.memref_squeeze %dma_start3A_45 : memref<1x128xi32, #tpu.memory_space<hbm>> -> memref<128xi32, #tpu.memory_space<hbm>>
    tpu.enqueue_dma source(%dma_start3A_46 : memref<128xi32, #tpu.memory_space<hbm>>) target(%dma_start3A_43 : memref<128xi32, #tpu.memory_space<vmem>>) target_semaphore(%arg21 : memref<!tpu.dma_semaphore, #tpu.memory_space<semaphore_mem>>)
    %add3A_47 = arith.constant 3 : i32
    %add3A_48 = arith.addi %mul3A_2, %add3A_47 : i32
    %dma_start3A_49 = arith.constant 3 : i32
    %dma_start3A_50 = arith.constant 0 : i32
    %dma_start3A_51 = tpu.memref_slice %arg8[%dma_start3A_49, %dma_start3A_50] : memref<8x144xi32, #tpu.memory_space<vmem>> -> memref<1x128xi32, #tpu.memory_space<vmem>>
    %dma_start3A_52 = tpu.memref_squeeze %dma_start3A_51 : memref<1x128xi32, #tpu.memory_space<vmem>> -> memref<128xi32, #tpu.memory_space<vmem>>
    %dma_start3A_53 = arith.constant 0 : i32
    %dma_start3A_54 = tpu.memref_slice %arg6[%add3A_48, %dma_start3A_53] : memref<256x128xi32, #tpu.memory_space<hbm>> -> memref<1x128xi32, #tpu.memory_space<hbm>>
    %dma_start3A_55 = tpu.memref_squeeze %dma_start3A_54 : memref<1x128xi32, #tpu.memory_space<hbm>> -> memref<128xi32, #tpu.memory_space<hbm>>
    %dma_start3A_56 = arith.constant 0 : i32
    %dma_start3A_57 = tpu.memref_slice %arg8[%dma_start3A_49, %dma_start3A_56] : memref<8x144xi32, #tpu.memory_space<vmem>> -> memref<1x128xi32, #tpu.memory_space<vmem>>
    %dma_start3A_58 = tpu.memref_squeeze %dma_start3A_57 : memref<1x128xi32, #tpu.memory_space<vmem>> -> memref<128xi32, #tpu.memory_space<vmem>>
    %dma_start3A_59 = arith.constant 0 : i32
    %dma_start3A_60 = tpu.memref_slice %arg6[%add3A_48, %dma_start3A_59] : memref<256x128xi32, #tpu.memory_space<hbm>> -> memref<1x128xi32, #tpu.memory_space<hbm>>
    %dma_start3A_61 = tpu.memref_squeeze %dma_start3A_60 : memref<1x128xi32, #tpu.memory_space<hbm>> -> memref<128xi32, #tpu.memory_space<hbm>>
    tpu.enqueue_dma source(%dma_start3A_61 : memref<128xi32, #tpu.memory_space<hbm>>) target(%dma_start3A_58 : memref<128xi32, #tpu.memory_space<vmem>>) target_semaphore(%arg21 : memref<!tpu.dma_semaphore, #tpu.memory_space<semaphore_mem>>)
    %add3A_62 = arith.constant 4 : i32
    %add3A_63 = arith.addi %mul3A_2, %add3A_62 : i32
    %dma_start3A_64 = arith.constant 4 : i32
    %dma_start3A_65 = arith.constant 0 : i32
    %dma_start3A_66 = tpu.memref_slice %arg8[%dma_start3A_64, %dma_start3A_65] : memref<8x144xi32, #tpu.memory_space<vmem>> -> memref<1x128xi32, #tpu.memory_space<vmem>>
    %dma_start3A_67 = tpu.memref_squeeze %dma_start3A_66 : memref<1x128xi32, #tpu.memory_space<vmem>> -> memref<128xi32, #tpu.memory_space<vmem>>
    %dma_start3A_68 = arith.constant 0 : i32
    %dma_start3A_69 = tpu.memref_slice %arg6[%add3A_63, %dma_start3A_68] : memref<256x128xi32, #tpu.memory_space<hbm>> -> memref<1x128xi32, #tpu.memory_space<hbm>>
    %dma_start3A_70 = tpu.memref_squeeze %dma_start3A_69 : memref<1x128xi32, #tpu.memory_space<hbm>> -> memref<128xi32, #tpu.memory_space<hbm>>
    %dma_start3A_71 = arith.constant 0 : i32
    %dma_start3A_72 = tpu.memref_slice %arg8[%dma_start3A_64, %dma_start3A_71] : memref<8x144xi32, #tpu.memory_space<vmem>> -> memref<1x128xi32, #tpu.memory_space<vmem>>
    %dma_start3A_73 = tpu.memref_squeeze %dma_start3A_72 : memref<1x128xi32, #tpu.memory_space<vmem>> -> memref<128xi32, #tpu.memory_space<vmem>>
    %dma_start3A_74 = arith.constant 0 : i32
    %dma_start3A_75 = tpu.memref_slice %arg6[%add3A_63, %dma_start3A_74] : memref<256x128xi32, #tpu.memory_space<hbm>> -> memref<1x128xi32, #tpu.memory_space<hbm>>
    %dma_start3A_76 = tpu.memref_squeeze %dma_start3A_75 : memref<1x128xi32, #tpu.memory_space<hbm>> -> memref<128xi32, #tpu.memory_space<hbm>>
    tpu.enqueue_dma source(%dma_start3A_76 : memref<128xi32, #tpu.memory_space<hbm>>) target(%dma_start3A_73 : memref<128xi32, #tpu.memory_space<vmem>>) target_semaphore(%arg21 : memref<!tpu.dma_semaphore, #tpu.memory_space<semaphore_mem>>)
    %add3A_77 = arith.constant 5 : i32
    %add3A_78 = arith.addi %mul3A_2, %add3A_77 : i32
    %dma_start3A_79 = arith.constant 5 : i32
    %dma_start3A_80 = arith.constant 0 : i32
    %dma_start3A_81 = tpu.memref_slice %arg8[%dma_start3A_79, %dma_start3A_80] : memref<8x144xi32, #tpu.memory_space<vmem>> -> memref<1x128xi32, #tpu.memory_space<vmem>>
    %dma_start3A_82 = tpu.memref_squeeze %dma_start3A_81 : memref<1x128xi32, #tpu.memory_space<vmem>> -> memref<128xi32, #tpu.memory_space<vmem>>
    %dma_start3A_83 = arith.constant 0 : i32
    %dma_start3A_84 = tpu.memref_slice %arg6[%add3A_78, %dma_start3A_83] : memref<256x128xi32, #tpu.memory_space<hbm>> -> memref<1x128xi32, #tpu.memory_space<hbm>>
    %dma_start3A_85 = tpu.memref_squeeze %dma_start3A_84 : memref<1x128xi32, #tpu.memory_space<hbm>> -> memref<128xi32, #tpu.memory_space<hbm>>
    %dma_start3A_86 = arith.constant 0 : i32
    %dma_start3A_87 = tpu.memref_slice %arg8[%dma_start3A_79, %dma_start3A_86] : memref<8x144xi32, #tpu.memory_space<vmem>> -> memref<1x128xi32, #tpu.memory_space<vmem>>
    %dma_start3A_88 = tpu.memref_squeeze %dma_start3A_87 : memref<1x128xi32, #tpu.memory_space<vmem>> -> memref<128xi32, #tpu.memory_space<vmem>>
    %dma_start3A_89 = arith.constant 0 : i32
    %dma_start3A_90 = tpu.memref_slice %arg6[%add3A_78, %dma_start3A_89] : memref<256x128xi32, #tpu.memory_space<hbm>> -> memref<1x128xi32, #tpu.memory_space<hbm>>
    %dma_start3A_91 = tpu.memref_squeeze %dma_start3A_90 : memref<1x128xi32, #tpu.memory_space<hbm>> -> memref<128xi32, #tpu.memory_space<hbm>>
    tpu.enqueue_dma source(%dma_start3A_91 : memref<128xi32, #tpu.memory_space<hbm>>) target(%dma_start3A_88 : memref<128xi32, #tpu.memory_space<vmem>>) target_semaphore(%arg21 : memref<!tpu.dma_semaphore, #tpu.memory_space<semaphore_mem>>)
    %add3A_92 = arith.constant 6 : i32
    %add3A_93 = arith.addi %mul3A_2, %add3A_92 : i32
    %dma_start3A_94 = arith.constant 6 : i32
    %dma_start3A_95 = arith.constant 0 : i32
    %dma_start3A_96 = tpu.memref_slice %arg8[%dma_start3A_94, %dma_start3A_95] : memref<8x144xi32, #tpu.memory_space<vmem>> -> memref<1x128xi32, #tpu.memory_space<vmem>>
    %dma_start3A_97 = tpu.memref_squeeze %dma_start3A_96 : memref<1x128xi32, #tpu.memory_space<vmem>> -> memref<128xi32, #tpu.memory_space<vmem>>
    %dma_start3A_98 = arith.constant 0 : i32
    %dma_start3A_99 = tpu.memref_slice %arg6[%add3A_93, %dma_start3A_98] : memref<256x128xi32, #tpu.memory_space<hbm>> -> memref<1x128xi32, #tpu.memory_space<hbm>>
    %dma_start3A_100 = tpu.memref_squeeze %dma_start3A_99 : memref<1x128xi32, #tpu.memory_space<hbm>> -> memref<128xi32, #tpu.memory_space<hbm>>
    %dma_start3A_101 = arith.constant 0 : i32
    %dma_start3A_102 = tpu.memref_slice %arg8[%dma_start3A_94, %dma_start3A_101] : memref<8x144xi32, #tpu.memory_space<vmem>> -> memref<1x128xi32, #tpu.memory_space<vmem>>
    %dma_start3A_103 = tpu.memref_squeeze %dma_start3A_102 : memref<1x128xi32, #tpu.memory_space<vmem>> -> memref<128xi32, #tpu.memory_space<vmem>>
    %dma_start3A_104 = arith.constant 0 : i32
    %dma_start3A_105 = tpu.memref_slice %arg6[%add3A_93, %dma_start3A_104] : memref<256x128xi32, #tpu.memory_space<hbm>> -> memref<1x128xi32, #tpu.memory_space<hbm>>
    %dma_start3A_106 = tpu.memref_squeeze %dma_start3A_105 : memref<1x128xi32, #tpu.memory_space<hbm>> -> memref<128xi32, #tpu.memory_space<hbm>>
    tpu.enqueue_dma source(%dma_start3A_106 : memref<128xi32, #tpu.memory_space<hbm>>) target(%dma_start3A_103 : memref<128xi32, #tpu.memory_space<vmem>>) target_semaphore(%arg21 : memref<!tpu.dma_semaphore, #tpu.memory_space<semaphore_mem>>)
    %add3A_107 = arith.constant 7 : i32
    %add3A_108 = arith.addi %mul3A_2, %add3A_107 : i32
    %dma_start3A_109 = arith.constant 7 : i32
    %dma_start3A_110 = arith.constant 0 : i32
    %dma_start3A_111 = tpu.memref_slice %arg8[%dma_start3A_109, %dma_start3A_110] : memref<8x144xi32, #tpu.memory_space<vmem>> -> memref<1x128xi32, #tpu.memory_space<vmem>>
    %dma_start3A_112 = tpu.memref_squeeze %dma_start3A_111 : memref<1x128xi32, #tpu.memory_space<vmem>> -> memref<128xi32, #tpu.memory_space<vmem>>
    %dma_start3A_113 = arith.constant 0 : i32
    %dma_start3A_114 = tpu.memref_slice %arg6[%add3A_108, %dma_start3A_113] : memref<256x128xi32, #tpu.memory_space<hbm>> -> memref<1x128xi32, #tpu.memory_space<hbm>>
    %dma_start3A_115 = tpu.memref_squeeze %dma_start3A_114 : memref<1x128xi32, #tpu.memory_space<hbm>> -> memref<128xi32, #tpu.memory_space<hbm>>
    %dma_start3A_116 = arith.constant 0 : i32
    %dma_start3A_117 = tpu.memref_slice %arg8[%dma_start3A_109, %dma_start3A_116] : memref<8x144xi32, #tpu.memory_space<vmem>> -> memref<1x128xi32, #tpu.memory_space<vmem>>
    %dma_start3A_118 = tpu.memref_squeeze %dma_start3A_117 : memref<1x128xi32, #tpu.memory_space<vmem>> -> memref<128xi32, #tpu.memory_space<vmem>>
    %dma_start3A_119 = arith.constant 0 : i32
    %dma_start3A_120 = tpu.memref_slice %arg6[%add3A_108, %dma_start3A_119] : memref<256x128xi32, #tpu.memory_space<hbm>> -> memref<1x128xi32, #tpu.memory_space<hbm>>
    %dma_start3A_121 = tpu.memref_squeeze %dma_start3A_120 : memref<1x128xi32, #tpu.memory_space<hbm>> -> memref<128xi32, #tpu.memory_space<hbm>>
    tpu.enqueue_dma source(%dma_start3A_121 : memref<128xi32, #tpu.memory_space<hbm>>) target(%dma_start3A_118 : memref<128xi32, #tpu.memory_space<vmem>>) target_semaphore(%arg21 : memref<!tpu.dma_semaphore, #tpu.memory_space<semaphore_mem>>)
    %mul3A_122 = arith.constant 128 : i32
    %mul3A_123 = arith.muli %add3A, %mul3A_122 : i32
    %add3A_124 = arith.constant 0 : i32
    %add3A_125 = arith.addi %mul3A_123, %add3A_124 : i32
    %add3A_126 = vector.broadcast %add3A_125 : i32 to vector<16xi32>
    %add3A_127 = arith.addi %iota3A, %add3A_126 : vector<16xi32>
    %add3A_128 = arith.constant 1 : i32
    %add3A_129 = vector.broadcast %add3A_128 : i32 to vector<16xi32>
    %add3A_130 = arith.addi %add3A_127, %add3A_129 : vector<16xi32>
    %min3A = arith.constant 4095 : i32
    %min3A_131 = vector.broadcast %min3A : i32 to vector<16xi32>
    %min3A_132 = arith.minsi %add3A_130, %min3A_131 : vector<16xi32>
    %shift_right_arithmetic3A = arith.constant 3 : i32
    %shift_right_arithmetic3A_133 = vector.broadcast %shift_right_arithmetic3A : i32 to vector<16xi32>
    %shift_right_arithmetic3A_134 = arith.shrsi %add3A_127, %shift_right_arithmetic3A_133 : vector<16xi32>
    %shift_left3A = arith.constant 15 : i32
    %shift_left3A_135 = vector.broadcast %shift_left3A : i32 to vector<16xi32>
    %shift_left3A_136 = arith.shli %shift_right_arithmetic3A_134, %shift_left3A_135 : vector<16xi32>
    %and3A = arith.constant 7 : i32
    %and3A_137 = vector.broadcast %and3A : i32 to vector<16xi32>
    %and3A_138 = arith.andi %add3A_127, %and3A_137 : vector<16xi32>
    %shift_left3A_139 = arith.constant 7 : i32
    %shift_left3A_140 = vector.broadcast %shift_left3A_139 : i32 to vector<16xi32>
    %shift_left3A_141 = arith.shli %and3A_138, %shift_left3A_140 : vector<16xi32>
    %add3A_142 = arith.addi %shift_left3A_136, %shift_left3A_141 : vector<16xi32>
    %shift_right_arithmetic3A_143 = arith.constant 7 : i32
    %shift_right_arithmetic3A_144 = vector.broadcast %shift_right_arithmetic3A_143 : i32 to vector<16xi32>
    %shift_right_arithmetic3A_145 = arith.shrsi %min3A_132, %shift_right_arithmetic3A_144 : vector<16xi32>
    %shift_left3A_146 = arith.constant 10 : i32
    %shift_left3A_147 = vector.broadcast %shift_left3A_146 : i32 to vector<16xi32>
    %shift_left3A_148 = arith.shli %shift_right_arithmetic3A_145, %shift_left3A_147 : vector<16xi32>
    %add3A_149 = arith.addi %add3A_142, %shift_left3A_148 : vector<16xi32>
    %and3A_150 = arith.constant 127 : i32
    %and3A_151 = vector.broadcast %and3A_150 : i32 to vector<16xi32>
    %and3A_152 = arith.andi %min3A_132, %and3A_151 : vector<16xi32>
    %add3A_153 = arith.addi %add3A_149, %and3A_152 : vector<16xi32>
    %lt3A = arith.constant 4095 : i32
    %lt3A_154 = vector.broadcast %lt3A : i32 to vector<16xi32>
    %lt3A_155 = arith.cmpi slt, %add3A_127, %lt3A_154 : vector<16xi32>
    %broadcast_in_dim3A = vector.broadcast %add3A : i32 to vector<16xi32>
    %select_n3A = arith.select %lt3A_155, %add3A_153, %broadcast_in_dim3A : vector<16xi1>, vector<16xi32>
    %swap3A = arith.constant 0 : index
    %swap3A_156 = tpu.vector_load %arg12[%swap3A] {strides = array<i32>} : memref<128xi32, #tpu.memory_space<vmem>>, vector<16xi32>,
    tpu.vector_store %arg12[%swap3A], %select_n3A {strides = array<i32>} : memref<128xi32, #tpu.memory_space<vmem>>, vector<16xi32>,
    %mul3A_157 = arith.constant 128 : i32
    %mul3A_158 = arith.muli %add3A, %mul3A_157 : i32
    %add3A_159 = arith.constant 16 : i32
    %add3A_160 = arith.addi %mul3A_158, %add3A_159 : i32
    %add3A_161 = vector.broadcast %add3A_160 : i32 to vector<16xi32>
    %add3A_162 = arith.addi %iota3A, %add3A_161 : vector<16xi32>
    %add3A_163 = arith.constant 1 : i32
    %add3A_164 = vector.broadcast %add3A_163 : i32 to vector<16xi32>
    %add3A_165 = arith.addi %add3A_162, %add3A_164 : vector<16xi32>
    %min3A_166 = arith.constant 4095 : i32
    %min3A_167 = vector.broadcast %min3A_166 : i32 to vector<16xi32>
    %min3A_168 = arith.minsi %add3A_165, %min3A_167 : vector<16xi32>
    %shift_right_arithmetic3A_169 = arith.constant 3 : i32
    %shift_right_arithmetic3A_170 = vector.broadcast %shift_right_arithmetic3A_169 : i32 to vector<16xi32>
    %shift_right_arithmetic3A_171 = arith.shrsi %add3A_162, %shift_right_arithmetic3A_170 : vector<16xi32>
    %shift_left3A_172 = arith.constant 15 : i32
    %shift_left3A_173 = vector.broadcast %shift_left3A_172 : i32 to vector<16xi32>
    %shift_left3A_174 = arith.shli %shift_right_arithmetic3A_171, %shift_left3A_173 : vector<16xi32>
    %and3A_175 = arith.constant 7 : i32
    %and3A_176 = vector.broadcast %and3A_175 : i32 to vector<16xi32>
    %and3A_177 = arith.andi %add3A_162, %and3A_176 : vector<16xi32>
    %shift_left3A_178 = arith.constant 7 : i32
    %shift_left3A_179 = vector.broadcast %shift_left3A_178 : i32 to vector<16xi32>
    %shift_left3A_180 = arith.shli %and3A_177, %shift_left3A_179 : vector<16xi32>
    %add3A_181 = arith.addi %shift_left3A_174, %shift_left3A_180 : vector<16xi32>
    %shift_right_arithmetic3A_182 = arith.constant 7 : i32
    %shift_right_arithmetic3A_183 = vector.broadcast %shift_right_arithmetic3A_182 : i32 to vector<16xi32>
    %shift_right_arithmetic3A_184 = arith.shrsi %min3A_168, %shift_right_arithmetic3A_183 : vector<16xi32>
    %shift_left3A_185 = arith.constant 10 : i32
    %shift_left3A_186 = vector.broadcast %shift_left3A_185 : i32 to vector<16xi32>
    %shift_left3A_187 = arith.shli %shift_right_arithmetic3A_184, %shift_left3A_186 : vector<16xi32>
    %add3A_188 = arith.addi %add3A_181, %shift_left3A_187 : vector<16xi32>
    %and3A_189 = arith.constant 127 : i32
    %and3A_190 = vector.broadcast %and3A_189 : i32 to vector<16xi32>
    %and3A_191 = arith.andi %min3A_168, %and3A_190 : vector<16xi32>
    %add3A_192 = arith.addi %add3A_188, %and3A_191 : vector<16xi32>
    %lt3A_193 = arith.constant 4095 : i32
    %lt3A_194 = vector.broadcast %lt3A_193 : i32 to vector<16xi32>
    %lt3A_195 = arith.cmpi slt, %add3A_162, %lt3A_194 : vector<16xi32>
    %broadcast_in_dim3A_196 = vector.broadcast %add3A : i32 to vector<16xi32>
    %select_n3A_197 = arith.select %lt3A_195, %add3A_192, %broadcast_in_dim3A_196 : vector<16xi1>, vector<16xi32>
    %swap3A_198 = arith.constant 16 : index
    %swap3A_199 = tpu.vector_load %arg12[%swap3A_198] {strides = array<i32>} : memref<128xi32, #tpu.memory_space<vmem>>, vector<16xi32>,
    tpu.vector_store %arg12[%swap3A_198], %select_n3A_197 {strides = array<i32>} : memref<128xi32, #tpu.memory_space<vmem>>, vector<16xi32>,
    %mul3A_200 = arith.constant 128 : i32
    %mul3A_201 = arith.muli %add3A, %mul3A_200 : i32
    %add3A_202 = arith.constant 32 : i32
    %add3A_203 = arith.addi %mul3A_201, %add3A_202 : i32
    %add3A_204 = vector.broadcast %add3A_203 : i32 to vector<16xi32>
    %add3A_205 = arith.addi %iota3A, %add3A_204 : vector<16xi32>
    %add3A_206 = arith.constant 1 : i32
    %add3A_207 = vector.broadcast %add3A_206 : i32 to vector<16xi32>
    %add3A_208 = arith.addi %add3A_205, %add3A_207 : vector<16xi32>
    %min3A_209 = arith.constant 4095 : i32
    %min3A_210 = vector.broadcast %min3A_209 : i32 to vector<16xi32>
    %min3A_211 = arith.minsi %add3A_208, %min3A_210 : vector<16xi32>
    %shift_right_arithmetic3A_212 = arith.constant 3 : i32
    %shift_right_arithmetic3A_213 = vector.broadcast %shift_right_arithmetic3A_212 : i32 to vector<16xi32>
    %shift_right_arithmetic3A_214 = arith.shrsi %add3A_205, %shift_right_arithmetic3A_213 : vector<16xi32>
    %shift_left3A_215 = arith.constant 15 : i32
    %shift_left3A_216 = vector.broadcast %shift_left3A_215 : i32 to vector<16xi32>
    %shift_left3A_217 = arith.shli %shift_right_arithmetic3A_214, %shift_left3A_216 : vector<16xi32>
    %and3A_218 = arith.constant 7 : i32
    %and3A_219 = vector.broadcast %and3A_218 : i32 to vector<16xi32>
    %and3A_220 = arith.andi %add3A_205, %and3A_219 : vector<16xi32>
    %shift_left3A_221 = arith.constant 7 : i32
    %shift_left3A_222 = vector.broadcast %shift_left3A_221 : i32 to vector<16xi32>
    %shift_left3A_223 = arith.shli %and3A_220, %shift_left3A_222 : vector<16xi32>
    %add3A_224 = arith.addi %shift_left3A_217, %shift_left3A_223 : vector<16xi32>
    %shift_right_arithmetic3A_225 = arith.constant 7 : i32
    %shift_right_arithmetic3A_226 = vector.broadcast %shift_right_arithmetic3A_225 : i32 to vector<16xi32>
    %shift_right_arithmetic3A_227 = arith.shrsi %min3A_211, %shift_right_arithmetic3A_226 : vector<16xi32>
    %shift_left3A_228 = arith.constant 10 : i32
    %shift_left3A_229 = vector.broadcast %shift_left3A_228 : i32 to vector<16xi32>
    %shift_left3A_230 = arith.shli %shift_right_arithmetic3A_227, %shift_left3A_229 : vector<16xi32>
    %add3A_231 = arith.addi %add3A_224, %shift_left3A_230 : vector<16xi32>
    %and3A_232 = arith.constant 127 : i32
    %and3A_233 = vector.broadcast %and3A_232 : i32 to vector<16xi32>
    %and3A_234 = arith.andi %min3A_211, %and3A_233 : vector<16xi32>
    %add3A_235 = arith.addi %add3A_231, %and3A_234 : vector<16xi32>
    %lt3A_236 = arith.constant 4095 : i32
    %lt3A_237 = vector.broadcast %lt3A_236 : i32 to vector<16xi32>
    %lt3A_238 = arith.cmpi slt, %add3A_205, %lt3A_237 : vector<16xi32>
    %broadcast_in_dim3A_239 = vector.broadcast %add3A : i32 to vector<16xi32>
    %select_n3A_240 = arith.select %lt3A_238, %add3A_235, %broadcast_in_dim3A_239 : vector<16xi1>, vector<16xi32>
    %swap3A_241 = arith.constant 32 : index
    %swap3A_242 = tpu.vector_load %arg12[%swap3A_241] {strides = array<i32>} : memref<128xi32, #tpu.memory_space<vmem>>, vector<16xi32>,
    tpu.vector_store %arg12[%swap3A_241], %select_n3A_240 {strides = array<i32>} : memref<128xi32, #tpu.memory_space<vmem>>, vector<16xi32>,
    %mul3A_243 = arith.constant 128 : i32
    %mul3A_244 = arith.muli %add3A, %mul3A_243 : i32
    %add3A_245 = arith.constant 48 : i32
    %add3A_246 = arith.addi %mul3A_244, %add3A_245 : i32
    %add3A_247 = vector.broadcast %add3A_246 : i32 to vector<16xi32>
    %add3A_248 = arith.addi %iota3A, %add3A_247 : vector<16xi32>
    %add3A_249 = arith.constant 1 : i32
    %add3A_250 = vector.broadcast %add3A_249 : i32 to vector<16xi32>
    %add3A_251 = arith.addi %add3A_248, %add3A_250 : vector<16xi32>
    %min3A_252 = arith.constant 4095 : i32
    %min3A_253 = vector.broadcast %min3A_252 : i32 to vector<16xi32>
    %min3A_254 = arith.minsi %add3A_251, %min3A_253 : vector<16xi32>
    %shift_right_arithmetic3A_255 = arith.constant 3 : i32
    %shift_right_arithmetic3A_256 = vector.broadcast %shift_right_arithmetic3A_255 : i32 to vector<16xi32>
    %shift_right_arithmetic3A_257 = arith.shrsi %add3A_248, %shift_right_arithmetic3A_256 : vector<16xi32>
    %shift_left3A_258 = arith.constant 15 : i32
    %shift_left3A_259 = vector.broadcast %shift_left3A_258 : i32 to vector<16xi32>
    %shift_left3A_260 = arith.shli %shift_right_arithmetic3A_257, %shift_left3A_259 : vector<16xi32>
    %and3A_261 = arith.constant 7 : i32
    %and3A_262 = vector.broadcast %and3A_261 : i32 to vector<16xi32>
    %and3A_263 = arith.andi %add3A_248, %and3A_262 : vector<16xi32>
    %shift_left3A_264 = arith.constant 7 : i32
    %shift_left3A_265 = vector.broadcast %shift_left3A_264 : i32 to vector<16xi32>
    %shift_left3A_266 = arith.shli %and3A_263, %shift_left3A_265 : vector<16xi32>
    %add3A_267 = arith.addi %shift_left3A_260, %shift_left3A_266 : vector<16xi32>
    %shift_right_arithmetic3A_268 = arith.constant 7 : i32
    %shift_right_arithmetic3A_269 = vector.broadcast %shift_right_arithmetic3A_268 : i32 to vector<16xi32>
    %shift_right_arithmetic3A_270 = arith.shrsi %min3A_254, %shift_right_arithmetic3A_269 : vector<16xi32>
    %shift_left3A_271 = arith.constant 10 : i32
    %shift_left3A_272 = vector.broadcast %shift_left3A_271 : i32 to vector<16xi32>
    %shift_left3A_273 = arith.shli %shift_right_arithmetic3A_270, %shift_left3A_272 : vector<16xi32>
    %add3A_274 = arith.addi %add3A_267, %shift_left3A_273 : vector<16xi32>
    %and3A_275 = arith.constant 127 : i32
    %and3A_276 = vector.broadcast %and3A_275 : i32 to vector<16xi32>
    %and3A_277 = arith.andi %min3A_254, %and3A_276 : vector<16xi32>
    %add3A_278 = arith.addi %add3A_274, %and3A_277 : vector<16xi32>
    %lt3A_279 = arith.constant 4095 : i32
    %lt3A_280 = vector.broadcast %lt3A_279 : i32 to vector<16xi32>
    %lt3A_281 = arith.cmpi slt, %add3A_248, %lt3A_280 : vector<16xi32>
    %broadcast_in_dim3A_282 = vector.broadcast %add3A : i32 to vector<16xi32>
    %select_n3A_283 = arith.select %lt3A_281, %add3A_278, %broadcast_in_dim3A_282 : vector<16xi1>, vector<16xi32>
    %swap3A_284 = arith.constant 48 : index
    %swap3A_285 = tpu.vector_load %arg12[%swap3A_284] {strides = array<i32>} : memref<128xi32, #tpu.memory_space<vmem>>, vector<16xi32>,
    tpu.vector_store %arg12[%swap3A_284], %select_n3A_283 {strides = array<i32>} : memref<128xi32, #tpu.memory_space<vmem>>, vector<16xi32>,
    %mul3A_286 = arith.constant 128 : i32
    %mul3A_287 = arith.muli %add3A, %mul3A_286 : i32
    %add3A_288 = arith.constant 64 : i32
    %add3A_289 = arith.addi %mul3A_287, %add3A_288 : i32
    %add3A_290 = vector.broadcast %add3A_289 : i32 to vector<16xi32>
    %add3A_291 = arith.addi %iota3A, %add3A_290 : vector<16xi32>
    %add3A_292 = arith.constant 1 : i32
    %add3A_293 = vector.broadcast %add3A_292 : i32 to vector<16xi32>
    %add3A_294 = arith.addi %add3A_291, %add3A_293 : vector<16xi32>
    %min3A_295 = arith.constant 4095 : i32
    %min3A_296 = vector.broadcast %min3A_295 : i32 to vector<16xi32>
    %min3A_297 = arith.minsi %add3A_294, %min3A_296 : vector<16xi32>
    %shift_right_arithmetic3A_298 = arith.constant 3 : i32
    %shift_right_arithmetic3A_299 = vector.broadcast %shift_right_arithmetic3A_298 : i32 to vector<16xi32>
    %shift_right_arithmetic3A_300 = arith.shrsi %add3A_291, %shift_right_arithmetic3A_299 : vector<16xi32>
    %shift_left3A_301 = arith.constant 15 : i32
    %shift_left3A_302 = vector.broadcast %shift_left3A_301 : i32 to vector<16xi32>
    %shift_left3A_303 = arith.shli %shift_right_arithmetic3A_300, %shift_left3A_302 : vector<16xi32>
    %and3A_304 = arith.constant 7 : i32
    %and3A_305 = vector.broadcast %and3A_304 : i32 to vector<16xi32>
    %and3A_306 = arith.andi %add3A_291, %and3A_305 : vector<16xi32>
    %shift_left3A_307 = arith.constant 7 : i32
    %shift_left3A_308 = vector.broadcast %shift_left3A_307 : i32 to vector<16xi32>
    %shift_left3A_309 = arith.shli %and3A_306, %shift_left3A_308 : vector<16xi32>
    %add3A_310 = arith.addi %shift_left3A_303, %shift_left3A_309 : vector<16xi32>
    %shift_right_arithmetic3A_311 = arith.constant 7 : i32
    %shift_right_arithmetic3A_312 = vector.broadcast %shift_right_arithmetic3A_311 : i32 to vector<16xi32>
    %shift_right_arithmetic3A_313 = arith.shrsi %min3A_297, %shift_right_arithmetic3A_312 : vector<16xi32>
    %shift_left3A_314 = arith.constant 10 : i32
    %shift_left3A_315 = vector.broadcast %shift_left3A_314 : i32 to vector<16xi32>
    %shift_left3A_316 = arith.shli %shift_right_arithmetic3A_313, %shift_left3A_315 : vector<16xi32>
    %add3A_317 = arith.addi %add3A_310, %shift_left3A_316 : vector<16xi32>
    %and3A_318 = arith.constant 127 : i32
    %and3A_319 = vector.broadcast %and3A_318 : i32 to vector<16xi32>
    %and3A_320 = arith.andi %min3A_297, %and3A_319 : vector<16xi32>
    %add3A_321 = arith.addi %add3A_317, %and3A_320 : vector<16xi32>
    %lt3A_322 = arith.constant 4095 : i32
    %lt3A_323 = vector.broadcast %lt3A_322 : i32 to vector<16xi32>
    %lt3A_324 = arith.cmpi slt, %add3A_291, %lt3A_323 : vector<16xi32>
    %broadcast_in_dim3A_325 = vector.broadcast %add3A : i32 to vector<16xi32>
    %select_n3A_326 = arith.select %lt3A_324, %add3A_321, %broadcast_in_dim3A_325 : vector<16xi1>, vector<16xi32>
    %swap3A_327 = arith.constant 64 : index
    %swap3A_328 = tpu.vector_load %arg12[%swap3A_327] {strides = array<i32>} : memref<128xi32, #tpu.memory_space<vmem>>, vector<16xi32>,
    tpu.vector_store %arg12[%swap3A_327], %select_n3A_326 {strides = array<i32>} : memref<128xi32, #tpu.memory_space<vmem>>, vector<16xi32>,
    %mul3A_329 = arith.constant 128 : i32
    %mul3A_330 = arith.muli %add3A, %mul3A_329 : i32
    %add3A_331 = arith.constant 80 : i32
    %add3A_332 = arith.addi %mul3A_330, %add3A_331 : i32
    %add3A_333 = vector.broadcast %add3A_332 : i32 to vector<16xi32>
    %add3A_334 = arith.addi %iota3A, %add3A_333 : vector<16xi32>
    %add3A_335 = arith.constant 1 : i32
    %add3A_336 = vector.broadcast %add3A_335 : i32 to vector<16xi32>
    %add3A_337 = arith.addi %add3A_334, %add3A_336 : vector<16xi32>
    %min3A_338 = arith.constant 4095 : i32
    %min3A_339 = vector.broadcast %min3A_338 : i32 to vector<16xi32>
    %min3A_340 = arith.minsi %add3A_337, %min3A_339 : vector<16xi32>
    %shift_right_arithmetic3A_341 = arith.constant 3 : i32
    %shift_right_arithmetic3A_342 = vector.broadcast %shift_right_arithmetic3A_341 : i32 to vector<16xi32>
    %shift_right_arithmetic3A_343 = arith.shrsi %add3A_334, %shift_right_arithmetic3A_342 : vector<16xi32>
    %shift_left3A_344 = arith.constant 15 : i32
    %shift_left3A_345 = vector.broadcast %shift_left3A_344 : i32 to vector<16xi32>
    %shift_left3A_346 = arith.shli %shift_right_arithmetic3A_343, %shift_left3A_345 : vector<16xi32>
    %and3A_347 = arith.constant 7 : i32
    %and3A_348 = vector.broadcast %and3A_347 : i32 to vector<16xi32>
    %and3A_349 = arith.andi %add3A_334, %and3A_348 : vector<16xi32>
    %shift_left3A_350 = arith.constant 7 : i32
    %shift_left3A_351 = vector.broadcast %shift_left3A_350 : i32 to vector<16xi32>
    %shift_left3A_352 = arith.shli %and3A_349, %shift_left3A_351 : vector<16xi32>
    %add3A_353 = arith.addi %shift_left3A_346, %shift_left3A_352 : vector<16xi32>
    %shift_right_arithmetic3A_354 = arith.constant 7 : i32
    %shift_right_arithmetic3A_355 = vector.broadcast %shift_right_arithmetic3A_354 : i32 to vector<16xi32>
    %shift_right_arithmetic3A_356 = arith.shrsi %min3A_340, %shift_right_arithmetic3A_355 : vector<16xi32>
    %shift_left3A_357 = arith.constant 10 : i32
    %shift_left3A_358 = vector.broadcast %shift_left3A_357 : i32 to vector<16xi32>
    %shift_left3A_359 = arith.shli %shift_right_arithmetic3A_356, %shift_left3A_358 : vector<16xi32>
    %add3A_360 = arith.addi %add3A_353, %shift_left3A_359 : vector<16xi32>
    %and3A_361 = arith.constant 127 : i32
    %and3A_362 = vector.broadcast %and3A_361 : i32 to vector<16xi32>
    %and3A_363 = arith.andi %min3A_340, %and3A_362 : vector<16xi32>
    %add3A_364 = arith.addi %add3A_360, %and3A_363 : vector<16xi32>
    %lt3A_365 = arith.constant 4095 : i32
    %lt3A_366 = vector.broadcast %lt3A_365 : i32 to vector<16xi32>
    %lt3A_367 = arith.cmpi slt, %add3A_334, %lt3A_366 : vector<16xi32>
    %broadcast_in_dim3A_368 = vector.broadcast %add3A : i32 to vector<16xi32>
    %select_n3A_369 = arith.select %lt3A_367, %add3A_364, %broadcast_in_dim3A_368 : vector<16xi1>, vector<16xi32>
    %swap3A_370 = arith.constant 80 : index
    %swap3A_371 = tpu.vector_load %arg12[%swap3A_370] {strides = array<i32>} : memref<128xi32, #tpu.memory_space<vmem>>, vector<16xi32>,
    tpu.vector_store %arg12[%swap3A_370], %select_n3A_369 {strides = array<i32>} : memref<128xi32, #tpu.memory_space<vmem>>, vector<16xi32>,
    %mul3A_372 = arith.constant 128 : i32
    %mul3A_373 = arith.muli %add3A, %mul3A_372 : i32
    %add3A_374 = arith.constant 96 : i32
    %add3A_375 = arith.addi %mul3A_373, %add3A_374 : i32
    %add3A_376 = vector.broadcast %add3A_375 : i32 to vector<16xi32>
    %add3A_377 = arith.addi %iota3A, %add3A_376 : vector<16xi32>
    %add3A_378 = arith.constant 1 : i32
    %add3A_379 = vector.broadcast %add3A_378 : i32 to vector<16xi32>
    %add3A_380 = arith.addi %add3A_377, %add3A_379 : vector<16xi32>
    %min3A_381 = arith.constant 4095 : i32
    %min3A_382 = vector.broadcast %min3A_381 : i32 to vector<16xi32>
    %min3A_383 = arith.minsi %add3A_380, %min3A_382 : vector<16xi32>
    %shift_right_arithmetic3A_384 = arith.constant 3 : i32
    %shift_right_arithmetic3A_385 = vector.broadcast %shift_right_arithmetic3A_384 : i32 to vector<16xi32>
    %shift_right_arithmetic3A_386 = arith.shrsi %add3A_377, %shift_right_arithmetic3A_385 : vector<16xi32>
    %shift_left3A_387 = arith.constant 15 : i32
    %shift_left3A_388 = vector.broadcast %shift_left3A_387 : i32 to vector<16xi32>
    %shift_left3A_389 = arith.shli %shift_right_arithmetic3A_386, %shift_left3A_388 : vector<16xi32>
    %and3A_390 = arith.constant 7 : i32
    %and3A_391 = vector.broadcast %and3A_390 : i32 to vector<16xi32>
    %and3A_392 = arith.andi %add3A_377, %and3A_391 : vector<16xi32>
    %shift_left3A_393 = arith.constant 7 : i32
    %shift_left3A_394 = vector.broadcast %shift_left3A_393 : i32 to vector<16xi32>
    %shift_left3A_395 = arith.shli %and3A_392, %shift_left3A_394 : vector<16xi32>
    %add3A_396 = arith.addi %shift_left3A_389, %shift_left3A_395 : vector<16xi32>
    %shift_right_arithmetic3A_397 = arith.constant 7 : i32
    %shift_right_arithmetic3A_398 = vector.broadcast %shift_right_arithmetic3A_397 : i32 to vector<16xi32>
    %shift_right_arithmetic3A_399 = arith.shrsi %min3A_383, %shift_right_arithmetic3A_398 : vector<16xi32>
    %shift_left3A_400 = arith.constant 10 : i32
    %shift_left3A_401 = vector.broadcast %shift_left3A_400 : i32 to vector<16xi32>
    %shift_left3A_402 = arith.shli %shift_right_arithmetic3A_399, %shift_left3A_401 : vector<16xi32>
    %add3A_403 = arith.addi %add3A_396, %shift_left3A_402 : vector<16xi32>
    %and3A_404 = arith.constant 127 : i32
    %and3A_405 = vector.broadcast %and3A_404 : i32 to vector<16xi32>
    %and3A_406 = arith.andi %min3A_383, %and3A_405 : vector<16xi32>
    %add3A_407 = arith.addi %add3A_403, %and3A_406 : vector<16xi32>
    %lt3A_408 = arith.constant 4095 : i32
    %lt3A_409 = vector.broadcast %lt3A_408 : i32 to vector<16xi32>
    %lt3A_410 = arith.cmpi slt, %add3A_377, %lt3A_409 : vector<16xi32>
    %broadcast_in_dim3A_411 = vector.broadcast %add3A : i32 to vector<16xi32>
    %select_n3A_412 = arith.select %lt3A_410, %add3A_407, %broadcast_in_dim3A_411 : vector<16xi1>, vector<16xi32>
    %swap3A_413 = arith.constant 96 : index
    %swap3A_414 = tpu.vector_load %arg12[%swap3A_413] {strides = array<i32>} : memref<128xi32, #tpu.memory_space<vmem>>, vector<16xi32>,
    tpu.vector_store %arg12[%swap3A_413], %select_n3A_412 {strides = array<i32>} : memref<128xi32, #tpu.memory_space<vmem>>, vector<16xi32>,
    %mul3A_415 = arith.constant 128 : i32
    %mul3A_416 = arith.muli %add3A, %mul3A_415 : i32
    %add3A_417 = arith.constant 112 : i32
    %add3A_418 = arith.addi %mul3A_416, %add3A_417 : i32
    %add3A_419 = vector.broadcast %add3A_418 : i32 to vector<16xi32>
    %add3A_420 = arith.addi %iota3A, %add3A_419 : vector<16xi32>
    %add3A_421 = arith.constant 1 : i32
    %add3A_422 = vector.broadcast %add3A_421 : i32 to vector<16xi32>
    %add3A_423 = arith.addi %add3A_420, %add3A_422 : vector<16xi32>
    %min3A_424 = arith.constant 4095 : i32
    %min3A_425 = vector.broadcast %min3A_424 : i32 to vector<16xi32>
    %min3A_426 = arith.minsi %add3A_423, %min3A_425 : vector<16xi32>
    %shift_right_arithmetic3A_427 = arith.constant 3 : i32
    %shift_right_arithmetic3A_428 = vector.broadcast %shift_right_arithmetic3A_427 : i32 to vector<16xi32>
    %shift_right_arithmetic3A_429 = arith.shrsi %add3A_420, %shift_right_arithmetic3A_428 : vector<16xi32>
    %shift_left3A_430 = arith.constant 15 : i32
    %shift_left3A_431 = vector.broadcast %shift_left3A_430 : i32 to vector<16xi32>
    %shift_left3A_432 = arith.shli %shift_right_arithmetic3A_429, %shift_left3A_431 : vector<16xi32>
    %and3A_433 = arith.constant 7 : i32
    %and3A_434 = vector.broadcast %and3A_433 : i32 to vector<16xi32>
    %and3A_435 = arith.andi %add3A_420, %and3A_434 : vector<16xi32>
    %shift_left3A_436 = arith.constant 7 : i32
    %shift_left3A_437 = vector.broadcast %shift_left3A_436 : i32 to vector<16xi32>
    %shift_left3A_438 = arith.shli %and3A_435, %shift_left3A_437 : vector<16xi32>
    %add3A_439 = arith.addi %shift_left3A_432, %shift_left3A_438 : vector<16xi32>
    %shift_right_arithmetic3A_440 = arith.constant 7 : i32
    %shift_right_arithmetic3A_441 = vector.broadcast %shift_right_arithmetic3A_440 : i32 to vector<16xi32>
    %shift_right_arithmetic3A_442 = arith.shrsi %min3A_426, %shift_right_arithmetic3A_441 : vector<16xi32>
    %shift_left3A_443 = arith.constant 10 : i32
    %shift_left3A_444 = vector.broadcast %shift_left3A_443 : i32 to vector<16xi32>
    %shift_left3A_445 = arith.shli %shift_right_arithmetic3A_442, %shift_left3A_444 : vector<16xi32>
    %add3A_446 = arith.addi %add3A_439, %shift_left3A_445 : vector<16xi32>
    %and3A_447 = arith.constant 127 : i32
    %and3A_448 = vector.broadcast %and3A_447 : i32 to vector<16xi32>
    %and3A_449 = arith.andi %min3A_426, %and3A_448 : vector<16xi32>
    %add3A_450 = arith.addi %add3A_446, %and3A_449 : vector<16xi32>
    %lt3A_451 = arith.constant 4095 : i32
    %lt3A_452 = vector.broadcast %lt3A_451 : i32 to vector<16xi32>
    %lt3A_453 = arith.cmpi slt, %add3A_420, %lt3A_452 : vector<16xi32>
    %broadcast_in_dim3A_454 = vector.broadcast %add3A : i32 to vector<16xi32>
    %select_n3A_455 = arith.select %lt3A_453, %add3A_450, %broadcast_in_dim3A_454 : vector<16xi1>, vector<16xi32>
    %swap3A_456 = arith.constant 112 : index
    %swap3A_457 = tpu.vector_load %arg12[%swap3A_456] {strides = array<i32>} : memref<128xi32, #tpu.memory_space<vmem>>, vector<16xi32>,
    tpu.vector_store %arg12[%swap3A_456], %select_n3A_455 {strides = array<i32>} : memref<128xi32, #tpu.memory_space<vmem>>, vector<16xi32>,
    %dma_start3A_458 = arith.constant 0 : i32
    %dma_start3A_459 = tpu.memref_slice %arg2[%dma_start3A_458] : memref<16777216xf32, #tpu.memory_space<hbm>> -> memref<16777216xf32, #tpu.memory_space<hbm>>
    tpu.enqueue_indirect_dma source(%dma_start3A_459 : memref<16777216xf32, #tpu.memory_space<hbm>>) target(%arg13 : memref<128xf32, #tpu.memory_space<vmem>>) offsets(%arg12 : memref<128xi32, #tpu.memory_space<vmem>>) semaphore(%arg20 : memref<!tpu.dma_semaphore, #tpu.memory_space<semaphore_mem>>)
    %dma_start3A_460 = arith.constant 0 : i32
    %dma_start3A_461 = tpu.memref_slice %arg3[%dma_start3A_460] : memref<16777216xf32, #tpu.memory_space<hbm>> -> memref<16777216xf32, #tpu.memory_space<hbm>>
    tpu.enqueue_indirect_dma source(%dma_start3A_461 : memref<16777216xf32, #tpu.memory_space<hbm>>) target(%arg14 : memref<128xf32, #tpu.memory_space<vmem>>) offsets(%arg12 : memref<128xi32, #tpu.memory_space<vmem>>) semaphore(%arg20 : memref<!tpu.dma_semaphore, #tpu.memory_space<semaphore_mem>>)
    %dma_wait3A = arith.constant 0 : i32
    %dma_wait3A_462 = arith.constant 0 : i32
    %dma_wait3A_463 = tpu.memref_slice %arg8[%dma_wait3A, %dma_wait3A_462] : memref<8x144xi32, #tpu.memory_space<vmem>> -> memref<1x128xi32, #tpu.memory_space<vmem>>
    %dma_wait3A_464 = tpu.memref_squeeze %dma_wait3A_463 : memref<1x128xi32, #tpu.memory_space<vmem>> -> memref<128xi32, #tpu.memory_space<vmem>>
    %dma_wait3A_465 = arith.constant 0 : i32
    %dma_wait3A_466 = tpu.memref_slice %arg6[%add3A_4, %dma_wait3A_465] : memref<256x128xi32, #tpu.memory_space<hbm>> -> memref<1x128xi32, #tpu.memory_space<hbm>>
    %dma_wait3A_467 = tpu.memref_squeeze %dma_wait3A_466 : memref<1x128xi32, #tpu.memory_space<hbm>> -> memref<128xi32, #tpu.memory_space<hbm>>
    %dma_wait3A_468 = arith.constant 0 : i32
    %dma_wait3A_469 = tpu.memref_slice %arg8[%dma_wait3A, %dma_wait3A_468] : memref<8x144xi32, #tpu.memory_space<vmem>> -> memref<1x128xi32, #tpu.memory_space<vmem>>
    %dma_wait3A_470 = tpu.memref_squeeze %dma_wait3A_469 : memref<1x128xi32, #tpu.memory_space<vmem>> -> memref<128xi32, #tpu.memory_space<vmem>>
    %dma_wait3A_471 = arith.constant 0 : i32
    %dma_wait3A_472 = tpu.memref_slice %arg6[%add3A_4, %dma_wait3A_471] : memref<256x128xi32, #tpu.memory_space<hbm>> -> memref<1x128xi32, #tpu.memory_space<hbm>>
    %dma_wait3A_473 = tpu.memref_squeeze %dma_wait3A_472 : memref<1x128xi32, #tpu.memory_space<hbm>> -> memref<128xi32, #tpu.memory_space<hbm>>
    tpu.wait_dma2 semaphore(%arg21 : memref<!tpu.dma_semaphore, #tpu.memory_space<semaphore_mem>>) src(%dma_wait3A_473 : memref<128xi32, #tpu.memory_space<hbm>>) dst(%dma_wait3A_470 : memref<128xi32, #tpu.memory_space<vmem>>)
    %dma_wait3A_474 = arith.constant 1 : i32
    %dma_wait3A_475 = arith.constant 0 : i32
    %dma_wait3A_476 = tpu.memref_slice %arg8[%dma_wait3A_474, %dma_wait3A_475] : memref<8x144xi32, #tpu.memory_space<vmem>> -> memref<1x128xi32, #tpu.memory_space<vmem>>
    %dma_wait3A_477 = tpu.memref_squeeze %dma_wait3A_476 : memref<1x128xi32, #tpu.memory_space<vmem>> -> memref<128xi32, #tpu.memory_space<vmem>>
    %dma_wait3A_478 = arith.constant 0 : i32
    %dma_wait3A_479 = tpu.memref_slice %arg6[%add3A_18, %dma_wait3A_478] : memref<256x128xi32, #tpu.memory_space<hbm>> -> memref<1x128xi32, #tpu.memory_space<hbm>>
    %dma_wait3A_480 = tpu.memref_squeeze %dma_wait3A_479 : memref<1x128xi32, #tpu.memory_space<hbm>> -> memref<128xi32, #tpu.memory_space<hbm>>
    %dma_wait3A_481 = arith.constant 0 : i32
    %dma_wait3A_482 = tpu.memref_slice %arg8[%dma_wait3A_474, %dma_wait3A_481] : memref<8x144xi32, #tpu.memory_space<vmem>> -> memref<1x128xi32, #tpu.memory_space<vmem>>
    %dma_wait3A_483 = tpu.memref_squeeze %dma_wait3A_482 : memref<1x128xi32, #tpu.memory_space<vmem>> -> memref<128xi32, #tpu.memory_space<vmem>>
    %dma_wait3A_484 = arith.constant 0 : i32
    %dma_wait3A_485 = tpu.memref_slice %arg6[%add3A_18, %dma_wait3A_484] : memref<256x128xi32, #tpu.memory_space<hbm>> -> memref<1x128xi32, #tpu.memory_space<hbm>>
    %dma_wait3A_486 = tpu.memref_squeeze %dma_wait3A_485 : memref<1x128xi32, #tpu.memory_space<hbm>> -> memref<128xi32, #tpu.memory_space<hbm>>
    tpu.wait_dma2 semaphore(%arg21 : memref<!tpu.dma_semaphore, #tpu.memory_space<semaphore_mem>>) src(%dma_wait3A_486 : memref<128xi32, #tpu.memory_space<hbm>>) dst(%dma_wait3A_483 : memref<128xi32, #tpu.memory_space<vmem>>)
    %dma_wait3A_487 = arith.constant 2 : i32
    %dma_wait3A_488 = arith.constant 0 : i32
    %dma_wait3A_489 = tpu.memref_slice %arg8[%dma_wait3A_487, %dma_wait3A_488] : memref<8x144xi32, #tpu.memory_space<vmem>> -> memref<1x128xi32, #tpu.memory_space<vmem>>
    %dma_wait3A_490 = tpu.memref_squeeze %dma_wait3A_489 : memref<1x128xi32, #tpu.memory_space<vmem>> -> memref<128xi32, #tpu.memory_space<vmem>>
    %dma_wait3A_491 = arith.constant 0 : i32
    %dma_wait3A_492 = tpu.memref_slice %arg6[%add3A_33, %dma_wait3A_491] : memref<256x128xi32, #tpu.memory_space<hbm>> -> memref<1x128xi32, #tpu.memory_space<hbm>>
    %dma_wait3A_493 = tpu.memref_squeeze %dma_wait3A_492 : memref<1x128xi32, #tpu.memory_space<hbm>> -> memref<128xi32, #tpu.memory_space<hbm>>
    %dma_wait3A_494 = arith.constant 0 : i32
    %dma_wait3A_495 = tpu.memref_slice %arg8[%dma_wait3A_487, %dma_wait3A_494] : memref<8x144xi32, #tpu.memory_space<vmem>> -> memref<1x128xi32, #tpu.memory_space<vmem>>
    %dma_wait3A_496 = tpu.memref_squeeze %dma_wait3A_495 : memref<1x128xi32, #tpu.memory_space<vmem>> -> memref<128xi32, #tpu.memory_space<vmem>>
    %dma_wait3A_497 = arith.constant 0 : i32
    %dma_wait3A_498 = tpu.memref_slice %arg6[%add3A_33, %dma_wait3A_497] : memref<256x128xi32, #tpu.memory_space<hbm>> -> memref<1x128xi32, #tpu.memory_space<hbm>>
    %dma_wait3A_499 = tpu.memref_squeeze %dma_wait3A_498 : memref<1x128xi32, #tpu.memory_space<hbm>> -> memref<128xi32, #tpu.memory_space<hbm>>
    tpu.wait_dma2 semaphore(%arg21 : memref<!tpu.dma_semaphore, #tpu.memory_space<semaphore_mem>>) src(%dma_wait3A_499 : memref<128xi32, #tpu.memory_space<hbm>>) dst(%dma_wait3A_496 : memref<128xi32, #tpu.memory_space<vmem>>)
    %dma_wait3A_500 = arith.constant 3 : i32
    %dma_wait3A_501 = arith.constant 0 : i32
    %dma_wait3A_502 = tpu.memref_slice %arg8[%dma_wait3A_500, %dma_wait3A_501] : memref<8x144xi32, #tpu.memory_space<vmem>> -> memref<1x128xi32, #tpu.memory_space<vmem>>
    %dma_wait3A_503 = tpu.memref_squeeze %dma_wait3A_502 : memref<1x128xi32, #tpu.memory_space<vmem>> -> memref<128xi32, #tpu.memory_space<vmem>>
    %dma_wait3A_504 = arith.constant 0 : i32
    %dma_wait3A_505 = tpu.memref_slice %arg6[%add3A_48, %dma_wait3A_504] : memref<256x128xi32, #tpu.memory_space<hbm>> -> memref<1x128xi32, #tpu.memory_space<hbm>>
    %dma_wait3A_506 = tpu.memref_squeeze %dma_wait3A_505 : memref<1x128xi32, #tpu.memory_space<hbm>> -> memref<128xi32, #tpu.memory_space<hbm>>
    %dma_wait3A_507 = arith.constant 0 : i32
    %dma_wait3A_508 = tpu.memref_slice %arg8[%dma_wait3A_500, %dma_wait3A_507] : memref<8x144xi32, #tpu.memory_space<vmem>> -> memref<1x128xi32, #tpu.memory_space<vmem>>
    %dma_wait3A_509 = tpu.memref_squeeze %dma_wait3A_508 : memref<1x128xi32, #tpu.memory_space<vmem>> -> memref<128xi32, #tpu.memory_space<vmem>>
    %dma_wait3A_510 = arith.constant 0 : i32
    %dma_wait3A_511 = tpu.memref_slice %arg6[%add3A_48, %dma_wait3A_510] : memref<256x128xi32, #tpu.memory_space<hbm>> -> memref<1x128xi32, #tpu.memory_space<hbm>>
    %dma_wait3A_512 = tpu.memref_squeeze %dma_wait3A_511 : memref<1x128xi32, #tpu.memory_space<hbm>> -> memref<128xi32, #tpu.memory_space<hbm>>
    tpu.wait_dma2 semaphore(%arg21 : memref<!tpu.dma_semaphore, #tpu.memory_space<semaphore_mem>>) src(%dma_wait3A_512 : memref<128xi32, #tpu.memory_space<hbm>>) dst(%dma_wait3A_509 : memref<128xi32, #tpu.memory_space<vmem>>)
    %dma_wait3A_513 = arith.constant 4 : i32
    %dma_wait3A_514 = arith.constant 0 : i32
    %dma_wait3A_515 = tpu.memref_slice %arg8[%dma_wait3A_513, %dma_wait3A_514] : memref<8x144xi32, #tpu.memory_space<vmem>> -> memref<1x128xi32, #tpu.memory_space<vmem>>
    %dma_wait3A_516 = tpu.memref_squeeze %dma_wait3A_515 : memref<1x128xi32, #tpu.memory_space<vmem>> -> memref<128xi32, #tpu.memory_space<vmem>>
    %dma_wait3A_517 = arith.constant 0 : i32
    %dma_wait3A_518 = tpu.memref_slice %arg6[%add3A_63, %dma_wait3A_517] : memref<256x128xi32, #tpu.memory_space<hbm>> -> memref<1x128xi32, #tpu.memory_space<hbm>>
    %dma_wait3A_519 = tpu.memref_squeeze %dma_wait3A_518 : memref<1x128xi32, #tpu.memory_space<hbm>> -> memref<128xi32, #tpu.memory_space<hbm>>
    %dma_wait3A_520 = arith.constant 0 : i32
    %dma_wait3A_521 = tpu.memref_slice %arg8[%dma_wait3A_513, %dma_wait3A_520] : memref<8x144xi32, #tpu.memory_space<vmem>> -> memref<1x128xi32, #tpu.memory_space<vmem>>
    %dma_wait3A_522 = tpu.memref_squeeze %dma_wait3A_521 : memref<1x128xi32, #tpu.memory_space<vmem>> -> memref<128xi32, #tpu.memory_space<vmem>>
    %dma_wait3A_523 = arith.constant 0 : i32
    %dma_wait3A_524 = tpu.memref_slice %arg6[%add3A_63, %dma_wait3A_523] : memref<256x128xi32, #tpu.memory_space<hbm>> -> memref<1x128xi32, #tpu.memory_space<hbm>>
    %dma_wait3A_525 = tpu.memref_squeeze %dma_wait3A_524 : memref<1x128xi32, #tpu.memory_space<hbm>> -> memref<128xi32, #tpu.memory_space<hbm>>
    tpu.wait_dma2 semaphore(%arg21 : memref<!tpu.dma_semaphore, #tpu.memory_space<semaphore_mem>>) src(%dma_wait3A_525 : memref<128xi32, #tpu.memory_space<hbm>>) dst(%dma_wait3A_522 : memref<128xi32, #tpu.memory_space<vmem>>)
    %dma_wait3A_526 = arith.constant 5 : i32
    %dma_wait3A_527 = arith.constant 0 : i32
    %dma_wait3A_528 = tpu.memref_slice %arg8[%dma_wait3A_526, %dma_wait3A_527] : memref<8x144xi32, #tpu.memory_space<vmem>> -> memref<1x128xi32, #tpu.memory_space<vmem>>
    %dma_wait3A_529 = tpu.memref_squeeze %dma_wait3A_528 : memref<1x128xi32, #tpu.memory_space<vmem>> -> memref<128xi32, #tpu.memory_space<vmem>>
    %dma_wait3A_530 = arith.constant 0 : i32
    %dma_wait3A_531 = tpu.memref_slice %arg6[%add3A_78, %dma_wait3A_530] : memref<256x128xi32, #tpu.memory_space<hbm>> -> memref<1x128xi32, #tpu.memory_space<hbm>>
    %dma_wait3A_532 = tpu.memref_squeeze %dma_wait3A_531 : memref<1x128xi32, #tpu.memory_space<hbm>> -> memref<128xi32, #tpu.memory_space<hbm>>
    %dma_wait3A_533 = arith.constant 0 : i32
    %dma_wait3A_534 = tpu.memref_slice %arg8[%dma_wait3A_526, %dma_wait3A_533] : memref<8x144xi32, #tpu.memory_space<vmem>> -> memref<1x128xi32, #tpu.memory_space<vmem>>
    %dma_wait3A_535 = tpu.memref_squeeze %dma_wait3A_534 : memref<1x128xi32, #tpu.memory_space<vmem>> -> memref<128xi32, #tpu.memory_space<vmem>>
    %dma_wait3A_536 = arith.constant 0 : i32
    %dma_wait3A_537 = tpu.memref_slice %arg6[%add3A_78, %dma_wait3A_536] : memref<256x128xi32, #tpu.memory_space<hbm>> -> memref<1x128xi32, #tpu.memory_space<hbm>>
    %dma_wait3A_538 = tpu.memref_squeeze %dma_wait3A_537 : memref<1x128xi32, #tpu.memory_space<hbm>> -> memref<128xi32, #tpu.memory_space<hbm>>
    tpu.wait_dma2 semaphore(%arg21 : memref<!tpu.dma_semaphore, #tpu.memory_space<semaphore_mem>>) src(%dma_wait3A_538 : memref<128xi32, #tpu.memory_space<hbm>>) dst(%dma_wait3A_535 : memref<128xi32, #tpu.memory_space<vmem>>)
    %dma_wait3A_539 = arith.constant 6 : i32
    %dma_wait3A_540 = arith.constant 0 : i32
    %dma_wait3A_541 = tpu.memref_slice %arg8[%dma_wait3A_539, %dma_wait3A_540] : memref<8x144xi32, #tpu.memory_space<vmem>> -> memref<1x128xi32, #tpu.memory_space<vmem>>
    %dma_wait3A_542 = tpu.memref_squeeze %dma_wait3A_541 : memref<1x128xi32, #tpu.memory_space<vmem>> -> memref<128xi32, #tpu.memory_space<vmem>>
    %dma_wait3A_543 = arith.constant 0 : i32
    %dma_wait3A_544 = tpu.memref_slice %arg6[%add3A_93, %dma_wait3A_543] : memref<256x128xi32, #tpu.memory_space<hbm>> -> memref<1x128xi32, #tpu.memory_space<hbm>>
    %dma_wait3A_545 = tpu.memref_squeeze %dma_wait3A_544 : memref<1x128xi32, #tpu.memory_space<hbm>> -> memref<128xi32, #tpu.memory_space<hbm>>
    %dma_wait3A_546 = arith.constant 0 : i32
    %dma_wait3A_547 = tpu.memref_slice %arg8[%dma_wait3A_539, %dma_wait3A_546] : memref<8x144xi32, #tpu.memory_space<vmem>> -> memref<1x128xi32, #tpu.memory_space<vmem>>
    %dma_wait3A_548 = tpu.memref_squeeze %dma_wait3A_547 : memref<1x128xi32, #tpu.memory_space<vmem>> -> memref<128xi32, #tpu.memory_space<vmem>>
    %dma_wait3A_549 = arith.constant 0 : i32
    %dma_wait3A_550 = tpu.memref_slice %arg6[%add3A_93, %dma_wait3A_549] : memref<256x128xi32, #tpu.memory_space<hbm>> -> memref<1x128xi32, #tpu.memory_space<hbm>>
    %dma_wait3A_551 = tpu.memref_squeeze %dma_wait3A_550 : memref<1x128xi32, #tpu.memory_space<hbm>> -> memref<128xi32, #tpu.memory_space<hbm>>
    tpu.wait_dma2 semaphore(%arg21 : memref<!tpu.dma_semaphore, #tpu.memory_space<semaphore_mem>>) src(%dma_wait3A_551 : memref<128xi32, #tpu.memory_space<hbm>>) dst(%dma_wait3A_548 : memref<128xi32, #tpu.memory_space<vmem>>)
    %dma_wait3A_552 = arith.constant 7 : i32
    %dma_wait3A_553 = arith.constant 0 : i32
    %dma_wait3A_554 = tpu.memref_slice %arg8[%dma_wait3A_552, %dma_wait3A_553] : memref<8x144xi32, #tpu.memory_space<vmem>> -> memref<1x128xi32, #tpu.memory_space<vmem>>
    %dma_wait3A_555 = tpu.memref_squeeze %dma_wait3A_554 : memref<1x128xi32, #tpu.memory_space<vmem>> -> memref<128xi32, #tpu.memory_space<vmem>>
    %dma_wait3A_556 = arith.constant 0 : i32
    %dma_wait3A_557 = tpu.memref_slice %arg6[%add3A_108, %dma_wait3A_556] : memref<256x128xi32, #tpu.memory_space<hbm>> -> memref<1x128xi32, #tpu.memory_space<hbm>>
    %dma_wait3A_558 = tpu.memref_squeeze %dma_wait3A_557 : memref<1x128xi32, #tpu.memory_space<hbm>> -> memref<128xi32, #tpu.memory_space<hbm>>
    %dma_wait3A_559 = arith.constant 0 : i32
    %dma_wait3A_560 = tpu.memref_slice %arg8[%dma_wait3A_552, %dma_wait3A_559] : memref<8x144xi32, #tpu.memory_space<vmem>> -> memref<1x128xi32, #tpu.memory_space<vmem>>
    %dma_wait3A_561 = tpu.memref_squeeze %dma_wait3A_560 : memref<1x128xi32, #tpu.memory_space<vmem>> -> memref<128xi32, #tpu.memory_space<vmem>>
    %dma_wait3A_562 = arith.constant 0 : i32
    %dma_wait3A_563 = tpu.memref_slice %arg6[%add3A_108, %dma_wait3A_562] : memref<256x128xi32, #tpu.memory_space<hbm>> -> memref<1x128xi32, #tpu.memory_space<hbm>>
    %dma_wait3A_564 = tpu.memref_squeeze %dma_wait3A_563 : memref<1x128xi32, #tpu.memory_space<hbm>> -> memref<128xi32, #tpu.memory_space<hbm>>
    tpu.wait_dma2 semaphore(%arg21 : memref<!tpu.dma_semaphore, #tpu.memory_space<semaphore_mem>>) src(%dma_wait3A_564 : memref<128xi32, #tpu.memory_space<hbm>>) dst(%dma_wait3A_561 : memref<128xi32, #tpu.memory_space<vmem>>)
    %broadcast_in_dim3A_565 = arith.constant 0 : i32
    %broadcast_in_dim3A_566 = vector.broadcast %broadcast_in_dim3A_565 : i32 to vector<16xi32>
    %swap3A_567 = arith.constant 0 : i32
    %swap3A_568 = arith.index_cast %swap3A_567 : i32 to index
    %swap3A_569 = arith.constant 128 : index
    %swap3A_570 = tpu.vector_load %arg8[%swap3A_568, %swap3A_569] {strides = array<i32>} : memref<8x144xi32, #tpu.memory_space<vmem>>, vector<16xi32>,
    tpu.vector_store %arg8[%swap3A_568, %swap3A_569], %broadcast_in_dim3A_566 {strides = array<i32>} : memref<8x144xi32, #tpu.memory_space<vmem>>, vector<16xi32>,
    %get3A = arith.constant 0 : i32
    %get3A_571 = arith.index_cast %get3A : i32 to index
    %get3A_572 = arith.constant 0 : index
    %get3A_573 = tpu.vector_load %arg8[%get3A_571, %get3A_572] {strides = array<i32>} : memref<8x144xi32, #tpu.memory_space<vmem>>, vector<16xi32>,
    %get3A_574 = arith.constant 0 : i32
    %get3A_575 = arith.index_cast %get3A_574 : i32 to index
    %get3A_576 = arith.constant 1 : index
    %get3A_577 = tpu.vector_load %arg8[%get3A_575, %get3A_576] {strides = array<i32>} : memref<8x144xi32, #tpu.memory_space<vmem>>, vector<16xi32>,
    %shift_right_arithmetic3A_578 = arith.constant 3 : i32
    %shift_right_arithmetic3A_579 = vector.broadcast %shift_right_arithmetic3A_578 : i32 to vector<16xi32>
    %shift_right_arithmetic3A_580 = arith.shrsi %get3A_573, %shift_right_arithmetic3A_579 : vector<16xi32>
    %shift_left3A_581 = arith.constant 15 : i32
    %shift_left3A_582 = vector.broadcast %shift_left3A_581 : i32 to vector<16xi32>
    %shift_left3A_583 = arith.shli %shift_right_arithmetic3A_580, %shift_left3A_582 : vector<16xi32>
    %and3A_584 = arith.constant 7 : i32
    %and3A_585 = vector.broadcast %and3A_584 : i32 to vector<16xi32>
    %and3A_586 = arith.andi %get3A_573, %and3A_585 : vector<16xi32>
    %shift_left3A_587 = arith.constant 7 : i32
    %shift_left3A_588 = vector.broadcast %shift_left3A_587 : i32 to vector<16xi32>
    %shift_left3A_589 = arith.shli %and3A_586, %shift_left3A_588 : vector<16xi32>
    %add3A_590 = arith.addi %shift_left3A_583, %shift_left3A_589 : vector<16xi32>
    %shift_right_arithmetic3A_591 = arith.constant 7 : i32
    %shift_right_arithmetic3A_592 = vector.broadcast %shift_right_arithmetic3A_591 : i32 to vector<16xi32>
    %shift_right_arithmetic3A_593 = arith.shrsi %get3A_577, %shift_right_arithmetic3A_592 : vector<16xi32>
    %shift_left3A_594 = arith.constant 10 : i32
    %shift_left3A_595 = vector.broadcast %shift_left3A_594 : i32 to vector<16xi32>
    %shift_left3A_596 = arith.shli %shift_right_arithmetic3A_593, %shift_left3A_595 : vector<16xi32>
    %add3A_597 = arith.addi %add3A_590, %shift_left3A_596 : vector<16xi32>
    %and3A_598 = arith.constant 127 : i32
    %and3A_599 = vector.broadcast %and3A_598 : i32 to vector<16xi32>
    %and3A_600 = arith.andi %get3A_577, %and3A_599 : vector<16xi32>
    %add3A_601 = arith.addi %add3A_597, %and3A_600 : vector<16xi32>
    %swap3A_602 = arith.constant 0 : index
    %swap3A_603 = tpu.vector_load %arg9[%swap3A_602] {strides = array<i32>} : memref<1024xi32, #tpu.memory_space<vmem>>, vector<16xi32>,
    tpu.vector_store %arg9[%swap3A_602], %add3A_601 {strides = array<i32>} : memref<1024xi32, #tpu.memory_space<vmem>>, vector<16xi32>,
    %get3A_604 = arith.constant 0 : i32
    %get3A_605 = arith.index_cast %get3A_604 : i32 to index
    %get3A_606 = arith.constant 16 : index
    %get3A_607 = tpu.vector_load %arg8[%get3A_605, %get3A_606] {strides = array<i32>} : memref<8x144xi32, #tpu.memory_space<vmem>>, vector<16xi32>,
    %get3A_608 = arith.constant 0 : i32
    %get3A_609 = arith.index_cast %get3A_608 : i32 to index
    %get3A_610 = arith.constant 17 : index
    %get3A_611 = tpu.vector_load %arg8[%get3A_609, %get3A_610] {strides = array<i32>} : memref<8x144xi32, #tpu.memory_space<vmem>>, vector<16xi32>,
    %shift_right_arithmetic3A_612 = arith.constant 3 : i32
    %shift_right_arithmetic3A_613 = vector.broadcast %shift_right_arithmetic3A_612 : i32 to vector<16xi32>
    %shift_right_arithmetic3A_614 = arith.shrsi %get3A_607, %shift_right_arithmetic3A_613 : vector<16xi32>
    %shift_left3A_615 = arith.constant 15 : i32
    %shift_left3A_616 = vector.broadcast %shift_left3A_615 : i32 to vector<16xi32>
    %shift_left3A_617 = arith.shli %shift_right_arithmetic3A_614, %shift_left3A_616 : vector<16xi32>
    %and3A_618 = arith.constant 7 : i32
    %and3A_619 = vector.broadcast %and3A_618 : i32 to vector<16xi32>
    %and3A_620 = arith.andi %get3A_607, %and3A_619 : vector<16xi32>
    %shift_left3A_621 = arith.constant 7 : i32
    %shift_left3A_622 = vector.broadcast %shift_left3A_621 : i32 to vector<16xi32>
    %shift_left3A_623 = arith.shli %and3A_620, %shift_left3A_622 : vector<16xi32>
    %add3A_624 = arith.addi %shift_left3A_617, %shift_left3A_623 : vector<16xi32>
    %shift_right_arithmetic3A_625 = arith.constant 7 : i32
    %shift_right_arithmetic3A_626 = vector.broadcast %shift_right_arithmetic3A_625 : i32 to vector<16xi32>
    %shift_right_arithmetic3A_627 = arith.shrsi %get3A_611, %shift_right_arithmetic3A_626 : vector<16xi32>
    %shift_left3A_628 = arith.constant 10 : i32
    %shift_left3A_629 = vector.broadcast %shift_left3A_628 : i32 to vector<16xi32>
    %shift_left3A_630 = arith.shli %shift_right_arithmetic3A_627, %shift_left3A_629 : vector<16xi32>
    %add3A_631 = arith.addi %add3A_624, %shift_left3A_630 : vector<16xi32>
    %and3A_632 = arith.constant 127 : i32
    %and3A_633 = vector.broadcast %and3A_632 : i32 to vector<16xi32>
    %and3A_634 = arith.andi %get3A_611, %and3A_633 : vector<16xi32>
    %add3A_635 = arith.addi %add3A_631, %and3A_634 : vector<16xi32>
    %swap3A_636 = arith.constant 16 : index
    %swap3A_637 = tpu.vector_load %arg9[%swap3A_636] {strides = array<i32>} : memref<1024xi32, #tpu.memory_space<vmem>>, vector<16xi32>,
    tpu.vector_store %arg9[%swap3A_636], %add3A_635 {strides = array<i32>} : memref<1024xi32, #tpu.memory_space<vmem>>, vector<16xi32>,
    %get3A_638 = arith.constant 0 : i32
    %get3A_639 = arith.index_cast %get3A_638 : i32 to index
    %get3A_640 = arith.constant 32 : index
    %get3A_641 = tpu.vector_load %arg8[%get3A_639, %get3A_640] {strides = array<i32>} : memref<8x144xi32, #tpu.memory_space<vmem>>, vector<16xi32>,
    %get3A_642 = arith.constant 0 : i32
    %get3A_643 = arith.index_cast %get3A_642 : i32 to index
    %get3A_644 = arith.constant 33 : index
    %get3A_645 = tpu.vector_load %arg8[%get3A_643, %get3A_644] {strides = array<i32>} : memref<8x144xi32, #tpu.memory_space<vmem>>, vector<16xi32>,
    %shift_right_arithmetic3A_646 = arith.constant 3 : i32
    %shift_right_arithmetic3A_647 = vector.broadcast %shift_right_arithmetic3A_646 : i32 to vector<16xi32>
    %shift_right_arithmetic3A_648 = arith.shrsi %get3A_641, %shift_right_arithmetic3A_647 : vector<16xi32>
    %shift_left3A_649 = arith.constant 15 : i32
    %shift_left3A_650 = vector.broadcast %shift_left3A_649 : i32 to vector<16xi32>
    %shift_left3A_651 = arith.shli %shift_right_arithmetic3A_648, %shift_left3A_650 : vector<16xi32>
    %and3A_652 = arith.constant 7 : i32
    %and3A_653 = vector.broadcast %and3A_652 : i32 to vector<16xi32>
    %and3A_654 = arith.andi %get3A_641, %and3A_653 : vector<16xi32>
    %shift_left3A_655 = arith.constant 7 : i32
    %shift_left3A_656 = vector.broadcast %shift_left3A_655 : i32 to vector<16xi32>
    %shift_left3A_657 = arith.shli %and3A_654, %shift_left3A_656 : vector<16xi32>
    %add3A_658 = arith.addi %shift_left3A_651, %shift_left3A_657 : vector<16xi32>
    %shift_right_arithmetic3A_659 = arith.constant 7 : i32
    %shift_right_arithmetic3A_660 = vector.broadcast %shift_right_arithmetic3A_659 : i32 to vector<16xi32>
    %shift_right_arithmetic3A_661 = arith.shrsi %get3A_645, %shift_right_arithmetic3A_660 : vector<16xi32>
    %shift_left3A_662 = arith.constant 10 : i32
    %shift_left3A_663 = vector.broadcast %shift_left3A_662 : i32 to vector<16xi32>
    %shift_left3A_664 = arith.shli %shift_right_arithmetic3A_661, %shift_left3A_663 : vector<16xi32>
    %add3A_665 = arith.addi %add3A_658, %shift_left3A_664 : vector<16xi32>
    %and3A_666 = arith.constant 127 : i32
    %and3A_667 = vector.broadcast %and3A_666 : i32 to vector<16xi32>
    %and3A_668 = arith.andi %get3A_645, %and3A_667 : vector<16xi32>
    %add3A_669 = arith.addi %add3A_665, %and3A_668 : vector<16xi32>
    %swap3A_670 = arith.constant 32 : index
    %swap3A_671 = tpu.vector_load %arg9[%swap3A_670] {strides = array<i32>} : memref<1024xi32, #tpu.memory_space<vmem>>, vector<16xi32>,
    tpu.vector_store %arg9[%swap3A_670], %add3A_669 {strides = array<i32>} : memref<1024xi32, #tpu.memory_space<vmem>>, vector<16xi32>,
    %get3A_672 = arith.constant 0 : i32
    %get3A_673 = arith.index_cast %get3A_672 : i32 to index
    %get3A_674 = arith.constant 48 : index
    %get3A_675 = tpu.vector_load %arg8[%get3A_673, %get3A_674] {strides = array<i32>} : memref<8x144xi32, #tpu.memory_space<vmem>>, vector<16xi32>,
    %get3A_676 = arith.constant 0 : i32
    %get3A_677 = arith.index_cast %get3A_676 : i32 to index
    %get3A_678 = arith.constant 49 : index
    %get3A_679 = tpu.vector_load %arg8[%get3A_677, %get3A_678] {strides = array<i32>} : memref<8x144xi32, #tpu.memory_space<vmem>>, vector<16xi32>,
    %shift_right_arithmetic3A_680 = arith.constant 3 : i32
    %shift_right_arithmetic3A_681 = vector.broadcast %shift_right_arithmetic3A_680 : i32 to vector<16xi32>
    %shift_right_arithmetic3A_682 = arith.shrsi %get3A_675, %shift_right_arithmetic3A_681 : vector<16xi32>
    %shift_left3A_683 = arith.constant 15 : i32
    %shift_left3A_684 = vector.broadcast %shift_left3A_683 : i32 to vector<16xi32>
    %shift_left3A_685 = arith.shli %shift_right_arithmetic3A_682, %shift_left3A_684 : vector<16xi32>
    %and3A_686 = arith.constant 7 : i32
    %and3A_687 = vector.broadcast %and3A_686 : i32 to vector<16xi32>
    %and3A_688 = arith.andi %get3A_675, %and3A_687 : vector<16xi32>
    %shift_left3A_689 = arith.constant 7 : i32
    %shift_left3A_690 = vector.broadcast %shift_left3A_689 : i32 to vector<16xi32>
    %shift_left3A_691 = arith.shli %and3A_688, %shift_left3A_690 : vector<16xi32>
    %add3A_692 = arith.addi %shift_left3A_685, %shift_left3A_691 : vector<16xi32>
    %shift_right_arithmetic3A_693 = arith.constant 7 : i32
    %shift_right_arithmetic3A_694 = vector.broadcast %shift_right_arithmetic3A_693 : i32 to vector<16xi32>
    %shift_right_arithmetic3A_695 = arith.shrsi %get3A_679, %shift_right_arithmetic3A_694 : vector<16xi32>
    %shift_left3A_696 = arith.constant 10 : i32
    %shift_left3A_697 = vector.broadcast %shift_left3A_696 : i32 to vector<16xi32>
    %shift_left3A_698 = arith.shli %shift_right_arithmetic3A_695, %shift_left3A_697 : vector<16xi32>
    %add3A_699 = arith.addi %add3A_692, %shift_left3A_698 : vector<16xi32>
    %and3A_700 = arith.constant 127 : i32
    %and3A_701 = vector.broadcast %and3A_700 : i32 to vector<16xi32>
    %and3A_702 = arith.andi %get3A_679, %and3A_701 : vector<16xi32>
    %add3A_703 = arith.addi %add3A_699, %and3A_702 : vector<16xi32>
    %swap3A_704 = arith.constant 48 : index
    %swap3A_705 = tpu.vector_load %arg9[%swap3A_704] {strides = array<i32>} : memref<1024xi32, #tpu.memory_space<vmem>>, vector<16xi32>,
    tpu.vector_store %arg9[%swap3A_704], %add3A_703 {strides = array<i32>} : memref<1024xi32, #tpu.memory_space<vmem>>, vector<16xi32>,
    %get3A_706 = arith.constant 0 : i32
    %get3A_707 = arith.index_cast %get3A_706 : i32 to index
    %get3A_708 = arith.constant 64 : index
    %get3A_709 = tpu.vector_load %arg8[%get3A_707, %get3A_708] {strides = array<i32>} : memref<8x144xi32, #tpu.memory_space<vmem>>, vector<16xi32>,
    %get3A_710 = arith.constant 0 : i32
    %get3A_711 = arith.index_cast %get3A_710 : i32 to index
    %get3A_712 = arith.constant 65 : index
    %get3A_713 = tpu.vector_load %arg8[%get3A_711, %get3A_712] {strides = array<i32>} : memref<8x144xi32, #tpu.memory_space<vmem>>, vector<16xi32>,
    %shift_right_arithmetic3A_714 = arith.constant 3 : i32
    %shift_right_arithmetic3A_715 = vector.broadcast %shift_right_arithmetic3A_714 : i32 to vector<16xi32>
    %shift_right_arithmetic3A_716 = arith.shrsi %get3A_709, %shift_right_arithmetic3A_715 : vector<16xi32>
    %shift_left3A_717 = arith.constant 15 : i32
    %shift_left3A_718 = vector.broadcast %shift_left3A_717 : i32 to vector<16xi32>
    %shift_left3A_719 = arith.shli %shift_right_arithmetic3A_716, %shift_left3A_718 : vector<16xi32>
    %and3A_720 = arith.constant 7 : i32
    %and3A_721 = vector.broadcast %and3A_720 : i32 to vector<16xi32>
    %and3A_722 = arith.andi %get3A_709, %and3A_721 : vector<16xi32>
    %shift_left3A_723 = arith.constant 7 : i32
    %shift_left3A_724 = vector.broadcast %shift_left3A_723 : i32 to vector<16xi32>
    %shift_left3A_725 = arith.shli %and3A_722, %shift_left3A_724 : vector<16xi32>
    %add3A_726 = arith.addi %shift_left3A_719, %shift_left3A_725 : vector<16xi32>
    %shift_right_arithmetic3A_727 = arith.constant 7 : i32
    %shift_right_arithmetic3A_728 = vector.broadcast %shift_right_arithmetic3A_727 : i32 to vector<16xi32>
    %shift_right_arithmetic3A_729 = arith.shrsi %get3A_713, %shift_right_arithmetic3A_728 : vector<16xi32>
    %shift_left3A_730 = arith.constant 10 : i32
    %shift_left3A_731 = vector.broadcast %shift_left3A_730 : i32 to vector<16xi32>
    %shift_left3A_732 = arith.shli %shift_right_arithmetic3A_729, %shift_left3A_731 : vector<16xi32>
    %add3A_733 = arith.addi %add3A_726, %shift_left3A_732 : vector<16xi32>
    %and3A_734 = arith.constant 127 : i32
    %and3A_735 = vector.broadcast %and3A_734 : i32 to vector<16xi32>
    %and3A_736 = arith.andi %get3A_713, %and3A_735 : vector<16xi32>
    %add3A_737 = arith.addi %add3A_733, %and3A_736 : vector<16xi32>
    %swap3A_738 = arith.constant 64 : index
    %swap3A_739 = tpu.vector_load %arg9[%swap3A_738] {strides = array<i32>} : memref<1024xi32, #tpu.memory_space<vmem>>, vector<16xi32>,
    tpu.vector_store %arg9[%swap3A_738], %add3A_737 {strides = array<i32>} : memref<1024xi32, #tpu.memory_space<vmem>>, vector<16xi32>,
    %get3A_740 = arith.constant 0 : i32
    %get3A_741 = arith.index_cast %get3A_740 : i32 to index
    %get3A_742 = arith.constant 80 : index
    %get3A_743 = tpu.vector_load %arg8[%get3A_741, %get3A_742] {strides = array<i32>} : memref<8x144xi32, #tpu.memory_space<vmem>>, vector<16xi32>,
    %get3A_744 = arith.constant 0 : i32
    %get3A_745 = arith.index_cast %get3A_744 : i32 to index
    %get3A_746 = arith.constant 81 : index
    %get3A_747 = tpu.vector_load %arg8[%get3A_745, %get3A_746] {strides = array<i32>} : memref<8x144xi32, #tpu.memory_space<vmem>>, vector<16xi32>,
    %shift_right_arithmetic3A_748 = arith.constant 3 : i32
    %shift_right_arithmetic3A_749 = vector.broadcast %shift_right_arithmetic3A_748 : i32 to vector<16xi32>
    %shift_right_arithmetic3A_750 = arith.shrsi %get3A_743, %shift_right_arithmetic3A_749 : vector<16xi32>
    %shift_left3A_751 = arith.constant 15 : i32
    %shift_left3A_752 = vector.broadcast %shift_left3A_751 : i32 to vector<16xi32>
    %shift_left3A_753 = arith.shli %shift_right_arithmetic3A_750, %shift_left3A_752 : vector<16xi32>
    %and3A_754 = arith.constant 7 : i32
    %and3A_755 = vector.broadcast %and3A_754 : i32 to vector<16xi32>
    %and3A_756 = arith.andi %get3A_743, %and3A_755 : vector<16xi32>
    %shift_left3A_757 = arith.constant 7 : i32
    %shift_left3A_758 = vector.broadcast %shift_left3A_757 : i32 to vector<16xi32>
    %shift_left3A_759 = arith.shli %and3A_756, %shift_left3A_758 : vector<16xi32>
    %add3A_760 = arith.addi %shift_left3A_753, %shift_left3A_759 : vector<16xi32>
    %shift_right_arithmetic3A_761 = arith.constant 7 : i32
    %shift_right_arithmetic3A_762 = vector.broadcast %shift_right_arithmetic3A_761 : i32 to vector<16xi32>
    %shift_right_arithmetic3A_763 = arith.shrsi %get3A_747, %shift_right_arithmetic3A_762 : vector<16xi32>
    %shift_left3A_764 = arith.constant 10 : i32
    %shift_left3A_765 = vector.broadcast %shift_left3A_764 : i32 to vector<16xi32>
    %shift_left3A_766 = arith.shli %shift_right_arithmetic3A_763, %shift_left3A_765 : vector<16xi32>
    %add3A_767 = arith.addi %add3A_760, %shift_left3A_766 : vector<16xi32>
    %and3A_768 = arith.constant 127 : i32
    %and3A_769 = vector.broadcast %and3A_768 : i32 to vector<16xi32>
    %and3A_770 = arith.andi %get3A_747, %and3A_769 : vector<16xi32>
    %add3A_771 = arith.addi %add3A_767, %and3A_770 : vector<16xi32>
    %swap3A_772 = arith.constant 80 : index
    %swap3A_773 = tpu.vector_load %arg9[%swap3A_772] {strides = array<i32>} : memref<1024xi32, #tpu.memory_space<vmem>>, vector<16xi32>,
    tpu.vector_store %arg9[%swap3A_772], %add3A_771 {strides = array<i32>} : memref<1024xi32, #tpu.memory_space<vmem>>, vector<16xi32>,
    %get3A_774 = arith.constant 0 : i32
    %get3A_775 = arith.index_cast %get3A_774 : i32 to index
    %get3A_776 = arith.constant 96 : index
    %get3A_777 = tpu.vector_load %arg8[%get3A_775, %get3A_776] {strides = array<i32>} : memref<8x144xi32, #tpu.memory_space<vmem>>, vector<16xi32>,
    %get3A_778 = arith.constant 0 : i32
    %get3A_779 = arith.index_cast %get3A_778 : i32 to index
    %get3A_780 = arith.constant 97 : index
    %get3A_781 = tpu.vector_load %arg8[%get3A_779, %get3A_780] {strides = array<i32>} : memref<8x144xi32, #tpu.memory_space<vmem>>, vector<16xi32>,
    %shift_right_arithmetic3A_782 = arith.constant 3 : i32
    %shift_right_arithmetic3A_783 = vector.broadcast %shift_right_arithmetic3A_782 : i32 to vector<16xi32>
    %shift_right_arithmetic3A_784 = arith.shrsi %get3A_777, %shift_right_arithmetic3A_783 : vector<16xi32>
    %shift_left3A_785 = arith.constant 15 : i32
    %shift_left3A_786 = vector.broadcast %shift_left3A_785 : i32 to vector<16xi32>
    %shift_left3A_787 = arith.shli %shift_right_arithmetic3A_784, %shift_left3A_786 : vector<16xi32>
    %and3A_788 = arith.constant 7 : i32
    %and3A_789 = vector.broadcast %and3A_788 : i32 to vector<16xi32>
    %and3A_790 = arith.andi %get3A_777, %and3A_789 : vector<16xi32>
    %shift_left3A_791 = arith.constant 7 : i32
    %shift_left3A_792 = vector.broadcast %shift_left3A_791 : i32 to vector<16xi32>
    %shift_left3A_793 = arith.shli %and3A_790, %shift_left3A_792 : vector<16xi32>
    %add3A_794 = arith.addi %shift_left3A_787, %shift_left3A_793 : vector<16xi32>
    %shift_right_arithmetic3A_795 = arith.constant 7 : i32
    %shift_right_arithmetic3A_796 = vector.broadcast %shift_right_arithmetic3A_795 : i32 to vector<16xi32>
    %shift_right_arithmetic3A_797 = arith.shrsi %get3A_781, %shift_right_arithmetic3A_796 : vector<16xi32>
    %shift_left3A_798 = arith.constant 10 : i32
    %shift_left3A_799 = vector.broadcast %shift_left3A_798 : i32 to vector<16xi32>
    %shift_left3A_800 = arith.shli %shift_right_arithmetic3A_797, %shift_left3A_799 : vector<16xi32>
    %add3A_801 = arith.addi %add3A_794, %shift_left3A_800 : vector<16xi32>
    %and3A_802 = arith.constant 127 : i32
    %and3A_803 = vector.broadcast %and3A_802 : i32 to vector<16xi32>
    %and3A_804 = arith.andi %get3A_781, %and3A_803 : vector<16xi32>
    %add3A_805 = arith.addi %add3A_801, %and3A_804 : vector<16xi32>
    %swap3A_806 = arith.constant 96 : index
    %swap3A_807 = tpu.vector_load %arg9[%swap3A_806] {strides = array<i32>} : memref<1024xi32, #tpu.memory_space<vmem>>, vector<16xi32>,
    tpu.vector_store %arg9[%swap3A_806], %add3A_805 {strides = array<i32>} : memref<1024xi32, #tpu.memory_space<vmem>>, vector<16xi32>,
    %get3A_808 = arith.constant 0 : i32
    %get3A_809 = arith.index_cast %get3A_808 : i32 to index
    %get3A_810 = arith.constant 112 : index
    %get3A_811 = tpu.vector_load %arg8[%get3A_809, %get3A_810] {strides = array<i32>} : memref<8x144xi32, #tpu.memory_space<vmem>>, vector<16xi32>,
    %get3A_812 = arith.constant 0 : i32
    %get3A_813 = arith.index_cast %get3A_812 : i32 to index
    %get3A_814 = arith.constant 113 : index
    %get3A_815 = tpu.vector_load %arg8[%get3A_813, %get3A_814] {strides = array<i32>} : memref<8x144xi32, #tpu.memory_space<vmem>>, vector<16xi32>,
    %shift_right_arithmetic3A_816 = arith.constant 3 : i32
    %shift_right_arithmetic3A_817 = vector.broadcast %shift_right_arithmetic3A_816 : i32 to vector<16xi32>
    %shift_right_arithmetic3A_818 = arith.shrsi %get3A_811, %shift_right_arithmetic3A_817 : vector<16xi32>
    %shift_left3A_819 = arith.constant 15 : i32
    %shift_left3A_820 = vector.broadcast %shift_left3A_819 : i32 to vector<16xi32>
    %shift_left3A_821 = arith.shli %shift_right_arithmetic3A_818, %shift_left3A_820 : vector<16xi32>
    %and3A_822 = arith.constant 7 : i32
    %and3A_823 = vector.broadcast %and3A_822 : i32 to vector<16xi32>
    %and3A_824 = arith.andi %get3A_811, %and3A_823 : vector<16xi32>
    %shift_left3A_825 = arith.constant 7 : i32
    %shift_left3A_826 = vector.broadcast %shift_left3A_825 : i32 to vector<16xi32>
    %shift_left3A_827 = arith.shli %and3A_824, %shift_left3A_826 : vector<16xi32>
    %add3A_828 = arith.addi %shift_left3A_821, %shift_left3A_827 : vector<16xi32>
    %shift_right_arithmetic3A_829 = arith.constant 7 : i32
    %shift_right_arithmetic3A_830 = vector.broadcast %shift_right_arithmetic3A_829 : i32 to vector<16xi32>
    %shift_right_arithmetic3A_831 = arith.shrsi %get3A_815, %shift_right_arithmetic3A_830 : vector<16xi32>
    %shift_left3A_832 = arith.constant 10 : i32
    %shift_left3A_833 = vector.broadcast %shift_left3A_832 : i32 to vector<16xi32>
    %shift_left3A_834 = arith.shli %shift_right_arithmetic3A_831, %shift_left3A_833 : vector<16xi32>
    %add3A_835 = arith.addi %add3A_828, %shift_left3A_834 : vector<16xi32>
    %and3A_836 = arith.constant 127 : i32
    %and3A_837 = vector.broadcast %and3A_836 : i32 to vector<16xi32>
    %and3A_838 = arith.andi %get3A_815, %and3A_837 : vector<16xi32>
    %add3A_839 = arith.addi %add3A_835, %and3A_838 : vector<16xi32>
    %swap3A_840 = arith.constant 112 : index
    %swap3A_841 = tpu.vector_load %arg9[%swap3A_840] {strides = array<i32>} : memref<1024xi32, #tpu.memory_space<vmem>>, vector<16xi32>,
    tpu.vector_store %arg9[%swap3A_840], %add3A_839 {strides = array<i32>} : memref<1024xi32, #tpu.memory_space<vmem>>, vector<16xi32>,
    %swap3A_842 = arith.constant 1 : i32
    %swap3A_843 = arith.index_cast %swap3A_842 : i32 to index
    %swap3A_844 = arith.constant 128 : index
    %swap3A_845 = tpu.vector_load %arg8[%swap3A_843, %swap3A_844] {strides = array<i32>} : memref<8x144xi32, #tpu.memory_space<vmem>>, vector<16xi32>,
    tpu.vector_store %arg8[%swap3A_843, %swap3A_844], %broadcast_in_dim3A_566 {strides = array<i32>} : memref<8x144xi32, #tpu.memory_space<vmem>>, vector<16xi32>,
    %get3A_846 = arith.constant 1 : i32
    %get3A_847 = arith.index_cast %get3A_846 : i32 to index
    %get3A_848 = arith.constant 0 : index
    %get3A_849 = tpu.vector_load %arg8[%get3A_847, %get3A_848] {strides = array<i32>} : memref<8x144xi32, #tpu.memory_space<vmem>>, vector<16xi32>,
    %get3A_850 = arith.constant 1 : i32
    %get3A_851 = arith.index_cast %get3A_850 : i32 to index
    %get3A_852 = arith.constant 1 : index
    %get3A_853 = tpu.vector_load %arg8[%get3A_851, %get3A_852] {strides = array<i32>} : memref<8x144xi32, #tpu.memory_space<vmem>>, vector<16xi32>,
    %shift_right_arithmetic3A_854 = arith.constant 3 : i32
    %shift_right_arithmetic3A_855 = vector.broadcast %shift_right_arithmetic3A_854 : i32 to vector<16xi32>
    %shift_right_arithmetic3A_856 = arith.shrsi %get3A_849, %shift_right_arithmetic3A_855 : vector<16xi32>
    %shift_left3A_857 = arith.constant 15 : i32
    %shift_left3A_858 = vector.broadcast %shift_left3A_857 : i32 to vector<16xi32>
    %shift_left3A_859 = arith.shli %shift_right_arithmetic3A_856, %shift_left3A_858 : vector<16xi32>
    %and3A_860 = arith.constant 7 : i32
    %and3A_861 = vector.broadcast %and3A_860 : i32 to vector<16xi32>
    %and3A_862 = arith.andi %get3A_849, %and3A_861 : vector<16xi32>
    %shift_left3A_863 = arith.constant 7 : i32
    %shift_left3A_864 = vector.broadcast %shift_left3A_863 : i32 to vector<16xi32>
    %shift_left3A_865 = arith.shli %and3A_862, %shift_left3A_864 : vector<16xi32>
    %add3A_866 = arith.addi %shift_left3A_859, %shift_left3A_865 : vector<16xi32>
    %shift_right_arithmetic3A_867 = arith.constant 7 : i32
    %shift_right_arithmetic3A_868 = vector.broadcast %shift_right_arithmetic3A_867 : i32 to vector<16xi32>
    %shift_right_arithmetic3A_869 = arith.shrsi %get3A_853, %shift_right_arithmetic3A_868 : vector<16xi32>
    %shift_left3A_870 = arith.constant 10 : i32
    %shift_left3A_871 = vector.broadcast %shift_left3A_870 : i32 to vector<16xi32>
    %shift_left3A_872 = arith.shli %shift_right_arithmetic3A_869, %shift_left3A_871 : vector<16xi32>
    %add3A_873 = arith.addi %add3A_866, %shift_left3A_872 : vector<16xi32>
    %and3A_874 = arith.constant 127 : i32
    %and3A_875 = vector.broadcast %and3A_874 : i32 to vector<16xi32>
    %and3A_876 = arith.andi %get3A_853, %and3A_875 : vector<16xi32>
    %add3A_877 = arith.addi %add3A_873, %and3A_876 : vector<16xi32>
    %swap3A_878 = arith.constant 128 : index
    %swap3A_879 = tpu.vector_load %arg9[%swap3A_878] {strides = array<i32>} : memref<1024xi32, #tpu.memory_space<vmem>>, vector<16xi32>,
    tpu.vector_store %arg9[%swap3A_878], %add3A_877 {strides = array<i32>} : memref<1024xi32, #tpu.memory_space<vmem>>, vector<16xi32>,
    %get3A_880 = arith.constant 1 : i32
    %get3A_881 = arith.index_cast %get3A_880 : i32 to index
    %get3A_882 = arith.constant 16 : index
    %get3A_883 = tpu.vector_load %arg8[%get3A_881, %get3A_882] {strides = array<i32>} : memref<8x144xi32, #tpu.memory_space<vmem>>, vector<16xi32>,
    %get3A_884 = arith.constant 1 : i32
    %get3A_885 = arith.index_cast %get3A_884 : i32 to index
    %get3A_886 = arith.constant 17 : index
    %get3A_887 = tpu.vector_load %arg8[%get3A_885, %get3A_886] {strides = array<i32>} : memref<8x144xi32, #tpu.memory_space<vmem>>, vector<16xi32>,
    %shift_right_arithmetic3A_888 = arith.constant 3 : i32
    %shift_right_arithmetic3A_889 = vector.broadcast %shift_right_arithmetic3A_888 : i32 to vector<16xi32>
    %shift_right_arithmetic3A_890 = arith.shrsi %get3A_883, %shift_right_arithmetic3A_889 : vector<16xi32>
    %shift_left3A_891 = arith.constant 15 : i32
    %shift_left3A_892 = vector.broadcast %shift_left3A_891 : i32 to vector<16xi32>
    %shift_left3A_893 = arith.shli %shift_right_arithmetic3A_890, %shift_left3A_892 : vector<16xi32>
    %and3A_894 = arith.constant 7 : i32
    %and3A_895 = vector.broadcast %and3A_894 : i32 to vector<16xi32>
    %and3A_896 = arith.andi %get3A_883, %and3A_895 : vector<16xi32>
    %shift_left3A_897 = arith.constant 7 : i32
    %shift_left3A_898 = vector.broadcast %shift_left3A_897 : i32 to vector<16xi32>
    %shift_left3A_899 = arith.shli %and3A_896, %shift_left3A_898 : vector<16xi32>
    %add3A_900 = arith.addi %shift_left3A_893, %shift_left3A_899 : vector<16xi32>
    %shift_right_arithmetic3A_901 = arith.constant 7 : i32
    %shift_right_arithmetic3A_902 = vector.broadcast %shift_right_arithmetic3A_901 : i32 to vector<16xi32>
    %shift_right_arithmetic3A_903 = arith.shrsi %get3A_887, %shift_right_arithmetic3A_902 : vector<16xi32>
    %shift_left3A_904 = arith.constant 10 : i32
    %shift_left3A_905 = vector.broadcast %shift_left3A_904 : i32 to vector<16xi32>
    %shift_left3A_906 = arith.shli %shift_right_arithmetic3A_903, %shift_left3A_905 : vector<16xi32>
    %add3A_907 = arith.addi %add3A_900, %shift_left3A_906 : vector<16xi32>
    %and3A_908 = arith.constant 127 : i32
    %and3A_909 = vector.broadcast %and3A_908 : i32 to vector<16xi32>
    %and3A_910 = arith.andi %get3A_887, %and3A_909 : vector<16xi32>
    %add3A_911 = arith.addi %add3A_907, %and3A_910 : vector<16xi32>
    %swap3A_912 = arith.constant 144 : index
    %swap3A_913 = tpu.vector_load %arg9[%swap3A_912] {strides = array<i32>} : memref<1024xi32, #tpu.memory_space<vmem>>, vector<16xi32>,
    tpu.vector_store %arg9[%swap3A_912], %add3A_911 {strides = array<i32>} : memref<1024xi32, #tpu.memory_space<vmem>>, vector<16xi32>,
    %get3A_914 = arith.constant 1 : i32
    %get3A_915 = arith.index_cast %get3A_914 : i32 to index
    %get3A_916 = arith.constant 32 : index
    %get3A_917 = tpu.vector_load %arg8[%get3A_915, %get3A_916] {strides = array<i32>} : memref<8x144xi32, #tpu.memory_space<vmem>>, vector<16xi32>,
    %get3A_918 = arith.constant 1 : i32
    %get3A_919 = arith.index_cast %get3A_918 : i32 to index
    %get3A_920 = arith.constant 33 : index
    %get3A_921 = tpu.vector_load %arg8[%get3A_919, %get3A_920] {strides = array<i32>} : memref<8x144xi32, #tpu.memory_space<vmem>>, vector<16xi32>,
    %shift_right_arithmetic3A_922 = arith.constant 3 : i32
    %shift_right_arithmetic3A_923 = vector.broadcast %shift_right_arithmetic3A_922 : i32 to vector<16xi32>
    %shift_right_arithmetic3A_924 = arith.shrsi %get3A_917, %shift_right_arithmetic3A_923 : vector<16xi32>
    %shift_left3A_925 = arith.constant 15 : i32
    %shift_left3A_926 = vector.broadcast %shift_left3A_925 : i32 to vector<16xi32>
    %shift_left3A_927 = arith.shli %shift_right_arithmetic3A_924, %shift_left3A_926 : vector<16xi32>
    %and3A_928 = arith.constant 7 : i32
    %and3A_929 = vector.broadcast %and3A_928 : i32 to vector<16xi32>
    %and3A_930 = arith.andi %get3A_917, %and3A_929 : vector<16xi32>
    %shift_left3A_931 = arith.constant 7 : i32
    %shift_left3A_932 = vector.broadcast %shift_left3A_931 : i32 to vector<16xi32>
    %shift_left3A_933 = arith.shli %and3A_930, %shift_left3A_932 : vector<16xi32>
    %add3A_934 = arith.addi %shift_left3A_927, %shift_left3A_933 : vector<16xi32>
    %shift_right_arithmetic3A_935 = arith.constant 7 : i32
    %shift_right_arithmetic3A_936 = vector.broadcast %shift_right_arithmetic3A_935 : i32 to vector<16xi32>
    %shift_right_arithmetic3A_937 = arith.shrsi %get3A_921, %shift_right_arithmetic3A_936 : vector<16xi32>
    %shift_left3A_938 = arith.constant 10 : i32
    %shift_left3A_939 = vector.broadcast %shift_left3A_938 : i32 to vector<16xi32>
    %shift_left3A_940 = arith.shli %shift_right_arithmetic3A_937, %shift_left3A_939 : vector<16xi32>
    %add3A_941 = arith.addi %add3A_934, %shift_left3A_940 : vector<16xi32>
    %and3A_942 = arith.constant 127 : i32
    %and3A_943 = vector.broadcast %and3A_942 : i32 to vector<16xi32>
    %and3A_944 = arith.andi %get3A_921, %and3A_943 : vector<16xi32>
    %add3A_945 = arith.addi %add3A_941, %and3A_944 : vector<16xi32>
    %swap3A_946 = arith.constant 160 : index
    %swap3A_947 = tpu.vector_load %arg9[%swap3A_946] {strides = array<i32>} : memref<1024xi32, #tpu.memory_space<vmem>>, vector<16xi32>,
    tpu.vector_store %arg9[%swap3A_946], %add3A_945 {strides = array<i32>} : memref<1024xi32, #tpu.memory_space<vmem>>, vector<16xi32>,
    %get3A_948 = arith.constant 1 : i32
    %get3A_949 = arith.index_cast %get3A_948 : i32 to index
    %get3A_950 = arith.constant 48 : index
    %get3A_951 = tpu.vector_load %arg8[%get3A_949, %get3A_950] {strides = array<i32>} : memref<8x144xi32, #tpu.memory_space<vmem>>, vector<16xi32>,
    %get3A_952 = arith.constant 1 : i32
    %get3A_953 = arith.index_cast %get3A_952 : i32 to index
    %get3A_954 = arith.constant 49 : index
    %get3A_955 = tpu.vector_load %arg8[%get3A_953, %get3A_954] {strides = array<i32>} : memref<8x144xi32, #tpu.memory_space<vmem>>, vector<16xi32>,
    %shift_right_arithmetic3A_956 = arith.constant 3 : i32
    %shift_right_arithmetic3A_957 = vector.broadcast %shift_right_arithmetic3A_956 : i32 to vector<16xi32>
    %shift_right_arithmetic3A_958 = arith.shrsi %get3A_951, %shift_right_arithmetic3A_957 : vector<16xi32>
    %shift_left3A_959 = arith.constant 15 : i32
    %shift_left3A_960 = vector.broadcast %shift_left3A_959 : i32 to vector<16xi32>
    %shift_left3A_961 = arith.shli %shift_right_arithmetic3A_958, %shift_left3A_960 : vector<16xi32>
    %and3A_962 = arith.constant 7 : i32
    %and3A_963 = vector.broadcast %and3A_962 : i32 to vector<16xi32>
    %and3A_964 = arith.andi %get3A_951, %and3A_963 : vector<16xi32>
    %shift_left3A_965 = arith.constant 7 : i32
    %shift_left3A_966 = vector.broadcast %shift_left3A_965 : i32 to vector<16xi32>
    %shift_left3A_967 = arith.shli %and3A_964, %shift_left3A_966 : vector<16xi32>
    %add3A_968 = arith.addi %shift_left3A_961, %shift_left3A_967 : vector<16xi32>
    %shift_right_arithmetic3A_969 = arith.constant 7 : i32
    %shift_right_arithmetic3A_970 = vector.broadcast %shift_right_arithmetic3A_969 : i32 to vector<16xi32>
    %shift_right_arithmetic3A_971 = arith.shrsi %get3A_955, %shift_right_arithmetic3A_970 : vector<16xi32>
    %shift_left3A_972 = arith.constant 10 : i32
    %shift_left3A_973 = vector.broadcast %shift_left3A_972 : i32 to vector<16xi32>
    %shift_left3A_974 = arith.shli %shift_right_arithmetic3A_971, %shift_left3A_973 : vector<16xi32>
    %add3A_975 = arith.addi %add3A_968, %shift_left3A_974 : vector<16xi32>
    %and3A_976 = arith.constant 127 : i32
    %and3A_977 = vector.broadcast %and3A_976 : i32 to vector<16xi32>
    %and3A_978 = arith.andi %get3A_955, %and3A_977 : vector<16xi32>
    %add3A_979 = arith.addi %add3A_975, %and3A_978 : vector<16xi32>
    %swap3A_980 = arith.constant 176 : index
    %swap3A_981 = tpu.vector_load %arg9[%swap3A_980] {strides = array<i32>} : memref<1024xi32, #tpu.memory_space<vmem>>, vector<16xi32>,
    tpu.vector_store %arg9[%swap3A_980], %add3A_979 {strides = array<i32>} : memref<1024xi32, #tpu.memory_space<vmem>>, vector<16xi32>,
    %get3A_982 = arith.constant 1 : i32
    %get3A_983 = arith.index_cast %get3A_982 : i32 to index
    %get3A_984 = arith.constant 64 : index
    %get3A_985 = tpu.vector_load %arg8[%get3A_983, %get3A_984] {strides = array<i32>} : memref<8x144xi32, #tpu.memory_space<vmem>>, vector<16xi32>,
    %get3A_986 = arith.constant 1 : i32
    %get3A_987 = arith.index_cast %get3A_986 : i32 to index
    %get3A_988 = arith.constant 65 : index
    %get3A_989 = tpu.vector_load %arg8[%get3A_987, %get3A_988] {strides = array<i32>} : memref<8x144xi32, #tpu.memory_space<vmem>>, vector<16xi32>,
    %shift_right_arithmetic3A_990 = arith.constant 3 : i32
    %shift_right_arithmetic3A_991 = vector.broadcast %shift_right_arithmetic3A_990 : i32 to vector<16xi32>
    %shift_right_arithmetic3A_992 = arith.shrsi %get3A_985, %shift_right_arithmetic3A_991 : vector<16xi32>
    %shift_left3A_993 = arith.constant 15 : i32
    %shift_left3A_994 = vector.broadcast %shift_left3A_993 : i32 to vector<16xi32>
    %shift_left3A_995 = arith.shli %shift_right_arithmetic3A_992, %shift_left3A_994 : vector<16xi32>
    %and3A_996 = arith.constant 7 : i32
    %and3A_997 = vector.broadcast %and3A_996 : i32 to vector<16xi32>
    %and3A_998 = arith.andi %get3A_985, %and3A_997 : vector<16xi32>
    %shift_left3A_999 = arith.constant 7 : i32
    %shift_left3A_1000 = vector.broadcast %shift_left3A_999 : i32 to vector<16xi32>
    %shift_left3A_1001 = arith.shli %and3A_998, %shift_left3A_1000 : vector<16xi32>
    %add3A_1002 = arith.addi %shift_left3A_995, %shift_left3A_1001 : vector<16xi32>
    %shift_right_arithmetic3A_1003 = arith.constant 7 : i32
    %shift_right_arithmetic3A_1004 = vector.broadcast %shift_right_arithmetic3A_1003 : i32 to vector<16xi32>
    %shift_right_arithmetic3A_1005 = arith.shrsi %get3A_989, %shift_right_arithmetic3A_1004 : vector<16xi32>
    %shift_left3A_1006 = arith.constant 10 : i32
    %shift_left3A_1007 = vector.broadcast %shift_left3A_1006 : i32 to vector<16xi32>
    %shift_left3A_1008 = arith.shli %shift_right_arithmetic3A_1005, %shift_left3A_1007 : vector<16xi32>
    %add3A_1009 = arith.addi %add3A_1002, %shift_left3A_1008 : vector<16xi32>
    %and3A_1010 = arith.constant 127 : i32
    %and3A_1011 = vector.broadcast %and3A_1010 : i32 to vector<16xi32>
    %and3A_1012 = arith.andi %get3A_989, %and3A_1011 : vector<16xi32>
    %add3A_1013 = arith.addi %add3A_1009, %and3A_1012 : vector<16xi32>
    %swap3A_1014 = arith.constant 192 : index
    %swap3A_1015 = tpu.vector_load %arg9[%swap3A_1014] {strides = array<i32>} : memref<1024xi32, #tpu.memory_space<vmem>>, vector<16xi32>,
    tpu.vector_store %arg9[%swap3A_1014], %add3A_1013 {strides = array<i32>} : memref<1024xi32, #tpu.memory_space<vmem>>, vector<16xi32>,
    %get3A_1016 = arith.constant 1 : i32
    %get3A_1017 = arith.index_cast %get3A_1016 : i32 to index
    %get3A_1018 = arith.constant 80 : index
    %get3A_1019 = tpu.vector_load %arg8[%get3A_1017, %get3A_1018] {strides = array<i32>} : memref<8x144xi32, #tpu.memory_space<vmem>>, vector<16xi32>,
    %get3A_1020 = arith.constant 1 : i32
    %get3A_1021 = arith.index_cast %get3A_1020 : i32 to index
    %get3A_1022 = arith.constant 81 : index
    %get3A_1023 = tpu.vector_load %arg8[%get3A_1021, %get3A_1022] {strides = array<i32>} : memref<8x144xi32, #tpu.memory_space<vmem>>, vector<16xi32>,
    %shift_right_arithmetic3A_1024 = arith.constant 3 : i32
    %shift_right_arithmetic3A_1025 = vector.broadcast %shift_right_arithmetic3A_1024 : i32 to vector<16xi32>
    %shift_right_arithmetic3A_1026 = arith.shrsi %get3A_1019, %shift_right_arithmetic3A_1025 : vector<16xi32>
    %shift_left3A_1027 = arith.constant 15 : i32
    %shift_left3A_1028 = vector.broadcast %shift_left3A_1027 : i32 to vector<16xi32>
    %shift_left3A_1029 = arith.shli %shift_right_arithmetic3A_1026, %shift_left3A_1028 : vector<16xi32>
    %and3A_1030 = arith.constant 7 : i32
    %and3A_1031 = vector.broadcast %and3A_1030 : i32 to vector<16xi32>
    %and3A_1032 = arith.andi %get3A_1019, %and3A_1031 : vector<16xi32>
    %shift_left3A_1033 = arith.constant 7 : i32
    %shift_left3A_1034 = vector.broadcast %shift_left3A_1033 : i32 to vector<16xi32>
    %shift_left3A_1035 = arith.shli %and3A_1032, %shift_left3A_1034 : vector<16xi32>
    %add3A_1036 = arith.addi %shift_left3A_1029, %shift_left3A_1035 : vector<16xi32>
    %shift_right_arithmetic3A_1037 = arith.constant 7 : i32
    %shift_right_arithmetic3A_1038 = vector.broadcast %shift_right_arithmetic3A_1037 : i32 to vector<16xi32>
    %shift_right_arithmetic3A_1039 = arith.shrsi %get3A_1023, %shift_right_arithmetic3A_1038 : vector<16xi32>
    %shift_left3A_1040 = arith.constant 10 : i32
    %shift_left3A_1041 = vector.broadcast %shift_left3A_1040 : i32 to vector<16xi32>
    %shift_left3A_1042 = arith.shli %shift_right_arithmetic3A_1039, %shift_left3A_1041 : vector<16xi32>
    %add3A_1043 = arith.addi %add3A_1036, %shift_left3A_1042 : vector<16xi32>
    %and3A_1044 = arith.constant 127 : i32
    %and3A_1045 = vector.broadcast %and3A_1044 : i32 to vector<16xi32>
    %and3A_1046 = arith.andi %get3A_1023, %and3A_1045 : vector<16xi32>
    %add3A_1047 = arith.addi %add3A_1043, %and3A_1046 : vector<16xi32>
    %swap3A_1048 = arith.constant 208 : index
    %swap3A_1049 = tpu.vector_load %arg9[%swap3A_1048] {strides = array<i32>} : memref<1024xi32, #tpu.memory_space<vmem>>, vector<16xi32>,
    tpu.vector_store %arg9[%swap3A_1048], %add3A_1047 {strides = array<i32>} : memref<1024xi32, #tpu.memory_space<vmem>>, vector<16xi32>,
    %get3A_1050 = arith.constant 1 : i32
    %get3A_1051 = arith.index_cast %get3A_1050 : i32 to index
    %get3A_1052 = arith.constant 96 : index
    %get3A_1053 = tpu.vector_load %arg8[%get3A_1051, %get3A_1052] {strides = array<i32>} : memref<8x144xi32, #tpu.memory_space<vmem>>, vector<16xi32>,
    %get3A_1054 = arith.constant 1 : i32
    %get3A_1055 = arith.index_cast %get3A_1054 : i32 to index
    %get3A_1056 = arith.constant 97 : index
    %get3A_1057 = tpu.vector_load %arg8[%get3A_1055, %get3A_1056] {strides = array<i32>} : memref<8x144xi32, #tpu.memory_space<vmem>>, vector<16xi32>,
    %shift_right_arithmetic3A_1058 = arith.constant 3 : i32
    %shift_right_arithmetic3A_1059 = vector.broadcast %shift_right_arithmetic3A_1058 : i32 to vector<16xi32>
    %shift_right_arithmetic3A_1060 = arith.shrsi %get3A_1053, %shift_right_arithmetic3A_1059 : vector<16xi32>
    %shift_left3A_1061 = arith.constant 15 : i32
    %shift_left3A_1062 = vector.broadcast %shift_left3A_1061 : i32 to vector<16xi32>
    %shift_left3A_1063 = arith.shli %shift_right_arithmetic3A_1060, %shift_left3A_1062 : vector<16xi32>
    %and3A_1064 = arith.constant 7 : i32
    %and3A_1065 = vector.broadcast %and3A_1064 : i32 to vector<16xi32>
    %and3A_1066 = arith.andi %get3A_1053, %and3A_1065 : vector<16xi32>
    %shift_left3A_1067 = arith.constant 7 : i32
    %shift_left3A_1068 = vector.broadcast %shift_left3A_1067 : i32 to vector<16xi32>
    %shift_left3A_1069 = arith.shli %and3A_1066, %shift_left3A_1068 : vector<16xi32>
    %add3A_1070 = arith.addi %shift_left3A_1063, %shift_left3A_1069 : vector<16xi32>
    %shift_right_arithmetic3A_1071 = arith.constant 7 : i32
    %shift_right_arithmetic3A_1072 = vector.broadcast %shift_right_arithmetic3A_1071 : i32 to vector<16xi32>
    %shift_right_arithmetic3A_1073 = arith.shrsi %get3A_1057, %shift_right_arithmetic3A_1072 : vector<16xi32>
    %shift_left3A_1074 = arith.constant 10 : i32
    %shift_left3A_1075 = vector.broadcast %shift_left3A_1074 : i32 to vector<16xi32>
    %shift_left3A_1076 = arith.shli %shift_right_arithmetic3A_1073, %shift_left3A_1075 : vector<16xi32>
    %add3A_1077 = arith.addi %add3A_1070, %shift_left3A_1076 : vector<16xi32>
    %and3A_1078 = arith.constant 127 : i32
    %and3A_1079 = vector.broadcast %and3A_1078 : i32 to vector<16xi32>
    %and3A_1080 = arith.andi %get3A_1057, %and3A_1079 : vector<16xi32>
    %add3A_1081 = arith.addi %add3A_1077, %and3A_1080 : vector<16xi32>
    %swap3A_1082 = arith.constant 224 : index
    %swap3A_1083 = tpu.vector_load %arg9[%swap3A_1082] {strides = array<i32>} : memref<1024xi32, #tpu.memory_space<vmem>>, vector<16xi32>,
    tpu.vector_store %arg9[%swap3A_1082], %add3A_1081 {strides = array<i32>} : memref<1024xi32, #tpu.memory_space<vmem>>, vector<16xi32>,
    %get3A_1084 = arith.constant 1 : i32
    %get3A_1085 = arith.index_cast %get3A_1084 : i32 to index
    %get3A_1086 = arith.constant 112 : index
    %get3A_1087 = tpu.vector_load %arg8[%get3A_1085, %get3A_1086] {strides = array<i32>} : memref<8x144xi32, #tpu.memory_space<vmem>>, vector<16xi32>,
    %get3A_1088 = arith.constant 1 : i32
    %get3A_1089 = arith.index_cast %get3A_1088 : i32 to index
    %get3A_1090 = arith.constant 113 : index
    %get3A_1091 = tpu.vector_load %arg8[%get3A_1089, %get3A_1090] {strides = array<i32>} : memref<8x144xi32, #tpu.memory_space<vmem>>, vector<16xi32>,
    %shift_right_arithmetic3A_1092 = arith.constant 3 : i32
    %shift_right_arithmetic3A_1093 = vector.broadcast %shift_right_arithmetic3A_1092 : i32 to vector<16xi32>
    %shift_right_arithmetic3A_1094 = arith.shrsi %get3A_1087, %shift_right_arithmetic3A_1093 : vector<16xi32>
    %shift_left3A_1095 = arith.constant 15 : i32
    %shift_left3A_1096 = vector.broadcast %shift_left3A_1095 : i32 to vector<16xi32>
    %shift_left3A_1097 = arith.shli %shift_right_arithmetic3A_1094, %shift_left3A_1096 : vector<16xi32>
    %and3A_1098 = arith.constant 7 : i32
    %and3A_1099 = vector.broadcast %and3A_1098 : i32 to vector<16xi32>
    %and3A_1100 = arith.andi %get3A_1087, %and3A_1099 : vector<16xi32>
    %shift_left3A_1101 = arith.constant 7 : i32
    %shift_left3A_1102 = vector.broadcast %shift_left3A_1101 : i32 to vector<16xi32>
    %shift_left3A_1103 = arith.shli %and3A_1100, %shift_left3A_1102 : vector<16xi32>
    %add3A_1104 = arith.addi %shift_left3A_1097, %shift_left3A_1103 : vector<16xi32>
    %shift_right_arithmetic3A_1105 = arith.constant 7 : i32
    %shift_right_arithmetic3A_1106 = vector.broadcast %shift_right_arithmetic3A_1105 : i32 to vector<16xi32>
    %shift_right_arithmetic3A_1107 = arith.shrsi %get3A_1091, %shift_right_arithmetic3A_1106 : vector<16xi32>
    %shift_left3A_1108 = arith.constant 10 : i32
    %shift_left3A_1109 = vector.broadcast %shift_left3A_1108 : i32 to vector<16xi32>
    %shift_left3A_1110 = arith.shli %shift_right_arithmetic3A_1107, %shift_left3A_1109 : vector<16xi32>
    %add3A_1111 = arith.addi %add3A_1104, %shift_left3A_1110 : vector<16xi32>
    %and3A_1112 = arith.constant 127 : i32
    %and3A_1113 = vector.broadcast %and3A_1112 : i32 to vector<16xi32>
    %and3A_1114 = arith.andi %get3A_1091, %and3A_1113 : vector<16xi32>
    %add3A_1115 = arith.addi %add3A_1111, %and3A_1114 : vector<16xi32>
    %swap3A_1116 = arith.constant 240 : index
    %swap3A_1117 = tpu.vector_load %arg9[%swap3A_1116] {strides = array<i32>} : memref<1024xi32, #tpu.memory_space<vmem>>, vector<16xi32>,
    tpu.vector_store %arg9[%swap3A_1116], %add3A_1115 {strides = array<i32>} : memref<1024xi32, #tpu.memory_space<vmem>>, vector<16xi32>,
    %swap3A_1118 = arith.constant 2 : i32
    %swap3A_1119 = arith.index_cast %swap3A_1118 : i32 to index
    %swap3A_1120 = arith.constant 128 : index
    %swap3A_1121 = tpu.vector_load %arg8[%swap3A_1119, %swap3A_1120] {strides = array<i32>} : memref<8x144xi32, #tpu.memory_space<vmem>>, vector<16xi32>,
    tpu.vector_store %arg8[%swap3A_1119, %swap3A_1120], %broadcast_in_dim3A_566 {strides = array<i32>} : memref<8x144xi32, #tpu.memory_space<vmem>>, vector<16xi32>,
    %get3A_1122 = arith.constant 2 : i32
    %get3A_1123 = arith.index_cast %get3A_1122 : i32 to index
    %get3A_1124 = arith.constant 0 : index
    %get3A_1125 = tpu.vector_load %arg8[%get3A_1123, %get3A_1124] {strides = array<i32>} : memref<8x144xi32, #tpu.memory_space<vmem>>, vector<16xi32>,
    %get3A_1126 = arith.constant 2 : i32
    %get3A_1127 = arith.index_cast %get3A_1126 : i32 to index
    %get3A_1128 = arith.constant 1 : index
    %get3A_1129 = tpu.vector_load %arg8[%get3A_1127, %get3A_1128] {strides = array<i32>} : memref<8x144xi32, #tpu.memory_space<vmem>>, vector<16xi32>,
    %shift_right_arithmetic3A_1130 = arith.constant 3 : i32
    %shift_right_arithmetic3A_1131 = vector.broadcast %shift_right_arithmetic3A_1130 : i32 to vector<16xi32>
    %shift_right_arithmetic3A_1132 = arith.shrsi %get3A_1125, %shift_right_arithmetic3A_1131 : vector<16xi32>
    %shift_left3A_1133 = arith.constant 15 : i32
    %shift_left3A_1134 = vector.broadcast %shift_left3A_1133 : i32 to vector<16xi32>
    %shift_left3A_1135 = arith.shli %shift_right_arithmetic3A_1132, %shift_left3A_1134 : vector<16xi32>
    %and3A_1136 = arith.constant 7 : i32
    %and3A_1137 = vector.broadcast %and3A_1136 : i32 to vector<16xi32>
    %and3A_1138 = arith.andi %get3A_1125, %and3A_1137 : vector<16xi32>
    %shift_left3A_1139 = arith.constant 7 : i32
    %shift_left3A_1140 = vector.broadcast %shift_left3A_1139 : i32 to vector<16xi32>
    %shift_left3A_1141 = arith.shli %and3A_1138, %shift_left3A_1140 : vector<16xi32>
    %add3A_1142 = arith.addi %shift_left3A_1135, %shift_left3A_1141 : vector<16xi32>
    %shift_right_arithmetic3A_1143 = arith.constant 7 : i32
    %shift_right_arithmetic3A_1144 = vector.broadcast %shift_right_arithmetic3A_1143 : i32 to vector<16xi32>
    %shift_right_arithmetic3A_1145 = arith.shrsi %get3A_1129, %shift_right_arithmetic3A_1144 : vector<16xi32>
    %shift_left3A_1146 = arith.constant 10 : i32
    %shift_left3A_1147 = vector.broadcast %shift_left3A_1146 : i32 to vector<16xi32>
    %shift_left3A_1148 = arith.shli %shift_right_arithmetic3A_1145, %shift_left3A_1147 : vector<16xi32>
    %add3A_1149 = arith.addi %add3A_1142, %shift_left3A_1148 : vector<16xi32>
    %and3A_1150 = arith.constant 127 : i32
    %and3A_1151 = vector.broadcast %and3A_1150 : i32 to vector<16xi32>
    %and3A_1152 = arith.andi %get3A_1129, %and3A_1151 : vector<16xi32>
    %add3A_1153 = arith.addi %add3A_1149, %and3A_1152 : vector<16xi32>
    %swap3A_1154 = arith.constant 256 : index
    %swap3A_1155 = tpu.vector_load %arg9[%swap3A_1154] {strides = array<i32>} : memref<1024xi32, #tpu.memory_space<vmem>>, vector<16xi32>,
    tpu.vector_store %arg9[%swap3A_1154], %add3A_1153 {strides = array<i32>} : memref<1024xi32, #tpu.memory_space<vmem>>, vector<16xi32>,
    %get3A_1156 = arith.constant 2 : i32
    %get3A_1157 = arith.index_cast %get3A_1156 : i32 to index
    %get3A_1158 = arith.constant 16 : index
    %get3A_1159 = tpu.vector_load %arg8[%get3A_1157, %get3A_1158] {strides = array<i32>} : memref<8x144xi32, #tpu.memory_space<vmem>>, vector<16xi32>,
    %get3A_1160 = arith.constant 2 : i32
    %get3A_1161 = arith.index_cast %get3A_1160 : i32 to index
    %get3A_1162 = arith.constant 17 : index
    %get3A_1163 = tpu.vector_load %arg8[%get3A_1161, %get3A_1162] {strides = array<i32>} : memref<8x144xi32, #tpu.memory_space<vmem>>, vector<16xi32>,
    %shift_right_arithmetic3A_1164 = arith.constant 3 : i32
    %shift_right_arithmetic3A_1165 = vector.broadcast %shift_right_arithmetic3A_1164 : i32 to vector<16xi32>
    %shift_right_arithmetic3A_1166 = arith.shrsi %get3A_1159, %shift_right_arithmetic3A_1165 : vector<16xi32>
    %shift_left3A_1167 = arith.constant 15 : i32
    %shift_left3A_1168 = vector.broadcast %shift_left3A_1167 : i32 to vector<16xi32>
    %shift_left3A_1169 = arith.shli %shift_right_arithmetic3A_1166, %shift_left3A_1168 : vector<16xi32>
    %and3A_1170 = arith.constant 7 : i32
    %and3A_1171 = vector.broadcast %and3A_1170 : i32 to vector<16xi32>
    %and3A_1172 = arith.andi %get3A_1159, %and3A_1171 : vector<16xi32>
    %shift_left3A_1173 = arith.constant 7 : i32
    %shift_left3A_1174 = vector.broadcast %shift_left3A_1173 : i32 to vector<16xi32>
    %shift_left3A_1175 = arith.shli %and3A_1172, %shift_left3A_1174 : vector<16xi32>
    %add3A_1176 = arith.addi %shift_left3A_1169, %shift_left3A_1175 : vector<16xi32>
    %shift_right_arithmetic3A_1177 = arith.constant 7 : i32
    %shift_right_arithmetic3A_1178 = vector.broadcast %shift_right_arithmetic3A_1177 : i32 to vector<16xi32>
    %shift_right_arithmetic3A_1179 = arith.shrsi %get3A_1163, %shift_right_arithmetic3A_1178 : vector<16xi32>
    %shift_left3A_1180 = arith.constant 10 : i32
    %shift_left3A_1181 = vector.broadcast %shift_left3A_1180 : i32 to vector<16xi32>
    %shift_left3A_1182 = arith.shli %shift_right_arithmetic3A_1179, %shift_left3A_1181 : vector<16xi32>
    %add3A_1183 = arith.addi %add3A_1176, %shift_left3A_1182 : vector<16xi32>
    %and3A_1184 = arith.constant 127 : i32
    %and3A_1185 = vector.broadcast %and3A_1184 : i32 to vector<16xi32>
    %and3A_1186 = arith.andi %get3A_1163, %and3A_1185 : vector<16xi32>
    %add3A_1187 = arith.addi %add3A_1183, %and3A_1186 : vector<16xi32>
    %swap3A_1188 = arith.constant 272 : index
    %swap3A_1189 = tpu.vector_load %arg9[%swap3A_1188] {strides = array<i32>} : memref<1024xi32, #tpu.memory_space<vmem>>, vector<16xi32>,
    tpu.vector_store %arg9[%swap3A_1188], %add3A_1187 {strides = array<i32>} : memref<1024xi32, #tpu.memory_space<vmem>>, vector<16xi32>,
    %get3A_1190 = arith.constant 2 : i32
    %get3A_1191 = arith.index_cast %get3A_1190 : i32 to index
    %get3A_1192 = arith.constant 32 : index
    %get3A_1193 = tpu.vector_load %arg8[%get3A_1191, %get3A_1192] {strides = array<i32>} : memref<8x144xi32, #tpu.memory_space<vmem>>, vector<16xi32>,
    %get3A_1194 = arith.constant 2 : i32
    %get3A_1195 = arith.index_cast %get3A_1194 : i32 to index
    %get3A_1196 = arith.constant 33 : index
    %get3A_1197 = tpu.vector_load %arg8[%get3A_1195, %get3A_1196] {strides = array<i32>} : memref<8x144xi32, #tpu.memory_space<vmem>>, vector<16xi32>,
    %shift_right_arithmetic3A_1198 = arith.constant 3 : i32
    %shift_right_arithmetic3A_1199 = vector.broadcast %shift_right_arithmetic3A_1198 : i32 to vector<16xi32>
    %shift_right_arithmetic3A_1200 = arith.shrsi %get3A_1193, %shift_right_arithmetic3A_1199 : vector<16xi32>
    %shift_left3A_1201 = arith.constant 15 : i32
    %shift_left3A_1202 = vector.broadcast %shift_left3A_1201 : i32 to vector<16xi32>
    %shift_left3A_1203 = arith.shli %shift_right_arithmetic3A_1200, %shift_left3A_1202 : vector<16xi32>
    %and3A_1204 = arith.constant 7 : i32
    %and3A_1205 = vector.broadcast %and3A_1204 : i32 to vector<16xi32>
    %and3A_1206 = arith.andi %get3A_1193, %and3A_1205 : vector<16xi32>
    %shift_left3A_1207 = arith.constant 7 : i32
    %shift_left3A_1208 = vector.broadcast %shift_left3A_1207 : i32 to vector<16xi32>
    %shift_left3A_1209 = arith.shli %and3A_1206, %shift_left3A_1208 : vector<16xi32>
    %add3A_1210 = arith.addi %shift_left3A_1203, %shift_left3A_1209 : vector<16xi32>
    %shift_right_arithmetic3A_1211 = arith.constant 7 : i32
    %shift_right_arithmetic3A_1212 = vector.broadcast %shift_right_arithmetic3A_1211 : i32 to vector<16xi32>
    %shift_right_arithmetic3A_1213 = arith.shrsi %get3A_1197, %shift_right_arithmetic3A_1212 : vector<16xi32>
    %shift_left3A_1214 = arith.constant 10 : i32
    %shift_left3A_1215 = vector.broadcast %shift_left3A_1214 : i32 to vector<16xi32>
    %shift_left3A_1216 = arith.shli %shift_right_arithmetic3A_1213, %shift_left3A_1215 : vector<16xi32>
    %add3A_1217 = arith.addi %add3A_1210, %shift_left3A_1216 : vector<16xi32>
    %and3A_1218 = arith.constant 127 : i32
    %and3A_1219 = vector.broadcast %and3A_1218 : i32 to vector<16xi32>
    %and3A_1220 = arith.andi %get3A_1197, %and3A_1219 : vector<16xi32>
    %add3A_1221 = arith.addi %add3A_1217, %and3A_1220 : vector<16xi32>
    %swap3A_1222 = arith.constant 288 : index
    %swap3A_1223 = tpu.vector_load %arg9[%swap3A_1222] {strides = array<i32>} : memref<1024xi32, #tpu.memory_space<vmem>>, vector<16xi32>,
    tpu.vector_store %arg9[%swap3A_1222], %add3A_1221 {strides = array<i32>} : memref<1024xi32, #tpu.memory_space<vmem>>, vector<16xi32>,
    %get3A_1224 = arith.constant 2 : i32
    %get3A_1225 = arith.index_cast %get3A_1224 : i32 to index
    %get3A_1226 = arith.constant 48 : index
    %get3A_1227 = tpu.vector_load %arg8[%get3A_1225, %get3A_1226] {strides = array<i32>} : memref<8x144xi32, #tpu.memory_space<vmem>>, vector<16xi32>,
    %get3A_1228 = arith.constant 2 : i32
    %get3A_1229 = arith.index_cast %get3A_1228 : i32 to index
    %get3A_1230 = arith.constant 49 : index
    %get3A_1231 = tpu.vector_load %arg8[%get3A_1229, %get3A_1230] {strides = array<i32>} : memref<8x144xi32, #tpu.memory_space<vmem>>, vector<16xi32>,
    %shift_right_arithmetic3A_1232 = arith.constant 3 : i32
    %shift_right_arithmetic3A_1233 = vector.broadcast %shift_right_arithmetic3A_1232 : i32 to vector<16xi32>
    %shift_right_arithmetic3A_1234 = arith.shrsi %get3A_1227, %shift_right_arithmetic3A_1233 : vector<16xi32>
    %shift_left3A_1235 = arith.constant 15 : i32
    %shift_left3A_1236 = vector.broadcast %shift_left3A_1235 : i32 to vector<16xi32>
    %shift_left3A_1237 = arith.shli %shift_right_arithmetic3A_1234, %shift_left3A_1236 : vector<16xi32>
    %and3A_1238 = arith.constant 7 : i32
    %and3A_1239 = vector.broadcast %and3A_1238 : i32 to vector<16xi32>
    %and3A_1240 = arith.andi %get3A_1227, %and3A_1239 : vector<16xi32>
    %shift_left3A_1241 = arith.constant 7 : i32
    %shift_left3A_1242 = vector.broadcast %shift_left3A_1241 : i32 to vector<16xi32>
    %shift_left3A_1243 = arith.shli %and3A_1240, %shift_left3A_1242 : vector<16xi32>
    %add3A_1244 = arith.addi %shift_left3A_1237, %shift_left3A_1243 : vector<16xi32>
    %shift_right_arithmetic3A_1245 = arith.constant 7 : i32
    %shift_right_arithmetic3A_1246 = vector.broadcast %shift_right_arithmetic3A_1245 : i32 to vector<16xi32>
    %shift_right_arithmetic3A_1247 = arith.shrsi %get3A_1231, %shift_right_arithmetic3A_1246 : vector<16xi32>
    %shift_left3A_1248 = arith.constant 10 : i32
    %shift_left3A_1249 = vector.broadcast %shift_left3A_1248 : i32 to vector<16xi32>
    %shift_left3A_1250 = arith.shli %shift_right_arithmetic3A_1247, %shift_left3A_1249 : vector<16xi32>
    %add3A_1251 = arith.addi %add3A_1244, %shift_left3A_1250 : vector<16xi32>
    %and3A_1252 = arith.constant 127 : i32
    %and3A_1253 = vector.broadcast %and3A_1252 : i32 to vector<16xi32>
    %and3A_1254 = arith.andi %get3A_1231, %and3A_1253 : vector<16xi32>
    %add3A_1255 = arith.addi %add3A_1251, %and3A_1254 : vector<16xi32>
    %swap3A_1256 = arith.constant 304 : index
    %swap3A_1257 = tpu.vector_load %arg9[%swap3A_1256] {strides = array<i32>} : memref<1024xi32, #tpu.memory_space<vmem>>, vector<16xi32>,
    tpu.vector_store %arg9[%swap3A_1256], %add3A_1255 {strides = array<i32>} : memref<1024xi32, #tpu.memory_space<vmem>>, vector<16xi32>,
    %get3A_1258 = arith.constant 2 : i32
    %get3A_1259 = arith.index_cast %get3A_1258 : i32 to index
    %get3A_1260 = arith.constant 64 : index
    %get3A_1261 = tpu.vector_load %arg8[%get3A_1259, %get3A_1260] {strides = array<i32>} : memref<8x144xi32, #tpu.memory_space<vmem>>, vector<16xi32>,
    %get3A_1262 = arith.constant 2 : i32
    %get3A_1263 = arith.index_cast %get3A_1262 : i32 to index
    %get3A_1264 = arith.constant 65 : index
    %get3A_1265 = tpu.vector_load %arg8[%get3A_1263, %get3A_1264] {strides = array<i32>} : memref<8x144xi32, #tpu.memory_space<vmem>>, vector<16xi32>,
    %shift_right_arithmetic3A_1266 = arith.constant 3 : i32
    %shift_right_arithmetic3A_1267 = vector.broadcast %shift_right_arithmetic3A_1266 : i32 to vector<16xi32>
    %shift_right_arithmetic3A_1268 = arith.shrsi %get3A_1261, %shift_right_arithmetic3A_1267 : vector<16xi32>
    %shift_left3A_1269 = arith.constant 15 : i32
    %shift_left3A_1270 = vector.broadcast %shift_left3A_1269 : i32 to vector<16xi32>
    %shift_left3A_1271 = arith.shli %shift_right_arithmetic3A_1268, %shift_left3A_1270 : vector<16xi32>
    %and3A_1272 = arith.constant 7 : i32
    %and3A_1273 = vector.broadcast %and3A_1272 : i32 to vector<16xi32>
    %and3A_1274 = arith.andi %get3A_1261, %and3A_1273 : vector<16xi32>
    %shift_left3A_1275 = arith.constant 7 : i32
    %shift_left3A_1276 = vector.broadcast %shift_left3A_1275 : i32 to vector<16xi32>
    %shift_left3A_1277 = arith.shli %and3A_1274, %shift_left3A_1276 : vector<16xi32>
    %add3A_1278 = arith.addi %shift_left3A_1271, %shift_left3A_1277 : vector<16xi32>
    %shift_right_arithmetic3A_1279 = arith.constant 7 : i32
    %shift_right_arithmetic3A_1280 = vector.broadcast %shift_right_arithmetic3A_1279 : i32 to vector<16xi32>
    %shift_right_arithmetic3A_1281 = arith.shrsi %get3A_1265, %shift_right_arithmetic3A_1280 : vector<16xi32>
    %shift_left3A_1282 = arith.constant 10 : i32
    %shift_left3A_1283 = vector.broadcast %shift_left3A_1282 : i32 to vector<16xi32>
    %shift_left3A_1284 = arith.shli %shift_right_arithmetic3A_1281, %shift_left3A_1283 : vector<16xi32>
    %add3A_1285 = arith.addi %add3A_1278, %shift_left3A_1284 : vector<16xi32>
    %and3A_1286 = arith.constant 127 : i32
    %and3A_1287 = vector.broadcast %and3A_1286 : i32 to vector<16xi32>
    %and3A_1288 = arith.andi %get3A_1265, %and3A_1287 : vector<16xi32>
    %add3A_1289 = arith.addi %add3A_1285, %and3A_1288 : vector<16xi32>
    %swap3A_1290 = arith.constant 320 : index
    %swap3A_1291 = tpu.vector_load %arg9[%swap3A_1290] {strides = array<i32>} : memref<1024xi32, #tpu.memory_space<vmem>>, vector<16xi32>,
    tpu.vector_store %arg9[%swap3A_1290], %add3A_1289 {strides = array<i32>} : memref<1024xi32, #tpu.memory_space<vmem>>, vector<16xi32>,
    %get3A_1292 = arith.constant 2 : i32
    %get3A_1293 = arith.index_cast %get3A_1292 : i32 to index
    %get3A_1294 = arith.constant 80 : index
    %get3A_1295 = tpu.vector_load %arg8[%get3A_1293, %get3A_1294] {strides = array<i32>} : memref<8x144xi32, #tpu.memory_space<vmem>>, vector<16xi32>,
    %get3A_1296 = arith.constant 2 : i32
    %get3A_1297 = arith.index_cast %get3A_1296 : i32 to index
    %get3A_1298 = arith.constant 81 : index
    %get3A_1299 = tpu.vector_load %arg8[%get3A_1297, %get3A_1298] {strides = array<i32>} : memref<8x144xi32, #tpu.memory_space<vmem>>, vector<16xi32>,
    %shift_right_arithmetic3A_1300 = arith.constant 3 : i32
    %shift_right_arithmetic3A_1301 = vector.broadcast %shift_right_arithmetic3A_1300 : i32 to vector<16xi32>
    %shift_right_arithmetic3A_1302 = arith.shrsi %get3A_1295, %shift_right_arithmetic3A_1301 : vector<16xi32>
    %shift_left3A_1303 = arith.constant 15 : i32
    %shift_left3A_1304 = vector.broadcast %shift_left3A_1303 : i32 to vector<16xi32>
    %shift_left3A_1305 = arith.shli %shift_right_arithmetic3A_1302, %shift_left3A_1304 : vector<16xi32>
    %and3A_1306 = arith.constant 7 : i32
    %and3A_1307 = vector.broadcast %and3A_1306 : i32 to vector<16xi32>
    %and3A_1308 = arith.andi %get3A_1295, %and3A_1307 : vector<16xi32>
    %shift_left3A_1309 = arith.constant 7 : i32
    %shift_left3A_1310 = vector.broadcast %shift_left3A_1309 : i32 to vector<16xi32>
    %shift_left3A_1311 = arith.shli %and3A_1308, %shift_left3A_1310 : vector<16xi32>
    %add3A_1312 = arith.addi %shift_left3A_1305, %shift_left3A_1311 : vector<16xi32>
    %shift_right_arithmetic3A_1313 = arith.constant 7 : i32
    %shift_right_arithmetic3A_1314 = vector.broadcast %shift_right_arithmetic3A_1313 : i32 to vector<16xi32>
    %shift_right_arithmetic3A_1315 = arith.shrsi %get3A_1299, %shift_right_arithmetic3A_1314 : vector<16xi32>
    %shift_left3A_1316 = arith.constant 10 : i32
    %shift_left3A_1317 = vector.broadcast %shift_left3A_1316 : i32 to vector<16xi32>
    %shift_left3A_1318 = arith.shli %shift_right_arithmetic3A_1315, %shift_left3A_1317 : vector<16xi32>
    %add3A_1319 = arith.addi %add3A_1312, %shift_left3A_1318 : vector<16xi32>
    %and3A_1320 = arith.constant 127 : i32
    %and3A_1321 = vector.broadcast %and3A_1320 : i32 to vector<16xi32>
    %and3A_1322 = arith.andi %get3A_1299, %and3A_1321 : vector<16xi32>
    %add3A_1323 = arith.addi %add3A_1319, %and3A_1322 : vector<16xi32>
    %swap3A_1324 = arith.constant 336 : index
    %swap3A_1325 = tpu.vector_load %arg9[%swap3A_1324] {strides = array<i32>} : memref<1024xi32, #tpu.memory_space<vmem>>, vector<16xi32>,
    tpu.vector_store %arg9[%swap3A_1324], %add3A_1323 {strides = array<i32>} : memref<1024xi32, #tpu.memory_space<vmem>>, vector<16xi32>,
    %get3A_1326 = arith.constant 2 : i32
    %get3A_1327 = arith.index_cast %get3A_1326 : i32 to index
    %get3A_1328 = arith.constant 96 : index
    %get3A_1329 = tpu.vector_load %arg8[%get3A_1327, %get3A_1328] {strides = array<i32>} : memref<8x144xi32, #tpu.memory_space<vmem>>, vector<16xi32>,
    %get3A_1330 = arith.constant 2 : i32
    %get3A_1331 = arith.index_cast %get3A_1330 : i32 to index
    %get3A_1332 = arith.constant 97 : index
    %get3A_1333 = tpu.vector_load %arg8[%get3A_1331, %get3A_1332] {strides = array<i32>} : memref<8x144xi32, #tpu.memory_space<vmem>>, vector<16xi32>,
    %shift_right_arithmetic3A_1334 = arith.constant 3 : i32
    %shift_right_arithmetic3A_1335 = vector.broadcast %shift_right_arithmetic3A_1334 : i32 to vector<16xi32>
    %shift_right_arithmetic3A_1336 = arith.shrsi %get3A_1329, %shift_right_arithmetic3A_1335 : vector<16xi32>
    %shift_left3A_1337 = arith.constant 15 : i32
    %shift_left3A_1338 = vector.broadcast %shift_left3A_1337 : i32 to vector<16xi32>
    %shift_left3A_1339 = arith.shli %shift_right_arithmetic3A_1336, %shift_left3A_1338 : vector<16xi32>
    %and3A_1340 = arith.constant 7 : i32
    %and3A_1341 = vector.broadcast %and3A_1340 : i32 to vector<16xi32>
    %and3A_1342 = arith.andi %get3A_1329, %and3A_1341 : vector<16xi32>
    %shift_left3A_1343 = arith.constant 7 : i32
    %shift_left3A_1344 = vector.broadcast %shift_left3A_1343 : i32 to vector<16xi32>
    %shift_left3A_1345 = arith.shli %and3A_1342, %shift_left3A_1344 : vector<16xi32>
    %add3A_1346 = arith.addi %shift_left3A_1339, %shift_left3A_1345 : vector<16xi32>
    %shift_right_arithmetic3A_1347 = arith.constant 7 : i32
    %shift_right_arithmetic3A_1348 = vector.broadcast %shift_right_arithmetic3A_1347 : i32 to vector<16xi32>
    %shift_right_arithmetic3A_1349 = arith.shrsi %get3A_1333, %shift_right_arithmetic3A_1348 : vector<16xi32>
    %shift_left3A_1350 = arith.constant 10 : i32
    %shift_left3A_1351 = vector.broadcast %shift_left3A_1350 : i32 to vector<16xi32>
    %shift_left3A_1352 = arith.shli %shift_right_arithmetic3A_1349, %shift_left3A_1351 : vector<16xi32>
    %add3A_1353 = arith.addi %add3A_1346, %shift_left3A_1352 : vector<16xi32>
    %and3A_1354 = arith.constant 127 : i32
    %and3A_1355 = vector.broadcast %and3A_1354 : i32 to vector<16xi32>
    %and3A_1356 = arith.andi %get3A_1333, %and3A_1355 : vector<16xi32>
    %add3A_1357 = arith.addi %add3A_1353, %and3A_1356 : vector<16xi32>
    %swap3A_1358 = arith.constant 352 : index
    %swap3A_1359 = tpu.vector_load %arg9[%swap3A_1358] {strides = array<i32>} : memref<1024xi32, #tpu.memory_space<vmem>>, vector<16xi32>,
    tpu.vector_store %arg9[%swap3A_1358], %add3A_1357 {strides = array<i32>} : memref<1024xi32, #tpu.memory_space<vmem>>, vector<16xi32>,
    %get3A_1360 = arith.constant 2 : i32
    %get3A_1361 = arith.index_cast %get3A_1360 : i32 to index
    %get3A_1362 = arith.constant 112 : index
    %get3A_1363 = tpu.vector_load %arg8[%get3A_1361, %get3A_1362] {strides = array<i32>} : memref<8x144xi32, #tpu.memory_space<vmem>>, vector<16xi32>,
    %get3A_1364 = arith.constant 2 : i32
    %get3A_1365 = arith.index_cast %get3A_1364 : i32 to index
    %get3A_1366 = arith.constant 113 : index
    %get3A_1367 = tpu.vector_load %arg8[%get3A_1365, %get3A_1366] {strides = array<i32>} : memref<8x144xi32, #tpu.memory_space<vmem>>, vector<16xi32>,
    %shift_right_arithmetic3A_1368 = arith.constant 3 : i32
    %shift_right_arithmetic3A_1369 = vector.broadcast %shift_right_arithmetic3A_1368 : i32 to vector<16xi32>
    %shift_right_arithmetic3A_1370 = arith.shrsi %get3A_1363, %shift_right_arithmetic3A_1369 : vector<16xi32>
    %shift_left3A_1371 = arith.constant 15 : i32
    %shift_left3A_1372 = vector.broadcast %shift_left3A_1371 : i32 to vector<16xi32>
    %shift_left3A_1373 = arith.shli %shift_right_arithmetic3A_1370, %shift_left3A_1372 : vector<16xi32>
    %and3A_1374 = arith.constant 7 : i32
    %and3A_1375 = vector.broadcast %and3A_1374 : i32 to vector<16xi32>
    %and3A_1376 = arith.andi %get3A_1363, %and3A_1375 : vector<16xi32>
    %shift_left3A_1377 = arith.constant 7 : i32
    %shift_left3A_1378 = vector.broadcast %shift_left3A_1377 : i32 to vector<16xi32>
    %shift_left3A_1379 = arith.shli %and3A_1376, %shift_left3A_1378 : vector<16xi32>
    %add3A_1380 = arith.addi %shift_left3A_1373, %shift_left3A_1379 : vector<16xi32>
    %shift_right_arithmetic3A_1381 = arith.constant 7 : i32
    %shift_right_arithmetic3A_1382 = vector.broadcast %shift_right_arithmetic3A_1381 : i32 to vector<16xi32>
    %shift_right_arithmetic3A_1383 = arith.shrsi %get3A_1367, %shift_right_arithmetic3A_1382 : vector<16xi32>
    %shift_left3A_1384 = arith.constant 10 : i32
    %shift_left3A_1385 = vector.broadcast %shift_left3A_1384 : i32 to vector<16xi32>
    %shift_left3A_1386 = arith.shli %shift_right_arithmetic3A_1383, %shift_left3A_1385 : vector<16xi32>
    %add3A_1387 = arith.addi %add3A_1380, %shift_left3A_1386 : vector<16xi32>
    %and3A_1388 = arith.constant 127 : i32
    %and3A_1389 = vector.broadcast %and3A_1388 : i32 to vector<16xi32>
    %and3A_1390 = arith.andi %get3A_1367, %and3A_1389 : vector<16xi32>
    %add3A_1391 = arith.addi %add3A_1387, %and3A_1390 : vector<16xi32>
    %swap3A_1392 = arith.constant 368 : index
    %swap3A_1393 = tpu.vector_load %arg9[%swap3A_1392] {strides = array<i32>} : memref<1024xi32, #tpu.memory_space<vmem>>, vector<16xi32>,
    tpu.vector_store %arg9[%swap3A_1392], %add3A_1391 {strides = array<i32>} : memref<1024xi32, #tpu.memory_space<vmem>>, vector<16xi32>,
    %swap3A_1394 = arith.constant 3 : i32
    %swap3A_1395 = arith.index_cast %swap3A_1394 : i32 to index
    %swap3A_1396 = arith.constant 128 : index
    %swap3A_1397 = tpu.vector_load %arg8[%swap3A_1395, %swap3A_1396] {strides = array<i32>} : memref<8x144xi32, #tpu.memory_space<vmem>>, vector<16xi32>,
    tpu.vector_store %arg8[%swap3A_1395, %swap3A_1396], %broadcast_in_dim3A_566 {strides = array<i32>} : memref<8x144xi32, #tpu.memory_space<vmem>>, vector<16xi32>,
    %get3A_1398 = arith.constant 3 : i32
    %get3A_1399 = arith.index_cast %get3A_1398 : i32 to index
    %get3A_1400 = arith.constant 0 : index
    %get3A_1401 = tpu.vector_load %arg8[%get3A_1399, %get3A_1400] {strides = array<i32>} : memref<8x144xi32, #tpu.memory_space<vmem>>, vector<16xi32>,
    %get3A_1402 = arith.constant 3 : i32
    %get3A_1403 = arith.index_cast %get3A_1402 : i32 to index
    %get3A_1404 = arith.constant 1 : index
    %get3A_1405 = tpu.vector_load %arg8[%get3A_1403, %get3A_1404] {strides = array<i32>} : memref<8x144xi32, #tpu.memory_space<vmem>>, vector<16xi32>,
    %shift_right_arithmetic3A_1406 = arith.constant 3 : i32
    %shift_right_arithmetic3A_1407 = vector.broadcast %shift_right_arithmetic3A_1406 : i32 to vector<16xi32>
    %shift_right_arithmetic3A_1408 = arith.shrsi %get3A_1401, %shift_right_arithmetic3A_1407 : vector<16xi32>
    %shift_left3A_1409 = arith.constant 15 : i32
    %shift_left3A_1410 = vector.broadcast %shift_left3A_1409 : i32 to vector<16xi32>
    %shift_left3A_1411 = arith.shli %shift_right_arithmetic3A_1408, %shift_left3A_1410 : vector<16xi32>
    %and3A_1412 = arith.constant 7 : i32
    %and3A_1413 = vector.broadcast %and3A_1412 : i32 to vector<16xi32>
    %and3A_1414 = arith.andi %get3A_1401, %and3A_1413 : vector<16xi32>
    %shift_left3A_1415 = arith.constant 7 : i32
    %shift_left3A_1416 = vector.broadcast %shift_left3A_1415 : i32 to vector<16xi32>
    %shift_left3A_1417 = arith.shli %and3A_1414, %shift_left3A_1416 : vector<16xi32>
    %add3A_1418 = arith.addi %shift_left3A_1411, %shift_left3A_1417 : vector<16xi32>
    %shift_right_arithmetic3A_1419 = arith.constant 7 : i32
    %shift_right_arithmetic3A_1420 = vector.broadcast %shift_right_arithmetic3A_1419 : i32 to vector<16xi32>
    %shift_right_arithmetic3A_1421 = arith.shrsi %get3A_1405, %shift_right_arithmetic3A_1420 : vector<16xi32>
    %shift_left3A_1422 = arith.constant 10 : i32
    %shift_left3A_1423 = vector.broadcast %shift_left3A_1422 : i32 to vector<16xi32>
    %shift_left3A_1424 = arith.shli %shift_right_arithmetic3A_1421, %shift_left3A_1423 : vector<16xi32>
    %add3A_1425 = arith.addi %add3A_1418, %shift_left3A_1424 : vector<16xi32>
    %and3A_1426 = arith.constant 127 : i32
    %and3A_1427 = vector.broadcast %and3A_1426 : i32 to vector<16xi32>
    %and3A_1428 = arith.andi %get3A_1405, %and3A_1427 : vector<16xi32>
    %add3A_1429 = arith.addi %add3A_1425, %and3A_1428 : vector<16xi32>
    %swap3A_1430 = arith.constant 384 : index
    %swap3A_1431 = tpu.vector_load %arg9[%swap3A_1430] {strides = array<i32>} : memref<1024xi32, #tpu.memory_space<vmem>>, vector<16xi32>,
    tpu.vector_store %arg9[%swap3A_1430], %add3A_1429 {strides = array<i32>} : memref<1024xi32, #tpu.memory_space<vmem>>, vector<16xi32>,
    %get3A_1432 = arith.constant 3 : i32
    %get3A_1433 = arith.index_cast %get3A_1432 : i32 to index
    %get3A_1434 = arith.constant 16 : index
    %get3A_1435 = tpu.vector_load %arg8[%get3A_1433, %get3A_1434] {strides = array<i32>} : memref<8x144xi32, #tpu.memory_space<vmem>>, vector<16xi32>,
    %get3A_1436 = arith.constant 3 : i32
    %get3A_1437 = arith.index_cast %get3A_1436 : i32 to index
    %get3A_1438 = arith.constant 17 : index
    %get3A_1439 = tpu.vector_load %arg8[%get3A_1437, %get3A_1438] {strides = array<i32>} : memref<8x144xi32, #tpu.memory_space<vmem>>, vector<16xi32>,
    %shift_right_arithmetic3A_1440 = arith.constant 3 : i32
    %shift_right_arithmetic3A_1441 = vector.broadcast %shift_right_arithmetic3A_1440 : i32 to vector<16xi32>
    %shift_right_arithmetic3A_1442 = arith.shrsi %get3A_1435, %shift_right_arithmetic3A_1441 : vector<16xi32>
    %shift_left3A_1443 = arith.constant 15 : i32
    %shift_left3A_1444 = vector.broadcast %shift_left3A_1443 : i32 to vector<16xi32>
    %shift_left3A_1445 = arith.shli %shift_right_arithmetic3A_1442, %shift_left3A_1444 : vector<16xi32>
    %and3A_1446 = arith.constant 7 : i32
    %and3A_1447 = vector.broadcast %and3A_1446 : i32 to vector<16xi32>
    %and3A_1448 = arith.andi %get3A_1435, %and3A_1447 : vector<16xi32>
    %shift_left3A_1449 = arith.constant 7 : i32
    %shift_left3A_1450 = vector.broadcast %shift_left3A_1449 : i32 to vector<16xi32>
    %shift_left3A_1451 = arith.shli %and3A_1448, %shift_left3A_1450 : vector<16xi32>
    %add3A_1452 = arith.addi %shift_left3A_1445, %shift_left3A_1451 : vector<16xi32>
    %shift_right_arithmetic3A_1453 = arith.constant 7 : i32
    %shift_right_arithmetic3A_1454 = vector.broadcast %shift_right_arithmetic3A_1453 : i32 to vector<16xi32>
    %shift_right_arithmetic3A_1455 = arith.shrsi %get3A_1439, %shift_right_arithmetic3A_1454 : vector<16xi32>
    %shift_left3A_1456 = arith.constant 10 : i32
    %shift_left3A_1457 = vector.broadcast %shift_left3A_1456 : i32 to vector<16xi32>
    %shift_left3A_1458 = arith.shli %shift_right_arithmetic3A_1455, %shift_left3A_1457 : vector<16xi32>
    %add3A_1459 = arith.addi %add3A_1452, %shift_left3A_1458 : vector<16xi32>
    %and3A_1460 = arith.constant 127 : i32
    %and3A_1461 = vector.broadcast %and3A_1460 : i32 to vector<16xi32>
    %and3A_1462 = arith.andi %get3A_1439, %and3A_1461 : vector<16xi32>
    %add3A_1463 = arith.addi %add3A_1459, %and3A_1462 : vector<16xi32>
    %swap3A_1464 = arith.constant 400 : index
    %swap3A_1465 = tpu.vector_load %arg9[%swap3A_1464] {strides = array<i32>} : memref<1024xi32, #tpu.memory_space<vmem>>, vector<16xi32>,
    tpu.vector_store %arg9[%swap3A_1464], %add3A_1463 {strides = array<i32>} : memref<1024xi32, #tpu.memory_space<vmem>>, vector<16xi32>,
    %get3A_1466 = arith.constant 3 : i32
    %get3A_1467 = arith.index_cast %get3A_1466 : i32 to index
    %get3A_1468 = arith.constant 32 : index
    %get3A_1469 = tpu.vector_load %arg8[%get3A_1467, %get3A_1468] {strides = array<i32>} : memref<8x144xi32, #tpu.memory_space<vmem>>, vector<16xi32>,
    %get3A_1470 = arith.constant 3 : i32
    %get3A_1471 = arith.index_cast %get3A_1470 : i32 to index
    %get3A_1472 = arith.constant 33 : index
    %get3A_1473 = tpu.vector_load %arg8[%get3A_1471, %get3A_1472] {strides = array<i32>} : memref<8x144xi32, #tpu.memory_space<vmem>>, vector<16xi32>,
    %shift_right_arithmetic3A_1474 = arith.constant 3 : i32
    %shift_right_arithmetic3A_1475 = vector.broadcast %shift_right_arithmetic3A_1474 : i32 to vector<16xi32>
    %shift_right_arithmetic3A_1476 = arith.shrsi %get3A_1469, %shift_right_arithmetic3A_1475 : vector<16xi32>
    %shift_left3A_1477 = arith.constant 15 : i32
    %shift_left3A_1478 = vector.broadcast %shift_left3A_1477 : i32 to vector<16xi32>
    %shift_left3A_1479 = arith.shli %shift_right_arithmetic3A_1476, %shift_left3A_1478 : vector<16xi32>
    %and3A_1480 = arith.constant 7 : i32
    %and3A_1481 = vector.broadcast %and3A_1480 : i32 to vector<16xi32>
    %and3A_1482 = arith.andi %get3A_1469, %and3A_1481 : vector<16xi32>
    %shift_left3A_1483 = arith.constant 7 : i32
    %shift_left3A_1484 = vector.broadcast %shift_left3A_1483 : i32 to vector<16xi32>
    %shift_left3A_1485 = arith.shli %and3A_1482, %shift_left3A_1484 : vector<16xi32>
    %add3A_1486 = arith.addi %shift_left3A_1479, %shift_left3A_1485 : vector<16xi32>
    %shift_right_arithmetic3A_1487 = arith.constant 7 : i32
    %shift_right_arithmetic3A_1488 = vector.broadcast %shift_right_arithmetic3A_1487 : i32 to vector<16xi32>
    %shift_right_arithmetic3A_1489 = arith.shrsi %get3A_1473, %shift_right_arithmetic3A_1488 : vector<16xi32>
    %shift_left3A_1490 = arith.constant 10 : i32
    %shift_left3A_1491 = vector.broadcast %shift_left3A_1490 : i32 to vector<16xi32>
    %shift_left3A_1492 = arith.shli %shift_right_arithmetic3A_1489, %shift_left3A_1491 : vector<16xi32>
    %add3A_1493 = arith.addi %add3A_1486, %shift_left3A_1492 : vector<16xi32>
    %and3A_1494 = arith.constant 127 : i32
    %and3A_1495 = vector.broadcast %and3A_1494 : i32 to vector<16xi32>
    %and3A_1496 = arith.andi %get3A_1473, %and3A_1495 : vector<16xi32>
    %add3A_1497 = arith.addi %add3A_1493, %and3A_1496 : vector<16xi32>
    %swap3A_1498 = arith.constant 416 : index
    %swap3A_1499 = tpu.vector_load %arg9[%swap3A_1498] {strides = array<i32>} : memref<1024xi32, #tpu.memory_space<vmem>>, vector<16xi32>,
    tpu.vector_store %arg9[%swap3A_1498], %add3A_1497 {strides = array<i32>} : memref<1024xi32, #tpu.memory_space<vmem>>, vector<16xi32>,
    %get3A_1500 = arith.constant 3 : i32
    %get3A_1501 = arith.index_cast %get3A_1500 : i32 to index
    %get3A_1502 = arith.constant 48 : index
    %get3A_1503 = tpu.vector_load %arg8[%get3A_1501, %get3A_1502] {strides = array<i32>} : memref<8x144xi32, #tpu.memory_space<vmem>>, vector<16xi32>,
    %get3A_1504 = arith.constant 3 : i32
    %get3A_1505 = arith.index_cast %get3A_1504 : i32 to index
    %get3A_1506 = arith.constant 49 : index
    %get3A_1507 = tpu.vector_load %arg8[%get3A_1505, %get3A_1506] {strides = array<i32>} : memref<8x144xi32, #tpu.memory_space<vmem>>, vector<16xi32>,
    %shift_right_arithmetic3A_1508 = arith.constant 3 : i32
    %shift_right_arithmetic3A_1509 = vector.broadcast %shift_right_arithmetic3A_1508 : i32 to vector<16xi32>
    %shift_right_arithmetic3A_1510 = arith.shrsi %get3A_1503, %shift_right_arithmetic3A_1509 : vector<16xi32>
    %shift_left3A_1511 = arith.constant 15 : i32
    %shift_left3A_1512 = vector.broadcast %shift_left3A_1511 : i32 to vector<16xi32>
    %shift_left3A_1513 = arith.shli %shift_right_arithmetic3A_1510, %shift_left3A_1512 : vector<16xi32>
    %and3A_1514 = arith.constant 7 : i32
    %and3A_1515 = vector.broadcast %and3A_1514 : i32 to vector<16xi32>
    %and3A_1516 = arith.andi %get3A_1503, %and3A_1515 : vector<16xi32>
    %shift_left3A_1517 = arith.constant 7 : i32
    %shift_left3A_1518 = vector.broadcast %shift_left3A_1517 : i32 to vector<16xi32>
    %shift_left3A_1519 = arith.shli %and3A_1516, %shift_left3A_1518 : vector<16xi32>
    %add3A_1520 = arith.addi %shift_left3A_1513, %shift_left3A_1519 : vector<16xi32>
    %shift_right_arithmetic3A_1521 = arith.constant 7 : i32
    %shift_right_arithmetic3A_1522 = vector.broadcast %shift_right_arithmetic3A_1521 : i32 to vector<16xi32>
    %shift_right_arithmetic3A_1523 = arith.shrsi %get3A_1507, %shift_right_arithmetic3A_1522 : vector<16xi32>
    %shift_left3A_1524 = arith.constant 10 : i32
    %shift_left3A_1525 = vector.broadcast %shift_left3A_1524 : i32 to vector<16xi32>
    %shift_left3A_1526 = arith.shli %shift_right_arithmetic3A_1523, %shift_left3A_1525 : vector<16xi32>
    %add3A_1527 = arith.addi %add3A_1520, %shift_left3A_1526 : vector<16xi32>
    %and3A_1528 = arith.constant 127 : i32
    %and3A_1529 = vector.broadcast %and3A_1528 : i32 to vector<16xi32>
    %and3A_1530 = arith.andi %get3A_1507, %and3A_1529 : vector<16xi32>
    %add3A_1531 = arith.addi %add3A_1527, %and3A_1530 : vector<16xi32>
    %swap3A_1532 = arith.constant 432 : index
    %swap3A_1533 = tpu.vector_load %arg9[%swap3A_1532] {strides = array<i32>} : memref<1024xi32, #tpu.memory_space<vmem>>, vector<16xi32>,
    tpu.vector_store %arg9[%swap3A_1532], %add3A_1531 {strides = array<i32>} : memref<1024xi32, #tpu.memory_space<vmem>>, vector<16xi32>,
    %get3A_1534 = arith.constant 3 : i32
    %get3A_1535 = arith.index_cast %get3A_1534 : i32 to index
    %get3A_1536 = arith.constant 64 : index
    %get3A_1537 = tpu.vector_load %arg8[%get3A_1535, %get3A_1536] {strides = array<i32>} : memref<8x144xi32, #tpu.memory_space<vmem>>, vector<16xi32>,
    %get3A_1538 = arith.constant 3 : i32
    %get3A_1539 = arith.index_cast %get3A_1538 : i32 to index
    %get3A_1540 = arith.constant 65 : index
    %get3A_1541 = tpu.vector_load %arg8[%get3A_1539, %get3A_1540] {strides = array<i32>} : memref<8x144xi32, #tpu.memory_space<vmem>>, vector<16xi32>,
    %shift_right_arithmetic3A_1542 = arith.constant 3 : i32
    %shift_right_arithmetic3A_1543 = vector.broadcast %shift_right_arithmetic3A_1542 : i32 to vector<16xi32>
    %shift_right_arithmetic3A_1544 = arith.shrsi %get3A_1537, %shift_right_arithmetic3A_1543 : vector<16xi32>
    %shift_left3A_1545 = arith.constant 15 : i32
    %shift_left3A_1546 = vector.broadcast %shift_left3A_1545 : i32 to vector<16xi32>
    %shift_left3A_1547 = arith.shli %shift_right_arithmetic3A_1544, %shift_left3A_1546 : vector<16xi32>
    %and3A_1548 = arith.constant 7 : i32
    %and3A_1549 = vector.broadcast %and3A_1548 : i32 to vector<16xi32>
    %and3A_1550 = arith.andi %get3A_1537, %and3A_1549 : vector<16xi32>
    %shift_left3A_1551 = arith.constant 7 : i32
    %shift_left3A_1552 = vector.broadcast %shift_left3A_1551 : i32 to vector<16xi32>
    %shift_left3A_1553 = arith.shli %and3A_1550, %shift_left3A_1552 : vector<16xi32>
    %add3A_1554 = arith.addi %shift_left3A_1547, %shift_left3A_1553 : vector<16xi32>
    %shift_right_arithmetic3A_1555 = arith.constant 7 : i32
    %shift_right_arithmetic3A_1556 = vector.broadcast %shift_right_arithmetic3A_1555 : i32 to vector<16xi32>
    %shift_right_arithmetic3A_1557 = arith.shrsi %get3A_1541, %shift_right_arithmetic3A_1556 : vector<16xi32>
    %shift_left3A_1558 = arith.constant 10 : i32
    %shift_left3A_1559 = vector.broadcast %shift_left3A_1558 : i32 to vector<16xi32>
    %shift_left3A_1560 = arith.shli %shift_right_arithmetic3A_1557, %shift_left3A_1559 : vector<16xi32>
    %add3A_1561 = arith.addi %add3A_1554, %shift_left3A_1560 : vector<16xi32>
    %and3A_1562 = arith.constant 127 : i32
    %and3A_1563 = vector.broadcast %and3A_1562 : i32 to vector<16xi32>
    %and3A_1564 = arith.andi %get3A_1541, %and3A_1563 : vector<16xi32>
    %add3A_1565 = arith.addi %add3A_1561, %and3A_1564 : vector<16xi32>
    %swap3A_1566 = arith.constant 448 : index
    %swap3A_1567 = tpu.vector_load %arg9[%swap3A_1566] {strides = array<i32>} : memref<1024xi32, #tpu.memory_space<vmem>>, vector<16xi32>,
    tpu.vector_store %arg9[%swap3A_1566], %add3A_1565 {strides = array<i32>} : memref<1024xi32, #tpu.memory_space<vmem>>, vector<16xi32>,
    %get3A_1568 = arith.constant 3 : i32
    %get3A_1569 = arith.index_cast %get3A_1568 : i32 to index
    %get3A_1570 = arith.constant 80 : index
    %get3A_1571 = tpu.vector_load %arg8[%get3A_1569, %get3A_1570] {strides = array<i32>} : memref<8x144xi32, #tpu.memory_space<vmem>>, vector<16xi32>,
    %get3A_1572 = arith.constant 3 : i32
    %get3A_1573 = arith.index_cast %get3A_1572 : i32 to index
    %get3A_1574 = arith.constant 81 : index
    %get3A_1575 = tpu.vector_load %arg8[%get3A_1573, %get3A_1574] {strides = array<i32>} : memref<8x144xi32, #tpu.memory_space<vmem>>, vector<16xi32>,
    %shift_right_arithmetic3A_1576 = arith.constant 3 : i32
    %shift_right_arithmetic3A_1577 = vector.broadcast %shift_right_arithmetic3A_1576 : i32 to vector<16xi32>
    %shift_right_arithmetic3A_1578 = arith.shrsi %get3A_1571, %shift_right_arithmetic3A_1577 : vector<16xi32>
    %shift_left3A_1579 = arith.constant 15 : i32
    %shift_left3A_1580 = vector.broadcast %shift_left3A_1579 : i32 to vector<16xi32>
    %shift_left3A_1581 = arith.shli %shift_right_arithmetic3A_1578, %shift_left3A_1580 : vector<16xi32>
    %and3A_1582 = arith.constant 7 : i32
    %and3A_1583 = vector.broadcast %and3A_1582 : i32 to vector<16xi32>
    %and3A_1584 = arith.andi %get3A_1571, %and3A_1583 : vector<16xi32>
    %shift_left3A_1585 = arith.constant 7 : i32
    %shift_left3A_1586 = vector.broadcast %shift_left3A_1585 : i32 to vector<16xi32>
    %shift_left3A_1587 = arith.shli %and3A_1584, %shift_left3A_1586 : vector<16xi32>
    %add3A_1588 = arith.addi %shift_left3A_1581, %shift_left3A_1587 : vector<16xi32>
    %shift_right_arithmetic3A_1589 = arith.constant 7 : i32
    %shift_right_arithmetic3A_1590 = vector.broadcast %shift_right_arithmetic3A_1589 : i32 to vector<16xi32>
    %shift_right_arithmetic3A_1591 = arith.shrsi %get3A_1575, %shift_right_arithmetic3A_1590 : vector<16xi32>
    %shift_left3A_1592 = arith.constant 10 : i32
    %shift_left3A_1593 = vector.broadcast %shift_left3A_1592 : i32 to vector<16xi32>
    %shift_left3A_1594 = arith.shli %shift_right_arithmetic3A_1591, %shift_left3A_1593 : vector<16xi32>
    %add3A_1595 = arith.addi %add3A_1588, %shift_left3A_1594 : vector<16xi32>
    %and3A_1596 = arith.constant 127 : i32
    %and3A_1597 = vector.broadcast %and3A_1596 : i32 to vector<16xi32>
    %and3A_1598 = arith.andi %get3A_1575, %and3A_1597 : vector<16xi32>
    %add3A_1599 = arith.addi %add3A_1595, %and3A_1598 : vector<16xi32>
    %swap3A_1600 = arith.constant 464 : index
    %swap3A_1601 = tpu.vector_load %arg9[%swap3A_1600] {strides = array<i32>} : memref<1024xi32, #tpu.memory_space<vmem>>, vector<16xi32>,
    tpu.vector_store %arg9[%swap3A_1600], %add3A_1599 {strides = array<i32>} : memref<1024xi32, #tpu.memory_space<vmem>>, vector<16xi32>,
    %get3A_1602 = arith.constant 3 : i32
    %get3A_1603 = arith.index_cast %get3A_1602 : i32 to index
    %get3A_1604 = arith.constant 96 : index
    %get3A_1605 = tpu.vector_load %arg8[%get3A_1603, %get3A_1604] {strides = array<i32>} : memref<8x144xi32, #tpu.memory_space<vmem>>, vector<16xi32>,
    %get3A_1606 = arith.constant 3 : i32
    %get3A_1607 = arith.index_cast %get3A_1606 : i32 to index
    %get3A_1608 = arith.constant 97 : index
    %get3A_1609 = tpu.vector_load %arg8[%get3A_1607, %get3A_1608] {strides = array<i32>} : memref<8x144xi32, #tpu.memory_space<vmem>>, vector<16xi32>,
    %shift_right_arithmetic3A_1610 = arith.constant 3 : i32
    %shift_right_arithmetic3A_1611 = vector.broadcast %shift_right_arithmetic3A_1610 : i32 to vector<16xi32>
    %shift_right_arithmetic3A_1612 = arith.shrsi %get3A_1605, %shift_right_arithmetic3A_1611 : vector<16xi32>
    %shift_left3A_1613 = arith.constant 15 : i32
    %shift_left3A_1614 = vector.broadcast %shift_left3A_1613 : i32 to vector<16xi32>
    %shift_left3A_1615 = arith.shli %shift_right_arithmetic3A_1612, %shift_left3A_1614 : vector<16xi32>
    %and3A_1616 = arith.constant 7 : i32
    %and3A_1617 = vector.broadcast %and3A_1616 : i32 to vector<16xi32>
    %and3A_1618 = arith.andi %get3A_1605, %and3A_1617 : vector<16xi32>
    %shift_left3A_1619 = arith.constant 7 : i32
    %shift_left3A_1620 = vector.broadcast %shift_left3A_1619 : i32 to vector<16xi32>
    %shift_left3A_1621 = arith.shli %and3A_1618, %shift_left3A_1620 : vector<16xi32>
    %add3A_1622 = arith.addi %shift_left3A_1615, %shift_left3A_1621 : vector<16xi32>
    %shift_right_arithmetic3A_1623 = arith.constant 7 : i32
    %shift_right_arithmetic3A_1624 = vector.broadcast %shift_right_arithmetic3A_1623 : i32 to vector<16xi32>
    %shift_right_arithmetic3A_1625 = arith.shrsi %get3A_1609, %shift_right_arithmetic3A_1624 : vector<16xi32>
    %shift_left3A_1626 = arith.constant 10 : i32
    %shift_left3A_1627 = vector.broadcast %shift_left3A_1626 : i32 to vector<16xi32>
    %shift_left3A_1628 = arith.shli %shift_right_arithmetic3A_1625, %shift_left3A_1627 : vector<16xi32>
    %add3A_1629 = arith.addi %add3A_1622, %shift_left3A_1628 : vector<16xi32>
    %and3A_1630 = arith.constant 127 : i32
    %and3A_1631 = vector.broadcast %and3A_1630 : i32 to vector<16xi32>
    %and3A_1632 = arith.andi %get3A_1609, %and3A_1631 : vector<16xi32>
    %add3A_1633 = arith.addi %add3A_1629, %and3A_1632 : vector<16xi32>
    %swap3A_1634 = arith.constant 480 : index
    %swap3A_1635 = tpu.vector_load %arg9[%swap3A_1634] {strides = array<i32>} : memref<1024xi32, #tpu.memory_space<vmem>>, vector<16xi32>,
    tpu.vector_store %arg9[%swap3A_1634], %add3A_1633 {strides = array<i32>} : memref<1024xi32, #tpu.memory_space<vmem>>, vector<16xi32>,
    %get3A_1636 = arith.constant 3 : i32
    %get3A_1637 = arith.index_cast %get3A_1636 : i32 to index
    %get3A_1638 = arith.constant 112 : index
    %get3A_1639 = tpu.vector_load %arg8[%get3A_1637, %get3A_1638] {strides = array<i32>} : memref<8x144xi32, #tpu.memory_space<vmem>>, vector<16xi32>,
    %get3A_1640 = arith.constant 3 : i32
    %get3A_1641 = arith.index_cast %get3A_1640 : i32 to index
    %get3A_1642 = arith.constant 113 : index
    %get3A_1643 = tpu.vector_load %arg8[%get3A_1641, %get3A_1642] {strides = array<i32>} : memref<8x144xi32, #tpu.memory_space<vmem>>, vector<16xi32>,
    %shift_right_arithmetic3A_1644 = arith.constant 3 : i32
    %shift_right_arithmetic3A_1645 = vector.broadcast %shift_right_arithmetic3A_1644 : i32 to vector<16xi32>
    %shift_right_arithmetic3A_1646 = arith.shrsi %get3A_1639, %shift_right_arithmetic3A_1645 : vector<16xi32>
    %shift_left3A_1647 = arith.constant 15 : i32
    %shift_left3A_1648 = vector.broadcast %shift_left3A_1647 : i32 to vector<16xi32>
    %shift_left3A_1649 = arith.shli %shift_right_arithmetic3A_1646, %shift_left3A_1648 : vector<16xi32>
    %and3A_1650 = arith.constant 7 : i32
    %and3A_1651 = vector.broadcast %and3A_1650 : i32 to vector<16xi32>
    %and3A_1652 = arith.andi %get3A_1639, %and3A_1651 : vector<16xi32>
    %shift_left3A_1653 = arith.constant 7 : i32
    %shift_left3A_1654 = vector.broadcast %shift_left3A_1653 : i32 to vector<16xi32>
    %shift_left3A_1655 = arith.shli %and3A_1652, %shift_left3A_1654 : vector<16xi32>
    %add3A_1656 = arith.addi %shift_left3A_1649, %shift_left3A_1655 : vector<16xi32>
    %shift_right_arithmetic3A_1657 = arith.constant 7 : i32
    %shift_right_arithmetic3A_1658 = vector.broadcast %shift_right_arithmetic3A_1657 : i32 to vector<16xi32>
    %shift_right_arithmetic3A_1659 = arith.shrsi %get3A_1643, %shift_right_arithmetic3A_1658 : vector<16xi32>
    %shift_left3A_1660 = arith.constant 10 : i32
    %shift_left3A_1661 = vector.broadcast %shift_left3A_1660 : i32 to vector<16xi32>
    %shift_left3A_1662 = arith.shli %shift_right_arithmetic3A_1659, %shift_left3A_1661 : vector<16xi32>
    %add3A_1663 = arith.addi %add3A_1656, %shift_left3A_1662 : vector<16xi32>
    %and3A_1664 = arith.constant 127 : i32
    %and3A_1665 = vector.broadcast %and3A_1664 : i32 to vector<16xi32>
    %and3A_1666 = arith.andi %get3A_1643, %and3A_1665 : vector<16xi32>
    %add3A_1667 = arith.addi %add3A_1663, %and3A_1666 : vector<16xi32>
    %swap3A_1668 = arith.constant 496 : index
    %swap3A_1669 = tpu.vector_load %arg9[%swap3A_1668] {strides = array<i32>} : memref<1024xi32, #tpu.memory_space<vmem>>, vector<16xi32>,
    tpu.vector_store %arg9[%swap3A_1668], %add3A_1667 {strides = array<i32>} : memref<1024xi32, #tpu.memory_space<vmem>>, vector<16xi32>,
    %swap3A_1670 = arith.constant 4 : i32
    %swap3A_1671 = arith.index_cast %swap3A_1670 : i32 to index
    %swap3A_1672 = arith.constant 128 : index
    %swap3A_1673 = tpu.vector_load %arg8[%swap3A_1671, %swap3A_1672] {strides = array<i32>} : memref<8x144xi32, #tpu.memory_space<vmem>>, vector<16xi32>,
    tpu.vector_store %arg8[%swap3A_1671, %swap3A_1672], %broadcast_in_dim3A_566 {strides = array<i32>} : memref<8x144xi32, #tpu.memory_space<vmem>>, vector<16xi32>,
    %get3A_1674 = arith.constant 4 : i32
    %get3A_1675 = arith.index_cast %get3A_1674 : i32 to index
    %get3A_1676 = arith.constant 0 : index
    %get3A_1677 = tpu.vector_load %arg8[%get3A_1675, %get3A_1676] {strides = array<i32>} : memref<8x144xi32, #tpu.memory_space<vmem>>, vector<16xi32>,
    %get3A_1678 = arith.constant 4 : i32
    %get3A_1679 = arith.index_cast %get3A_1678 : i32 to index
    %get3A_1680 = arith.constant 1 : index
    %get3A_1681 = tpu.vector_load %arg8[%get3A_1679, %get3A_1680] {strides = array<i32>} : memref<8x144xi32, #tpu.memory_space<vmem>>, vector<16xi32>,
    %shift_right_arithmetic3A_1682 = arith.constant 3 : i32
    %shift_right_arithmetic3A_1683 = vector.broadcast %shift_right_arithmetic3A_1682 : i32 to vector<16xi32>
    %shift_right_arithmetic3A_1684 = arith.shrsi %get3A_1677, %shift_right_arithmetic3A_1683 : vector<16xi32>
    %shift_left3A_1685 = arith.constant 15 : i32
    %shift_left3A_1686 = vector.broadcast %shift_left3A_1685 : i32 to vector<16xi32>
    %shift_left3A_1687 = arith.shli %shift_right_arithmetic3A_1684, %shift_left3A_1686 : vector<16xi32>
    %and3A_1688 = arith.constant 7 : i32
    %and3A_1689 = vector.broadcast %and3A_1688 : i32 to vector<16xi32>
    %and3A_1690 = arith.andi %get3A_1677, %and3A_1689 : vector<16xi32>
    %shift_left3A_1691 = arith.constant 7 : i32
    %shift_left3A_1692 = vector.broadcast %shift_left3A_1691 : i32 to vector<16xi32>
    %shift_left3A_1693 = arith.shli %and3A_1690, %shift_left3A_1692 : vector<16xi32>
    %add3A_1694 = arith.addi %shift_left3A_1687, %shift_left3A_1693 : vector<16xi32>
    %shift_right_arithmetic3A_1695 = arith.constant 7 : i32
    %shift_right_arithmetic3A_1696 = vector.broadcast %shift_right_arithmetic3A_1695 : i32 to vector<16xi32>
    %shift_right_arithmetic3A_1697 = arith.shrsi %get3A_1681, %shift_right_arithmetic3A_1696 : vector<16xi32>
    %shift_left3A_1698 = arith.constant 10 : i32
    %shift_left3A_1699 = vector.broadcast %shift_left3A_1698 : i32 to vector<16xi32>
    %shift_left3A_1700 = arith.shli %shift_right_arithmetic3A_1697, %shift_left3A_1699 : vector<16xi32>
    %add3A_1701 = arith.addi %add3A_1694, %shift_left3A_1700 : vector<16xi32>
    %and3A_1702 = arith.constant 127 : i32
    %and3A_1703 = vector.broadcast %and3A_1702 : i32 to vector<16xi32>
    %and3A_1704 = arith.andi %get3A_1681, %and3A_1703 : vector<16xi32>
    %add3A_1705 = arith.addi %add3A_1701, %and3A_1704 : vector<16xi32>
    %swap3A_1706 = arith.constant 512 : index
    %swap3A_1707 = tpu.vector_load %arg9[%swap3A_1706] {strides = array<i32>} : memref<1024xi32, #tpu.memory_space<vmem>>, vector<16xi32>,
    tpu.vector_store %arg9[%swap3A_1706], %add3A_1705 {strides = array<i32>} : memref<1024xi32, #tpu.memory_space<vmem>>, vector<16xi32>,
    %get3A_1708 = arith.constant 4 : i32
    %get3A_1709 = arith.index_cast %get3A_1708 : i32 to index
    %get3A_1710 = arith.constant 16 : index
    %get3A_1711 = tpu.vector_load %arg8[%get3A_1709, %get3A_1710] {strides = array<i32>} : memref<8x144xi32, #tpu.memory_space<vmem>>, vector<16xi32>,
    %get3A_1712 = arith.constant 4 : i32
    %get3A_1713 = arith.index_cast %get3A_1712 : i32 to index
    %get3A_1714 = arith.constant 17 : index
    %get3A_1715 = tpu.vector_load %arg8[%get3A_1713, %get3A_1714] {strides = array<i32>} : memref<8x144xi32, #tpu.memory_space<vmem>>, vector<16xi32>,
    %shift_right_arithmetic3A_1716 = arith.constant 3 : i32
    %shift_right_arithmetic3A_1717 = vector.broadcast %shift_right_arithmetic3A_1716 : i32 to vector<16xi32>
    %shift_right_arithmetic3A_1718 = arith.shrsi %get3A_1711, %shift_right_arithmetic3A_1717 : vector<16xi32>
    %shift_left3A_1719 = arith.constant 15 : i32
    %shift_left3A_1720 = vector.broadcast %shift_left3A_1719 : i32 to vector<16xi32>
    %shift_left3A_1721 = arith.shli %shift_right_arithmetic3A_1718, %shift_left3A_1720 : vector<16xi32>
    %and3A_1722 = arith.constant 7 : i32
    %and3A_1723 = vector.broadcast %and3A_1722 : i32 to vector<16xi32>
    %and3A_1724 = arith.andi %get3A_1711, %and3A_1723 : vector<16xi32>
    %shift_left3A_1725 = arith.constant 7 : i32
    %shift_left3A_1726 = vector.broadcast %shift_left3A_1725 : i32 to vector<16xi32>
    %shift_left3A_1727 = arith.shli %and3A_1724, %shift_left3A_1726 : vector<16xi32>
    %add3A_1728 = arith.addi %shift_left3A_1721, %shift_left3A_1727 : vector<16xi32>
    %shift_right_arithmetic3A_1729 = arith.constant 7 : i32
    %shift_right_arithmetic3A_1730 = vector.broadcast %shift_right_arithmetic3A_1729 : i32 to vector<16xi32>
    %shift_right_arithmetic3A_1731 = arith.shrsi %get3A_1715, %shift_right_arithmetic3A_1730 : vector<16xi32>
    %shift_left3A_1732 = arith.constant 10 : i32
    %shift_left3A_1733 = vector.broadcast %shift_left3A_1732 : i32 to vector<16xi32>
    %shift_left3A_1734 = arith.shli %shift_right_arithmetic3A_1731, %shift_left3A_1733 : vector<16xi32>
    %add3A_1735 = arith.addi %add3A_1728, %shift_left3A_1734 : vector<16xi32>
    %and3A_1736 = arith.constant 127 : i32
    %and3A_1737 = vector.broadcast %and3A_1736 : i32 to vector<16xi32>
    %and3A_1738 = arith.andi %get3A_1715, %and3A_1737 : vector<16xi32>
    %add3A_1739 = arith.addi %add3A_1735, %and3A_1738 : vector<16xi32>
    %swap3A_1740 = arith.constant 528 : index
    %swap3A_1741 = tpu.vector_load %arg9[%swap3A_1740] {strides = array<i32>} : memref<1024xi32, #tpu.memory_space<vmem>>, vector<16xi32>,
    tpu.vector_store %arg9[%swap3A_1740], %add3A_1739 {strides = array<i32>} : memref<1024xi32, #tpu.memory_space<vmem>>, vector<16xi32>,
    %get3A_1742 = arith.constant 4 : i32
    %get3A_1743 = arith.index_cast %get3A_1742 : i32 to index
    %get3A_1744 = arith.constant 32 : index
    %get3A_1745 = tpu.vector_load %arg8[%get3A_1743, %get3A_1744] {strides = array<i32>} : memref<8x144xi32, #tpu.memory_space<vmem>>, vector<16xi32>,
    %get3A_1746 = arith.constant 4 : i32
    %get3A_1747 = arith.index_cast %get3A_1746 : i32 to index
    %get3A_1748 = arith.constant 33 : index
    %get3A_1749 = tpu.vector_load %arg8[%get3A_1747, %get3A_1748] {strides = array<i32>} : memref<8x144xi32, #tpu.memory_space<vmem>>, vector<16xi32>,
    %shift_right_arithmetic3A_1750 = arith.constant 3 : i32
    %shift_right_arithmetic3A_1751 = vector.broadcast %shift_right_arithmetic3A_1750 : i32 to vector<16xi32>
    %shift_right_arithmetic3A_1752 = arith.shrsi %get3A_1745, %shift_right_arithmetic3A_1751 : vector<16xi32>
    %shift_left3A_1753 = arith.constant 15 : i32
    %shift_left3A_1754 = vector.broadcast %shift_left3A_1753 : i32 to vector<16xi32>
    %shift_left3A_1755 = arith.shli %shift_right_arithmetic3A_1752, %shift_left3A_1754 : vector<16xi32>
    %and3A_1756 = arith.constant 7 : i32
    %and3A_1757 = vector.broadcast %and3A_1756 : i32 to vector<16xi32>
    %and3A_1758 = arith.andi %get3A_1745, %and3A_1757 : vector<16xi32>
    %shift_left3A_1759 = arith.constant 7 : i32
    %shift_left3A_1760 = vector.broadcast %shift_left3A_1759 : i32 to vector<16xi32>
    %shift_left3A_1761 = arith.shli %and3A_1758, %shift_left3A_1760 : vector<16xi32>
    %add3A_1762 = arith.addi %shift_left3A_1755, %shift_left3A_1761 : vector<16xi32>
    %shift_right_arithmetic3A_1763 = arith.constant 7 : i32
    %shift_right_arithmetic3A_1764 = vector.broadcast %shift_right_arithmetic3A_1763 : i32 to vector<16xi32>
    %shift_right_arithmetic3A_1765 = arith.shrsi %get3A_1749, %shift_right_arithmetic3A_1764 : vector<16xi32>
    %shift_left3A_1766 = arith.constant 10 : i32
    %shift_left3A_1767 = vector.broadcast %shift_left3A_1766 : i32 to vector<16xi32>
    %shift_left3A_1768 = arith.shli %shift_right_arithmetic3A_1765, %shift_left3A_1767 : vector<16xi32>
    %add3A_1769 = arith.addi %add3A_1762, %shift_left3A_1768 : vector<16xi32>
    %and3A_1770 = arith.constant 127 : i32
    %and3A_1771 = vector.broadcast %and3A_1770 : i32 to vector<16xi32>
    %and3A_1772 = arith.andi %get3A_1749, %and3A_1771 : vector<16xi32>
    %add3A_1773 = arith.addi %add3A_1769, %and3A_1772 : vector<16xi32>
    %swap3A_1774 = arith.constant 544 : index
    %swap3A_1775 = tpu.vector_load %arg9[%swap3A_1774] {strides = array<i32>} : memref<1024xi32, #tpu.memory_space<vmem>>, vector<16xi32>,
    tpu.vector_store %arg9[%swap3A_1774], %add3A_1773 {strides = array<i32>} : memref<1024xi32, #tpu.memory_space<vmem>>, vector<16xi32>,
    %get3A_1776 = arith.constant 4 : i32
    %get3A_1777 = arith.index_cast %get3A_1776 : i32 to index
    %get3A_1778 = arith.constant 48 : index
    %get3A_1779 = tpu.vector_load %arg8[%get3A_1777, %get3A_1778] {strides = array<i32>} : memref<8x144xi32, #tpu.memory_space<vmem>>, vector<16xi32>,
    %get3A_1780 = arith.constant 4 : i32
    %get3A_1781 = arith.index_cast %get3A_1780 : i32 to index
    %get3A_1782 = arith.constant 49 : index
    %get3A_1783 = tpu.vector_load %arg8[%get3A_1781, %get3A_1782] {strides = array<i32>} : memref<8x144xi32, #tpu.memory_space<vmem>>, vector<16xi32>,
    %shift_right_arithmetic3A_1784 = arith.constant 3 : i32
    %shift_right_arithmetic3A_1785 = vector.broadcast %shift_right_arithmetic3A_1784 : i32 to vector<16xi32>
    %shift_right_arithmetic3A_1786 = arith.shrsi %get3A_1779, %shift_right_arithmetic3A_1785 : vector<16xi32>
    %shift_left3A_1787 = arith.constant 15 : i32
    %shift_left3A_1788 = vector.broadcast %shift_left3A_1787 : i32 to vector<16xi32>
    %shift_left3A_1789 = arith.shli %shift_right_arithmetic3A_1786, %shift_left3A_1788 : vector<16xi32>
    %and3A_1790 = arith.constant 7 : i32
    %and3A_1791 = vector.broadcast %and3A_1790 : i32 to vector<16xi32>
    %and3A_1792 = arith.andi %get3A_1779, %and3A_1791 : vector<16xi32>
    %shift_left3A_1793 = arith.constant 7 : i32
    %shift_left3A_1794 = vector.broadcast %shift_left3A_1793 : i32 to vector<16xi32>
    %shift_left3A_1795 = arith.shli %and3A_1792, %shift_left3A_1794 : vector<16xi32>
    %add3A_1796 = arith.addi %shift_left3A_1789, %shift_left3A_1795 : vector<16xi32>
    %shift_right_arithmetic3A_1797 = arith.constant 7 : i32
    %shift_right_arithmetic3A_1798 = vector.broadcast %shift_right_arithmetic3A_1797 : i32 to vector<16xi32>
    %shift_right_arithmetic3A_1799 = arith.shrsi %get3A_1783, %shift_right_arithmetic3A_1798 : vector<16xi32>
    %shift_left3A_1800 = arith.constant 10 : i32
    %shift_left3A_1801 = vector.broadcast %shift_left3A_1800 : i32 to vector<16xi32>
    %shift_left3A_1802 = arith.shli %shift_right_arithmetic3A_1799, %shift_left3A_1801 : vector<16xi32>
    %add3A_1803 = arith.addi %add3A_1796, %shift_left3A_1802 : vector<16xi32>
    %and3A_1804 = arith.constant 127 : i32
    %and3A_1805 = vector.broadcast %and3A_1804 : i32 to vector<16xi32>
    %and3A_1806 = arith.andi %get3A_1783, %and3A_1805 : vector<16xi32>
    %add3A_1807 = arith.addi %add3A_1803, %and3A_1806 : vector<16xi32>
    %swap3A_1808 = arith.constant 560 : index
    %swap3A_1809 = tpu.vector_load %arg9[%swap3A_1808] {strides = array<i32>} : memref<1024xi32, #tpu.memory_space<vmem>>, vector<16xi32>,
    tpu.vector_store %arg9[%swap3A_1808], %add3A_1807 {strides = array<i32>} : memref<1024xi32, #tpu.memory_space<vmem>>, vector<16xi32>,
    %get3A_1810 = arith.constant 4 : i32
    %get3A_1811 = arith.index_cast %get3A_1810 : i32 to index
    %get3A_1812 = arith.constant 64 : index
    %get3A_1813 = tpu.vector_load %arg8[%get3A_1811, %get3A_1812] {strides = array<i32>} : memref<8x144xi32, #tpu.memory_space<vmem>>, vector<16xi32>,
    %get3A_1814 = arith.constant 4 : i32
    %get3A_1815 = arith.index_cast %get3A_1814 : i32 to index
    %get3A_1816 = arith.constant 65 : index
    %get3A_1817 = tpu.vector_load %arg8[%get3A_1815, %get3A_1816] {strides = array<i32>} : memref<8x144xi32, #tpu.memory_space<vmem>>, vector<16xi32>,
    %shift_right_arithmetic3A_1818 = arith.constant 3 : i32
    %shift_right_arithmetic3A_1819 = vector.broadcast %shift_right_arithmetic3A_1818 : i32 to vector<16xi32>
    %shift_right_arithmetic3A_1820 = arith.shrsi %get3A_1813, %shift_right_arithmetic3A_1819 : vector<16xi32>
    %shift_left3A_1821 = arith.constant 15 : i32
    %shift_left3A_1822 = vector.broadcast %shift_left3A_1821 : i32 to vector<16xi32>
    %shift_left3A_1823 = arith.shli %shift_right_arithmetic3A_1820, %shift_left3A_1822 : vector<16xi32>
    %and3A_1824 = arith.constant 7 : i32
    %and3A_1825 = vector.broadcast %and3A_1824 : i32 to vector<16xi32>
    %and3A_1826 = arith.andi %get3A_1813, %and3A_1825 : vector<16xi32>
    %shift_left3A_1827 = arith.constant 7 : i32
    %shift_left3A_1828 = vector.broadcast %shift_left3A_1827 : i32 to vector<16xi32>
    %shift_left3A_1829 = arith.shli %and3A_1826, %shift_left3A_1828 : vector<16xi32>
    %add3A_1830 = arith.addi %shift_left3A_1823, %shift_left3A_1829 : vector<16xi32>
    %shift_right_arithmetic3A_1831 = arith.constant 7 : i32
    %shift_right_arithmetic3A_1832 = vector.broadcast %shift_right_arithmetic3A_1831 : i32 to vector<16xi32>
    %shift_right_arithmetic3A_1833 = arith.shrsi %get3A_1817, %shift_right_arithmetic3A_1832 : vector<16xi32>
    %shift_left3A_1834 = arith.constant 10 : i32
    %shift_left3A_1835 = vector.broadcast %shift_left3A_1834 : i32 to vector<16xi32>
    %shift_left3A_1836 = arith.shli %shift_right_arithmetic3A_1833, %shift_left3A_1835 : vector<16xi32>
    %add3A_1837 = arith.addi %add3A_1830, %shift_left3A_1836 : vector<16xi32>
    %and3A_1838 = arith.constant 127 : i32
    %and3A_1839 = vector.broadcast %and3A_1838 : i32 to vector<16xi32>
    %and3A_1840 = arith.andi %get3A_1817, %and3A_1839 : vector<16xi32>
    %add3A_1841 = arith.addi %add3A_1837, %and3A_1840 : vector<16xi32>
    %swap3A_1842 = arith.constant 576 : index
    %swap3A_1843 = tpu.vector_load %arg9[%swap3A_1842] {strides = array<i32>} : memref<1024xi32, #tpu.memory_space<vmem>>, vector<16xi32>,
    tpu.vector_store %arg9[%swap3A_1842], %add3A_1841 {strides = array<i32>} : memref<1024xi32, #tpu.memory_space<vmem>>, vector<16xi32>,
    %get3A_1844 = arith.constant 4 : i32
    %get3A_1845 = arith.index_cast %get3A_1844 : i32 to index
    %get3A_1846 = arith.constant 80 : index
    %get3A_1847 = tpu.vector_load %arg8[%get3A_1845, %get3A_1846] {strides = array<i32>} : memref<8x144xi32, #tpu.memory_space<vmem>>, vector<16xi32>,
    %get3A_1848 = arith.constant 4 : i32
    %get3A_1849 = arith.index_cast %get3A_1848 : i32 to index
    %get3A_1850 = arith.constant 81 : index
    %get3A_1851 = tpu.vector_load %arg8[%get3A_1849, %get3A_1850] {strides = array<i32>} : memref<8x144xi32, #tpu.memory_space<vmem>>, vector<16xi32>,
    %shift_right_arithmetic3A_1852 = arith.constant 3 : i32
    %shift_right_arithmetic3A_1853 = vector.broadcast %shift_right_arithmetic3A_1852 : i32 to vector<16xi32>
    %shift_right_arithmetic3A_1854 = arith.shrsi %get3A_1847, %shift_right_arithmetic3A_1853 : vector<16xi32>
    %shift_left3A_1855 = arith.constant 15 : i32
    %shift_left3A_1856 = vector.broadcast %shift_left3A_1855 : i32 to vector<16xi32>
    %shift_left3A_1857 = arith.shli %shift_right_arithmetic3A_1854, %shift_left3A_1856 : vector<16xi32>
    %and3A_1858 = arith.constant 7 : i32
    %and3A_1859 = vector.broadcast %and3A_1858 : i32 to vector<16xi32>
    %and3A_1860 = arith.andi %get3A_1847, %and3A_1859 : vector<16xi32>
    %shift_left3A_1861 = arith.constant 7 : i32
    %shift_left3A_1862 = vector.broadcast %shift_left3A_1861 : i32 to vector<16xi32>
    %shift_left3A_1863 = arith.shli %and3A_1860, %shift_left3A_1862 : vector<16xi32>
    %add3A_1864 = arith.addi %shift_left3A_1857, %shift_left3A_1863 : vector<16xi32>
    %shift_right_arithmetic3A_1865 = arith.constant 7 : i32
    %shift_right_arithmetic3A_1866 = vector.broadcast %shift_right_arithmetic3A_1865 : i32 to vector<16xi32>
    %shift_right_arithmetic3A_1867 = arith.shrsi %get3A_1851, %shift_right_arithmetic3A_1866 : vector<16xi32>
    %shift_left3A_1868 = arith.constant 10 : i32
    %shift_left3A_1869 = vector.broadcast %shift_left3A_1868 : i32 to vector<16xi32>
    %shift_left3A_1870 = arith.shli %shift_right_arithmetic3A_1867, %shift_left3A_1869 : vector<16xi32>
    %add3A_1871 = arith.addi %add3A_1864, %shift_left3A_1870 : vector<16xi32>
    %and3A_1872 = arith.constant 127 : i32
    %and3A_1873 = vector.broadcast %and3A_1872 : i32 to vector<16xi32>
    %and3A_1874 = arith.andi %get3A_1851, %and3A_1873 : vector<16xi32>
    %add3A_1875 = arith.addi %add3A_1871, %and3A_1874 : vector<16xi32>
    %swap3A_1876 = arith.constant 592 : index
    %swap3A_1877 = tpu.vector_load %arg9[%swap3A_1876] {strides = array<i32>} : memref<1024xi32, #tpu.memory_space<vmem>>, vector<16xi32>,
    tpu.vector_store %arg9[%swap3A_1876], %add3A_1875 {strides = array<i32>} : memref<1024xi32, #tpu.memory_space<vmem>>, vector<16xi32>,
    %get3A_1878 = arith.constant 4 : i32
    %get3A_1879 = arith.index_cast %get3A_1878 : i32 to index
    %get3A_1880 = arith.constant 96 : index
    %get3A_1881 = tpu.vector_load %arg8[%get3A_1879, %get3A_1880] {strides = array<i32>} : memref<8x144xi32, #tpu.memory_space<vmem>>, vector<16xi32>,
    %get3A_1882 = arith.constant 4 : i32
    %get3A_1883 = arith.index_cast %get3A_1882 : i32 to index
    %get3A_1884 = arith.constant 97 : index
    %get3A_1885 = tpu.vector_load %arg8[%get3A_1883, %get3A_1884] {strides = array<i32>} : memref<8x144xi32, #tpu.memory_space<vmem>>, vector<16xi32>,
    %shift_right_arithmetic3A_1886 = arith.constant 3 : i32
    %shift_right_arithmetic3A_1887 = vector.broadcast %shift_right_arithmetic3A_1886 : i32 to vector<16xi32>
    %shift_right_arithmetic3A_1888 = arith.shrsi %get3A_1881, %shift_right_arithmetic3A_1887 : vector<16xi32>
    %shift_left3A_1889 = arith.constant 15 : i32
    %shift_left3A_1890 = vector.broadcast %shift_left3A_1889 : i32 to vector<16xi32>
    %shift_left3A_1891 = arith.shli %shift_right_arithmetic3A_1888, %shift_left3A_1890 : vector<16xi32>
    %and3A_1892 = arith.constant 7 : i32
    %and3A_1893 = vector.broadcast %and3A_1892 : i32 to vector<16xi32>
    %and3A_1894 = arith.andi %get3A_1881, %and3A_1893 : vector<16xi32>
    %shift_left3A_1895 = arith.constant 7 : i32
    %shift_left3A_1896 = vector.broadcast %shift_left3A_1895 : i32 to vector<16xi32>
    %shift_left3A_1897 = arith.shli %and3A_1894, %shift_left3A_1896 : vector<16xi32>
    %add3A_1898 = arith.addi %shift_left3A_1891, %shift_left3A_1897 : vector<16xi32>
    %shift_right_arithmetic3A_1899 = arith.constant 7 : i32
    %shift_right_arithmetic3A_1900 = vector.broadcast %shift_right_arithmetic3A_1899 : i32 to vector<16xi32>
    %shift_right_arithmetic3A_1901 = arith.shrsi %get3A_1885, %shift_right_arithmetic3A_1900 : vector<16xi32>
    %shift_left3A_1902 = arith.constant 10 : i32
    %shift_left3A_1903 = vector.broadcast %shift_left3A_1902 : i32 to vector<16xi32>
    %shift_left3A_1904 = arith.shli %shift_right_arithmetic3A_1901, %shift_left3A_1903 : vector<16xi32>
    %add3A_1905 = arith.addi %add3A_1898, %shift_left3A_1904 : vector<16xi32>
    %and3A_1906 = arith.constant 127 : i32
    %and3A_1907 = vector.broadcast %and3A_1906 : i32 to vector<16xi32>
    %and3A_1908 = arith.andi %get3A_1885, %and3A_1907 : vector<16xi32>
    %add3A_1909 = arith.addi %add3A_1905, %and3A_1908 : vector<16xi32>
    %swap3A_1910 = arith.constant 608 : index
    %swap3A_1911 = tpu.vector_load %arg9[%swap3A_1910] {strides = array<i32>} : memref<1024xi32, #tpu.memory_space<vmem>>, vector<16xi32>,
    tpu.vector_store %arg9[%swap3A_1910], %add3A_1909 {strides = array<i32>} : memref<1024xi32, #tpu.memory_space<vmem>>, vector<16xi32>,
    %get3A_1912 = arith.constant 4 : i32
    %get3A_1913 = arith.index_cast %get3A_1912 : i32 to index
    %get3A_1914 = arith.constant 112 : index
    %get3A_1915 = tpu.vector_load %arg8[%get3A_1913, %get3A_1914] {strides = array<i32>} : memref<8x144xi32, #tpu.memory_space<vmem>>, vector<16xi32>,
    %get3A_1916 = arith.constant 4 : i32
    %get3A_1917 = arith.index_cast %get3A_1916 : i32 to index
    %get3A_1918 = arith.constant 113 : index
    %get3A_1919 = tpu.vector_load %arg8[%get3A_1917, %get3A_1918] {strides = array<i32>} : memref<8x144xi32, #tpu.memory_space<vmem>>, vector<16xi32>,
    %shift_right_arithmetic3A_1920 = arith.constant 3 : i32
    %shift_right_arithmetic3A_1921 = vector.broadcast %shift_right_arithmetic3A_1920 : i32 to vector<16xi32>
    %shift_right_arithmetic3A_1922 = arith.shrsi %get3A_1915, %shift_right_arithmetic3A_1921 : vector<16xi32>
    %shift_left3A_1923 = arith.constant 15 : i32
    %shift_left3A_1924 = vector.broadcast %shift_left3A_1923 : i32 to vector<16xi32>
    %shift_left3A_1925 = arith.shli %shift_right_arithmetic3A_1922, %shift_left3A_1924 : vector<16xi32>
    %and3A_1926 = arith.constant 7 : i32
    %and3A_1927 = vector.broadcast %and3A_1926 : i32 to vector<16xi32>
    %and3A_1928 = arith.andi %get3A_1915, %and3A_1927 : vector<16xi32>
    %shift_left3A_1929 = arith.constant 7 : i32
    %shift_left3A_1930 = vector.broadcast %shift_left3A_1929 : i32 to vector<16xi32>
    %shift_left3A_1931 = arith.shli %and3A_1928, %shift_left3A_1930 : vector<16xi32>
    %add3A_1932 = arith.addi %shift_left3A_1925, %shift_left3A_1931 : vector<16xi32>
    %shift_right_arithmetic3A_1933 = arith.constant 7 : i32
    %shift_right_arithmetic3A_1934 = vector.broadcast %shift_right_arithmetic3A_1933 : i32 to vector<16xi32>
    %shift_right_arithmetic3A_1935 = arith.shrsi %get3A_1919, %shift_right_arithmetic3A_1934 : vector<16xi32>
    %shift_left3A_1936 = arith.constant 10 : i32
    %shift_left3A_1937 = vector.broadcast %shift_left3A_1936 : i32 to vector<16xi32>
    %shift_left3A_1938 = arith.shli %shift_right_arithmetic3A_1935, %shift_left3A_1937 : vector<16xi32>
    %add3A_1939 = arith.addi %add3A_1932, %shift_left3A_1938 : vector<16xi32>
    %and3A_1940 = arith.constant 127 : i32
    %and3A_1941 = vector.broadcast %and3A_1940 : i32 to vector<16xi32>
    %and3A_1942 = arith.andi %get3A_1919, %and3A_1941 : vector<16xi32>
    %add3A_1943 = arith.addi %add3A_1939, %and3A_1942 : vector<16xi32>
    %swap3A_1944 = arith.constant 624 : index
    %swap3A_1945 = tpu.vector_load %arg9[%swap3A_1944] {strides = array<i32>} : memref<1024xi32, #tpu.memory_space<vmem>>, vector<16xi32>,
    tpu.vector_store %arg9[%swap3A_1944], %add3A_1943 {strides = array<i32>} : memref<1024xi32, #tpu.memory_space<vmem>>, vector<16xi32>,
    %swap3A_1946 = arith.constant 5 : i32
    %swap3A_1947 = arith.index_cast %swap3A_1946 : i32 to index
    %swap3A_1948 = arith.constant 128 : index
    %swap3A_1949 = tpu.vector_load %arg8[%swap3A_1947, %swap3A_1948] {strides = array<i32>} : memref<8x144xi32, #tpu.memory_space<vmem>>, vector<16xi32>,
    tpu.vector_store %arg8[%swap3A_1947, %swap3A_1948], %broadcast_in_dim3A_566 {strides = array<i32>} : memref<8x144xi32, #tpu.memory_space<vmem>>, vector<16xi32>,
    %get3A_1950 = arith.constant 5 : i32
    %get3A_1951 = arith.index_cast %get3A_1950 : i32 to index
    %get3A_1952 = arith.constant 0 : index
    %get3A_1953 = tpu.vector_load %arg8[%get3A_1951, %get3A_1952] {strides = array<i32>} : memref<8x144xi32, #tpu.memory_space<vmem>>, vector<16xi32>,
    %get3A_1954 = arith.constant 5 : i32
    %get3A_1955 = arith.index_cast %get3A_1954 : i32 to index
    %get3A_1956 = arith.constant 1 : index
    %get3A_1957 = tpu.vector_load %arg8[%get3A_1955, %get3A_1956] {strides = array<i32>} : memref<8x144xi32, #tpu.memory_space<vmem>>, vector<16xi32>,
    %shift_right_arithmetic3A_1958 = arith.constant 3 : i32
    %shift_right_arithmetic3A_1959 = vector.broadcast %shift_right_arithmetic3A_1958 : i32 to vector<16xi32>
    %shift_right_arithmetic3A_1960 = arith.shrsi %get3A_1953, %shift_right_arithmetic3A_1959 : vector<16xi32>
    %shift_left3A_1961 = arith.constant 15 : i32
    %shift_left3A_1962 = vector.broadcast %shift_left3A_1961 : i32 to vector<16xi32>
    %shift_left3A_1963 = arith.shli %shift_right_arithmetic3A_1960, %shift_left3A_1962 : vector<16xi32>
    %and3A_1964 = arith.constant 7 : i32
    %and3A_1965 = vector.broadcast %and3A_1964 : i32 to vector<16xi32>
    %and3A_1966 = arith.andi %get3A_1953, %and3A_1965 : vector<16xi32>
    %shift_left3A_1967 = arith.constant 7 : i32
    %shift_left3A_1968 = vector.broadcast %shift_left3A_1967 : i32 to vector<16xi32>
    %shift_left3A_1969 = arith.shli %and3A_1966, %shift_left3A_1968 : vector<16xi32>
    %add3A_1970 = arith.addi %shift_left3A_1963, %shift_left3A_1969 : vector<16xi32>
    %shift_right_arithmetic3A_1971 = arith.constant 7 : i32
    %shift_right_arithmetic3A_1972 = vector.broadcast %shift_right_arithmetic3A_1971 : i32 to vector<16xi32>
    %shift_right_arithmetic3A_1973 = arith.shrsi %get3A_1957, %shift_right_arithmetic3A_1972 : vector<16xi32>
    %shift_left3A_1974 = arith.constant 10 : i32
    %shift_left3A_1975 = vector.broadcast %shift_left3A_1974 : i32 to vector<16xi32>
    %shift_left3A_1976 = arith.shli %shift_right_arithmetic3A_1973, %shift_left3A_1975 : vector<16xi32>
    %add3A_1977 = arith.addi %add3A_1970, %shift_left3A_1976 : vector<16xi32>
    %and3A_1978 = arith.constant 127 : i32
    %and3A_1979 = vector.broadcast %and3A_1978 : i32 to vector<16xi32>
    %and3A_1980 = arith.andi %get3A_1957, %and3A_1979 : vector<16xi32>
    %add3A_1981 = arith.addi %add3A_1977, %and3A_1980 : vector<16xi32>
    %swap3A_1982 = arith.constant 640 : index
    %swap3A_1983 = tpu.vector_load %arg9[%swap3A_1982] {strides = array<i32>} : memref<1024xi32, #tpu.memory_space<vmem>>, vector<16xi32>,
    tpu.vector_store %arg9[%swap3A_1982], %add3A_1981 {strides = array<i32>} : memref<1024xi32, #tpu.memory_space<vmem>>, vector<16xi32>,
    %get3A_1984 = arith.constant 5 : i32
    %get3A_1985 = arith.index_cast %get3A_1984 : i32 to index
    %get3A_1986 = arith.constant 16 : index
    %get3A_1987 = tpu.vector_load %arg8[%get3A_1985, %get3A_1986] {strides = array<i32>} : memref<8x144xi32, #tpu.memory_space<vmem>>, vector<16xi32>,
    %get3A_1988 = arith.constant 5 : i32
    %get3A_1989 = arith.index_cast %get3A_1988 : i32 to index
    %get3A_1990 = arith.constant 17 : index
    %get3A_1991 = tpu.vector_load %arg8[%get3A_1989, %get3A_1990] {strides = array<i32>} : memref<8x144xi32, #tpu.memory_space<vmem>>, vector<16xi32>,
    %shift_right_arithmetic3A_1992 = arith.constant 3 : i32
    %shift_right_arithmetic3A_1993 = vector.broadcast %shift_right_arithmetic3A_1992 : i32 to vector<16xi32>
    %shift_right_arithmetic3A_1994 = arith.shrsi %get3A_1987, %shift_right_arithmetic3A_1993 : vector<16xi32>
    %shift_left3A_1995 = arith.constant 15 : i32
    %shift_left3A_1996 = vector.broadcast %shift_left3A_1995 : i32 to vector<16xi32>
    %shift_left3A_1997 = arith.shli %shift_right_arithmetic3A_1994, %shift_left3A_1996 : vector<16xi32>
    %and3A_1998 = arith.constant 7 : i32
    %and3A_1999 = vector.broadcast %and3A_1998 : i32 to vector<16xi32>
    %and3A_2000 = arith.andi %get3A_1987, %and3A_1999 : vector<16xi32>
    %shift_left3A_2001 = arith.constant 7 : i32
    %shift_left3A_2002 = vector.broadcast %shift_left3A_2001 : i32 to vector<16xi32>
    %shift_left3A_2003 = arith.shli %and3A_2000, %shift_left3A_2002 : vector<16xi32>
    %add3A_2004 = arith.addi %shift_left3A_1997, %shift_left3A_2003 : vector<16xi32>
    %shift_right_arithmetic3A_2005 = arith.constant 7 : i32
    %shift_right_arithmetic3A_2006 = vector.broadcast %shift_right_arithmetic3A_2005 : i32 to vector<16xi32>
    %shift_right_arithmetic3A_2007 = arith.shrsi %get3A_1991, %shift_right_arithmetic3A_2006 : vector<16xi32>
    %shift_left3A_2008 = arith.constant 10 : i32
    %shift_left3A_2009 = vector.broadcast %shift_left3A_2008 : i32 to vector<16xi32>
    %shift_left3A_2010 = arith.shli %shift_right_arithmetic3A_2007, %shift_left3A_2009 : vector<16xi32>
    %add3A_2011 = arith.addi %add3A_2004, %shift_left3A_2010 : vector<16xi32>
    %and3A_2012 = arith.constant 127 : i32
    %and3A_2013 = vector.broadcast %and3A_2012 : i32 to vector<16xi32>
    %and3A_2014 = arith.andi %get3A_1991, %and3A_2013 : vector<16xi32>
    %add3A_2015 = arith.addi %add3A_2011, %and3A_2014 : vector<16xi32>
    %swap3A_2016 = arith.constant 656 : index
    %swap3A_2017 = tpu.vector_load %arg9[%swap3A_2016] {strides = array<i32>} : memref<1024xi32, #tpu.memory_space<vmem>>, vector<16xi32>,
    tpu.vector_store %arg9[%swap3A_2016], %add3A_2015 {strides = array<i32>} : memref<1024xi32, #tpu.memory_space<vmem>>, vector<16xi32>,
    %get3A_2018 = arith.constant 5 : i32
    %get3A_2019 = arith.index_cast %get3A_2018 : i32 to index
    %get3A_2020 = arith.constant 32 : index
    %get3A_2021 = tpu.vector_load %arg8[%get3A_2019, %get3A_2020] {strides = array<i32>} : memref<8x144xi32, #tpu.memory_space<vmem>>, vector<16xi32>,
    %get3A_2022 = arith.constant 5 : i32
    %get3A_2023 = arith.index_cast %get3A_2022 : i32 to index
    %get3A_2024 = arith.constant 33 : index
    %get3A_2025 = tpu.vector_load %arg8[%get3A_2023, %get3A_2024] {strides = array<i32>} : memref<8x144xi32, #tpu.memory_space<vmem>>, vector<16xi32>,
    %shift_right_arithmetic3A_2026 = arith.constant 3 : i32
    %shift_right_arithmetic3A_2027 = vector.broadcast %shift_right_arithmetic3A_2026 : i32 to vector<16xi32>
    %shift_right_arithmetic3A_2028 = arith.shrsi %get3A_2021, %shift_right_arithmetic3A_2027 : vector<16xi32>
    %shift_left3A_2029 = arith.constant 15 : i32
    %shift_left3A_2030 = vector.broadcast %shift_left3A_2029 : i32 to vector<16xi32>
    %shift_left3A_2031 = arith.shli %shift_right_arithmetic3A_2028, %shift_left3A_2030 : vector<16xi32>
    %and3A_2032 = arith.constant 7 : i32
    %and3A_2033 = vector.broadcast %and3A_2032 : i32 to vector<16xi32>
    %and3A_2034 = arith.andi %get3A_2021, %and3A_2033 : vector<16xi32>
    %shift_left3A_2035 = arith.constant 7 : i32
    %shift_left3A_2036 = vector.broadcast %shift_left3A_2035 : i32 to vector<16xi32>
    %shift_left3A_2037 = arith.shli %and3A_2034, %shift_left3A_2036 : vector<16xi32>
    %add3A_2038 = arith.addi %shift_left3A_2031, %shift_left3A_2037 : vector<16xi32>
    %shift_right_arithmetic3A_2039 = arith.constant 7 : i32
    %shift_right_arithmetic3A_2040 = vector.broadcast %shift_right_arithmetic3A_2039 : i32 to vector<16xi32>
    %shift_right_arithmetic3A_2041 = arith.shrsi %get3A_2025, %shift_right_arithmetic3A_2040 : vector<16xi32>
    %shift_left3A_2042 = arith.constant 10 : i32
    %shift_left3A_2043 = vector.broadcast %shift_left3A_2042 : i32 to vector<16xi32>
    %shift_left3A_2044 = arith.shli %shift_right_arithmetic3A_2041, %shift_left3A_2043 : vector<16xi32>
    %add3A_2045 = arith.addi %add3A_2038, %shift_left3A_2044 : vector<16xi32>
    %and3A_2046 = arith.constant 127 : i32
    %and3A_2047 = vector.broadcast %and3A_2046 : i32 to vector<16xi32>
    %and3A_2048 = arith.andi %get3A_2025, %and3A_2047 : vector<16xi32>
    %add3A_2049 = arith.addi %add3A_2045, %and3A_2048 : vector<16xi32>
    %swap3A_2050 = arith.constant 672 : index
    %swap3A_2051 = tpu.vector_load %arg9[%swap3A_2050] {strides = array<i32>} : memref<1024xi32, #tpu.memory_space<vmem>>, vector<16xi32>,
    tpu.vector_store %arg9[%swap3A_2050], %add3A_2049 {strides = array<i32>} : memref<1024xi32, #tpu.memory_space<vmem>>, vector<16xi32>,
    %get3A_2052 = arith.constant 5 : i32
    %get3A_2053 = arith.index_cast %get3A_2052 : i32 to index
    %get3A_2054 = arith.constant 48 : index
    %get3A_2055 = tpu.vector_load %arg8[%get3A_2053, %get3A_2054] {strides = array<i32>} : memref<8x144xi32, #tpu.memory_space<vmem>>, vector<16xi32>,
    %get3A_2056 = arith.constant 5 : i32
    %get3A_2057 = arith.index_cast %get3A_2056 : i32 to index
    %get3A_2058 = arith.constant 49 : index
    %get3A_2059 = tpu.vector_load %arg8[%get3A_2057, %get3A_2058] {strides = array<i32>} : memref<8x144xi32, #tpu.memory_space<vmem>>, vector<16xi32>,
    %shift_right_arithmetic3A_2060 = arith.constant 3 : i32
    %shift_right_arithmetic3A_2061 = vector.broadcast %shift_right_arithmetic3A_2060 : i32 to vector<16xi32>
    %shift_right_arithmetic3A_2062 = arith.shrsi %get3A_2055, %shift_right_arithmetic3A_2061 : vector<16xi32>
    %shift_left3A_2063 = arith.constant 15 : i32
    %shift_left3A_2064 = vector.broadcast %shift_left3A_2063 : i32 to vector<16xi32>
    %shift_left3A_2065 = arith.shli %shift_right_arithmetic3A_2062, %shift_left3A_2064 : vector<16xi32>
    %and3A_2066 = arith.constant 7 : i32
    %and3A_2067 = vector.broadcast %and3A_2066 : i32 to vector<16xi32>
    %and3A_2068 = arith.andi %get3A_2055, %and3A_2067 : vector<16xi32>
    %shift_left3A_2069 = arith.constant 7 : i32
    %shift_left3A_2070 = vector.broadcast %shift_left3A_2069 : i32 to vector<16xi32>
    %shift_left3A_2071 = arith.shli %and3A_2068, %shift_left3A_2070 : vector<16xi32>
    %add3A_2072 = arith.addi %shift_left3A_2065, %shift_left3A_2071 : vector<16xi32>
    %shift_right_arithmetic3A_2073 = arith.constant 7 : i32
    %shift_right_arithmetic3A_2074 = vector.broadcast %shift_right_arithmetic3A_2073 : i32 to vector<16xi32>
    %shift_right_arithmetic3A_2075 = arith.shrsi %get3A_2059, %shift_right_arithmetic3A_2074 : vector<16xi32>
    %shift_left3A_2076 = arith.constant 10 : i32
    %shift_left3A_2077 = vector.broadcast %shift_left3A_2076 : i32 to vector<16xi32>
    %shift_left3A_2078 = arith.shli %shift_right_arithmetic3A_2075, %shift_left3A_2077 : vector<16xi32>
    %add3A_2079 = arith.addi %add3A_2072, %shift_left3A_2078 : vector<16xi32>
    %and3A_2080 = arith.constant 127 : i32
    %and3A_2081 = vector.broadcast %and3A_2080 : i32 to vector<16xi32>
    %and3A_2082 = arith.andi %get3A_2059, %and3A_2081 : vector<16xi32>
    %add3A_2083 = arith.addi %add3A_2079, %and3A_2082 : vector<16xi32>
    %swap3A_2084 = arith.constant 688 : index
    %swap3A_2085 = tpu.vector_load %arg9[%swap3A_2084] {strides = array<i32>} : memref<1024xi32, #tpu.memory_space<vmem>>, vector<16xi32>,
    tpu.vector_store %arg9[%swap3A_2084], %add3A_2083 {strides = array<i32>} : memref<1024xi32, #tpu.memory_space<vmem>>, vector<16xi32>,
    %get3A_2086 = arith.constant 5 : i32
    %get3A_2087 = arith.index_cast %get3A_2086 : i32 to index
    %get3A_2088 = arith.constant 64 : index
    %get3A_2089 = tpu.vector_load %arg8[%get3A_2087, %get3A_2088] {strides = array<i32>} : memref<8x144xi32, #tpu.memory_space<vmem>>, vector<16xi32>,
    %get3A_2090 = arith.constant 5 : i32
    %get3A_2091 = arith.index_cast %get3A_2090 : i32 to index
    %get3A_2092 = arith.constant 65 : index
    %get3A_2093 = tpu.vector_load %arg8[%get3A_2091, %get3A_2092] {strides = array<i32>} : memref<8x144xi32, #tpu.memory_space<vmem>>, vector<16xi32>,
    %shift_right_arithmetic3A_2094 = arith.constant 3 : i32
    %shift_right_arithmetic3A_2095 = vector.broadcast %shift_right_arithmetic3A_2094 : i32 to vector<16xi32>
    %shift_right_arithmetic3A_2096 = arith.shrsi %get3A_2089, %shift_right_arithmetic3A_2095 : vector<16xi32>
    %shift_left3A_2097 = arith.constant 15 : i32
    %shift_left3A_2098 = vector.broadcast %shift_left3A_2097 : i32 to vector<16xi32>
    %shift_left3A_2099 = arith.shli %shift_right_arithmetic3A_2096, %shift_left3A_2098 : vector<16xi32>
    %and3A_2100 = arith.constant 7 : i32
    %and3A_2101 = vector.broadcast %and3A_2100 : i32 to vector<16xi32>
    %and3A_2102 = arith.andi %get3A_2089, %and3A_2101 : vector<16xi32>
    %shift_left3A_2103 = arith.constant 7 : i32
    %shift_left3A_2104 = vector.broadcast %shift_left3A_2103 : i32 to vector<16xi32>
    %shift_left3A_2105 = arith.shli %and3A_2102, %shift_left3A_2104 : vector<16xi32>
    %add3A_2106 = arith.addi %shift_left3A_2099, %shift_left3A_2105 : vector<16xi32>
    %shift_right_arithmetic3A_2107 = arith.constant 7 : i32
    %shift_right_arithmetic3A_2108 = vector.broadcast %shift_right_arithmetic3A_2107 : i32 to vector<16xi32>
    %shift_right_arithmetic3A_2109 = arith.shrsi %get3A_2093, %shift_right_arithmetic3A_2108 : vector<16xi32>
    %shift_left3A_2110 = arith.constant 10 : i32
    %shift_left3A_2111 = vector.broadcast %shift_left3A_2110 : i32 to vector<16xi32>
    %shift_left3A_2112 = arith.shli %shift_right_arithmetic3A_2109, %shift_left3A_2111 : vector<16xi32>
    %add3A_2113 = arith.addi %add3A_2106, %shift_left3A_2112 : vector<16xi32>
    %and3A_2114 = arith.constant 127 : i32
    %and3A_2115 = vector.broadcast %and3A_2114 : i32 to vector<16xi32>
    %and3A_2116 = arith.andi %get3A_2093, %and3A_2115 : vector<16xi32>
    %add3A_2117 = arith.addi %add3A_2113, %and3A_2116 : vector<16xi32>
    %swap3A_2118 = arith.constant 704 : index
    %swap3A_2119 = tpu.vector_load %arg9[%swap3A_2118] {strides = array<i32>} : memref<1024xi32, #tpu.memory_space<vmem>>, vector<16xi32>,
    tpu.vector_store %arg9[%swap3A_2118], %add3A_2117 {strides = array<i32>} : memref<1024xi32, #tpu.memory_space<vmem>>, vector<16xi32>,
    %get3A_2120 = arith.constant 5 : i32
    %get3A_2121 = arith.index_cast %get3A_2120 : i32 to index
    %get3A_2122 = arith.constant 80 : index
    %get3A_2123 = tpu.vector_load %arg8[%get3A_2121, %get3A_2122] {strides = array<i32>} : memref<8x144xi32, #tpu.memory_space<vmem>>, vector<16xi32>,
    %get3A_2124 = arith.constant 5 : i32
    %get3A_2125 = arith.index_cast %get3A_2124 : i32 to index
    %get3A_2126 = arith.constant 81 : index
    %get3A_2127 = tpu.vector_load %arg8[%get3A_2125, %get3A_2126] {strides = array<i32>} : memref<8x144xi32, #tpu.memory_space<vmem>>, vector<16xi32>,
    %shift_right_arithmetic3A_2128 = arith.constant 3 : i32
    %shift_right_arithmetic3A_2129 = vector.broadcast %shift_right_arithmetic3A_2128 : i32 to vector<16xi32>
    %shift_right_arithmetic3A_2130 = arith.shrsi %get3A_2123, %shift_right_arithmetic3A_2129 : vector<16xi32>
    %shift_left3A_2131 = arith.constant 15 : i32
    %shift_left3A_2132 = vector.broadcast %shift_left3A_2131 : i32 to vector<16xi32>
    %shift_left3A_2133 = arith.shli %shift_right_arithmetic3A_2130, %shift_left3A_2132 : vector<16xi32>
    %and3A_2134 = arith.constant 7 : i32
    %and3A_2135 = vector.broadcast %and3A_2134 : i32 to vector<16xi32>
    %and3A_2136 = arith.andi %get3A_2123, %and3A_2135 : vector<16xi32>
    %shift_left3A_2137 = arith.constant 7 : i32
    %shift_left3A_2138 = vector.broadcast %shift_left3A_2137 : i32 to vector<16xi32>
    %shift_left3A_2139 = arith.shli %and3A_2136, %shift_left3A_2138 : vector<16xi32>
    %add3A_2140 = arith.addi %shift_left3A_2133, %shift_left3A_2139 : vector<16xi32>
    %shift_right_arithmetic3A_2141 = arith.constant 7 : i32
    %shift_right_arithmetic3A_2142 = vector.broadcast %shift_right_arithmetic3A_2141 : i32 to vector<16xi32>
    %shift_right_arithmetic3A_2143 = arith.shrsi %get3A_2127, %shift_right_arithmetic3A_2142 : vector<16xi32>
    %shift_left3A_2144 = arith.constant 10 : i32
    %shift_left3A_2145 = vector.broadcast %shift_left3A_2144 : i32 to vector<16xi32>
    %shift_left3A_2146 = arith.shli %shift_right_arithmetic3A_2143, %shift_left3A_2145 : vector<16xi32>
    %add3A_2147 = arith.addi %add3A_2140, %shift_left3A_2146 : vector<16xi32>
    %and3A_2148 = arith.constant 127 : i32
    %and3A_2149 = vector.broadcast %and3A_2148 : i32 to vector<16xi32>
    %and3A_2150 = arith.andi %get3A_2127, %and3A_2149 : vector<16xi32>
    %add3A_2151 = arith.addi %add3A_2147, %and3A_2150 : vector<16xi32>
    %swap3A_2152 = arith.constant 720 : index
    %swap3A_2153 = tpu.vector_load %arg9[%swap3A_2152] {strides = array<i32>} : memref<1024xi32, #tpu.memory_space<vmem>>, vector<16xi32>,
    tpu.vector_store %arg9[%swap3A_2152], %add3A_2151 {strides = array<i32>} : memref<1024xi32, #tpu.memory_space<vmem>>, vector<16xi32>,
    %get3A_2154 = arith.constant 5 : i32
    %get3A_2155 = arith.index_cast %get3A_2154 : i32 to index
    %get3A_2156 = arith.constant 96 : index
    %get3A_2157 = tpu.vector_load %arg8[%get3A_2155, %get3A_2156] {strides = array<i32>} : memref<8x144xi32, #tpu.memory_space<vmem>>, vector<16xi32>,
    %get3A_2158 = arith.constant 5 : i32
    %get3A_2159 = arith.index_cast %get3A_2158 : i32 to index
    %get3A_2160 = arith.constant 97 : index
    %get3A_2161 = tpu.vector_load %arg8[%get3A_2159, %get3A_2160] {strides = array<i32>} : memref<8x144xi32, #tpu.memory_space<vmem>>, vector<16xi32>,
    %shift_right_arithmetic3A_2162 = arith.constant 3 : i32
    %shift_right_arithmetic3A_2163 = vector.broadcast %shift_right_arithmetic3A_2162 : i32 to vector<16xi32>
    %shift_right_arithmetic3A_2164 = arith.shrsi %get3A_2157, %shift_right_arithmetic3A_2163 : vector<16xi32>
    %shift_left3A_2165 = arith.constant 15 : i32
    %shift_left3A_2166 = vector.broadcast %shift_left3A_2165 : i32 to vector<16xi32>
    %shift_left3A_2167 = arith.shli %shift_right_arithmetic3A_2164, %shift_left3A_2166 : vector<16xi32>
    %and3A_2168 = arith.constant 7 : i32
    %and3A_2169 = vector.broadcast %and3A_2168 : i32 to vector<16xi32>
    %and3A_2170 = arith.andi %get3A_2157, %and3A_2169 : vector<16xi32>
    %shift_left3A_2171 = arith.constant 7 : i32
    %shift_left3A_2172 = vector.broadcast %shift_left3A_2171 : i32 to vector<16xi32>
    %shift_left3A_2173 = arith.shli %and3A_2170, %shift_left3A_2172 : vector<16xi32>
    %add3A_2174 = arith.addi %shift_left3A_2167, %shift_left3A_2173 : vector<16xi32>
    %shift_right_arithmetic3A_2175 = arith.constant 7 : i32
    %shift_right_arithmetic3A_2176 = vector.broadcast %shift_right_arithmetic3A_2175 : i32 to vector<16xi32>
    %shift_right_arithmetic3A_2177 = arith.shrsi %get3A_2161, %shift_right_arithmetic3A_2176 : vector<16xi32>
    %shift_left3A_2178 = arith.constant 10 : i32
    %shift_left3A_2179 = vector.broadcast %shift_left3A_2178 : i32 to vector<16xi32>
    %shift_left3A_2180 = arith.shli %shift_right_arithmetic3A_2177, %shift_left3A_2179 : vector<16xi32>
    %add3A_2181 = arith.addi %add3A_2174, %shift_left3A_2180 : vector<16xi32>
    %and3A_2182 = arith.constant 127 : i32
    %and3A_2183 = vector.broadcast %and3A_2182 : i32 to vector<16xi32>
    %and3A_2184 = arith.andi %get3A_2161, %and3A_2183 : vector<16xi32>
    %add3A_2185 = arith.addi %add3A_2181, %and3A_2184 : vector<16xi32>
    %swap3A_2186 = arith.constant 736 : index
    %swap3A_2187 = tpu.vector_load %arg9[%swap3A_2186] {strides = array<i32>} : memref<1024xi32, #tpu.memory_space<vmem>>, vector<16xi32>,
    tpu.vector_store %arg9[%swap3A_2186], %add3A_2185 {strides = array<i32>} : memref<1024xi32, #tpu.memory_space<vmem>>, vector<16xi32>,
    %get3A_2188 = arith.constant 5 : i32
    %get3A_2189 = arith.index_cast %get3A_2188 : i32 to index
    %get3A_2190 = arith.constant 112 : index
    %get3A_2191 = tpu.vector_load %arg8[%get3A_2189, %get3A_2190] {strides = array<i32>} : memref<8x144xi32, #tpu.memory_space<vmem>>, vector<16xi32>,
    %get3A_2192 = arith.constant 5 : i32
    %get3A_2193 = arith.index_cast %get3A_2192 : i32 to index
    %get3A_2194 = arith.constant 113 : index
    %get3A_2195 = tpu.vector_load %arg8[%get3A_2193, %get3A_2194] {strides = array<i32>} : memref<8x144xi32, #tpu.memory_space<vmem>>, vector<16xi32>,
    %shift_right_arithmetic3A_2196 = arith.constant 3 : i32
    %shift_right_arithmetic3A_2197 = vector.broadcast %shift_right_arithmetic3A_2196 : i32 to vector<16xi32>
    %shift_right_arithmetic3A_2198 = arith.shrsi %get3A_2191, %shift_right_arithmetic3A_2197 : vector<16xi32>
    %shift_left3A_2199 = arith.constant 15 : i32
    %shift_left3A_2200 = vector.broadcast %shift_left3A_2199 : i32 to vector<16xi32>
    %shift_left3A_2201 = arith.shli %shift_right_arithmetic3A_2198, %shift_left3A_2200 : vector<16xi32>
    %and3A_2202 = arith.constant 7 : i32
    %and3A_2203 = vector.broadcast %and3A_2202 : i32 to vector<16xi32>
    %and3A_2204 = arith.andi %get3A_2191, %and3A_2203 : vector<16xi32>
    %shift_left3A_2205 = arith.constant 7 : i32
    %shift_left3A_2206 = vector.broadcast %shift_left3A_2205 : i32 to vector<16xi32>
    %shift_left3A_2207 = arith.shli %and3A_2204, %shift_left3A_2206 : vector<16xi32>
    %add3A_2208 = arith.addi %shift_left3A_2201, %shift_left3A_2207 : vector<16xi32>
    %shift_right_arithmetic3A_2209 = arith.constant 7 : i32
    %shift_right_arithmetic3A_2210 = vector.broadcast %shift_right_arithmetic3A_2209 : i32 to vector<16xi32>
    %shift_right_arithmetic3A_2211 = arith.shrsi %get3A_2195, %shift_right_arithmetic3A_2210 : vector<16xi32>
    %shift_left3A_2212 = arith.constant 10 : i32
    %shift_left3A_2213 = vector.broadcast %shift_left3A_2212 : i32 to vector<16xi32>
    %shift_left3A_2214 = arith.shli %shift_right_arithmetic3A_2211, %shift_left3A_2213 : vector<16xi32>
    %add3A_2215 = arith.addi %add3A_2208, %shift_left3A_2214 : vector<16xi32>
    %and3A_2216 = arith.constant 127 : i32
    %and3A_2217 = vector.broadcast %and3A_2216 : i32 to vector<16xi32>
    %and3A_2218 = arith.andi %get3A_2195, %and3A_2217 : vector<16xi32>
    %add3A_2219 = arith.addi %add3A_2215, %and3A_2218 : vector<16xi32>
    %swap3A_2220 = arith.constant 752 : index
    %swap3A_2221 = tpu.vector_load %arg9[%swap3A_2220] {strides = array<i32>} : memref<1024xi32, #tpu.memory_space<vmem>>, vector<16xi32>,
    tpu.vector_store %arg9[%swap3A_2220], %add3A_2219 {strides = array<i32>} : memref<1024xi32, #tpu.memory_space<vmem>>, vector<16xi32>,
    %swap3A_2222 = arith.constant 6 : i32
    %swap3A_2223 = arith.index_cast %swap3A_2222 : i32 to index
    %swap3A_2224 = arith.constant 128 : index
    %swap3A_2225 = tpu.vector_load %arg8[%swap3A_2223, %swap3A_2224] {strides = array<i32>} : memref<8x144xi32, #tpu.memory_space<vmem>>, vector<16xi32>,
    tpu.vector_store %arg8[%swap3A_2223, %swap3A_2224], %broadcast_in_dim3A_566 {strides = array<i32>} : memref<8x144xi32, #tpu.memory_space<vmem>>, vector<16xi32>,
    %get3A_2226 = arith.constant 6 : i32
    %get3A_2227 = arith.index_cast %get3A_2226 : i32 to index
    %get3A_2228 = arith.constant 0 : index
    %get3A_2229 = tpu.vector_load %arg8[%get3A_2227, %get3A_2228] {strides = array<i32>} : memref<8x144xi32, #tpu.memory_space<vmem>>, vector<16xi32>,
    %get3A_2230 = arith.constant 6 : i32
    %get3A_2231 = arith.index_cast %get3A_2230 : i32 to index
    %get3A_2232 = arith.constant 1 : index
    %get3A_2233 = tpu.vector_load %arg8[%get3A_2231, %get3A_2232] {strides = array<i32>} : memref<8x144xi32, #tpu.memory_space<vmem>>, vector<16xi32>,
    %shift_right_arithmetic3A_2234 = arith.constant 3 : i32
    %shift_right_arithmetic3A_2235 = vector.broadcast %shift_right_arithmetic3A_2234 : i32 to vector<16xi32>
    %shift_right_arithmetic3A_2236 = arith.shrsi %get3A_2229, %shift_right_arithmetic3A_2235 : vector<16xi32>
    %shift_left3A_2237 = arith.constant 15 : i32
    %shift_left3A_2238 = vector.broadcast %shift_left3A_2237 : i32 to vector<16xi32>
    %shift_left3A_2239 = arith.shli %shift_right_arithmetic3A_2236, %shift_left3A_2238 : vector<16xi32>
    %and3A_2240 = arith.constant 7 : i32
    %and3A_2241 = vector.broadcast %and3A_2240 : i32 to vector<16xi32>
    %and3A_2242 = arith.andi %get3A_2229, %and3A_2241 : vector<16xi32>
    %shift_left3A_2243 = arith.constant 7 : i32
    %shift_left3A_2244 = vector.broadcast %shift_left3A_2243 : i32 to vector<16xi32>
    %shift_left3A_2245 = arith.shli %and3A_2242, %shift_left3A_2244 : vector<16xi32>
    %add3A_2246 = arith.addi %shift_left3A_2239, %shift_left3A_2245 : vector<16xi32>
    %shift_right_arithmetic3A_2247 = arith.constant 7 : i32
    %shift_right_arithmetic3A_2248 = vector.broadcast %shift_right_arithmetic3A_2247 : i32 to vector<16xi32>
    %shift_right_arithmetic3A_2249 = arith.shrsi %get3A_2233, %shift_right_arithmetic3A_2248 : vector<16xi32>
    %shift_left3A_2250 = arith.constant 10 : i32
    %shift_left3A_2251 = vector.broadcast %shift_left3A_2250 : i32 to vector<16xi32>
    %shift_left3A_2252 = arith.shli %shift_right_arithmetic3A_2249, %shift_left3A_2251 : vector<16xi32>
    %add3A_2253 = arith.addi %add3A_2246, %shift_left3A_2252 : vector<16xi32>
    %and3A_2254 = arith.constant 127 : i32
    %and3A_2255 = vector.broadcast %and3A_2254 : i32 to vector<16xi32>
    %and3A_2256 = arith.andi %get3A_2233, %and3A_2255 : vector<16xi32>
    %add3A_2257 = arith.addi %add3A_2253, %and3A_2256 : vector<16xi32>
    %swap3A_2258 = arith.constant 768 : index
    %swap3A_2259 = tpu.vector_load %arg9[%swap3A_2258] {strides = array<i32>} : memref<1024xi32, #tpu.memory_space<vmem>>, vector<16xi32>,
    tpu.vector_store %arg9[%swap3A_2258], %add3A_2257 {strides = array<i32>} : memref<1024xi32, #tpu.memory_space<vmem>>, vector<16xi32>,
    %get3A_2260 = arith.constant 6 : i32
    %get3A_2261 = arith.index_cast %get3A_2260 : i32 to index
    %get3A_2262 = arith.constant 16 : index
    %get3A_2263 = tpu.vector_load %arg8[%get3A_2261, %get3A_2262] {strides = array<i32>} : memref<8x144xi32, #tpu.memory_space<vmem>>, vector<16xi32>,
    %get3A_2264 = arith.constant 6 : i32
    %get3A_2265 = arith.index_cast %get3A_2264 : i32 to index
    %get3A_2266 = arith.constant 17 : index
    %get3A_2267 = tpu.vector_load %arg8[%get3A_2265, %get3A_2266] {strides = array<i32>} : memref<8x144xi32, #tpu.memory_space<vmem>>, vector<16xi32>,
    %shift_right_arithmetic3A_2268 = arith.constant 3 : i32
    %shift_right_arithmetic3A_2269 = vector.broadcast %shift_right_arithmetic3A_2268 : i32 to vector<16xi32>
    %shift_right_arithmetic3A_2270 = arith.shrsi %get3A_2263, %shift_right_arithmetic3A_2269 : vector<16xi32>
    %shift_left3A_2271 = arith.constant 15 : i32
    %shift_left3A_2272 = vector.broadcast %shift_left3A_2271 : i32 to vector<16xi32>
    %shift_left3A_2273 = arith.shli %shift_right_arithmetic3A_2270, %shift_left3A_2272 : vector<16xi32>
    %and3A_2274 = arith.constant 7 : i32
    %and3A_2275 = vector.broadcast %and3A_2274 : i32 to vector<16xi32>
    %and3A_2276 = arith.andi %get3A_2263, %and3A_2275 : vector<16xi32>
    %shift_left3A_2277 = arith.constant 7 : i32
    %shift_left3A_2278 = vector.broadcast %shift_left3A_2277 : i32 to vector<16xi32>
    %shift_left3A_2279 = arith.shli %and3A_2276, %shift_left3A_2278 : vector<16xi32>
    %add3A_2280 = arith.addi %shift_left3A_2273, %shift_left3A_2279 : vector<16xi32>
    %shift_right_arithmetic3A_2281 = arith.constant 7 : i32
    %shift_right_arithmetic3A_2282 = vector.broadcast %shift_right_arithmetic3A_2281 : i32 to vector<16xi32>
    %shift_right_arithmetic3A_2283 = arith.shrsi %get3A_2267, %shift_right_arithmetic3A_2282 : vector<16xi32>
    %shift_left3A_2284 = arith.constant 10 : i32
    %shift_left3A_2285 = vector.broadcast %shift_left3A_2284 : i32 to vector<16xi32>
    %shift_left3A_2286 = arith.shli %shift_right_arithmetic3A_2283, %shift_left3A_2285 : vector<16xi32>
    %add3A_2287 = arith.addi %add3A_2280, %shift_left3A_2286 : vector<16xi32>
    %and3A_2288 = arith.constant 127 : i32
    %and3A_2289 = vector.broadcast %and3A_2288 : i32 to vector<16xi32>
    %and3A_2290 = arith.andi %get3A_2267, %and3A_2289 : vector<16xi32>
    %add3A_2291 = arith.addi %add3A_2287, %and3A_2290 : vector<16xi32>
    %swap3A_2292 = arith.constant 784 : index
    %swap3A_2293 = tpu.vector_load %arg9[%swap3A_2292] {strides = array<i32>} : memref<1024xi32, #tpu.memory_space<vmem>>, vector<16xi32>,
    tpu.vector_store %arg9[%swap3A_2292], %add3A_2291 {strides = array<i32>} : memref<1024xi32, #tpu.memory_space<vmem>>, vector<16xi32>,
    %get3A_2294 = arith.constant 6 : i32
    %get3A_2295 = arith.index_cast %get3A_2294 : i32 to index
    %get3A_2296 = arith.constant 32 : index
    %get3A_2297 = tpu.vector_load %arg8[%get3A_2295, %get3A_2296] {strides = array<i32>} : memref<8x144xi32, #tpu.memory_space<vmem>>, vector<16xi32>,
    %get3A_2298 = arith.constant 6 : i32
    %get3A_2299 = arith.index_cast %get3A_2298 : i32 to index
    %get3A_2300 = arith.constant 33 : index
    %get3A_2301 = tpu.vector_load %arg8[%get3A_2299, %get3A_2300] {strides = array<i32>} : memref<8x144xi32, #tpu.memory_space<vmem>>, vector<16xi32>,
    %shift_right_arithmetic3A_2302 = arith.constant 3 : i32
    %shift_right_arithmetic3A_2303 = vector.broadcast %shift_right_arithmetic3A_2302 : i32 to vector<16xi32>
    %shift_right_arithmetic3A_2304 = arith.shrsi %get3A_2297, %shift_right_arithmetic3A_2303 : vector<16xi32>
    %shift_left3A_2305 = arith.constant 15 : i32
    %shift_left3A_2306 = vector.broadcast %shift_left3A_2305 : i32 to vector<16xi32>
    %shift_left3A_2307 = arith.shli %shift_right_arithmetic3A_2304, %shift_left3A_2306 : vector<16xi32>
    %and3A_2308 = arith.constant 7 : i32
    %and3A_2309 = vector.broadcast %and3A_2308 : i32 to vector<16xi32>
    %and3A_2310 = arith.andi %get3A_2297, %and3A_2309 : vector<16xi32>
    %shift_left3A_2311 = arith.constant 7 : i32
    %shift_left3A_2312 = vector.broadcast %shift_left3A_2311 : i32 to vector<16xi32>
    %shift_left3A_2313 = arith.shli %and3A_2310, %shift_left3A_2312 : vector<16xi32>
    %add3A_2314 = arith.addi %shift_left3A_2307, %shift_left3A_2313 : vector<16xi32>
    %shift_right_arithmetic3A_2315 = arith.constant 7 : i32
    %shift_right_arithmetic3A_2316 = vector.broadcast %shift_right_arithmetic3A_2315 : i32 to vector<16xi32>
    %shift_right_arithmetic3A_2317 = arith.shrsi %get3A_2301, %shift_right_arithmetic3A_2316 : vector<16xi32>
    %shift_left3A_2318 = arith.constant 10 : i32
    %shift_left3A_2319 = vector.broadcast %shift_left3A_2318 : i32 to vector<16xi32>
    %shift_left3A_2320 = arith.shli %shift_right_arithmetic3A_2317, %shift_left3A_2319 : vector<16xi32>
    %add3A_2321 = arith.addi %add3A_2314, %shift_left3A_2320 : vector<16xi32>
    %and3A_2322 = arith.constant 127 : i32
    %and3A_2323 = vector.broadcast %and3A_2322 : i32 to vector<16xi32>
    %and3A_2324 = arith.andi %get3A_2301, %and3A_2323 : vector<16xi32>
    %add3A_2325 = arith.addi %add3A_2321, %and3A_2324 : vector<16xi32>
    %swap3A_2326 = arith.constant 800 : index
    %swap3A_2327 = tpu.vector_load %arg9[%swap3A_2326] {strides = array<i32>} : memref<1024xi32, #tpu.memory_space<vmem>>, vector<16xi32>,
    tpu.vector_store %arg9[%swap3A_2326], %add3A_2325 {strides = array<i32>} : memref<1024xi32, #tpu.memory_space<vmem>>, vector<16xi32>,
    %get3A_2328 = arith.constant 6 : i32
    %get3A_2329 = arith.index_cast %get3A_2328 : i32 to index
    %get3A_2330 = arith.constant 48 : index
    %get3A_2331 = tpu.vector_load %arg8[%get3A_2329, %get3A_2330] {strides = array<i32>} : memref<8x144xi32, #tpu.memory_space<vmem>>, vector<16xi32>,
    %get3A_2332 = arith.constant 6 : i32
    %get3A_2333 = arith.index_cast %get3A_2332 : i32 to index
    %get3A_2334 = arith.constant 49 : index
    %get3A_2335 = tpu.vector_load %arg8[%get3A_2333, %get3A_2334] {strides = array<i32>} : memref<8x144xi32, #tpu.memory_space<vmem>>, vector<16xi32>,
    %shift_right_arithmetic3A_2336 = arith.constant 3 : i32
    %shift_right_arithmetic3A_2337 = vector.broadcast %shift_right_arithmetic3A_2336 : i32 to vector<16xi32>
    %shift_right_arithmetic3A_2338 = arith.shrsi %get3A_2331, %shift_right_arithmetic3A_2337 : vector<16xi32>
    %shift_left3A_2339 = arith.constant 15 : i32
    %shift_left3A_2340 = vector.broadcast %shift_left3A_2339 : i32 to vector<16xi32>
    %shift_left3A_2341 = arith.shli %shift_right_arithmetic3A_2338, %shift_left3A_2340 : vector<16xi32>
    %and3A_2342 = arith.constant 7 : i32
    %and3A_2343 = vector.broadcast %and3A_2342 : i32 to vector<16xi32>
    %and3A_2344 = arith.andi %get3A_2331, %and3A_2343 : vector<16xi32>
    %shift_left3A_2345 = arith.constant 7 : i32
    %shift_left3A_2346 = vector.broadcast %shift_left3A_2345 : i32 to vector<16xi32>
    %shift_left3A_2347 = arith.shli %and3A_2344, %shift_left3A_2346 : vector<16xi32>
    %add3A_2348 = arith.addi %shift_left3A_2341, %shift_left3A_2347 : vector<16xi32>
    %shift_right_arithmetic3A_2349 = arith.constant 7 : i32
    %shift_right_arithmetic3A_2350 = vector.broadcast %shift_right_arithmetic3A_2349 : i32 to vector<16xi32>
    %shift_right_arithmetic3A_2351 = arith.shrsi %get3A_2335, %shift_right_arithmetic3A_2350 : vector<16xi32>
    %shift_left3A_2352 = arith.constant 10 : i32
    %shift_left3A_2353 = vector.broadcast %shift_left3A_2352 : i32 to vector<16xi32>
    %shift_left3A_2354 = arith.shli %shift_right_arithmetic3A_2351, %shift_left3A_2353 : vector<16xi32>
    %add3A_2355 = arith.addi %add3A_2348, %shift_left3A_2354 : vector<16xi32>
    %and3A_2356 = arith.constant 127 : i32
    %and3A_2357 = vector.broadcast %and3A_2356 : i32 to vector<16xi32>
    %and3A_2358 = arith.andi %get3A_2335, %and3A_2357 : vector<16xi32>
    %add3A_2359 = arith.addi %add3A_2355, %and3A_2358 : vector<16xi32>
    %swap3A_2360 = arith.constant 816 : index
    %swap3A_2361 = tpu.vector_load %arg9[%swap3A_2360] {strides = array<i32>} : memref<1024xi32, #tpu.memory_space<vmem>>, vector<16xi32>,
    tpu.vector_store %arg9[%swap3A_2360], %add3A_2359 {strides = array<i32>} : memref<1024xi32, #tpu.memory_space<vmem>>, vector<16xi32>,
    %get3A_2362 = arith.constant 6 : i32
    %get3A_2363 = arith.index_cast %get3A_2362 : i32 to index
    %get3A_2364 = arith.constant 64 : index
    %get3A_2365 = tpu.vector_load %arg8[%get3A_2363, %get3A_2364] {strides = array<i32>} : memref<8x144xi32, #tpu.memory_space<vmem>>, vector<16xi32>,
    %get3A_2366 = arith.constant 6 : i32
    %get3A_2367 = arith.index_cast %get3A_2366 : i32 to index
    %get3A_2368 = arith.constant 65 : index
    %get3A_2369 = tpu.vector_load %arg8[%get3A_2367, %get3A_2368] {strides = array<i32>} : memref<8x144xi32, #tpu.memory_space<vmem>>, vector<16xi32>,
    %shift_right_arithmetic3A_2370 = arith.constant 3 : i32
    %shift_right_arithmetic3A_2371 = vector.broadcast %shift_right_arithmetic3A_2370 : i32 to vector<16xi32>
    %shift_right_arithmetic3A_2372 = arith.shrsi %get3A_2365, %shift_right_arithmetic3A_2371 : vector<16xi32>
    %shift_left3A_2373 = arith.constant 15 : i32
    %shift_left3A_2374 = vector.broadcast %shift_left3A_2373 : i32 to vector<16xi32>
    %shift_left3A_2375 = arith.shli %shift_right_arithmetic3A_2372, %shift_left3A_2374 : vector<16xi32>
    %and3A_2376 = arith.constant 7 : i32
    %and3A_2377 = vector.broadcast %and3A_2376 : i32 to vector<16xi32>
    %and3A_2378 = arith.andi %get3A_2365, %and3A_2377 : vector<16xi32>
    %shift_left3A_2379 = arith.constant 7 : i32
    %shift_left3A_2380 = vector.broadcast %shift_left3A_2379 : i32 to vector<16xi32>
    %shift_left3A_2381 = arith.shli %and3A_2378, %shift_left3A_2380 : vector<16xi32>
    %add3A_2382 = arith.addi %shift_left3A_2375, %shift_left3A_2381 : vector<16xi32>
    %shift_right_arithmetic3A_2383 = arith.constant 7 : i32
    %shift_right_arithmetic3A_2384 = vector.broadcast %shift_right_arithmetic3A_2383 : i32 to vector<16xi32>
    %shift_right_arithmetic3A_2385 = arith.shrsi %get3A_2369, %shift_right_arithmetic3A_2384 : vector<16xi32>
    %shift_left3A_2386 = arith.constant 10 : i32
    %shift_left3A_2387 = vector.broadcast %shift_left3A_2386 : i32 to vector<16xi32>
    %shift_left3A_2388 = arith.shli %shift_right_arithmetic3A_2385, %shift_left3A_2387 : vector<16xi32>
    %add3A_2389 = arith.addi %add3A_2382, %shift_left3A_2388 : vector<16xi32>
    %and3A_2390 = arith.constant 127 : i32
    %and3A_2391 = vector.broadcast %and3A_2390 : i32 to vector<16xi32>
    %and3A_2392 = arith.andi %get3A_2369, %and3A_2391 : vector<16xi32>
    %add3A_2393 = arith.addi %add3A_2389, %and3A_2392 : vector<16xi32>
    %swap3A_2394 = arith.constant 832 : index
    %swap3A_2395 = tpu.vector_load %arg9[%swap3A_2394] {strides = array<i32>} : memref<1024xi32, #tpu.memory_space<vmem>>, vector<16xi32>,
    tpu.vector_store %arg9[%swap3A_2394], %add3A_2393 {strides = array<i32>} : memref<1024xi32, #tpu.memory_space<vmem>>, vector<16xi32>,
    %get3A_2396 = arith.constant 6 : i32
    %get3A_2397 = arith.index_cast %get3A_2396 : i32 to index
    %get3A_2398 = arith.constant 80 : index
    %get3A_2399 = tpu.vector_load %arg8[%get3A_2397, %get3A_2398] {strides = array<i32>} : memref<8x144xi32, #tpu.memory_space<vmem>>, vector<16xi32>,
    %get3A_2400 = arith.constant 6 : i32
    %get3A_2401 = arith.index_cast %get3A_2400 : i32 to index
    %get3A_2402 = arith.constant 81 : index
    %get3A_2403 = tpu.vector_load %arg8[%get3A_2401, %get3A_2402] {strides = array<i32>} : memref<8x144xi32, #tpu.memory_space<vmem>>, vector<16xi32>,
    %shift_right_arithmetic3A_2404 = arith.constant 3 : i32
    %shift_right_arithmetic3A_2405 = vector.broadcast %shift_right_arithmetic3A_2404 : i32 to vector<16xi32>
    %shift_right_arithmetic3A_2406 = arith.shrsi %get3A_2399, %shift_right_arithmetic3A_2405 : vector<16xi32>
    %shift_left3A_2407 = arith.constant 15 : i32
    %shift_left3A_2408 = vector.broadcast %shift_left3A_2407 : i32 to vector<16xi32>
    %shift_left3A_2409 = arith.shli %shift_right_arithmetic3A_2406, %shift_left3A_2408 : vector<16xi32>
    %and3A_2410 = arith.constant 7 : i32
    %and3A_2411 = vector.broadcast %and3A_2410 : i32 to vector<16xi32>
    %and3A_2412 = arith.andi %get3A_2399, %and3A_2411 : vector<16xi32>
    %shift_left3A_2413 = arith.constant 7 : i32
    %shift_left3A_2414 = vector.broadcast %shift_left3A_2413 : i32 to vector<16xi32>
    %shift_left3A_2415 = arith.shli %and3A_2412, %shift_left3A_2414 : vector<16xi32>
    %add3A_2416 = arith.addi %shift_left3A_2409, %shift_left3A_2415 : vector<16xi32>
    %shift_right_arithmetic3A_2417 = arith.constant 7 : i32
    %shift_right_arithmetic3A_2418 = vector.broadcast %shift_right_arithmetic3A_2417 : i32 to vector<16xi32>
    %shift_right_arithmetic3A_2419 = arith.shrsi %get3A_2403, %shift_right_arithmetic3A_2418 : vector<16xi32>
    %shift_left3A_2420 = arith.constant 10 : i32
    %shift_left3A_2421 = vector.broadcast %shift_left3A_2420 : i32 to vector<16xi32>
    %shift_left3A_2422 = arith.shli %shift_right_arithmetic3A_2419, %shift_left3A_2421 : vector<16xi32>
    %add3A_2423 = arith.addi %add3A_2416, %shift_left3A_2422 : vector<16xi32>
    %and3A_2424 = arith.constant 127 : i32
    %and3A_2425 = vector.broadcast %and3A_2424 : i32 to vector<16xi32>
    %and3A_2426 = arith.andi %get3A_2403, %and3A_2425 : vector<16xi32>
    %add3A_2427 = arith.addi %add3A_2423, %and3A_2426 : vector<16xi32>
    %swap3A_2428 = arith.constant 848 : index
    %swap3A_2429 = tpu.vector_load %arg9[%swap3A_2428] {strides = array<i32>} : memref<1024xi32, #tpu.memory_space<vmem>>, vector<16xi32>,
    tpu.vector_store %arg9[%swap3A_2428], %add3A_2427 {strides = array<i32>} : memref<1024xi32, #tpu.memory_space<vmem>>, vector<16xi32>,
    %get3A_2430 = arith.constant 6 : i32
    %get3A_2431 = arith.index_cast %get3A_2430 : i32 to index
    %get3A_2432 = arith.constant 96 : index
    %get3A_2433 = tpu.vector_load %arg8[%get3A_2431, %get3A_2432] {strides = array<i32>} : memref<8x144xi32, #tpu.memory_space<vmem>>, vector<16xi32>,
    %get3A_2434 = arith.constant 6 : i32
    %get3A_2435 = arith.index_cast %get3A_2434 : i32 to index
    %get3A_2436 = arith.constant 97 : index
    %get3A_2437 = tpu.vector_load %arg8[%get3A_2435, %get3A_2436] {strides = array<i32>} : memref<8x144xi32, #tpu.memory_space<vmem>>, vector<16xi32>,
    %shift_right_arithmetic3A_2438 = arith.constant 3 : i32
    %shift_right_arithmetic3A_2439 = vector.broadcast %shift_right_arithmetic3A_2438 : i32 to vector<16xi32>
    %shift_right_arithmetic3A_2440 = arith.shrsi %get3A_2433, %shift_right_arithmetic3A_2439 : vector<16xi32>
    %shift_left3A_2441 = arith.constant 15 : i32
    %shift_left3A_2442 = vector.broadcast %shift_left3A_2441 : i32 to vector<16xi32>
    %shift_left3A_2443 = arith.shli %shift_right_arithmetic3A_2440, %shift_left3A_2442 : vector<16xi32>
    %and3A_2444 = arith.constant 7 : i32
    %and3A_2445 = vector.broadcast %and3A_2444 : i32 to vector<16xi32>
    %and3A_2446 = arith.andi %get3A_2433, %and3A_2445 : vector<16xi32>
    %shift_left3A_2447 = arith.constant 7 : i32
    %shift_left3A_2448 = vector.broadcast %shift_left3A_2447 : i32 to vector<16xi32>
    %shift_left3A_2449 = arith.shli %and3A_2446, %shift_left3A_2448 : vector<16xi32>
    %add3A_2450 = arith.addi %shift_left3A_2443, %shift_left3A_2449 : vector<16xi32>
    %shift_right_arithmetic3A_2451 = arith.constant 7 : i32
    %shift_right_arithmetic3A_2452 = vector.broadcast %shift_right_arithmetic3A_2451 : i32 to vector<16xi32>
    %shift_right_arithmetic3A_2453 = arith.shrsi %get3A_2437, %shift_right_arithmetic3A_2452 : vector<16xi32>
    %shift_left3A_2454 = arith.constant 10 : i32
    %shift_left3A_2455 = vector.broadcast %shift_left3A_2454 : i32 to vector<16xi32>
    %shift_left3A_2456 = arith.shli %shift_right_arithmetic3A_2453, %shift_left3A_2455 : vector<16xi32>
    %add3A_2457 = arith.addi %add3A_2450, %shift_left3A_2456 : vector<16xi32>
    %and3A_2458 = arith.constant 127 : i32
    %and3A_2459 = vector.broadcast %and3A_2458 : i32 to vector<16xi32>
    %and3A_2460 = arith.andi %get3A_2437, %and3A_2459 : vector<16xi32>
    %add3A_2461 = arith.addi %add3A_2457, %and3A_2460 : vector<16xi32>
    %swap3A_2462 = arith.constant 864 : index
    %swap3A_2463 = tpu.vector_load %arg9[%swap3A_2462] {strides = array<i32>} : memref<1024xi32, #tpu.memory_space<vmem>>, vector<16xi32>,
    tpu.vector_store %arg9[%swap3A_2462], %add3A_2461 {strides = array<i32>} : memref<1024xi32, #tpu.memory_space<vmem>>, vector<16xi32>,
    %get3A_2464 = arith.constant 6 : i32
    %get3A_2465 = arith.index_cast %get3A_2464 : i32 to index
    %get3A_2466 = arith.constant 112 : index
    %get3A_2467 = tpu.vector_load %arg8[%get3A_2465, %get3A_2466] {strides = array<i32>} : memref<8x144xi32, #tpu.memory_space<vmem>>, vector<16xi32>,
    %get3A_2468 = arith.constant 6 : i32
    %get3A_2469 = arith.index_cast %get3A_2468 : i32 to index
    %get3A_2470 = arith.constant 113 : index
    %get3A_2471 = tpu.vector_load %arg8[%get3A_2469, %get3A_2470] {strides = array<i32>} : memref<8x144xi32, #tpu.memory_space<vmem>>, vector<16xi32>,
    %shift_right_arithmetic3A_2472 = arith.constant 3 : i32
    %shift_right_arithmetic3A_2473 = vector.broadcast %shift_right_arithmetic3A_2472 : i32 to vector<16xi32>
    %shift_right_arithmetic3A_2474 = arith.shrsi %get3A_2467, %shift_right_arithmetic3A_2473 : vector<16xi32>
    %shift_left3A_2475 = arith.constant 15 : i32
    %shift_left3A_2476 = vector.broadcast %shift_left3A_2475 : i32 to vector<16xi32>
    %shift_left3A_2477 = arith.shli %shift_right_arithmetic3A_2474, %shift_left3A_2476 : vector<16xi32>
    %and3A_2478 = arith.constant 7 : i32
    %and3A_2479 = vector.broadcast %and3A_2478 : i32 to vector<16xi32>
    %and3A_2480 = arith.andi %get3A_2467, %and3A_2479 : vector<16xi32>
    %shift_left3A_2481 = arith.constant 7 : i32
    %shift_left3A_2482 = vector.broadcast %shift_left3A_2481 : i32 to vector<16xi32>
    %shift_left3A_2483 = arith.shli %and3A_2480, %shift_left3A_2482 : vector<16xi32>
    %add3A_2484 = arith.addi %shift_left3A_2477, %shift_left3A_2483 : vector<16xi32>
    %shift_right_arithmetic3A_2485 = arith.constant 7 : i32
    %shift_right_arithmetic3A_2486 = vector.broadcast %shift_right_arithmetic3A_2485 : i32 to vector<16xi32>
    %shift_right_arithmetic3A_2487 = arith.shrsi %get3A_2471, %shift_right_arithmetic3A_2486 : vector<16xi32>
    %shift_left3A_2488 = arith.constant 10 : i32
    %shift_left3A_2489 = vector.broadcast %shift_left3A_2488 : i32 to vector<16xi32>
    %shift_left3A_2490 = arith.shli %shift_right_arithmetic3A_2487, %shift_left3A_2489 : vector<16xi32>
    %add3A_2491 = arith.addi %add3A_2484, %shift_left3A_2490 : vector<16xi32>
    %and3A_2492 = arith.constant 127 : i32
    %and3A_2493 = vector.broadcast %and3A_2492 : i32 to vector<16xi32>
    %and3A_2494 = arith.andi %get3A_2471, %and3A_2493 : vector<16xi32>
    %add3A_2495 = arith.addi %add3A_2491, %and3A_2494 : vector<16xi32>
    %swap3A_2496 = arith.constant 880 : index
    %swap3A_2497 = tpu.vector_load %arg9[%swap3A_2496] {strides = array<i32>} : memref<1024xi32, #tpu.memory_space<vmem>>, vector<16xi32>,
    tpu.vector_store %arg9[%swap3A_2496], %add3A_2495 {strides = array<i32>} : memref<1024xi32, #tpu.memory_space<vmem>>, vector<16xi32>,
    %swap3A_2498 = arith.constant 7 : i32
    %swap3A_2499 = arith.index_cast %swap3A_2498 : i32 to index
    %swap3A_2500 = arith.constant 128 : index
    %swap3A_2501 = tpu.vector_load %arg8[%swap3A_2499, %swap3A_2500] {strides = array<i32>} : memref<8x144xi32, #tpu.memory_space<vmem>>, vector<16xi32>,
    tpu.vector_store %arg8[%swap3A_2499, %swap3A_2500], %broadcast_in_dim3A_566 {strides = array<i32>} : memref<8x144xi32, #tpu.memory_space<vmem>>, vector<16xi32>,
    %get3A_2502 = arith.constant 7 : i32
    %get3A_2503 = arith.index_cast %get3A_2502 : i32 to index
    %get3A_2504 = arith.constant 0 : index
    %get3A_2505 = tpu.vector_load %arg8[%get3A_2503, %get3A_2504] {strides = array<i32>} : memref<8x144xi32, #tpu.memory_space<vmem>>, vector<16xi32>,
    %get3A_2506 = arith.constant 7 : i32
    %get3A_2507 = arith.index_cast %get3A_2506 : i32 to index
    %get3A_2508 = arith.constant 1 : index
    %get3A_2509 = tpu.vector_load %arg8[%get3A_2507, %get3A_2508] {strides = array<i32>} : memref<8x144xi32, #tpu.memory_space<vmem>>, vector<16xi32>,
    %shift_right_arithmetic3A_2510 = arith.constant 3 : i32
    %shift_right_arithmetic3A_2511 = vector.broadcast %shift_right_arithmetic3A_2510 : i32 to vector<16xi32>
    %shift_right_arithmetic3A_2512 = arith.shrsi %get3A_2505, %shift_right_arithmetic3A_2511 : vector<16xi32>
    %shift_left3A_2513 = arith.constant 15 : i32
    %shift_left3A_2514 = vector.broadcast %shift_left3A_2513 : i32 to vector<16xi32>
    %shift_left3A_2515 = arith.shli %shift_right_arithmetic3A_2512, %shift_left3A_2514 : vector<16xi32>
    %and3A_2516 = arith.constant 7 : i32
    %and3A_2517 = vector.broadcast %and3A_2516 : i32 to vector<16xi32>
    %and3A_2518 = arith.andi %get3A_2505, %and3A_2517 : vector<16xi32>
    %shift_left3A_2519 = arith.constant 7 : i32
    %shift_left3A_2520 = vector.broadcast %shift_left3A_2519 : i32 to vector<16xi32>
    %shift_left3A_2521 = arith.shli %and3A_2518, %shift_left3A_2520 : vector<16xi32>
    %add3A_2522 = arith.addi %shift_left3A_2515, %shift_left3A_2521 : vector<16xi32>
    %shift_right_arithmetic3A_2523 = arith.constant 7 : i32
    %shift_right_arithmetic3A_2524 = vector.broadcast %shift_right_arithmetic3A_2523 : i32 to vector<16xi32>
    %shift_right_arithmetic3A_2525 = arith.shrsi %get3A_2509, %shift_right_arithmetic3A_2524 : vector<16xi32>
    %shift_left3A_2526 = arith.constant 10 : i32
    %shift_left3A_2527 = vector.broadcast %shift_left3A_2526 : i32 to vector<16xi32>
    %shift_left3A_2528 = arith.shli %shift_right_arithmetic3A_2525, %shift_left3A_2527 : vector<16xi32>
    %add3A_2529 = arith.addi %add3A_2522, %shift_left3A_2528 : vector<16xi32>
    %and3A_2530 = arith.constant 127 : i32
    %and3A_2531 = vector.broadcast %and3A_2530 : i32 to vector<16xi32>
    %and3A_2532 = arith.andi %get3A_2509, %and3A_2531 : vector<16xi32>
    %add3A_2533 = arith.addi %add3A_2529, %and3A_2532 : vector<16xi32>
    %swap3A_2534 = arith.constant 896 : index
    %swap3A_2535 = tpu.vector_load %arg9[%swap3A_2534] {strides = array<i32>} : memref<1024xi32, #tpu.memory_space<vmem>>, vector<16xi32>,
    tpu.vector_store %arg9[%swap3A_2534], %add3A_2533 {strides = array<i32>} : memref<1024xi32, #tpu.memory_space<vmem>>, vector<16xi32>,
    %get3A_2536 = arith.constant 7 : i32
    %get3A_2537 = arith.index_cast %get3A_2536 : i32 to index
    %get3A_2538 = arith.constant 16 : index
    %get3A_2539 = tpu.vector_load %arg8[%get3A_2537, %get3A_2538] {strides = array<i32>} : memref<8x144xi32, #tpu.memory_space<vmem>>, vector<16xi32>,
    %get3A_2540 = arith.constant 7 : i32
    %get3A_2541 = arith.index_cast %get3A_2540 : i32 to index
    %get3A_2542 = arith.constant 17 : index
    %get3A_2543 = tpu.vector_load %arg8[%get3A_2541, %get3A_2542] {strides = array<i32>} : memref<8x144xi32, #tpu.memory_space<vmem>>, vector<16xi32>,
    %shift_right_arithmetic3A_2544 = arith.constant 3 : i32
    %shift_right_arithmetic3A_2545 = vector.broadcast %shift_right_arithmetic3A_2544 : i32 to vector<16xi32>
    %shift_right_arithmetic3A_2546 = arith.shrsi %get3A_2539, %shift_right_arithmetic3A_2545 : vector<16xi32>
    %shift_left3A_2547 = arith.constant 15 : i32
    %shift_left3A_2548 = vector.broadcast %shift_left3A_2547 : i32 to vector<16xi32>
    %shift_left3A_2549 = arith.shli %shift_right_arithmetic3A_2546, %shift_left3A_2548 : vector<16xi32>
    %and3A_2550 = arith.constant 7 : i32
    %and3A_2551 = vector.broadcast %and3A_2550 : i32 to vector<16xi32>
    %and3A_2552 = arith.andi %get3A_2539, %and3A_2551 : vector<16xi32>
    %shift_left3A_2553 = arith.constant 7 : i32
    %shift_left3A_2554 = vector.broadcast %shift_left3A_2553 : i32 to vector<16xi32>
    %shift_left3A_2555 = arith.shli %and3A_2552, %shift_left3A_2554 : vector<16xi32>
    %add3A_2556 = arith.addi %shift_left3A_2549, %shift_left3A_2555 : vector<16xi32>
    %shift_right_arithmetic3A_2557 = arith.constant 7 : i32
    %shift_right_arithmetic3A_2558 = vector.broadcast %shift_right_arithmetic3A_2557 : i32 to vector<16xi32>
    %shift_right_arithmetic3A_2559 = arith.shrsi %get3A_2543, %shift_right_arithmetic3A_2558 : vector<16xi32>
    %shift_left3A_2560 = arith.constant 10 : i32
    %shift_left3A_2561 = vector.broadcast %shift_left3A_2560 : i32 to vector<16xi32>
    %shift_left3A_2562 = arith.shli %shift_right_arithmetic3A_2559, %shift_left3A_2561 : vector<16xi32>
    %add3A_2563 = arith.addi %add3A_2556, %shift_left3A_2562 : vector<16xi32>
    %and3A_2564 = arith.constant 127 : i32
    %and3A_2565 = vector.broadcast %and3A_2564 : i32 to vector<16xi32>
    %and3A_2566 = arith.andi %get3A_2543, %and3A_2565 : vector<16xi32>
    %add3A_2567 = arith.addi %add3A_2563, %and3A_2566 : vector<16xi32>
    %swap3A_2568 = arith.constant 912 : index
    %swap3A_2569 = tpu.vector_load %arg9[%swap3A_2568] {strides = array<i32>} : memref<1024xi32, #tpu.memory_space<vmem>>, vector<16xi32>,
    tpu.vector_store %arg9[%swap3A_2568], %add3A_2567 {strides = array<i32>} : memref<1024xi32, #tpu.memory_space<vmem>>, vector<16xi32>,
    %get3A_2570 = arith.constant 7 : i32
    %get3A_2571 = arith.index_cast %get3A_2570 : i32 to index
    %get3A_2572 = arith.constant 32 : index
    %get3A_2573 = tpu.vector_load %arg8[%get3A_2571, %get3A_2572] {strides = array<i32>} : memref<8x144xi32, #tpu.memory_space<vmem>>, vector<16xi32>,
    %get3A_2574 = arith.constant 7 : i32
    %get3A_2575 = arith.index_cast %get3A_2574 : i32 to index
    %get3A_2576 = arith.constant 33 : index
    %get3A_2577 = tpu.vector_load %arg8[%get3A_2575, %get3A_2576] {strides = array<i32>} : memref<8x144xi32, #tpu.memory_space<vmem>>, vector<16xi32>,
    %shift_right_arithmetic3A_2578 = arith.constant 3 : i32
    %shift_right_arithmetic3A_2579 = vector.broadcast %shift_right_arithmetic3A_2578 : i32 to vector<16xi32>
    %shift_right_arithmetic3A_2580 = arith.shrsi %get3A_2573, %shift_right_arithmetic3A_2579 : vector<16xi32>
    %shift_left3A_2581 = arith.constant 15 : i32
    %shift_left3A_2582 = vector.broadcast %shift_left3A_2581 : i32 to vector<16xi32>
    %shift_left3A_2583 = arith.shli %shift_right_arithmetic3A_2580, %shift_left3A_2582 : vector<16xi32>
    %and3A_2584 = arith.constant 7 : i32
    %and3A_2585 = vector.broadcast %and3A_2584 : i32 to vector<16xi32>
    %and3A_2586 = arith.andi %get3A_2573, %and3A_2585 : vector<16xi32>
    %shift_left3A_2587 = arith.constant 7 : i32
    %shift_left3A_2588 = vector.broadcast %shift_left3A_2587 : i32 to vector<16xi32>
    %shift_left3A_2589 = arith.shli %and3A_2586, %shift_left3A_2588 : vector<16xi32>
    %add3A_2590 = arith.addi %shift_left3A_2583, %shift_left3A_2589 : vector<16xi32>
    %shift_right_arithmetic3A_2591 = arith.constant 7 : i32
    %shift_right_arithmetic3A_2592 = vector.broadcast %shift_right_arithmetic3A_2591 : i32 to vector<16xi32>
    %shift_right_arithmetic3A_2593 = arith.shrsi %get3A_2577, %shift_right_arithmetic3A_2592 : vector<16xi32>
    %shift_left3A_2594 = arith.constant 10 : i32
    %shift_left3A_2595 = vector.broadcast %shift_left3A_2594 : i32 to vector<16xi32>
    %shift_left3A_2596 = arith.shli %shift_right_arithmetic3A_2593, %shift_left3A_2595 : vector<16xi32>
    %add3A_2597 = arith.addi %add3A_2590, %shift_left3A_2596 : vector<16xi32>
    %and3A_2598 = arith.constant 127 : i32
    %and3A_2599 = vector.broadcast %and3A_2598 : i32 to vector<16xi32>
    %and3A_2600 = arith.andi %get3A_2577, %and3A_2599 : vector<16xi32>
    %add3A_2601 = arith.addi %add3A_2597, %and3A_2600 : vector<16xi32>
    %swap3A_2602 = arith.constant 928 : index
    %swap3A_2603 = tpu.vector_load %arg9[%swap3A_2602] {strides = array<i32>} : memref<1024xi32, #tpu.memory_space<vmem>>, vector<16xi32>,
    tpu.vector_store %arg9[%swap3A_2602], %add3A_2601 {strides = array<i32>} : memref<1024xi32, #tpu.memory_space<vmem>>, vector<16xi32>,
    %get3A_2604 = arith.constant 7 : i32
    %get3A_2605 = arith.index_cast %get3A_2604 : i32 to index
    %get3A_2606 = arith.constant 48 : index
    %get3A_2607 = tpu.vector_load %arg8[%get3A_2605, %get3A_2606] {strides = array<i32>} : memref<8x144xi32, #tpu.memory_space<vmem>>, vector<16xi32>,
    %get3A_2608 = arith.constant 7 : i32
    %get3A_2609 = arith.index_cast %get3A_2608 : i32 to index
    %get3A_2610 = arith.constant 49 : index
    %get3A_2611 = tpu.vector_load %arg8[%get3A_2609, %get3A_2610] {strides = array<i32>} : memref<8x144xi32, #tpu.memory_space<vmem>>, vector<16xi32>,
    %shift_right_arithmetic3A_2612 = arith.constant 3 : i32
    %shift_right_arithmetic3A_2613 = vector.broadcast %shift_right_arithmetic3A_2612 : i32 to vector<16xi32>
    %shift_right_arithmetic3A_2614 = arith.shrsi %get3A_2607, %shift_right_arithmetic3A_2613 : vector<16xi32>
    %shift_left3A_2615 = arith.constant 15 : i32
    %shift_left3A_2616 = vector.broadcast %shift_left3A_2615 : i32 to vector<16xi32>
    %shift_left3A_2617 = arith.shli %shift_right_arithmetic3A_2614, %shift_left3A_2616 : vector<16xi32>
    %and3A_2618 = arith.constant 7 : i32
    %and3A_2619 = vector.broadcast %and3A_2618 : i32 to vector<16xi32>
    %and3A_2620 = arith.andi %get3A_2607, %and3A_2619 : vector<16xi32>
    %shift_left3A_2621 = arith.constant 7 : i32
    %shift_left3A_2622 = vector.broadcast %shift_left3A_2621 : i32 to vector<16xi32>
    %shift_left3A_2623 = arith.shli %and3A_2620, %shift_left3A_2622 : vector<16xi32>
    %add3A_2624 = arith.addi %shift_left3A_2617, %shift_left3A_2623 : vector<16xi32>
    %shift_right_arithmetic3A_2625 = arith.constant 7 : i32
    %shift_right_arithmetic3A_2626 = vector.broadcast %shift_right_arithmetic3A_2625 : i32 to vector<16xi32>
    %shift_right_arithmetic3A_2627 = arith.shrsi %get3A_2611, %shift_right_arithmetic3A_2626 : vector<16xi32>
    %shift_left3A_2628 = arith.constant 10 : i32
    %shift_left3A_2629 = vector.broadcast %shift_left3A_2628 : i32 to vector<16xi32>
    %shift_left3A_2630 = arith.shli %shift_right_arithmetic3A_2627, %shift_left3A_2629 : vector<16xi32>
    %add3A_2631 = arith.addi %add3A_2624, %shift_left3A_2630 : vector<16xi32>
    %and3A_2632 = arith.constant 127 : i32
    %and3A_2633 = vector.broadcast %and3A_2632 : i32 to vector<16xi32>
    %and3A_2634 = arith.andi %get3A_2611, %and3A_2633 : vector<16xi32>
    %add3A_2635 = arith.addi %add3A_2631, %and3A_2634 : vector<16xi32>
    %swap3A_2636 = arith.constant 944 : index
    %swap3A_2637 = tpu.vector_load %arg9[%swap3A_2636] {strides = array<i32>} : memref<1024xi32, #tpu.memory_space<vmem>>, vector<16xi32>,
    tpu.vector_store %arg9[%swap3A_2636], %add3A_2635 {strides = array<i32>} : memref<1024xi32, #tpu.memory_space<vmem>>, vector<16xi32>,
    %get3A_2638 = arith.constant 7 : i32
    %get3A_2639 = arith.index_cast %get3A_2638 : i32 to index
    %get3A_2640 = arith.constant 64 : index
    %get3A_2641 = tpu.vector_load %arg8[%get3A_2639, %get3A_2640] {strides = array<i32>} : memref<8x144xi32, #tpu.memory_space<vmem>>, vector<16xi32>,
    %get3A_2642 = arith.constant 7 : i32
    %get3A_2643 = arith.index_cast %get3A_2642 : i32 to index
    %get3A_2644 = arith.constant 65 : index
    %get3A_2645 = tpu.vector_load %arg8[%get3A_2643, %get3A_2644] {strides = array<i32>} : memref<8x144xi32, #tpu.memory_space<vmem>>, vector<16xi32>,
    %shift_right_arithmetic3A_2646 = arith.constant 3 : i32
    %shift_right_arithmetic3A_2647 = vector.broadcast %shift_right_arithmetic3A_2646 : i32 to vector<16xi32>
    %shift_right_arithmetic3A_2648 = arith.shrsi %get3A_2641, %shift_right_arithmetic3A_2647 : vector<16xi32>
    %shift_left3A_2649 = arith.constant 15 : i32
    %shift_left3A_2650 = vector.broadcast %shift_left3A_2649 : i32 to vector<16xi32>
    %shift_left3A_2651 = arith.shli %shift_right_arithmetic3A_2648, %shift_left3A_2650 : vector<16xi32>
    %and3A_2652 = arith.constant 7 : i32
    %and3A_2653 = vector.broadcast %and3A_2652 : i32 to vector<16xi32>
    %and3A_2654 = arith.andi %get3A_2641, %and3A_2653 : vector<16xi32>
    %shift_left3A_2655 = arith.constant 7 : i32
    %shift_left3A_2656 = vector.broadcast %shift_left3A_2655 : i32 to vector<16xi32>
    %shift_left3A_2657 = arith.shli %and3A_2654, %shift_left3A_2656 : vector<16xi32>
    %add3A_2658 = arith.addi %shift_left3A_2651, %shift_left3A_2657 : vector<16xi32>
    %shift_right_arithmetic3A_2659 = arith.constant 7 : i32
    %shift_right_arithmetic3A_2660 = vector.broadcast %shift_right_arithmetic3A_2659 : i32 to vector<16xi32>
    %shift_right_arithmetic3A_2661 = arith.shrsi %get3A_2645, %shift_right_arithmetic3A_2660 : vector<16xi32>
    %shift_left3A_2662 = arith.constant 10 : i32
    %shift_left3A_2663 = vector.broadcast %shift_left3A_2662 : i32 to vector<16xi32>
    %shift_left3A_2664 = arith.shli %shift_right_arithmetic3A_2661, %shift_left3A_2663 : vector<16xi32>
    %add3A_2665 = arith.addi %add3A_2658, %shift_left3A_2664 : vector<16xi32>
    %and3A_2666 = arith.constant 127 : i32
    %and3A_2667 = vector.broadcast %and3A_2666 : i32 to vector<16xi32>
    %and3A_2668 = arith.andi %get3A_2645, %and3A_2667 : vector<16xi32>
    %add3A_2669 = arith.addi %add3A_2665, %and3A_2668 : vector<16xi32>
    %swap3A_2670 = arith.constant 960 : index
    %swap3A_2671 = tpu.vector_load %arg9[%swap3A_2670] {strides = array<i32>} : memref<1024xi32, #tpu.memory_space<vmem>>, vector<16xi32>,
    tpu.vector_store %arg9[%swap3A_2670], %add3A_2669 {strides = array<i32>} : memref<1024xi32, #tpu.memory_space<vmem>>, vector<16xi32>,
    %get3A_2672 = arith.constant 7 : i32
    %get3A_2673 = arith.index_cast %get3A_2672 : i32 to index
    %get3A_2674 = arith.constant 80 : index
    %get3A_2675 = tpu.vector_load %arg8[%get3A_2673, %get3A_2674] {strides = array<i32>} : memref<8x144xi32, #tpu.memory_space<vmem>>, vector<16xi32>,
    %get3A_2676 = arith.constant 7 : i32
    %get3A_2677 = arith.index_cast %get3A_2676 : i32 to index
    %get3A_2678 = arith.constant 81 : index
    %get3A_2679 = tpu.vector_load %arg8[%get3A_2677, %get3A_2678] {strides = array<i32>} : memref<8x144xi32, #tpu.memory_space<vmem>>, vector<16xi32>,
    %shift_right_arithmetic3A_2680 = arith.constant 3 : i32
    %shift_right_arithmetic3A_2681 = vector.broadcast %shift_right_arithmetic3A_2680 : i32 to vector<16xi32>
    %shift_right_arithmetic3A_2682 = arith.shrsi %get3A_2675, %shift_right_arithmetic3A_2681 : vector<16xi32>
    %shift_left3A_2683 = arith.constant 15 : i32
    %shift_left3A_2684 = vector.broadcast %shift_left3A_2683 : i32 to vector<16xi32>
    %shift_left3A_2685 = arith.shli %shift_right_arithmetic3A_2682, %shift_left3A_2684 : vector<16xi32>
    %and3A_2686 = arith.constant 7 : i32
    %and3A_2687 = vector.broadcast %and3A_2686 : i32 to vector<16xi32>
    %and3A_2688 = arith.andi %get3A_2675, %and3A_2687 : vector<16xi32>
    %shift_left3A_2689 = arith.constant 7 : i32
    %shift_left3A_2690 = vector.broadcast %shift_left3A_2689 : i32 to vector<16xi32>
    %shift_left3A_2691 = arith.shli %and3A_2688, %shift_left3A_2690 : vector<16xi32>
    %add3A_2692 = arith.addi %shift_left3A_2685, %shift_left3A_2691 : vector<16xi32>
    %shift_right_arithmetic3A_2693 = arith.constant 7 : i32
    %shift_right_arithmetic3A_2694 = vector.broadcast %shift_right_arithmetic3A_2693 : i32 to vector<16xi32>
    %shift_right_arithmetic3A_2695 = arith.shrsi %get3A_2679, %shift_right_arithmetic3A_2694 : vector<16xi32>
    %shift_left3A_2696 = arith.constant 10 : i32
    %shift_left3A_2697 = vector.broadcast %shift_left3A_2696 : i32 to vector<16xi32>
    %shift_left3A_2698 = arith.shli %shift_right_arithmetic3A_2695, %shift_left3A_2697 : vector<16xi32>
    %add3A_2699 = arith.addi %add3A_2692, %shift_left3A_2698 : vector<16xi32>
    %and3A_2700 = arith.constant 127 : i32
    %and3A_2701 = vector.broadcast %and3A_2700 : i32 to vector<16xi32>
    %and3A_2702 = arith.andi %get3A_2679, %and3A_2701 : vector<16xi32>
    %add3A_2703 = arith.addi %add3A_2699, %and3A_2702 : vector<16xi32>
    %swap3A_2704 = arith.constant 976 : index
    %swap3A_2705 = tpu.vector_load %arg9[%swap3A_2704] {strides = array<i32>} : memref<1024xi32, #tpu.memory_space<vmem>>, vector<16xi32>,
    tpu.vector_store %arg9[%swap3A_2704], %add3A_2703 {strides = array<i32>} : memref<1024xi32, #tpu.memory_space<vmem>>, vector<16xi32>,
    %get3A_2706 = arith.constant 7 : i32
    %get3A_2707 = arith.index_cast %get3A_2706 : i32 to index
    %get3A_2708 = arith.constant 96 : index
    %get3A_2709 = tpu.vector_load %arg8[%get3A_2707, %get3A_2708] {strides = array<i32>} : memref<8x144xi32, #tpu.memory_space<vmem>>, vector<16xi32>,
    %get3A_2710 = arith.constant 7 : i32
    %get3A_2711 = arith.index_cast %get3A_2710 : i32 to index
    %get3A_2712 = arith.constant 97 : index
    %get3A_2713 = tpu.vector_load %arg8[%get3A_2711, %get3A_2712] {strides = array<i32>} : memref<8x144xi32, #tpu.memory_space<vmem>>, vector<16xi32>,
    %shift_right_arithmetic3A_2714 = arith.constant 3 : i32
    %shift_right_arithmetic3A_2715 = vector.broadcast %shift_right_arithmetic3A_2714 : i32 to vector<16xi32>
    %shift_right_arithmetic3A_2716 = arith.shrsi %get3A_2709, %shift_right_arithmetic3A_2715 : vector<16xi32>
    %shift_left3A_2717 = arith.constant 15 : i32
    %shift_left3A_2718 = vector.broadcast %shift_left3A_2717 : i32 to vector<16xi32>
    %shift_left3A_2719 = arith.shli %shift_right_arithmetic3A_2716, %shift_left3A_2718 : vector<16xi32>
    %and3A_2720 = arith.constant 7 : i32
    %and3A_2721 = vector.broadcast %and3A_2720 : i32 to vector<16xi32>
    %and3A_2722 = arith.andi %get3A_2709, %and3A_2721 : vector<16xi32>
    %shift_left3A_2723 = arith.constant 7 : i32
    %shift_left3A_2724 = vector.broadcast %shift_left3A_2723 : i32 to vector<16xi32>
    %shift_left3A_2725 = arith.shli %and3A_2722, %shift_left3A_2724 : vector<16xi32>
    %add3A_2726 = arith.addi %shift_left3A_2719, %shift_left3A_2725 : vector<16xi32>
    %shift_right_arithmetic3A_2727 = arith.constant 7 : i32
    %shift_right_arithmetic3A_2728 = vector.broadcast %shift_right_arithmetic3A_2727 : i32 to vector<16xi32>
    %shift_right_arithmetic3A_2729 = arith.shrsi %get3A_2713, %shift_right_arithmetic3A_2728 : vector<16xi32>
    %shift_left3A_2730 = arith.constant 10 : i32
    %shift_left3A_2731 = vector.broadcast %shift_left3A_2730 : i32 to vector<16xi32>
    %shift_left3A_2732 = arith.shli %shift_right_arithmetic3A_2729, %shift_left3A_2731 : vector<16xi32>
    %add3A_2733 = arith.addi %add3A_2726, %shift_left3A_2732 : vector<16xi32>
    %and3A_2734 = arith.constant 127 : i32
    %and3A_2735 = vector.broadcast %and3A_2734 : i32 to vector<16xi32>
    %and3A_2736 = arith.andi %get3A_2713, %and3A_2735 : vector<16xi32>
    %add3A_2737 = arith.addi %add3A_2733, %and3A_2736 : vector<16xi32>
    %swap3A_2738 = arith.constant 992 : index
    %swap3A_2739 = tpu.vector_load %arg9[%swap3A_2738] {strides = array<i32>} : memref<1024xi32, #tpu.memory_space<vmem>>, vector<16xi32>,
    tpu.vector_store %arg9[%swap3A_2738], %add3A_2737 {strides = array<i32>} : memref<1024xi32, #tpu.memory_space<vmem>>, vector<16xi32>,
    %get3A_2740 = arith.constant 7 : i32
    %get3A_2741 = arith.index_cast %get3A_2740 : i32 to index
    %get3A_2742 = arith.constant 112 : index
    %get3A_2743 = tpu.vector_load %arg8[%get3A_2741, %get3A_2742] {strides = array<i32>} : memref<8x144xi32, #tpu.memory_space<vmem>>, vector<16xi32>,
    %get3A_2744 = arith.constant 7 : i32
    %get3A_2745 = arith.index_cast %get3A_2744 : i32 to index
    %get3A_2746 = arith.constant 113 : index
    %get3A_2747 = tpu.vector_load %arg8[%get3A_2745, %get3A_2746] {strides = array<i32>} : memref<8x144xi32, #tpu.memory_space<vmem>>, vector<16xi32>,
    %shift_right_arithmetic3A_2748 = arith.constant 3 : i32
    %shift_right_arithmetic3A_2749 = vector.broadcast %shift_right_arithmetic3A_2748 : i32 to vector<16xi32>
    %shift_right_arithmetic3A_2750 = arith.shrsi %get3A_2743, %shift_right_arithmetic3A_2749 : vector<16xi32>
    %shift_left3A_2751 = arith.constant 15 : i32
    %shift_left3A_2752 = vector.broadcast %shift_left3A_2751 : i32 to vector<16xi32>
    %shift_left3A_2753 = arith.shli %shift_right_arithmetic3A_2750, %shift_left3A_2752 : vector<16xi32>
    %and3A_2754 = arith.constant 7 : i32
    %and3A_2755 = vector.broadcast %and3A_2754 : i32 to vector<16xi32>
    %and3A_2756 = arith.andi %get3A_2743, %and3A_2755 : vector<16xi32>
    %shift_left3A_2757 = arith.constant 7 : i32
    %shift_left3A_2758 = vector.broadcast %shift_left3A_2757 : i32 to vector<16xi32>
    %shift_left3A_2759 = arith.shli %and3A_2756, %shift_left3A_2758 : vector<16xi32>
    %add3A_2760 = arith.addi %shift_left3A_2753, %shift_left3A_2759 : vector<16xi32>
    %shift_right_arithmetic3A_2761 = arith.constant 7 : i32
    %shift_right_arithmetic3A_2762 = vector.broadcast %shift_right_arithmetic3A_2761 : i32 to vector<16xi32>
    %shift_right_arithmetic3A_2763 = arith.shrsi %get3A_2747, %shift_right_arithmetic3A_2762 : vector<16xi32>
    %shift_left3A_2764 = arith.constant 10 : i32
    %shift_left3A_2765 = vector.broadcast %shift_left3A_2764 : i32 to vector<16xi32>
    %shift_left3A_2766 = arith.shli %shift_right_arithmetic3A_2763, %shift_left3A_2765 : vector<16xi32>
    %add3A_2767 = arith.addi %add3A_2760, %shift_left3A_2766 : vector<16xi32>
    %and3A_2768 = arith.constant 127 : i32
    %and3A_2769 = vector.broadcast %and3A_2768 : i32 to vector<16xi32>
    %and3A_2770 = arith.andi %get3A_2747, %and3A_2769 : vector<16xi32>
    %add3A_2771 = arith.addi %add3A_2767, %and3A_2770 : vector<16xi32>
    %swap3A_2772 = arith.constant 1008 : index
    %swap3A_2773 = tpu.vector_load %arg9[%swap3A_2772] {strides = array<i32>} : memref<1024xi32, #tpu.memory_space<vmem>>, vector<16xi32>,
    tpu.vector_store %arg9[%swap3A_2772], %add3A_2771 {strides = array<i32>} : memref<1024xi32, #tpu.memory_space<vmem>>, vector<16xi32>,
    %dma_start3A_2774 = arith.constant 0 : i32
    %dma_start3A_2775 = tpu.memref_slice %arg2[%dma_start3A_2774] : memref<16777216xf32, #tpu.memory_space<hbm>> -> memref<16777216xf32, #tpu.memory_space<hbm>>
    tpu.enqueue_indirect_dma source(%dma_start3A_2775 : memref<16777216xf32, #tpu.memory_space<hbm>>) target(%arg10 : memref<1024xf32, #tpu.memory_space<vmem>>) offsets(%arg9 : memref<1024xi32, #tpu.memory_space<vmem>>) semaphore(%arg21 : memref<!tpu.dma_semaphore, #tpu.memory_space<semaphore_mem>>)
    %dma_start3A_2776 = arith.constant 0 : i32
    %dma_start3A_2777 = tpu.memref_slice %arg3[%dma_start3A_2776] : memref<16777216xf32, #tpu.memory_space<hbm>> -> memref<16777216xf32, #tpu.memory_space<hbm>>
    tpu.enqueue_indirect_dma source(%dma_start3A_2777 : memref<16777216xf32, #tpu.memory_space<hbm>>) target(%arg11 : memref<1024xf32, #tpu.memory_space<vmem>>) offsets(%arg9 : memref<1024xi32, #tpu.memory_space<vmem>>) semaphore(%arg22 : memref<!tpu.dma_semaphore, #tpu.memory_space<semaphore_mem>>)
    %broadcast_in_dim3A_2778 = vector.broadcast %add3A : i32 to vector<16xi32>
    %sub3A = arith.constant 4095 : i32
    %sub3A_2779 = arith.subi %sub3A, %add3A : i32
    %broadcast_in_dim3A_2780 = vector.broadcast %sub3A_2779 : i32 to vector<16xi32>
    %eq3A = arith.constant 0 : i32
    %eq3A_2781 = vector.broadcast %eq3A : i32 to vector<16xi32>
    %eq3A_2782 = arith.cmpi eq, %iota3A, %eq3A_2781 : vector<16xi32>
    %get3A_2783 = arith.constant 0 : i32
    %get3A_2784 = arith.index_cast %get3A_2783 : i32 to index
    %get3A_2785 = arith.constant 0 : index
    %get3A_2786 = tpu.vector_load %arg8[%get3A_2784, %get3A_2785] {strides = array<i32>} : memref<8x144xi32, #tpu.memory_space<vmem>>, vector<16xi32>,
    %slice3A = vector.extract_strided_slice %get3A_2786 {offsets = [0], sizes = [1], strides = [1]} : vector<16xi32> to vector<1xi32>
    %squeeze3A = vector.extract %slice3A[0] : i32 from vector<1xi32>
    %broadcast_in_dim3A_2787 = vector.broadcast %squeeze3A : i32 to vector<16xi32>
    %select_n3A_2788 = arith.select %eq3A_2782, %broadcast_in_dim3A_2787, %broadcast_in_dim3A_2778 : vector<16xi1>, vector<16xi32>
    %eq3A_2789 = arith.constant 0 : i32
    %eq3A_2790 = vector.broadcast %eq3A_2789 : i32 to vector<16xi32>
    %eq3A_2791 = arith.cmpi eq, %iota3A, %eq3A_2790 : vector<16xi32>
    %get3A_2792 = arith.constant 0 : i32
    %get3A_2793 = arith.index_cast %get3A_2792 : i32 to index
    %get3A_2794 = arith.constant 112 : index
    %get3A_2795 = tpu.vector_load %arg8[%get3A_2793, %get3A_2794] {strides = array<i32>} : memref<8x144xi32, #tpu.memory_space<vmem>>, vector<16xi32>,
    %slice3A_2796 = vector.extract_strided_slice %get3A_2795 {offsets = [15], sizes = [1], strides = [1]} : vector<16xi32> to vector<1xi32>
    %squeeze3A_2797 = vector.extract %slice3A_2796[0] : i32 from vector<1xi32>
    %broadcast_in_dim3A_2798 = vector.broadcast %squeeze3A_2797 : i32 to vector<16xi32>
    %select_n3A_2799 = arith.select %eq3A_2791, %broadcast_in_dim3A_2798, %broadcast_in_dim3A_2780 : vector<16xi1>, vector<16xi32>
    %eq3A_2800 = arith.constant 1 : i32
    %eq3A_2801 = vector.broadcast %eq3A_2800 : i32 to vector<16xi32>
    %eq3A_2802 = arith.cmpi eq, %iota3A, %eq3A_2801 : vector<16xi32>
    %get3A_2803 = arith.constant 1 : i32
    %get3A_2804 = arith.index_cast %get3A_2803 : i32 to index
    %get3A_2805 = arith.constant 0 : index
    %get3A_2806 = tpu.vector_load %arg8[%get3A_2804, %get3A_2805] {strides = array<i32>} : memref<8x144xi32, #tpu.memory_space<vmem>>, vector<16xi32>,
    %slice3A_2807 = vector.extract_strided_slice %get3A_2806 {offsets = [0], sizes = [1], strides = [1]} : vector<16xi32> to vector<1xi32>
    %squeeze3A_2808 = vector.extract %slice3A_2807[0] : i32 from vector<1xi32>
    %broadcast_in_dim3A_2809 = vector.broadcast %squeeze3A_2808 : i32 to vector<16xi32>
    %select_n3A_2810 = arith.select %eq3A_2802, %broadcast_in_dim3A_2809, %select_n3A_2788 : vector<16xi1>, vector<16xi32>
    %eq3A_2811 = arith.constant 1 : i32
    %eq3A_2812 = vector.broadcast %eq3A_2811 : i32 to vector<16xi32>
    %eq3A_2813 = arith.cmpi eq, %iota3A, %eq3A_2812 : vector<16xi32>
    %get3A_2814 = arith.constant 1 : i32
    %get3A_2815 = arith.index_cast %get3A_2814 : i32 to index
    %get3A_2816 = arith.constant 112 : index
    %get3A_2817 = tpu.vector_load %arg8[%get3A_2815, %get3A_2816] {strides = array<i32>} : memref<8x144xi32, #tpu.memory_space<vmem>>, vector<16xi32>,
    %slice3A_2818 = vector.extract_strided_slice %get3A_2817 {offsets = [15], sizes = [1], strides = [1]} : vector<16xi32> to vector<1xi32>
    %squeeze3A_2819 = vector.extract %slice3A_2818[0] : i32 from vector<1xi32>
    %broadcast_in_dim3A_2820 = vector.broadcast %squeeze3A_2819 : i32 to vector<16xi32>
    %select_n3A_2821 = arith.select %eq3A_2813, %broadcast_in_dim3A_2820, %select_n3A_2799 : vector<16xi1>, vector<16xi32>
    %eq3A_2822 = arith.constant 2 : i32
    %eq3A_2823 = vector.broadcast %eq3A_2822 : i32 to vector<16xi32>
    %eq3A_2824 = arith.cmpi eq, %iota3A, %eq3A_2823 : vector<16xi32>
    %get3A_2825 = arith.constant 2 : i32
    %get3A_2826 = arith.index_cast %get3A_2825 : i32 to index
    %get3A_2827 = arith.constant 0 : index
    %get3A_2828 = tpu.vector_load %arg8[%get3A_2826, %get3A_2827] {strides = array<i32>} : memref<8x144xi32, #tpu.memory_space<vmem>>, vector<16xi32>,
    %slice3A_2829 = vector.extract_strided_slice %get3A_2828 {offsets = [0], sizes = [1], strides = [1]} : vector<16xi32> to vector<1xi32>
    %squeeze3A_2830 = vector.extract %slice3A_2829[0] : i32 from vector<1xi32>
    %broadcast_in_dim3A_2831 = vector.broadcast %squeeze3A_2830 : i32 to vector<16xi32>
    %select_n3A_2832 = arith.select %eq3A_2824, %broadcast_in_dim3A_2831, %select_n3A_2810 : vector<16xi1>, vector<16xi32>
    %eq3A_2833 = arith.constant 2 : i32
    %eq3A_2834 = vector.broadcast %eq3A_2833 : i32 to vector<16xi32>
    %eq3A_2835 = arith.cmpi eq, %iota3A, %eq3A_2834 : vector<16xi32>
    %get3A_2836 = arith.constant 2 : i32
    %get3A_2837 = arith.index_cast %get3A_2836 : i32 to index
    %get3A_2838 = arith.constant 112 : index
    %get3A_2839 = tpu.vector_load %arg8[%get3A_2837, %get3A_2838] {strides = array<i32>} : memref<8x144xi32, #tpu.memory_space<vmem>>, vector<16xi32>,
    %slice3A_2840 = vector.extract_strided_slice %get3A_2839 {offsets = [15], sizes = [1], strides = [1]} : vector<16xi32> to vector<1xi32>
    %squeeze3A_2841 = vector.extract %slice3A_2840[0] : i32 from vector<1xi32>
    %broadcast_in_dim3A_2842 = vector.broadcast %squeeze3A_2841 : i32 to vector<16xi32>
    %select_n3A_2843 = arith.select %eq3A_2835, %broadcast_in_dim3A_2842, %select_n3A_2821 : vector<16xi1>, vector<16xi32>
    %eq3A_2844 = arith.constant 3 : i32
    %eq3A_2845 = vector.broadcast %eq3A_2844 : i32 to vector<16xi32>
    %eq3A_2846 = arith.cmpi eq, %iota3A, %eq3A_2845 : vector<16xi32>
    %get3A_2847 = arith.constant 3 : i32
    %get3A_2848 = arith.index_cast %get3A_2847 : i32 to index
    %get3A_2849 = arith.constant 0 : index
    %get3A_2850 = tpu.vector_load %arg8[%get3A_2848, %get3A_2849] {strides = array<i32>} : memref<8x144xi32, #tpu.memory_space<vmem>>, vector<16xi32>,
    %slice3A_2851 = vector.extract_strided_slice %get3A_2850 {offsets = [0], sizes = [1], strides = [1]} : vector<16xi32> to vector<1xi32>
    %squeeze3A_2852 = vector.extract %slice3A_2851[0] : i32 from vector<1xi32>
    %broadcast_in_dim3A_2853 = vector.broadcast %squeeze3A_2852 : i32 to vector<16xi32>
    %select_n3A_2854 = arith.select %eq3A_2846, %broadcast_in_dim3A_2853, %select_n3A_2832 : vector<16xi1>, vector<16xi32>
    %eq3A_2855 = arith.constant 3 : i32
    %eq3A_2856 = vector.broadcast %eq3A_2855 : i32 to vector<16xi32>
    %eq3A_2857 = arith.cmpi eq, %iota3A, %eq3A_2856 : vector<16xi32>
    %get3A_2858 = arith.constant 3 : i32
    %get3A_2859 = arith.index_cast %get3A_2858 : i32 to index
    %get3A_2860 = arith.constant 112 : index
    %get3A_2861 = tpu.vector_load %arg8[%get3A_2859, %get3A_2860] {strides = array<i32>} : memref<8x144xi32, #tpu.memory_space<vmem>>, vector<16xi32>,
    %slice3A_2862 = vector.extract_strided_slice %get3A_2861 {offsets = [15], sizes = [1], strides = [1]} : vector<16xi32> to vector<1xi32>
    %squeeze3A_2863 = vector.extract %slice3A_2862[0] : i32 from vector<1xi32>
    %broadcast_in_dim3A_2864 = vector.broadcast %squeeze3A_2863 : i32 to vector<16xi32>
    %select_n3A_2865 = arith.select %eq3A_2857, %broadcast_in_dim3A_2864, %select_n3A_2843 : vector<16xi1>, vector<16xi32>
    %eq3A_2866 = arith.constant 4 : i32
    %eq3A_2867 = vector.broadcast %eq3A_2866 : i32 to vector<16xi32>
    %eq3A_2868 = arith.cmpi eq, %iota3A, %eq3A_2867 : vector<16xi32>
    %get3A_2869 = arith.constant 4 : i32
    %get3A_2870 = arith.index_cast %get3A_2869 : i32 to index
    %get3A_2871 = arith.constant 0 : index
    %get3A_2872 = tpu.vector_load %arg8[%get3A_2870, %get3A_2871] {strides = array<i32>} : memref<8x144xi32, #tpu.memory_space<vmem>>, vector<16xi32>,
    %slice3A_2873 = vector.extract_strided_slice %get3A_2872 {offsets = [0], sizes = [1], strides = [1]} : vector<16xi32> to vector<1xi32>
    %squeeze3A_2874 = vector.extract %slice3A_2873[0] : i32 from vector<1xi32>
    %broadcast_in_dim3A_2875 = vector.broadcast %squeeze3A_2874 : i32 to vector<16xi32>
    %select_n3A_2876 = arith.select %eq3A_2868, %broadcast_in_dim3A_2875, %select_n3A_2854 : vector<16xi1>, vector<16xi32>
    %eq3A_2877 = arith.constant 4 : i32
    %eq3A_2878 = vector.broadcast %eq3A_2877 : i32 to vector<16xi32>
    %eq3A_2879 = arith.cmpi eq, %iota3A, %eq3A_2878 : vector<16xi32>
    %get3A_2880 = arith.constant 4 : i32
    %get3A_2881 = arith.index_cast %get3A_2880 : i32 to index
    %get3A_2882 = arith.constant 112 : index
    %get3A_2883 = tpu.vector_load %arg8[%get3A_2881, %get3A_2882] {strides = array<i32>} : memref<8x144xi32, #tpu.memory_space<vmem>>, vector<16xi32>,
    %slice3A_2884 = vector.extract_strided_slice %get3A_2883 {offsets = [15], sizes = [1], strides = [1]} : vector<16xi32> to vector<1xi32>
    %squeeze3A_2885 = vector.extract %slice3A_2884[0] : i32 from vector<1xi32>
    %broadcast_in_dim3A_2886 = vector.broadcast %squeeze3A_2885 : i32 to vector<16xi32>
    %select_n3A_2887 = arith.select %eq3A_2879, %broadcast_in_dim3A_2886, %select_n3A_2865 : vector<16xi1>, vector<16xi32>
    %eq3A_2888 = arith.constant 5 : i32
    %eq3A_2889 = vector.broadcast %eq3A_2888 : i32 to vector<16xi32>
    %eq3A_2890 = arith.cmpi eq, %iota3A, %eq3A_2889 : vector<16xi32>
    %get3A_2891 = arith.constant 5 : i32
    %get3A_2892 = arith.index_cast %get3A_2891 : i32 to index
    %get3A_2893 = arith.constant 0 : index
    %get3A_2894 = tpu.vector_load %arg8[%get3A_2892, %get3A_2893] {strides = array<i32>} : memref<8x144xi32, #tpu.memory_space<vmem>>, vector<16xi32>,
    %slice3A_2895 = vector.extract_strided_slice %get3A_2894 {offsets = [0], sizes = [1], strides = [1]} : vector<16xi32> to vector<1xi32>
    %squeeze3A_2896 = vector.extract %slice3A_2895[0] : i32 from vector<1xi32>
    %broadcast_in_dim3A_2897 = vector.broadcast %squeeze3A_2896 : i32 to vector<16xi32>
    %select_n3A_2898 = arith.select %eq3A_2890, %broadcast_in_dim3A_2897, %select_n3A_2876 : vector<16xi1>, vector<16xi32>
    %eq3A_2899 = arith.constant 5 : i32
    %eq3A_2900 = vector.broadcast %eq3A_2899 : i32 to vector<16xi32>
    %eq3A_2901 = arith.cmpi eq, %iota3A, %eq3A_2900 : vector<16xi32>
    %get3A_2902 = arith.constant 5 : i32
    %get3A_2903 = arith.index_cast %get3A_2902 : i32 to index
    %get3A_2904 = arith.constant 112 : index
    %get3A_2905 = tpu.vector_load %arg8[%get3A_2903, %get3A_2904] {strides = array<i32>} : memref<8x144xi32, #tpu.memory_space<vmem>>, vector<16xi32>,
    %slice3A_2906 = vector.extract_strided_slice %get3A_2905 {offsets = [15], sizes = [1], strides = [1]} : vector<16xi32> to vector<1xi32>
    %squeeze3A_2907 = vector.extract %slice3A_2906[0] : i32 from vector<1xi32>
    %broadcast_in_dim3A_2908 = vector.broadcast %squeeze3A_2907 : i32 to vector<16xi32>
    %select_n3A_2909 = arith.select %eq3A_2901, %broadcast_in_dim3A_2908, %select_n3A_2887 : vector<16xi1>, vector<16xi32>
    %eq3A_2910 = arith.constant 6 : i32
    %eq3A_2911 = vector.broadcast %eq3A_2910 : i32 to vector<16xi32>
    %eq3A_2912 = arith.cmpi eq, %iota3A, %eq3A_2911 : vector<16xi32>
    %get3A_2913 = arith.constant 6 : i32
    %get3A_2914 = arith.index_cast %get3A_2913 : i32 to index
    %get3A_2915 = arith.constant 0 : index
    %get3A_2916 = tpu.vector_load %arg8[%get3A_2914, %get3A_2915] {strides = array<i32>} : memref<8x144xi32, #tpu.memory_space<vmem>>, vector<16xi32>,
    %slice3A_2917 = vector.extract_strided_slice %get3A_2916 {offsets = [0], sizes = [1], strides = [1]} : vector<16xi32> to vector<1xi32>
    %squeeze3A_2918 = vector.extract %slice3A_2917[0] : i32 from vector<1xi32>
    %broadcast_in_dim3A_2919 = vector.broadcast %squeeze3A_2918 : i32 to vector<16xi32>
    %select_n3A_2920 = arith.select %eq3A_2912, %broadcast_in_dim3A_2919, %select_n3A_2898 : vector<16xi1>, vector<16xi32>
    %eq3A_2921 = arith.constant 6 : i32
    %eq3A_2922 = vector.broadcast %eq3A_2921 : i32 to vector<16xi32>
    %eq3A_2923 = arith.cmpi eq, %iota3A, %eq3A_2922 : vector<16xi32>
    %get3A_2924 = arith.constant 6 : i32
    %get3A_2925 = arith.index_cast %get3A_2924 : i32 to index
    %get3A_2926 = arith.constant 112 : index
    %get3A_2927 = tpu.vector_load %arg8[%get3A_2925, %get3A_2926] {strides = array<i32>} : memref<8x144xi32, #tpu.memory_space<vmem>>, vector<16xi32>,
    %slice3A_2928 = vector.extract_strided_slice %get3A_2927 {offsets = [15], sizes = [1], strides = [1]} : vector<16xi32> to vector<1xi32>
    %squeeze3A_2929 = vector.extract %slice3A_2928[0] : i32 from vector<1xi32>
    %broadcast_in_dim3A_2930 = vector.broadcast %squeeze3A_2929 : i32 to vector<16xi32>
    %select_n3A_2931 = arith.select %eq3A_2923, %broadcast_in_dim3A_2930, %select_n3A_2909 : vector<16xi1>, vector<16xi32>
    %eq3A_2932 = arith.constant 7 : i32
    %eq3A_2933 = vector.broadcast %eq3A_2932 : i32 to vector<16xi32>
    %eq3A_2934 = arith.cmpi eq, %iota3A, %eq3A_2933 : vector<16xi32>
    %get3A_2935 = arith.constant 7 : i32
    %get3A_2936 = arith.index_cast %get3A_2935 : i32 to index
    %get3A_2937 = arith.constant 0 : index
    %get3A_2938 = tpu.vector_load %arg8[%get3A_2936, %get3A_2937] {strides = array<i32>} : memref<8x144xi32, #tpu.memory_space<vmem>>, vector<16xi32>,
    %slice3A_2939 = vector.extract_strided_slice %get3A_2938 {offsets = [0], sizes = [1], strides = [1]} : vector<16xi32> to vector<1xi32>
    %squeeze3A_2940 = vector.extract %slice3A_2939[0] : i32 from vector<1xi32>
    %broadcast_in_dim3A_2941 = vector.broadcast %squeeze3A_2940 : i32 to vector<16xi32>
    %select_n3A_2942 = arith.select %eq3A_2934, %broadcast_in_dim3A_2941, %select_n3A_2920 : vector<16xi1>, vector<16xi32>
    %eq3A_2943 = arith.constant 7 : i32
    %eq3A_2944 = vector.broadcast %eq3A_2943 : i32 to vector<16xi32>
    %eq3A_2945 = arith.cmpi eq, %iota3A, %eq3A_2944 : vector<16xi32>
    %get3A_2946 = arith.constant 7 : i32
    %get3A_2947 = arith.index_cast %get3A_2946 : i32 to index
    %get3A_2948 = arith.constant 112 : index
    %get3A_2949 = tpu.vector_load %arg8[%get3A_2947, %get3A_2948] {strides = array<i32>} : memref<8x144xi32, #tpu.memory_space<vmem>>, vector<16xi32>,
    %slice3A_2950 = vector.extract_strided_slice %get3A_2949 {offsets = [15], sizes = [1], strides = [1]} : vector<16xi32> to vector<1xi32>
    %squeeze3A_2951 = vector.extract %slice3A_2950[0] : i32 from vector<1xi32>
    %broadcast_in_dim3A_2952 = vector.broadcast %squeeze3A_2951 : i32 to vector<16xi32>
    %select_n3A_2953 = arith.select %eq3A_2945, %broadcast_in_dim3A_2952, %select_n3A_2931 : vector<16xi1>, vector<16xi32>
    %swap3A_2954 = arith.constant 0 : index
    %swap3A_2955 = tpu.vector_load %arg15[%swap3A_2954] {strides = array<i32>} : memref<16xi32, #tpu.memory_space<vmem>>, vector<16xi32>,
    tpu.vector_store %arg15[%swap3A_2954], %select_n3A_2942 {strides = array<i32>} : memref<16xi32, #tpu.memory_space<vmem>>, vector<16xi32>,
    %swap3A_2956 = arith.constant 0 : index
    %swap3A_2957 = tpu.vector_load %arg16[%swap3A_2956] {strides = array<i32>} : memref<16xi32, #tpu.memory_space<vmem>>, vector<16xi32>,
    tpu.vector_store %arg16[%swap3A_2956], %select_n3A_2953 {strides = array<i32>} : memref<16xi32, #tpu.memory_space<vmem>>, vector<16xi32>,
    %dma_start3A_2958 = arith.constant 0 : i32
    %dma_start3A_2959 = tpu.memref_slice %arg4[%dma_start3A_2958] : memref<4096xf32, #tpu.memory_space<hbm>> -> memref<4096xf32, #tpu.memory_space<hbm>>
    tpu.enqueue_indirect_dma source(%dma_start3A_2959 : memref<4096xf32, #tpu.memory_space<hbm>>) target(%arg17 : memref<16xf32, #tpu.memory_space<vmem>>) offsets(%arg15 : memref<16xi32, #tpu.memory_space<vmem>>) semaphore(%arg21 : memref<!tpu.dma_semaphore, #tpu.memory_space<semaphore_mem>>)
    %dma_start3A_2960 = arith.constant 0 : i32
    %dma_start3A_2961 = tpu.memref_slice %arg5[%dma_start3A_2960] : memref<4096xf32, #tpu.memory_space<hbm>> -> memref<4096xf32, #tpu.memory_space<hbm>>
    tpu.enqueue_indirect_dma source(%dma_start3A_2961 : memref<4096xf32, #tpu.memory_space<hbm>>) target(%arg18 : memref<16xf32, #tpu.memory_space<vmem>>) offsets(%arg16 : memref<16xi32, #tpu.memory_space<vmem>>) semaphore(%arg21 : memref<!tpu.dma_semaphore, #tpu.memory_space<semaphore_mem>>)
    %lt3A_2962 = arith.constant 15 : i32
    %lt3A_2963 = vector.broadcast %lt3A_2962 : i32 to vector<16xi32>
    %lt3A_2964 = arith.cmpi slt, %iota3A, %lt3A_2963 : vector<16xi32>
    %jit3A = arith.constant 1.000000e+00 : f32
    %jit3A_2965 = arith.constant 0.000000e+00 : f32
    %broadcast_in_dim3A_2966 = vector.broadcast %jit3A : f32 to vector<16xf32>
    %broadcast_in_dim3A_2967 = vector.broadcast %jit3A_2965 : f32 to vector<16xf32>
    %select_n3A_2968 = arith.select %lt3A_2964, %broadcast_in_dim3A_2966, %broadcast_in_dim3A_2967 : vector<16xi1>, vector<16xf32>
    %lt3A_2969 = arith.constant 8 : i32
    %lt3A_2970 = vector.broadcast %lt3A_2969 : i32 to vector<16xi32>
    %lt3A_2971 = arith.cmpi slt, %iota3A, %lt3A_2970 : vector<16xi32>
    %jit3A_2972 = arith.constant 1.000000e+00 : f32
    %jit3A_2973 = arith.constant 0.000000e+00 : f32
    %broadcast_in_dim3A_2974 = vector.broadcast %jit3A_2972 : f32 to vector<16xf32>
    %broadcast_in_dim3A_2975 = vector.broadcast %jit3A_2973 : f32 to vector<16xf32>
    %select_n3A_2976 = arith.select %lt3A_2971, %broadcast_in_dim3A_2974, %broadcast_in_dim3A_2975 : vector<16xi1>, vector<16xf32>
    %dma_wait3A_2977 = arith.constant 0 : i32
    %dma_wait3A_2978 = tpu.memref_slice %arg2[%dma_wait3A_2977] : memref<16777216xf32, #tpu.memory_space<hbm>> -> memref<16777216xf32, #tpu.memory_space<hbm>>
    tpu.wait_indirect_dma semaphore(%arg20 : memref<!tpu.dma_semaphore, #tpu.memory_space<semaphore_mem>>) src(%dma_wait3A_2978 : memref<16777216xf32, #tpu.memory_space<hbm>>) dst(%arg13 : memref<128xf32, #tpu.memory_space<vmem>>)
    %dma_wait3A_2979 = arith.constant 0 : i32
    %dma_wait3A_2980 = tpu.memref_slice %arg3[%dma_wait3A_2979] : memref<16777216xf32, #tpu.memory_space<hbm>> -> memref<16777216xf32, #tpu.memory_space<hbm>>
    tpu.wait_indirect_dma semaphore(%arg20 : memref<!tpu.dma_semaphore, #tpu.memory_space<semaphore_mem>>) src(%dma_wait3A_2980 : memref<16777216xf32, #tpu.memory_space<hbm>>) dst(%arg14 : memref<128xf32, #tpu.memory_space<vmem>>)
    %broadcast_in_dim3A_2981 = arith.constant 0.000000e+00 : f32
    %broadcast_in_dim3A_2982 = vector.broadcast %broadcast_in_dim3A_2981 : f32 to vector<16xf32>
    %mul3A_2983 = arith.constant 128 : i32
    %mul3A_2984 = arith.muli %add3A, %mul3A_2983 : i32
    %add3A_2985 = arith.constant 0 : i32
    %add3A_2986 = arith.addi %mul3A_2984, %add3A_2985 : i32
    %add3A_2987 = vector.broadcast %add3A_2986 : i32 to vector<16xi32>
    %add3A_2988 = arith.addi %iota3A, %add3A_2987 : vector<16xi32>
    %lt3A_2989 = arith.constant 4095 : i32
    %lt3A_2990 = vector.broadcast %lt3A_2989 : i32 to vector<16xi32>
    %lt3A_2991 = arith.cmpi slt, %add3A_2988, %lt3A_2990 : vector<16xi32>
    %jit3A_2992 = arith.constant 1.000000e+00 : f32
    %jit3A_2993 = arith.constant 0.000000e+00 : f32
    %broadcast_in_dim3A_2994 = vector.broadcast %jit3A_2992 : f32 to vector<16xf32>
    %broadcast_in_dim3A_2995 = vector.broadcast %jit3A_2993 : f32 to vector<16xf32>
    %select_n3A_2996 = arith.select %lt3A_2991, %broadcast_in_dim3A_2994, %broadcast_in_dim3A_2995 : vector<16xi1>, vector<16xf32>
    %get3A_2997 = arith.constant 0 : index
    %get3A_2998 = tpu.vector_load %arg13[%get3A_2997] {strides = array<i32>} : memref<128xf32, #tpu.memory_space<vmem>>, vector<16xf32>,
    %get3A_2999 = arith.constant 0 : index
    %get3A_3000 = tpu.vector_load %arg14[%get3A_2999] {strides = array<i32>} : memref<128xf32, #tpu.memory_space<vmem>>, vector<16xf32>,
    %add3A_3001 = arith.addf %get3A_2998, %get3A_3000 : vector<16xf32>
    %mul3A_3002 = arith.mulf %add3A_3001, %select_n3A_2996 : vector<16xf32>
    %add3A_3003 = arith.addf %broadcast_in_dim3A_2982, %mul3A_3002 : vector<16xf32>
    %mul3A_3004 = arith.constant 128 : i32
    %mul3A_3005 = arith.muli %add3A, %mul3A_3004 : i32
    %add3A_3006 = arith.constant 16 : i32
    %add3A_3007 = arith.addi %mul3A_3005, %add3A_3006 : i32
    %add3A_3008 = vector.broadcast %add3A_3007 : i32 to vector<16xi32>
    %add3A_3009 = arith.addi %iota3A, %add3A_3008 : vector<16xi32>
    %lt3A_3010 = arith.constant 4095 : i32
    %lt3A_3011 = vector.broadcast %lt3A_3010 : i32 to vector<16xi32>
    %lt3A_3012 = arith.cmpi slt, %add3A_3009, %lt3A_3011 : vector<16xi32>
    %jit3A_3013 = arith.constant 1.000000e+00 : f32
    %jit3A_3014 = arith.constant 0.000000e+00 : f32
    %broadcast_in_dim3A_3015 = vector.broadcast %jit3A_3013 : f32 to vector<16xf32>
    %broadcast_in_dim3A_3016 = vector.broadcast %jit3A_3014 : f32 to vector<16xf32>
    %select_n3A_3017 = arith.select %lt3A_3012, %broadcast_in_dim3A_3015, %broadcast_in_dim3A_3016 : vector<16xi1>, vector<16xf32>
    %get3A_3018 = arith.constant 16 : index
    %get3A_3019 = tpu.vector_load %arg13[%get3A_3018] {strides = array<i32>} : memref<128xf32, #tpu.memory_space<vmem>>, vector<16xf32>,
    %get3A_3020 = arith.constant 16 : index
    %get3A_3021 = tpu.vector_load %arg14[%get3A_3020] {strides = array<i32>} : memref<128xf32, #tpu.memory_space<vmem>>, vector<16xf32>,
    %add3A_3022 = arith.addf %get3A_3019, %get3A_3021 : vector<16xf32>
    %mul3A_3023 = arith.mulf %add3A_3022, %select_n3A_3017 : vector<16xf32>
    %add3A_3024 = arith.addf %add3A_3003, %mul3A_3023 : vector<16xf32>
    %mul3A_3025 = arith.constant 128 : i32
    %mul3A_3026 = arith.muli %add3A, %mul3A_3025 : i32
    %add3A_3027 = arith.constant 32 : i32
    %add3A_3028 = arith.addi %mul3A_3026, %add3A_3027 : i32
    %add3A_3029 = vector.broadcast %add3A_3028 : i32 to vector<16xi32>
    %add3A_3030 = arith.addi %iota3A, %add3A_3029 : vector<16xi32>
    %lt3A_3031 = arith.constant 4095 : i32
    %lt3A_3032 = vector.broadcast %lt3A_3031 : i32 to vector<16xi32>
    %lt3A_3033 = arith.cmpi slt, %add3A_3030, %lt3A_3032 : vector<16xi32>
    %jit3A_3034 = arith.constant 1.000000e+00 : f32
    %jit3A_3035 = arith.constant 0.000000e+00 : f32
    %broadcast_in_dim3A_3036 = vector.broadcast %jit3A_3034 : f32 to vector<16xf32>
    %broadcast_in_dim3A_3037 = vector.broadcast %jit3A_3035 : f32 to vector<16xf32>
    %select_n3A_3038 = arith.select %lt3A_3033, %broadcast_in_dim3A_3036, %broadcast_in_dim3A_3037 : vector<16xi1>, vector<16xf32>
    %get3A_3039 = arith.constant 32 : index
    %get3A_3040 = tpu.vector_load %arg13[%get3A_3039] {strides = array<i32>} : memref<128xf32, #tpu.memory_space<vmem>>, vector<16xf32>,
    %get3A_3041 = arith.constant 32 : index
    %get3A_3042 = tpu.vector_load %arg14[%get3A_3041] {strides = array<i32>} : memref<128xf32, #tpu.memory_space<vmem>>, vector<16xf32>,
    %add3A_3043 = arith.addf %get3A_3040, %get3A_3042 : vector<16xf32>
    %mul3A_3044 = arith.mulf %add3A_3043, %select_n3A_3038 : vector<16xf32>
    %add3A_3045 = arith.addf %add3A_3024, %mul3A_3044 : vector<16xf32>
    %mul3A_3046 = arith.constant 128 : i32
    %mul3A_3047 = arith.muli %add3A, %mul3A_3046 : i32
    %add3A_3048 = arith.constant 48 : i32
    %add3A_3049 = arith.addi %mul3A_3047, %add3A_3048 : i32
    %add3A_3050 = vector.broadcast %add3A_3049 : i32 to vector<16xi32>
    %add3A_3051 = arith.addi %iota3A, %add3A_3050 : vector<16xi32>
    %lt3A_3052 = arith.constant 4095 : i32
    %lt3A_3053 = vector.broadcast %lt3A_3052 : i32 to vector<16xi32>
    %lt3A_3054 = arith.cmpi slt, %add3A_3051, %lt3A_3053 : vector<16xi32>
    %jit3A_3055 = arith.constant 1.000000e+00 : f32
    %jit3A_3056 = arith.constant 0.000000e+00 : f32
    %broadcast_in_dim3A_3057 = vector.broadcast %jit3A_3055 : f32 to vector<16xf32>
    %broadcast_in_dim3A_3058 = vector.broadcast %jit3A_3056 : f32 to vector<16xf32>
    %select_n3A_3059 = arith.select %lt3A_3054, %broadcast_in_dim3A_3057, %broadcast_in_dim3A_3058 : vector<16xi1>, vector<16xf32>
    %get3A_3060 = arith.constant 48 : index
    %get3A_3061 = tpu.vector_load %arg13[%get3A_3060] {strides = array<i32>} : memref<128xf32, #tpu.memory_space<vmem>>, vector<16xf32>,
    %get3A_3062 = arith.constant 48 : index
    %get3A_3063 = tpu.vector_load %arg14[%get3A_3062] {strides = array<i32>} : memref<128xf32, #tpu.memory_space<vmem>>, vector<16xf32>,
    %add3A_3064 = arith.addf %get3A_3061, %get3A_3063 : vector<16xf32>
    %mul3A_3065 = arith.mulf %add3A_3064, %select_n3A_3059 : vector<16xf32>
    %add3A_3066 = arith.addf %add3A_3045, %mul3A_3065 : vector<16xf32>
    %mul3A_3067 = arith.constant 128 : i32
    %mul3A_3068 = arith.muli %add3A, %mul3A_3067 : i32
    %add3A_3069 = arith.constant 64 : i32
    %add3A_3070 = arith.addi %mul3A_3068, %add3A_3069 : i32
    %add3A_3071 = vector.broadcast %add3A_3070 : i32 to vector<16xi32>
    %add3A_3072 = arith.addi %iota3A, %add3A_3071 : vector<16xi32>
    %lt3A_3073 = arith.constant 4095 : i32
    %lt3A_3074 = vector.broadcast %lt3A_3073 : i32 to vector<16xi32>
    %lt3A_3075 = arith.cmpi slt, %add3A_3072, %lt3A_3074 : vector<16xi32>
    %jit3A_3076 = arith.constant 1.000000e+00 : f32
    %jit3A_3077 = arith.constant 0.000000e+00 : f32
    %broadcast_in_dim3A_3078 = vector.broadcast %jit3A_3076 : f32 to vector<16xf32>
    %broadcast_in_dim3A_3079 = vector.broadcast %jit3A_3077 : f32 to vector<16xf32>
    %select_n3A_3080 = arith.select %lt3A_3075, %broadcast_in_dim3A_3078, %broadcast_in_dim3A_3079 : vector<16xi1>, vector<16xf32>
    %get3A_3081 = arith.constant 64 : index
    %get3A_3082 = tpu.vector_load %arg13[%get3A_3081] {strides = array<i32>} : memref<128xf32, #tpu.memory_space<vmem>>, vector<16xf32>,
    %get3A_3083 = arith.constant 64 : index
    %get3A_3084 = tpu.vector_load %arg14[%get3A_3083] {strides = array<i32>} : memref<128xf32, #tpu.memory_space<vmem>>, vector<16xf32>,
    %add3A_3085 = arith.addf %get3A_3082, %get3A_3084 : vector<16xf32>
    %mul3A_3086 = arith.mulf %add3A_3085, %select_n3A_3080 : vector<16xf32>
    %add3A_3087 = arith.addf %add3A_3066, %mul3A_3086 : vector<16xf32>
    %mul3A_3088 = arith.constant 128 : i32
    %mul3A_3089 = arith.muli %add3A, %mul3A_3088 : i32
    %add3A_3090 = arith.constant 80 : i32
    %add3A_3091 = arith.addi %mul3A_3089, %add3A_3090 : i32
    %add3A_3092 = vector.broadcast %add3A_3091 : i32 to vector<16xi32>
    %add3A_3093 = arith.addi %iota3A, %add3A_3092 : vector<16xi32>
    %lt3A_3094 = arith.constant 4095 : i32
    %lt3A_3095 = vector.broadcast %lt3A_3094 : i32 to vector<16xi32>
    %lt3A_3096 = arith.cmpi slt, %add3A_3093, %lt3A_3095 : vector<16xi32>
    %jit3A_3097 = arith.constant 1.000000e+00 : f32
    %jit3A_3098 = arith.constant 0.000000e+00 : f32
    %broadcast_in_dim3A_3099 = vector.broadcast %jit3A_3097 : f32 to vector<16xf32>
    %broadcast_in_dim3A_3100 = vector.broadcast %jit3A_3098 : f32 to vector<16xf32>
    %select_n3A_3101 = arith.select %lt3A_3096, %broadcast_in_dim3A_3099, %broadcast_in_dim3A_3100 : vector<16xi1>, vector<16xf32>
    %get3A_3102 = arith.constant 80 : index
    %get3A_3103 = tpu.vector_load %arg13[%get3A_3102] {strides = array<i32>} : memref<128xf32, #tpu.memory_space<vmem>>, vector<16xf32>,
    %get3A_3104 = arith.constant 80 : index
    %get3A_3105 = tpu.vector_load %arg14[%get3A_3104] {strides = array<i32>} : memref<128xf32, #tpu.memory_space<vmem>>, vector<16xf32>,
    %add3A_3106 = arith.addf %get3A_3103, %get3A_3105 : vector<16xf32>
    %mul3A_3107 = arith.mulf %add3A_3106, %select_n3A_3101 : vector<16xf32>
    %add3A_3108 = arith.addf %add3A_3087, %mul3A_3107 : vector<16xf32>
    %mul3A_3109 = arith.constant 128 : i32
    %mul3A_3110 = arith.muli %add3A, %mul3A_3109 : i32
    %add3A_3111 = arith.constant 96 : i32
    %add3A_3112 = arith.addi %mul3A_3110, %add3A_3111 : i32
    %add3A_3113 = vector.broadcast %add3A_3112 : i32 to vector<16xi32>
    %add3A_3114 = arith.addi %iota3A, %add3A_3113 : vector<16xi32>
    %lt3A_3115 = arith.constant 4095 : i32
    %lt3A_3116 = vector.broadcast %lt3A_3115 : i32 to vector<16xi32>
    %lt3A_3117 = arith.cmpi slt, %add3A_3114, %lt3A_3116 : vector<16xi32>
    %jit3A_3118 = arith.constant 1.000000e+00 : f32
    %jit3A_3119 = arith.constant 0.000000e+00 : f32
    %broadcast_in_dim3A_3120 = vector.broadcast %jit3A_3118 : f32 to vector<16xf32>
    %broadcast_in_dim3A_3121 = vector.broadcast %jit3A_3119 : f32 to vector<16xf32>
    %select_n3A_3122 = arith.select %lt3A_3117, %broadcast_in_dim3A_3120, %broadcast_in_dim3A_3121 : vector<16xi1>, vector<16xf32>
    %get3A_3123 = arith.constant 96 : index
    %get3A_3124 = tpu.vector_load %arg13[%get3A_3123] {strides = array<i32>} : memref<128xf32, #tpu.memory_space<vmem>>, vector<16xf32>,
    %get3A_3125 = arith.constant 96 : index
    %get3A_3126 = tpu.vector_load %arg14[%get3A_3125] {strides = array<i32>} : memref<128xf32, #tpu.memory_space<vmem>>, vector<16xf32>,
    %add3A_3127 = arith.addf %get3A_3124, %get3A_3126 : vector<16xf32>
    %mul3A_3128 = arith.mulf %add3A_3127, %select_n3A_3122 : vector<16xf32>
    %add3A_3129 = arith.addf %add3A_3108, %mul3A_3128 : vector<16xf32>
    %mul3A_3130 = arith.constant 128 : i32
    %mul3A_3131 = arith.muli %add3A, %mul3A_3130 : i32
    %add3A_3132 = arith.constant 112 : i32
    %add3A_3133 = arith.addi %mul3A_3131, %add3A_3132 : i32
    %add3A_3134 = vector.broadcast %add3A_3133 : i32 to vector<16xi32>
    %add3A_3135 = arith.addi %iota3A, %add3A_3134 : vector<16xi32>
    %lt3A_3136 = arith.constant 4095 : i32
    %lt3A_3137 = vector.broadcast %lt3A_3136 : i32 to vector<16xi32>
    %lt3A_3138 = arith.cmpi slt, %add3A_3135, %lt3A_3137 : vector<16xi32>
    %jit3A_3139 = arith.constant 1.000000e+00 : f32
    %jit3A_3140 = arith.constant 0.000000e+00 : f32
    %broadcast_in_dim3A_3141 = vector.broadcast %jit3A_3139 : f32 to vector<16xf32>
    %broadcast_in_dim3A_3142 = vector.broadcast %jit3A_3140 : f32 to vector<16xf32>
    %select_n3A_3143 = arith.select %lt3A_3138, %broadcast_in_dim3A_3141, %broadcast_in_dim3A_3142 : vector<16xi1>, vector<16xf32>
    %get3A_3144 = arith.constant 112 : index
    %get3A_3145 = tpu.vector_load %arg13[%get3A_3144] {strides = array<i32>} : memref<128xf32, #tpu.memory_space<vmem>>, vector<16xf32>,
    %get3A_3146 = arith.constant 112 : index
    %get3A_3147 = tpu.vector_load %arg14[%get3A_3146] {strides = array<i32>} : memref<128xf32, #tpu.memory_space<vmem>>, vector<16xf32>,
    %add3A_3148 = arith.addf %get3A_3145, %get3A_3147 : vector<16xf32>
    %mul3A_3149 = arith.mulf %add3A_3148, %select_n3A_3143 : vector<16xf32>
    %add3A_3150 = arith.addf %add3A_3129, %mul3A_3149 : vector<16xf32>
    %reduce_sum3A = arith.constant true
    %reduce_sum3A_3151 = vector.broadcast %reduce_sum3A : i1 to vector<16xi1>
    %reduce_sum3A_3152 = tpu.scan <sum>, %add3A_3150 masked %reduce_sum3A_3151 : vector<16xf32>, vector<16xi1> -> vector<16xf32>
    %reduce_sum3A_3153 = vector.extract %reduce_sum3A_3152[15] : f32 from vector<16xf32>
    %dma_wait3A_3154 = arith.constant 0 : i32
    %dma_wait3A_3155 = tpu.memref_slice %arg2[%dma_wait3A_3154] : memref<16777216xf32, #tpu.memory_space<hbm>> -> memref<16777216xf32, #tpu.memory_space<hbm>>
    tpu.wait_indirect_dma semaphore(%arg21 : memref<!tpu.dma_semaphore, #tpu.memory_space<semaphore_mem>>) src(%dma_wait3A_3155 : memref<16777216xf32, #tpu.memory_space<hbm>>) dst(%arg10 : memref<1024xf32, #tpu.memory_space<vmem>>)
    %dma_wait3A_3156 = arith.constant 0 : i32
    %dma_wait3A_3157 = tpu.memref_slice %arg4[%dma_wait3A_3156] : memref<4096xf32, #tpu.memory_space<hbm>> -> memref<4096xf32, #tpu.memory_space<hbm>>
    tpu.wait_indirect_dma semaphore(%arg21 : memref<!tpu.dma_semaphore, #tpu.memory_space<semaphore_mem>>) src(%dma_wait3A_3157 : memref<4096xf32, #tpu.memory_space<hbm>>) dst(%arg17 : memref<16xf32, #tpu.memory_space<vmem>>)
    %dma_wait3A_3158 = arith.constant 0 : i32
    %dma_wait3A_3159 = tpu.memref_slice %arg5[%dma_wait3A_3158] : memref<4096xf32, #tpu.memory_space<hbm>> -> memref<4096xf32, #tpu.memory_space<hbm>>
    tpu.wait_indirect_dma semaphore(%arg21 : memref<!tpu.dma_semaphore, #tpu.memory_space<semaphore_mem>>) src(%dma_wait3A_3159 : memref<4096xf32, #tpu.memory_space<hbm>>) dst(%arg18 : memref<16xf32, #tpu.memory_space<vmem>>)
    %broadcast_in_dim3A_3160 = arith.constant 0.000000e+00 : f32
    %broadcast_in_dim3A_3161 = vector.broadcast %broadcast_in_dim3A_3160 : f32 to vector<16xf32>
    %get3A_3162 = arith.constant 112 : index
    %get3A_3163 = tpu.vector_load %arg10[%get3A_3162] {strides = array<i32>} : memref<1024xf32, #tpu.memory_space<vmem>>, vector<16xf32>,
    %mul3A_3164 = arith.mulf %get3A_3163, %select_n3A_2968 : vector<16xf32>
    %get3A_3165 = arith.constant 0 : index
    %get3A_3166 = tpu.vector_load %arg10[%get3A_3165] {strides = array<i32>} : memref<1024xf32, #tpu.memory_space<vmem>>, vector<16xf32>,
    %add3A_3167 = arith.addf %mul3A_3164, %get3A_3166 : vector<16xf32>
    %get3A_3168 = arith.constant 16 : index
    %get3A_3169 = tpu.vector_load %arg10[%get3A_3168] {strides = array<i32>} : memref<1024xf32, #tpu.memory_space<vmem>>, vector<16xf32>,
    %add3A_3170 = arith.addf %add3A_3167, %get3A_3169 : vector<16xf32>
    %get3A_3171 = arith.constant 32 : index
    %get3A_3172 = tpu.vector_load %arg10[%get3A_3171] {strides = array<i32>} : memref<1024xf32, #tpu.memory_space<vmem>>, vector<16xf32>,
    %add3A_3173 = arith.addf %add3A_3170, %get3A_3172 : vector<16xf32>
    %get3A_3174 = arith.constant 48 : index
    %get3A_3175 = tpu.vector_load %arg10[%get3A_3174] {strides = array<i32>} : memref<1024xf32, #tpu.memory_space<vmem>>, vector<16xf32>,
    %add3A_3176 = arith.addf %add3A_3173, %get3A_3175 : vector<16xf32>
    %get3A_3177 = arith.constant 64 : index
    %get3A_3178 = tpu.vector_load %arg10[%get3A_3177] {strides = array<i32>} : memref<1024xf32, #tpu.memory_space<vmem>>, vector<16xf32>,
    %add3A_3179 = arith.addf %add3A_3176, %get3A_3178 : vector<16xf32>
    %get3A_3180 = arith.constant 80 : index
    %get3A_3181 = tpu.vector_load %arg10[%get3A_3180] {strides = array<i32>} : memref<1024xf32, #tpu.memory_space<vmem>>, vector<16xf32>,
    %add3A_3182 = arith.addf %add3A_3179, %get3A_3181 : vector<16xf32>
    %get3A_3183 = arith.constant 96 : index
    %get3A_3184 = tpu.vector_load %arg10[%get3A_3183] {strides = array<i32>} : memref<1024xf32, #tpu.memory_space<vmem>>, vector<16xf32>,
    %add3A_3185 = arith.addf %add3A_3182, %get3A_3184 : vector<16xf32>
    %eq3A_3186 = arith.constant 0 : i32
    %eq3A_3187 = vector.broadcast %eq3A_3186 : i32 to vector<16xi32>
    %eq3A_3188 = arith.cmpi eq, %iota3A, %eq3A_3187 : vector<16xi32>
    %reduce_sum3A_3189 = arith.constant true
    %reduce_sum3A_3190 = vector.broadcast %reduce_sum3A_3189 : i1 to vector<16xi1>
    %reduce_sum3A_3191 = tpu.scan <sum>, %add3A_3185 masked %reduce_sum3A_3190 : vector<16xf32>, vector<16xi1> -> vector<16xf32>
    %reduce_sum3A_3192 = vector.extract %reduce_sum3A_3191[15] : f32 from vector<16xf32>
    %broadcast_in_dim3A_3193 = vector.broadcast %reduce_sum3A_3192 : f32 to vector<16xf32>
    %select_n3A_3194 = arith.select %eq3A_3188, %broadcast_in_dim3A_3193, %broadcast_in_dim3A_3161 : vector<16xi1>, vector<16xf32>
    %get3A_3195 = arith.constant 240 : index
    %get3A_3196 = tpu.vector_load %arg10[%get3A_3195] {strides = array<i32>} : memref<1024xf32, #tpu.memory_space<vmem>>, vector<16xf32>,
    %mul3A_3197 = arith.mulf %get3A_3196, %select_n3A_2968 : vector<16xf32>
    %get3A_3198 = arith.constant 128 : index
    %get3A_3199 = tpu.vector_load %arg10[%get3A_3198] {strides = array<i32>} : memref<1024xf32, #tpu.memory_space<vmem>>, vector<16xf32>,
    %add3A_3200 = arith.addf %mul3A_3197, %get3A_3199 : vector<16xf32>
    %get3A_3201 = arith.constant 144 : index
    %get3A_3202 = tpu.vector_load %arg10[%get3A_3201] {strides = array<i32>} : memref<1024xf32, #tpu.memory_space<vmem>>, vector<16xf32>,
    %add3A_3203 = arith.addf %add3A_3200, %get3A_3202 : vector<16xf32>
    %get3A_3204 = arith.constant 160 : index
    %get3A_3205 = tpu.vector_load %arg10[%get3A_3204] {strides = array<i32>} : memref<1024xf32, #tpu.memory_space<vmem>>, vector<16xf32>,
    %add3A_3206 = arith.addf %add3A_3203, %get3A_3205 : vector<16xf32>
    %get3A_3207 = arith.constant 176 : index
    %get3A_3208 = tpu.vector_load %arg10[%get3A_3207] {strides = array<i32>} : memref<1024xf32, #tpu.memory_space<vmem>>, vector<16xf32>,
    %add3A_3209 = arith.addf %add3A_3206, %get3A_3208 : vector<16xf32>
    %get3A_3210 = arith.constant 192 : index
    %get3A_3211 = tpu.vector_load %arg10[%get3A_3210] {strides = array<i32>} : memref<1024xf32, #tpu.memory_space<vmem>>, vector<16xf32>,
    %add3A_3212 = arith.addf %add3A_3209, %get3A_3211 : vector<16xf32>
    %get3A_3213 = arith.constant 208 : index
    %get3A_3214 = tpu.vector_load %arg10[%get3A_3213] {strides = array<i32>} : memref<1024xf32, #tpu.memory_space<vmem>>, vector<16xf32>,
    %add3A_3215 = arith.addf %add3A_3212, %get3A_3214 : vector<16xf32>
    %get3A_3216 = arith.constant 224 : index
    %get3A_3217 = tpu.vector_load %arg10[%get3A_3216] {strides = array<i32>} : memref<1024xf32, #tpu.memory_space<vmem>>, vector<16xf32>,
    %add3A_3218 = arith.addf %add3A_3215, %get3A_3217 : vector<16xf32>
    %eq3A_3219 = arith.constant 1 : i32
    %eq3A_3220 = vector.broadcast %eq3A_3219 : i32 to vector<16xi32>
    %eq3A_3221 = arith.cmpi eq, %iota3A, %eq3A_3220 : vector<16xi32>
    %reduce_sum3A_3222 = arith.constant true
    %reduce_sum3A_3223 = vector.broadcast %reduce_sum3A_3222 : i1 to vector<16xi1>
    %reduce_sum3A_3224 = tpu.scan <sum>, %add3A_3218 masked %reduce_sum3A_3223 : vector<16xf32>, vector<16xi1> -> vector<16xf32>
    %reduce_sum3A_3225 = vector.extract %reduce_sum3A_3224[15] : f32 from vector<16xf32>
    %broadcast_in_dim3A_3226 = vector.broadcast %reduce_sum3A_3225 : f32 to vector<16xf32>
    %select_n3A_3227 = arith.select %eq3A_3221, %broadcast_in_dim3A_3226, %select_n3A_3194 : vector<16xi1>, vector<16xf32>
    %get3A_3228 = arith.constant 368 : index
    %get3A_3229 = tpu.vector_load %arg10[%get3A_3228] {strides = array<i32>} : memref<1024xf32, #tpu.memory_space<vmem>>, vector<16xf32>,
    %mul3A_3230 = arith.mulf %get3A_3229, %select_n3A_2968 : vector<16xf32>
    %get3A_3231 = arith.constant 256 : index
    %get3A_3232 = tpu.vector_load %arg10[%get3A_3231] {strides = array<i32>} : memref<1024xf32, #tpu.memory_space<vmem>>, vector<16xf32>,
    %add3A_3233 = arith.addf %mul3A_3230, %get3A_3232 : vector<16xf32>
    %get3A_3234 = arith.constant 272 : index
    %get3A_3235 = tpu.vector_load %arg10[%get3A_3234] {strides = array<i32>} : memref<1024xf32, #tpu.memory_space<vmem>>, vector<16xf32>,
    %add3A_3236 = arith.addf %add3A_3233, %get3A_3235 : vector<16xf32>
    %get3A_3237 = arith.constant 288 : index
    %get3A_3238 = tpu.vector_load %arg10[%get3A_3237] {strides = array<i32>} : memref<1024xf32, #tpu.memory_space<vmem>>, vector<16xf32>,
    %add3A_3239 = arith.addf %add3A_3236, %get3A_3238 : vector<16xf32>
    %get3A_3240 = arith.constant 304 : index
    %get3A_3241 = tpu.vector_load %arg10[%get3A_3240] {strides = array<i32>} : memref<1024xf32, #tpu.memory_space<vmem>>, vector<16xf32>,
    %add3A_3242 = arith.addf %add3A_3239, %get3A_3241 : vector<16xf32>
    %get3A_3243 = arith.constant 320 : index
    %get3A_3244 = tpu.vector_load %arg10[%get3A_3243] {strides = array<i32>} : memref<1024xf32, #tpu.memory_space<vmem>>, vector<16xf32>,
    %add3A_3245 = arith.addf %add3A_3242, %get3A_3244 : vector<16xf32>
    %get3A_3246 = arith.constant 336 : index
    %get3A_3247 = tpu.vector_load %arg10[%get3A_3246] {strides = array<i32>} : memref<1024xf32, #tpu.memory_space<vmem>>, vector<16xf32>,
    %add3A_3248 = arith.addf %add3A_3245, %get3A_3247 : vector<16xf32>
    %get3A_3249 = arith.constant 352 : index
    %get3A_3250 = tpu.vector_load %arg10[%get3A_3249] {strides = array<i32>} : memref<1024xf32, #tpu.memory_space<vmem>>, vector<16xf32>,
    %add3A_3251 = arith.addf %add3A_3248, %get3A_3250 : vector<16xf32>
    %eq3A_3252 = arith.constant 2 : i32
    %eq3A_3253 = vector.broadcast %eq3A_3252 : i32 to vector<16xi32>
    %eq3A_3254 = arith.cmpi eq, %iota3A, %eq3A_3253 : vector<16xi32>
    %reduce_sum3A_3255 = arith.constant true
    %reduce_sum3A_3256 = vector.broadcast %reduce_sum3A_3255 : i1 to vector<16xi1>
    %reduce_sum3A_3257 = tpu.scan <sum>, %add3A_3251 masked %reduce_sum3A_3256 : vector<16xf32>, vector<16xi1> -> vector<16xf32>
    %reduce_sum3A_3258 = vector.extract %reduce_sum3A_3257[15] : f32 from vector<16xf32>
    %broadcast_in_dim3A_3259 = vector.broadcast %reduce_sum3A_3258 : f32 to vector<16xf32>
    %select_n3A_3260 = arith.select %eq3A_3254, %broadcast_in_dim3A_3259, %select_n3A_3227 : vector<16xi1>, vector<16xf32>
    %get3A_3261 = arith.constant 496 : index
    %get3A_3262 = tpu.vector_load %arg10[%get3A_3261] {strides = array<i32>} : memref<1024xf32, #tpu.memory_space<vmem>>, vector<16xf32>,
    %mul3A_3263 = arith.mulf %get3A_3262, %select_n3A_2968 : vector<16xf32>
    %get3A_3264 = arith.constant 384 : index
    %get3A_3265 = tpu.vector_load %arg10[%get3A_3264] {strides = array<i32>} : memref<1024xf32, #tpu.memory_space<vmem>>, vector<16xf32>,
    %add3A_3266 = arith.addf %mul3A_3263, %get3A_3265 : vector<16xf32>
    %get3A_3267 = arith.constant 400 : index
    %get3A_3268 = tpu.vector_load %arg10[%get3A_3267] {strides = array<i32>} : memref<1024xf32, #tpu.memory_space<vmem>>, vector<16xf32>,
    %add3A_3269 = arith.addf %add3A_3266, %get3A_3268 : vector<16xf32>
    %get3A_3270 = arith.constant 416 : index
    %get3A_3271 = tpu.vector_load %arg10[%get3A_3270] {strides = array<i32>} : memref<1024xf32, #tpu.memory_space<vmem>>, vector<16xf32>,
    %add3A_3272 = arith.addf %add3A_3269, %get3A_3271 : vector<16xf32>
    %get3A_3273 = arith.constant 432 : index
    %get3A_3274 = tpu.vector_load %arg10[%get3A_3273] {strides = array<i32>} : memref<1024xf32, #tpu.memory_space<vmem>>, vector<16xf32>,
    %add3A_3275 = arith.addf %add3A_3272, %get3A_3274 : vector<16xf32>
    %get3A_3276 = arith.constant 448 : index
    %get3A_3277 = tpu.vector_load %arg10[%get3A_3276] {strides = array<i32>} : memref<1024xf32, #tpu.memory_space<vmem>>, vector<16xf32>,
    %add3A_3278 = arith.addf %add3A_3275, %get3A_3277 : vector<16xf32>
    %get3A_3279 = arith.constant 464 : index
    %get3A_3280 = tpu.vector_load %arg10[%get3A_3279] {strides = array<i32>} : memref<1024xf32, #tpu.memory_space<vmem>>, vector<16xf32>,
    %add3A_3281 = arith.addf %add3A_3278, %get3A_3280 : vector<16xf32>
    %get3A_3282 = arith.constant 480 : index
    %get3A_3283 = tpu.vector_load %arg10[%get3A_3282] {strides = array<i32>} : memref<1024xf32, #tpu.memory_space<vmem>>, vector<16xf32>,
    %add3A_3284 = arith.addf %add3A_3281, %get3A_3283 : vector<16xf32>
    %eq3A_3285 = arith.constant 3 : i32
    %eq3A_3286 = vector.broadcast %eq3A_3285 : i32 to vector<16xi32>
    %eq3A_3287 = arith.cmpi eq, %iota3A, %eq3A_3286 : vector<16xi32>
    %reduce_sum3A_3288 = arith.constant true
    %reduce_sum3A_3289 = vector.broadcast %reduce_sum3A_3288 : i1 to vector<16xi1>
    %reduce_sum3A_3290 = tpu.scan <sum>, %add3A_3284 masked %reduce_sum3A_3289 : vector<16xf32>, vector<16xi1> -> vector<16xf32>
    %reduce_sum3A_3291 = vector.extract %reduce_sum3A_3290[15] : f32 from vector<16xf32>
    %broadcast_in_dim3A_3292 = vector.broadcast %reduce_sum3A_3291 : f32 to vector<16xf32>
    %select_n3A_3293 = arith.select %eq3A_3287, %broadcast_in_dim3A_3292, %select_n3A_3260 : vector<16xi1>, vector<16xf32>
    %get3A_3294 = arith.constant 624 : index
    %get3A_3295 = tpu.vector_load %arg10[%get3A_3294] {strides = array<i32>} : memref<1024xf32, #tpu.memory_space<vmem>>, vector<16xf32>,
    %mul3A_3296 = arith.mulf %get3A_3295, %select_n3A_2968 : vector<16xf32>
    %get3A_3297 = arith.constant 512 : index
    %get3A_3298 = tpu.vector_load %arg10[%get3A_3297] {strides = array<i32>} : memref<1024xf32, #tpu.memory_space<vmem>>, vector<16xf32>,
    %add3A_3299 = arith.addf %mul3A_3296, %get3A_3298 : vector<16xf32>
    %get3A_3300 = arith.constant 528 : index
    %get3A_3301 = tpu.vector_load %arg10[%get3A_3300] {strides = array<i32>} : memref<1024xf32, #tpu.memory_space<vmem>>, vector<16xf32>,
    %add3A_3302 = arith.addf %add3A_3299, %get3A_3301 : vector<16xf32>
    %get3A_3303 = arith.constant 544 : index
    %get3A_3304 = tpu.vector_load %arg10[%get3A_3303] {strides = array<i32>} : memref<1024xf32, #tpu.memory_space<vmem>>, vector<16xf32>,
    %add3A_3305 = arith.addf %add3A_3302, %get3A_3304 : vector<16xf32>
    %get3A_3306 = arith.constant 560 : index
    %get3A_3307 = tpu.vector_load %arg10[%get3A_3306] {strides = array<i32>} : memref<1024xf32, #tpu.memory_space<vmem>>, vector<16xf32>,
    %add3A_3308 = arith.addf %add3A_3305, %get3A_3307 : vector<16xf32>
    %get3A_3309 = arith.constant 576 : index
    %get3A_3310 = tpu.vector_load %arg10[%get3A_3309] {strides = array<i32>} : memref<1024xf32, #tpu.memory_space<vmem>>, vector<16xf32>,
    %add3A_3311 = arith.addf %add3A_3308, %get3A_3310 : vector<16xf32>
    %get3A_3312 = arith.constant 592 : index
    %get3A_3313 = tpu.vector_load %arg10[%get3A_3312] {strides = array<i32>} : memref<1024xf32, #tpu.memory_space<vmem>>, vector<16xf32>,
    %add3A_3314 = arith.addf %add3A_3311, %get3A_3313 : vector<16xf32>
    %get3A_3315 = arith.constant 608 : index
    %get3A_3316 = tpu.vector_load %arg10[%get3A_3315] {strides = array<i32>} : memref<1024xf32, #tpu.memory_space<vmem>>, vector<16xf32>,
    %add3A_3317 = arith.addf %add3A_3314, %get3A_3316 : vector<16xf32>
    %eq3A_3318 = arith.constant 4 : i32
    %eq3A_3319 = vector.broadcast %eq3A_3318 : i32 to vector<16xi32>
    %eq3A_3320 = arith.cmpi eq, %iota3A, %eq3A_3319 : vector<16xi32>
    %reduce_sum3A_3321 = arith.constant true
    %reduce_sum3A_3322 = vector.broadcast %reduce_sum3A_3321 : i1 to vector<16xi1>
    %reduce_sum3A_3323 = tpu.scan <sum>, %add3A_3317 masked %reduce_sum3A_3322 : vector<16xf32>, vector<16xi1> -> vector<16xf32>
    %reduce_sum3A_3324 = vector.extract %reduce_sum3A_3323[15] : f32 from vector<16xf32>
    %broadcast_in_dim3A_3325 = vector.broadcast %reduce_sum3A_3324 : f32 to vector<16xf32>
    %select_n3A_3326 = arith.select %eq3A_3320, %broadcast_in_dim3A_3325, %select_n3A_3293 : vector<16xi1>, vector<16xf32>
    %get3A_3327 = arith.constant 752 : index
    %get3A_3328 = tpu.vector_load %arg10[%get3A_3327] {strides = array<i32>} : memref<1024xf32, #tpu.memory_space<vmem>>, vector<16xf32>,
    %mul3A_3329 = arith.mulf %get3A_3328, %select_n3A_2968 : vector<16xf32>
    %get3A_3330 = arith.constant 640 : index
    %get3A_3331 = tpu.vector_load %arg10[%get3A_3330] {strides = array<i32>} : memref<1024xf32, #tpu.memory_space<vmem>>, vector<16xf32>,
    %add3A_3332 = arith.addf %mul3A_3329, %get3A_3331 : vector<16xf32>
    %get3A_3333 = arith.constant 656 : index
    %get3A_3334 = tpu.vector_load %arg10[%get3A_3333] {strides = array<i32>} : memref<1024xf32, #tpu.memory_space<vmem>>, vector<16xf32>,
    %add3A_3335 = arith.addf %add3A_3332, %get3A_3334 : vector<16xf32>
    %get3A_3336 = arith.constant 672 : index
    %get3A_3337 = tpu.vector_load %arg10[%get3A_3336] {strides = array<i32>} : memref<1024xf32, #tpu.memory_space<vmem>>, vector<16xf32>,
    %add3A_3338 = arith.addf %add3A_3335, %get3A_3337 : vector<16xf32>
    %get3A_3339 = arith.constant 688 : index
    %get3A_3340 = tpu.vector_load %arg10[%get3A_3339] {strides = array<i32>} : memref<1024xf32, #tpu.memory_space<vmem>>, vector<16xf32>,
    %add3A_3341 = arith.addf %add3A_3338, %get3A_3340 : vector<16xf32>
    %get3A_3342 = arith.constant 704 : index
    %get3A_3343 = tpu.vector_load %arg10[%get3A_3342] {strides = array<i32>} : memref<1024xf32, #tpu.memory_space<vmem>>, vector<16xf32>,
    %add3A_3344 = arith.addf %add3A_3341, %get3A_3343 : vector<16xf32>
    %get3A_3345 = arith.constant 720 : index
    %get3A_3346 = tpu.vector_load %arg10[%get3A_3345] {strides = array<i32>} : memref<1024xf32, #tpu.memory_space<vmem>>, vector<16xf32>,
    %add3A_3347 = arith.addf %add3A_3344, %get3A_3346 : vector<16xf32>
    %get3A_3348 = arith.constant 736 : index
    %get3A_3349 = tpu.vector_load %arg10[%get3A_3348] {strides = array<i32>} : memref<1024xf32, #tpu.memory_space<vmem>>, vector<16xf32>,
    %add3A_3350 = arith.addf %add3A_3347, %get3A_3349 : vector<16xf32>
    %eq3A_3351 = arith.constant 5 : i32
    %eq3A_3352 = vector.broadcast %eq3A_3351 : i32 to vector<16xi32>
    %eq3A_3353 = arith.cmpi eq, %iota3A, %eq3A_3352 : vector<16xi32>
    %reduce_sum3A_3354 = arith.constant true
    %reduce_sum3A_3355 = vector.broadcast %reduce_sum3A_3354 : i1 to vector<16xi1>
    %reduce_sum3A_3356 = tpu.scan <sum>, %add3A_3350 masked %reduce_sum3A_3355 : vector<16xf32>, vector<16xi1> -> vector<16xf32>
    %reduce_sum3A_3357 = vector.extract %reduce_sum3A_3356[15] : f32 from vector<16xf32>
    %broadcast_in_dim3A_3358 = vector.broadcast %reduce_sum3A_3357 : f32 to vector<16xf32>
    %select_n3A_3359 = arith.select %eq3A_3353, %broadcast_in_dim3A_3358, %select_n3A_3326 : vector<16xi1>, vector<16xf32>
    %get3A_3360 = arith.constant 880 : index
    %get3A_3361 = tpu.vector_load %arg10[%get3A_3360] {strides = array<i32>} : memref<1024xf32, #tpu.memory_space<vmem>>, vector<16xf32>,
    %mul3A_3362 = arith.mulf %get3A_3361, %select_n3A_2968 : vector<16xf32>
    %get3A_3363 = arith.constant 768 : index
    %get3A_3364 = tpu.vector_load %arg10[%get3A_3363] {strides = array<i32>} : memref<1024xf32, #tpu.memory_space<vmem>>, vector<16xf32>,
    %add3A_3365 = arith.addf %mul3A_3362, %get3A_3364 : vector<16xf32>
    %get3A_3366 = arith.constant 784 : index
    %get3A_3367 = tpu.vector_load %arg10[%get3A_3366] {strides = array<i32>} : memref<1024xf32, #tpu.memory_space<vmem>>, vector<16xf32>,
    %add3A_3368 = arith.addf %add3A_3365, %get3A_3367 : vector<16xf32>
    %get3A_3369 = arith.constant 800 : index
    %get3A_3370 = tpu.vector_load %arg10[%get3A_3369] {strides = array<i32>} : memref<1024xf32, #tpu.memory_space<vmem>>, vector<16xf32>,
    %add3A_3371 = arith.addf %add3A_3368, %get3A_3370 : vector<16xf32>
    %get3A_3372 = arith.constant 816 : index
    %get3A_3373 = tpu.vector_load %arg10[%get3A_3372] {strides = array<i32>} : memref<1024xf32, #tpu.memory_space<vmem>>, vector<16xf32>,
    %add3A_3374 = arith.addf %add3A_3371, %get3A_3373 : vector<16xf32>
    %get3A_3375 = arith.constant 832 : index
    %get3A_3376 = tpu.vector_load %arg10[%get3A_3375] {strides = array<i32>} : memref<1024xf32, #tpu.memory_space<vmem>>, vector<16xf32>,
    %add3A_3377 = arith.addf %add3A_3374, %get3A_3376 : vector<16xf32>
    %get3A_3378 = arith.constant 848 : index
    %get3A_3379 = tpu.vector_load %arg10[%get3A_3378] {strides = array<i32>} : memref<1024xf32, #tpu.memory_space<vmem>>, vector<16xf32>,
    %add3A_3380 = arith.addf %add3A_3377, %get3A_3379 : vector<16xf32>
    %get3A_3381 = arith.constant 864 : index
    %get3A_3382 = tpu.vector_load %arg10[%get3A_3381] {strides = array<i32>} : memref<1024xf32, #tpu.memory_space<vmem>>, vector<16xf32>,
    %add3A_3383 = arith.addf %add3A_3380, %get3A_3382 : vector<16xf32>
    %eq3A_3384 = arith.constant 6 : i32
    %eq3A_3385 = vector.broadcast %eq3A_3384 : i32 to vector<16xi32>
    %eq3A_3386 = arith.cmpi eq, %iota3A, %eq3A_3385 : vector<16xi32>
    %reduce_sum3A_3387 = arith.constant true
    %reduce_sum3A_3388 = vector.broadcast %reduce_sum3A_3387 : i1 to vector<16xi1>
    %reduce_sum3A_3389 = tpu.scan <sum>, %add3A_3383 masked %reduce_sum3A_3388 : vector<16xf32>, vector<16xi1> -> vector<16xf32>
    %reduce_sum3A_3390 = vector.extract %reduce_sum3A_3389[15] : f32 from vector<16xf32>
    %broadcast_in_dim3A_3391 = vector.broadcast %reduce_sum3A_3390 : f32 to vector<16xf32>
    %select_n3A_3392 = arith.select %eq3A_3386, %broadcast_in_dim3A_3391, %select_n3A_3359 : vector<16xi1>, vector<16xf32>
    %get3A_3393 = arith.constant 1008 : index
    %get3A_3394 = tpu.vector_load %arg10[%get3A_3393] {strides = array<i32>} : memref<1024xf32, #tpu.memory_space<vmem>>, vector<16xf32>,
    %mul3A_3395 = arith.mulf %get3A_3394, %select_n3A_2968 : vector<16xf32>
    %get3A_3396 = arith.constant 896 : index
    %get3A_3397 = tpu.vector_load %arg10[%get3A_3396] {strides = array<i32>} : memref<1024xf32, #tpu.memory_space<vmem>>, vector<16xf32>,
    %add3A_3398 = arith.addf %mul3A_3395, %get3A_3397 : vector<16xf32>
    %get3A_3399 = arith.constant 912 : index
    %get3A_3400 = tpu.vector_load %arg10[%get3A_3399] {strides = array<i32>} : memref<1024xf32, #tpu.memory_space<vmem>>, vector<16xf32>,
    %add3A_3401 = arith.addf %add3A_3398, %get3A_3400 : vector<16xf32>
    %get3A_3402 = arith.constant 928 : index
    %get3A_3403 = tpu.vector_load %arg10[%get3A_3402] {strides = array<i32>} : memref<1024xf32, #tpu.memory_space<vmem>>, vector<16xf32>,
    %add3A_3404 = arith.addf %add3A_3401, %get3A_3403 : vector<16xf32>
    %get3A_3405 = arith.constant 944 : index
    %get3A_3406 = tpu.vector_load %arg10[%get3A_3405] {strides = array<i32>} : memref<1024xf32, #tpu.memory_space<vmem>>, vector<16xf32>,
    %add3A_3407 = arith.addf %add3A_3404, %get3A_3406 : vector<16xf32>
    %get3A_3408 = arith.constant 960 : index
    %get3A_3409 = tpu.vector_load %arg10[%get3A_3408] {strides = array<i32>} : memref<1024xf32, #tpu.memory_space<vmem>>, vector<16xf32>,
    %add3A_3410 = arith.addf %add3A_3407, %get3A_3409 : vector<16xf32>
    %get3A_3411 = arith.constant 976 : index
    %get3A_3412 = tpu.vector_load %arg10[%get3A_3411] {strides = array<i32>} : memref<1024xf32, #tpu.memory_space<vmem>>, vector<16xf32>,
    %add3A_3413 = arith.addf %add3A_3410, %get3A_3412 : vector<16xf32>
    %get3A_3414 = arith.constant 992 : index
    %get3A_3415 = tpu.vector_load %arg10[%get3A_3414] {strides = array<i32>} : memref<1024xf32, #tpu.memory_space<vmem>>, vector<16xf32>,
    %add3A_3416 = arith.addf %add3A_3413, %get3A_3415 : vector<16xf32>
    %eq3A_3417 = arith.constant 7 : i32
    %eq3A_3418 = vector.broadcast %eq3A_3417 : i32 to vector<16xi32>
    %eq3A_3419 = arith.cmpi eq, %iota3A, %eq3A_3418 : vector<16xi32>
    %reduce_sum3A_3420 = arith.constant true
    %reduce_sum3A_3421 = vector.broadcast %reduce_sum3A_3420 : i1 to vector<16xi1>
    %reduce_sum3A_3422 = tpu.scan <sum>, %add3A_3416 masked %reduce_sum3A_3421 : vector<16xf32>, vector<16xi1> -> vector<16xf32>
    %reduce_sum3A_3423 = vector.extract %reduce_sum3A_3422[15] : f32 from vector<16xf32>
    %broadcast_in_dim3A_3424 = vector.broadcast %reduce_sum3A_3423 : f32 to vector<16xf32>
    %select_n3A_3425 = arith.select %eq3A_3419, %broadcast_in_dim3A_3424, %select_n3A_3392 : vector<16xi1>, vector<16xf32>
    %get3A_3426 = arith.constant 0 : index
    %get3A_3427 = tpu.vector_load %arg17[%get3A_3426] {strides = array<i32>} : memref<16xf32, #tpu.memory_space<vmem>>, vector<16xf32>,
    %mul3A_3428 = arith.mulf %get3A_3427, %select_n3A_2976 : vector<16xf32>
    %add3A_3429 = arith.addf %select_n3A_3425, %mul3A_3428 : vector<16xf32>
    %get3A_3430 = arith.constant 0 : index
    %get3A_3431 = tpu.vector_load %arg18[%get3A_3430] {strides = array<i32>} : memref<16xf32, #tpu.memory_space<vmem>>, vector<16xf32>,
    %mul3A_3432 = arith.mulf %get3A_3431, %select_n3A_2976 : vector<16xf32>
    %add3A_3433 = arith.addf %add3A_3429, %mul3A_3432 : vector<16xf32>
    %reduce_sum3A_3434 = arith.constant true
    %reduce_sum3A_3435 = vector.broadcast %reduce_sum3A_3434 : i1 to vector<16xi1>
    %reduce_sum3A_3436 = tpu.scan <sum>, %add3A_3433 masked %reduce_sum3A_3435 : vector<16xf32>, vector<16xi1> -> vector<16xf32>
    %reduce_sum3A_3437 = vector.extract %reduce_sum3A_3436[15] : f32 from vector<16xf32>
    %mul3A_3438 = arith.mulf %add3A_3433, %add3A_3433 : vector<16xf32>
    %reduce_sum3A_3439 = arith.constant true
    %reduce_sum3A_3440 = vector.broadcast %reduce_sum3A_3439 : i1 to vector<16xi1>
    %reduce_sum3A_3441 = tpu.scan <sum>, %mul3A_3438 masked %reduce_sum3A_3440 : vector<16xf32>, vector<16xi1> -> vector<16xf32>
    %reduce_sum3A_3442 = vector.extract %reduce_sum3A_3441[15] : f32 from vector<16xf32>
    %get3A_3443 = arith.constant 0 : index
    %get3A_3444 = tpu.vector_load %arg17[%get3A_3443] {strides = array<i32>} : memref<16xf32, #tpu.memory_space<vmem>>, vector<16xf32>,
    %get3A_3445 = arith.constant 0 : index
    %get3A_3446 = tpu.vector_load %arg18[%get3A_3445] {strides = array<i32>} : memref<16xf32, #tpu.memory_space<vmem>>, vector<16xf32>,
    %add3A_3447 = arith.addf %get3A_3444, %get3A_3446 : vector<16xf32>
    %eq3A_3448 = arith.constant 8 : i32
    %eq3A_3449 = vector.broadcast %eq3A_3448 : i32 to vector<16xi32>
    %eq3A_3450 = arith.cmpi eq, %iota3A, %eq3A_3449 : vector<16xi32>
    %jit3A_3451 = arith.constant 1.000000e+00 : f32
    %jit3A_3452 = arith.constant 0.000000e+00 : f32
    %broadcast_in_dim3A_3453 = vector.broadcast %jit3A_3451 : f32 to vector<16xf32>
    %broadcast_in_dim3A_3454 = vector.broadcast %jit3A_3452 : f32 to vector<16xf32>
    %select_n3A_3455 = arith.select %eq3A_3450, %broadcast_in_dim3A_3453, %broadcast_in_dim3A_3454 : vector<16xi1>, vector<16xf32>
    %mul3A_3456 = arith.mulf %add3A_3447, %select_n3A_3455 : vector<16xf32>
    %reduce_sum3A_3457 = arith.constant true
    %reduce_sum3A_3458 = vector.broadcast %reduce_sum3A_3457 : i1 to vector<16xi1>
    %reduce_sum3A_3459 = tpu.scan <sum>, %mul3A_3456 masked %reduce_sum3A_3458 : vector<16xf32>, vector<16xi1> -> vector<16xf32>
    %reduce_sum3A_3460 = vector.extract %reduce_sum3A_3459[15] : f32 from vector<16xf32>
    %eq3A_3461 = arith.constant 0 : i32
    %eq3A_3462 = arith.cmpi eq, %add3A, %eq3A_3461 : i32
    %jit3A_3463 = arith.constant 1.000000e+00 : f32
    %jit3A_3464 = arith.constant 0.000000e+00 : f32
    %select_n3A_3465 = arith.select %eq3A_3462, %jit3A_3463, %jit3A_3464 : f32
    %mul3A_3466 = arith.mulf %reduce_sum3A_3460, %select_n3A_3465 : f32
    %add3A_3467 = arith.addf %reduce_sum3A_3153, %mul3A_3466 : f32
    %dma_wait3A_3468 = arith.constant 0 : i32
    %dma_wait3A_3469 = tpu.memref_slice %arg3[%dma_wait3A_3468] : memref<16777216xf32, #tpu.memory_space<hbm>> -> memref<16777216xf32, #tpu.memory_space<hbm>>
    tpu.wait_indirect_dma semaphore(%arg22 : memref<!tpu.dma_semaphore, #tpu.memory_space<semaphore_mem>>) src(%dma_wait3A_3469 : memref<16777216xf32, #tpu.memory_space<hbm>>) dst(%arg11 : memref<1024xf32, #tpu.memory_space<vmem>>)
    %broadcast_in_dim3A_3470 = arith.constant 0.000000e+00 : f32
    %broadcast_in_dim3A_3471 = vector.broadcast %broadcast_in_dim3A_3470 : f32 to vector<16xf32>
    %get3A_3472 = arith.constant 112 : index
    %get3A_3473 = tpu.vector_load %arg11[%get3A_3472] {strides = array<i32>} : memref<1024xf32, #tpu.memory_space<vmem>>, vector<16xf32>,
    %mul3A_3474 = arith.mulf %get3A_3473, %select_n3A_2968 : vector<16xf32>
    %get3A_3475 = arith.constant 0 : index
    %get3A_3476 = tpu.vector_load %arg11[%get3A_3475] {strides = array<i32>} : memref<1024xf32, #tpu.memory_space<vmem>>, vector<16xf32>,
    %add3A_3477 = arith.addf %mul3A_3474, %get3A_3476 : vector<16xf32>
    %get3A_3478 = arith.constant 16 : index
    %get3A_3479 = tpu.vector_load %arg11[%get3A_3478] {strides = array<i32>} : memref<1024xf32, #tpu.memory_space<vmem>>, vector<16xf32>,
    %add3A_3480 = arith.addf %add3A_3477, %get3A_3479 : vector<16xf32>
    %get3A_3481 = arith.constant 32 : index
    %get3A_3482 = tpu.vector_load %arg11[%get3A_3481] {strides = array<i32>} : memref<1024xf32, #tpu.memory_space<vmem>>, vector<16xf32>,
    %add3A_3483 = arith.addf %add3A_3480, %get3A_3482 : vector<16xf32>
    %get3A_3484 = arith.constant 48 : index
    %get3A_3485 = tpu.vector_load %arg11[%get3A_3484] {strides = array<i32>} : memref<1024xf32, #tpu.memory_space<vmem>>, vector<16xf32>,
    %add3A_3486 = arith.addf %add3A_3483, %get3A_3485 : vector<16xf32>
    %get3A_3487 = arith.constant 64 : index
    %get3A_3488 = tpu.vector_load %arg11[%get3A_3487] {strides = array<i32>} : memref<1024xf32, #tpu.memory_space<vmem>>, vector<16xf32>,
    %add3A_3489 = arith.addf %add3A_3486, %get3A_3488 : vector<16xf32>
    %get3A_3490 = arith.constant 80 : index
    %get3A_3491 = tpu.vector_load %arg11[%get3A_3490] {strides = array<i32>} : memref<1024xf32, #tpu.memory_space<vmem>>, vector<16xf32>,
    %add3A_3492 = arith.addf %add3A_3489, %get3A_3491 : vector<16xf32>
    %get3A_3493 = arith.constant 96 : index
    %get3A_3494 = tpu.vector_load %arg11[%get3A_3493] {strides = array<i32>} : memref<1024xf32, #tpu.memory_space<vmem>>, vector<16xf32>,
    %add3A_3495 = arith.addf %add3A_3492, %get3A_3494 : vector<16xf32>
    %eq3A_3496 = arith.constant 0 : i32
    %eq3A_3497 = vector.broadcast %eq3A_3496 : i32 to vector<16xi32>
    %eq3A_3498 = arith.cmpi eq, %iota3A, %eq3A_3497 : vector<16xi32>
    %reduce_sum3A_3499 = arith.constant true
    %reduce_sum3A_3500 = vector.broadcast %reduce_sum3A_3499 : i1 to vector<16xi1>
    %reduce_sum3A_3501 = tpu.scan <sum>, %add3A_3495 masked %reduce_sum3A_3500 : vector<16xf32>, vector<16xi1> -> vector<16xf32>
    %reduce_sum3A_3502 = vector.extract %reduce_sum3A_3501[15] : f32 from vector<16xf32>
    %broadcast_in_dim3A_3503 = vector.broadcast %reduce_sum3A_3502 : f32 to vector<16xf32>
    %select_n3A_3504 = arith.select %eq3A_3498, %broadcast_in_dim3A_3503, %broadcast_in_dim3A_3471 : vector<16xi1>, vector<16xf32>
    %get3A_3505 = arith.constant 240 : index
    %get3A_3506 = tpu.vector_load %arg11[%get3A_3505] {strides = array<i32>} : memref<1024xf32, #tpu.memory_space<vmem>>, vector<16xf32>,
    %mul3A_3507 = arith.mulf %get3A_3506, %select_n3A_2968 : vector<16xf32>
    %get3A_3508 = arith.constant 128 : index
    %get3A_3509 = tpu.vector_load %arg11[%get3A_3508] {strides = array<i32>} : memref<1024xf32, #tpu.memory_space<vmem>>, vector<16xf32>,
    %add3A_3510 = arith.addf %mul3A_3507, %get3A_3509 : vector<16xf32>
    %get3A_3511 = arith.constant 144 : index
    %get3A_3512 = tpu.vector_load %arg11[%get3A_3511] {strides = array<i32>} : memref<1024xf32, #tpu.memory_space<vmem>>, vector<16xf32>,
    %add3A_3513 = arith.addf %add3A_3510, %get3A_3512 : vector<16xf32>
    %get3A_3514 = arith.constant 160 : index
    %get3A_3515 = tpu.vector_load %arg11[%get3A_3514] {strides = array<i32>} : memref<1024xf32, #tpu.memory_space<vmem>>, vector<16xf32>,
    %add3A_3516 = arith.addf %add3A_3513, %get3A_3515 : vector<16xf32>
    %get3A_3517 = arith.constant 176 : index
    %get3A_3518 = tpu.vector_load %arg11[%get3A_3517] {strides = array<i32>} : memref<1024xf32, #tpu.memory_space<vmem>>, vector<16xf32>,
    %add3A_3519 = arith.addf %add3A_3516, %get3A_3518 : vector<16xf32>
    %get3A_3520 = arith.constant 192 : index
    %get3A_3521 = tpu.vector_load %arg11[%get3A_3520] {strides = array<i32>} : memref<1024xf32, #tpu.memory_space<vmem>>, vector<16xf32>,
    %add3A_3522 = arith.addf %add3A_3519, %get3A_3521 : vector<16xf32>
    %get3A_3523 = arith.constant 208 : index
    %get3A_3524 = tpu.vector_load %arg11[%get3A_3523] {strides = array<i32>} : memref<1024xf32, #tpu.memory_space<vmem>>, vector<16xf32>,
    %add3A_3525 = arith.addf %add3A_3522, %get3A_3524 : vector<16xf32>
    %get3A_3526 = arith.constant 224 : index
    %get3A_3527 = tpu.vector_load %arg11[%get3A_3526] {strides = array<i32>} : memref<1024xf32, #tpu.memory_space<vmem>>, vector<16xf32>,
    %add3A_3528 = arith.addf %add3A_3525, %get3A_3527 : vector<16xf32>
    %eq3A_3529 = arith.constant 1 : i32
    %eq3A_3530 = vector.broadcast %eq3A_3529 : i32 to vector<16xi32>
    %eq3A_3531 = arith.cmpi eq, %iota3A, %eq3A_3530 : vector<16xi32>
    %reduce_sum3A_3532 = arith.constant true
    %reduce_sum3A_3533 = vector.broadcast %reduce_sum3A_3532 : i1 to vector<16xi1>
    %reduce_sum3A_3534 = tpu.scan <sum>, %add3A_3528 masked %reduce_sum3A_3533 : vector<16xf32>, vector<16xi1> -> vector<16xf32>
    %reduce_sum3A_3535 = vector.extract %reduce_sum3A_3534[15] : f32 from vector<16xf32>
    %broadcast_in_dim3A_3536 = vector.broadcast %reduce_sum3A_3535 : f32 to vector<16xf32>
    %select_n3A_3537 = arith.select %eq3A_3531, %broadcast_in_dim3A_3536, %select_n3A_3504 : vector<16xi1>, vector<16xf32>
    %get3A_3538 = arith.constant 368 : index
    %get3A_3539 = tpu.vector_load %arg11[%get3A_3538] {strides = array<i32>} : memref<1024xf32, #tpu.memory_space<vmem>>, vector<16xf32>,
    %mul3A_3540 = arith.mulf %get3A_3539, %select_n3A_2968 : vector<16xf32>
    %get3A_3541 = arith.constant 256 : index
    %get3A_3542 = tpu.vector_load %arg11[%get3A_3541] {strides = array<i32>} : memref<1024xf32, #tpu.memory_space<vmem>>, vector<16xf32>,
    %add3A_3543 = arith.addf %mul3A_3540, %get3A_3542 : vector<16xf32>
    %get3A_3544 = arith.constant 272 : index
    %get3A_3545 = tpu.vector_load %arg11[%get3A_3544] {strides = array<i32>} : memref<1024xf32, #tpu.memory_space<vmem>>, vector<16xf32>,
    %add3A_3546 = arith.addf %add3A_3543, %get3A_3545 : vector<16xf32>
    %get3A_3547 = arith.constant 288 : index
    %get3A_3548 = tpu.vector_load %arg11[%get3A_3547] {strides = array<i32>} : memref<1024xf32, #tpu.memory_space<vmem>>, vector<16xf32>,
    %add3A_3549 = arith.addf %add3A_3546, %get3A_3548 : vector<16xf32>
    %get3A_3550 = arith.constant 304 : index
    %get3A_3551 = tpu.vector_load %arg11[%get3A_3550] {strides = array<i32>} : memref<1024xf32, #tpu.memory_space<vmem>>, vector<16xf32>,
    %add3A_3552 = arith.addf %add3A_3549, %get3A_3551 : vector<16xf32>
    %get3A_3553 = arith.constant 320 : index
    %get3A_3554 = tpu.vector_load %arg11[%get3A_3553] {strides = array<i32>} : memref<1024xf32, #tpu.memory_space<vmem>>, vector<16xf32>,
    %add3A_3555 = arith.addf %add3A_3552, %get3A_3554 : vector<16xf32>
    %get3A_3556 = arith.constant 336 : index
    %get3A_3557 = tpu.vector_load %arg11[%get3A_3556] {strides = array<i32>} : memref<1024xf32, #tpu.memory_space<vmem>>, vector<16xf32>,
    %add3A_3558 = arith.addf %add3A_3555, %get3A_3557 : vector<16xf32>
    %get3A_3559 = arith.constant 352 : index
    %get3A_3560 = tpu.vector_load %arg11[%get3A_3559] {strides = array<i32>} : memref<1024xf32, #tpu.memory_space<vmem>>, vector<16xf32>,
    %add3A_3561 = arith.addf %add3A_3558, %get3A_3560 : vector<16xf32>
    %eq3A_3562 = arith.constant 2 : i32
    %eq3A_3563 = vector.broadcast %eq3A_3562 : i32 to vector<16xi32>
    %eq3A_3564 = arith.cmpi eq, %iota3A, %eq3A_3563 : vector<16xi32>
    %reduce_sum3A_3565 = arith.constant true
    %reduce_sum3A_3566 = vector.broadcast %reduce_sum3A_3565 : i1 to vector<16xi1>
    %reduce_sum3A_3567 = tpu.scan <sum>, %add3A_3561 masked %reduce_sum3A_3566 : vector<16xf32>, vector<16xi1> -> vector<16xf32>
    %reduce_sum3A_3568 = vector.extract %reduce_sum3A_3567[15] : f32 from vector<16xf32>
    %broadcast_in_dim3A_3569 = vector.broadcast %reduce_sum3A_3568 : f32 to vector<16xf32>
    %select_n3A_3570 = arith.select %eq3A_3564, %broadcast_in_dim3A_3569, %select_n3A_3537 : vector<16xi1>, vector<16xf32>
    %get3A_3571 = arith.constant 496 : index
    %get3A_3572 = tpu.vector_load %arg11[%get3A_3571] {strides = array<i32>} : memref<1024xf32, #tpu.memory_space<vmem>>, vector<16xf32>,
    %mul3A_3573 = arith.mulf %get3A_3572, %select_n3A_2968 : vector<16xf32>
    %get3A_3574 = arith.constant 384 : index
    %get3A_3575 = tpu.vector_load %arg11[%get3A_3574] {strides = array<i32>} : memref<1024xf32, #tpu.memory_space<vmem>>, vector<16xf32>,
    %add3A_3576 = arith.addf %mul3A_3573, %get3A_3575 : vector<16xf32>
    %get3A_3577 = arith.constant 400 : index
    %get3A_3578 = tpu.vector_load %arg11[%get3A_3577] {strides = array<i32>} : memref<1024xf32, #tpu.memory_space<vmem>>, vector<16xf32>,
    %add3A_3579 = arith.addf %add3A_3576, %get3A_3578 : vector<16xf32>
    %get3A_3580 = arith.constant 416 : index
    %get3A_3581 = tpu.vector_load %arg11[%get3A_3580] {strides = array<i32>} : memref<1024xf32, #tpu.memory_space<vmem>>, vector<16xf32>,
    %add3A_3582 = arith.addf %add3A_3579, %get3A_3581 : vector<16xf32>
    %get3A_3583 = arith.constant 432 : index
    %get3A_3584 = tpu.vector_load %arg11[%get3A_3583] {strides = array<i32>} : memref<1024xf32, #tpu.memory_space<vmem>>, vector<16xf32>,
    %add3A_3585 = arith.addf %add3A_3582, %get3A_3584 : vector<16xf32>
    %get3A_3586 = arith.constant 448 : index
    %get3A_3587 = tpu.vector_load %arg11[%get3A_3586] {strides = array<i32>} : memref<1024xf32, #tpu.memory_space<vmem>>, vector<16xf32>,
    %add3A_3588 = arith.addf %add3A_3585, %get3A_3587 : vector<16xf32>
    %get3A_3589 = arith.constant 464 : index
    %get3A_3590 = tpu.vector_load %arg11[%get3A_3589] {strides = array<i32>} : memref<1024xf32, #tpu.memory_space<vmem>>, vector<16xf32>,
    %add3A_3591 = arith.addf %add3A_3588, %get3A_3590 : vector<16xf32>
    %get3A_3592 = arith.constant 480 : index
    %get3A_3593 = tpu.vector_load %arg11[%get3A_3592] {strides = array<i32>} : memref<1024xf32, #tpu.memory_space<vmem>>, vector<16xf32>,
    %add3A_3594 = arith.addf %add3A_3591, %get3A_3593 : vector<16xf32>
    %eq3A_3595 = arith.constant 3 : i32
    %eq3A_3596 = vector.broadcast %eq3A_3595 : i32 to vector<16xi32>
    %eq3A_3597 = arith.cmpi eq, %iota3A, %eq3A_3596 : vector<16xi32>
    %reduce_sum3A_3598 = arith.constant true
    %reduce_sum3A_3599 = vector.broadcast %reduce_sum3A_3598 : i1 to vector<16xi1>
    %reduce_sum3A_3600 = tpu.scan <sum>, %add3A_3594 masked %reduce_sum3A_3599 : vector<16xf32>, vector<16xi1> -> vector<16xf32>
    %reduce_sum3A_3601 = vector.extract %reduce_sum3A_3600[15] : f32 from vector<16xf32>
    %broadcast_in_dim3A_3602 = vector.broadcast %reduce_sum3A_3601 : f32 to vector<16xf32>
    %select_n3A_3603 = arith.select %eq3A_3597, %broadcast_in_dim3A_3602, %select_n3A_3570 : vector<16xi1>, vector<16xf32>
    %get3A_3604 = arith.constant 624 : index
    %get3A_3605 = tpu.vector_load %arg11[%get3A_3604] {strides = array<i32>} : memref<1024xf32, #tpu.memory_space<vmem>>, vector<16xf32>,
    %mul3A_3606 = arith.mulf %get3A_3605, %select_n3A_2968 : vector<16xf32>
    %get3A_3607 = arith.constant 512 : index
    %get3A_3608 = tpu.vector_load %arg11[%get3A_3607] {strides = array<i32>} : memref<1024xf32, #tpu.memory_space<vmem>>, vector<16xf32>,
    %add3A_3609 = arith.addf %mul3A_3606, %get3A_3608 : vector<16xf32>
    %get3A_3610 = arith.constant 528 : index
    %get3A_3611 = tpu.vector_load %arg11[%get3A_3610] {strides = array<i32>} : memref<1024xf32, #tpu.memory_space<vmem>>, vector<16xf32>,
    %add3A_3612 = arith.addf %add3A_3609, %get3A_3611 : vector<16xf32>
    %get3A_3613 = arith.constant 544 : index
    %get3A_3614 = tpu.vector_load %arg11[%get3A_3613] {strides = array<i32>} : memref<1024xf32, #tpu.memory_space<vmem>>, vector<16xf32>,
    %add3A_3615 = arith.addf %add3A_3612, %get3A_3614 : vector<16xf32>
    %get3A_3616 = arith.constant 560 : index
    %get3A_3617 = tpu.vector_load %arg11[%get3A_3616] {strides = array<i32>} : memref<1024xf32, #tpu.memory_space<vmem>>, vector<16xf32>,
    %add3A_3618 = arith.addf %add3A_3615, %get3A_3617 : vector<16xf32>
    %get3A_3619 = arith.constant 576 : index
    %get3A_3620 = tpu.vector_load %arg11[%get3A_3619] {strides = array<i32>} : memref<1024xf32, #tpu.memory_space<vmem>>, vector<16xf32>,
    %add3A_3621 = arith.addf %add3A_3618, %get3A_3620 : vector<16xf32>
    %get3A_3622 = arith.constant 592 : index
    %get3A_3623 = tpu.vector_load %arg11[%get3A_3622] {strides = array<i32>} : memref<1024xf32, #tpu.memory_space<vmem>>, vector<16xf32>,
    %add3A_3624 = arith.addf %add3A_3621, %get3A_3623 : vector<16xf32>
    %get3A_3625 = arith.constant 608 : index
    %get3A_3626 = tpu.vector_load %arg11[%get3A_3625] {strides = array<i32>} : memref<1024xf32, #tpu.memory_space<vmem>>, vector<16xf32>,
    %add3A_3627 = arith.addf %add3A_3624, %get3A_3626 : vector<16xf32>
    %eq3A_3628 = arith.constant 4 : i32
    %eq3A_3629 = vector.broadcast %eq3A_3628 : i32 to vector<16xi32>
    %eq3A_3630 = arith.cmpi eq, %iota3A, %eq3A_3629 : vector<16xi32>
    %reduce_sum3A_3631 = arith.constant true
    %reduce_sum3A_3632 = vector.broadcast %reduce_sum3A_3631 : i1 to vector<16xi1>
    %reduce_sum3A_3633 = tpu.scan <sum>, %add3A_3627 masked %reduce_sum3A_3632 : vector<16xf32>, vector<16xi1> -> vector<16xf32>
    %reduce_sum3A_3634 = vector.extract %reduce_sum3A_3633[15] : f32 from vector<16xf32>
    %broadcast_in_dim3A_3635 = vector.broadcast %reduce_sum3A_3634 : f32 to vector<16xf32>
    %select_n3A_3636 = arith.select %eq3A_3630, %broadcast_in_dim3A_3635, %select_n3A_3603 : vector<16xi1>, vector<16xf32>
    %get3A_3637 = arith.constant 752 : index
    %get3A_3638 = tpu.vector_load %arg11[%get3A_3637] {strides = array<i32>} : memref<1024xf32, #tpu.memory_space<vmem>>, vector<16xf32>,
    %mul3A_3639 = arith.mulf %get3A_3638, %select_n3A_2968 : vector<16xf32>
    %get3A_3640 = arith.constant 640 : index
    %get3A_3641 = tpu.vector_load %arg11[%get3A_3640] {strides = array<i32>} : memref<1024xf32, #tpu.memory_space<vmem>>, vector<16xf32>,
    %add3A_3642 = arith.addf %mul3A_3639, %get3A_3641 : vector<16xf32>
    %get3A_3643 = arith.constant 656 : index
    %get3A_3644 = tpu.vector_load %arg11[%get3A_3643] {strides = array<i32>} : memref<1024xf32, #tpu.memory_space<vmem>>, vector<16xf32>,
    %add3A_3645 = arith.addf %add3A_3642, %get3A_3644 : vector<16xf32>
    %get3A_3646 = arith.constant 672 : index
    %get3A_3647 = tpu.vector_load %arg11[%get3A_3646] {strides = array<i32>} : memref<1024xf32, #tpu.memory_space<vmem>>, vector<16xf32>,
    %add3A_3648 = arith.addf %add3A_3645, %get3A_3647 : vector<16xf32>
    %get3A_3649 = arith.constant 688 : index
    %get3A_3650 = tpu.vector_load %arg11[%get3A_3649] {strides = array<i32>} : memref<1024xf32, #tpu.memory_space<vmem>>, vector<16xf32>,
    %add3A_3651 = arith.addf %add3A_3648, %get3A_3650 : vector<16xf32>
    %get3A_3652 = arith.constant 704 : index
    %get3A_3653 = tpu.vector_load %arg11[%get3A_3652] {strides = array<i32>} : memref<1024xf32, #tpu.memory_space<vmem>>, vector<16xf32>,
    %add3A_3654 = arith.addf %add3A_3651, %get3A_3653 : vector<16xf32>
    %get3A_3655 = arith.constant 720 : index
    %get3A_3656 = tpu.vector_load %arg11[%get3A_3655] {strides = array<i32>} : memref<1024xf32, #tpu.memory_space<vmem>>, vector<16xf32>,
    %add3A_3657 = arith.addf %add3A_3654, %get3A_3656 : vector<16xf32>
    %get3A_3658 = arith.constant 736 : index
    %get3A_3659 = tpu.vector_load %arg11[%get3A_3658] {strides = array<i32>} : memref<1024xf32, #tpu.memory_space<vmem>>, vector<16xf32>,
    %add3A_3660 = arith.addf %add3A_3657, %get3A_3659 : vector<16xf32>
    %eq3A_3661 = arith.constant 5 : i32
    %eq3A_3662 = vector.broadcast %eq3A_3661 : i32 to vector<16xi32>
    %eq3A_3663 = arith.cmpi eq, %iota3A, %eq3A_3662 : vector<16xi32>
    %reduce_sum3A_3664 = arith.constant true
    %reduce_sum3A_3665 = vector.broadcast %reduce_sum3A_3664 : i1 to vector<16xi1>
    %reduce_sum3A_3666 = tpu.scan <sum>, %add3A_3660 masked %reduce_sum3A_3665 : vector<16xf32>, vector<16xi1> -> vector<16xf32>
    %reduce_sum3A_3667 = vector.extract %reduce_sum3A_3666[15] : f32 from vector<16xf32>
    %broadcast_in_dim3A_3668 = vector.broadcast %reduce_sum3A_3667 : f32 to vector<16xf32>
    %select_n3A_3669 = arith.select %eq3A_3663, %broadcast_in_dim3A_3668, %select_n3A_3636 : vector<16xi1>, vector<16xf32>
    %get3A_3670 = arith.constant 880 : index
    %get3A_3671 = tpu.vector_load %arg11[%get3A_3670] {strides = array<i32>} : memref<1024xf32, #tpu.memory_space<vmem>>, vector<16xf32>,
    %mul3A_3672 = arith.mulf %get3A_3671, %select_n3A_2968 : vector<16xf32>
    %get3A_3673 = arith.constant 768 : index
    %get3A_3674 = tpu.vector_load %arg11[%get3A_3673] {strides = array<i32>} : memref<1024xf32, #tpu.memory_space<vmem>>, vector<16xf32>,
    %add3A_3675 = arith.addf %mul3A_3672, %get3A_3674 : vector<16xf32>
    %get3A_3676 = arith.constant 784 : index
    %get3A_3677 = tpu.vector_load %arg11[%get3A_3676] {strides = array<i32>} : memref<1024xf32, #tpu.memory_space<vmem>>, vector<16xf32>,
    %add3A_3678 = arith.addf %add3A_3675, %get3A_3677 : vector<16xf32>
    %get3A_3679 = arith.constant 800 : index
    %get3A_3680 = tpu.vector_load %arg11[%get3A_3679] {strides = array<i32>} : memref<1024xf32, #tpu.memory_space<vmem>>, vector<16xf32>,
    %add3A_3681 = arith.addf %add3A_3678, %get3A_3680 : vector<16xf32>
    %get3A_3682 = arith.constant 816 : index
    %get3A_3683 = tpu.vector_load %arg11[%get3A_3682] {strides = array<i32>} : memref<1024xf32, #tpu.memory_space<vmem>>, vector<16xf32>,
    %add3A_3684 = arith.addf %add3A_3681, %get3A_3683 : vector<16xf32>
    %get3A_3685 = arith.constant 832 : index
    %get3A_3686 = tpu.vector_load %arg11[%get3A_3685] {strides = array<i32>} : memref<1024xf32, #tpu.memory_space<vmem>>, vector<16xf32>,
    %add3A_3687 = arith.addf %add3A_3684, %get3A_3686 : vector<16xf32>
    %get3A_3688 = arith.constant 848 : index
    %get3A_3689 = tpu.vector_load %arg11[%get3A_3688] {strides = array<i32>} : memref<1024xf32, #tpu.memory_space<vmem>>, vector<16xf32>,
    %add3A_3690 = arith.addf %add3A_3687, %get3A_3689 : vector<16xf32>
    %get3A_3691 = arith.constant 864 : index
    %get3A_3692 = tpu.vector_load %arg11[%get3A_3691] {strides = array<i32>} : memref<1024xf32, #tpu.memory_space<vmem>>, vector<16xf32>,
    %add3A_3693 = arith.addf %add3A_3690, %get3A_3692 : vector<16xf32>
    %eq3A_3694 = arith.constant 6 : i32
    %eq3A_3695 = vector.broadcast %eq3A_3694 : i32 to vector<16xi32>
    %eq3A_3696 = arith.cmpi eq, %iota3A, %eq3A_3695 : vector<16xi32>
    %reduce_sum3A_3697 = arith.constant true
    %reduce_sum3A_3698 = vector.broadcast %reduce_sum3A_3697 : i1 to vector<16xi1>
    %reduce_sum3A_3699 = tpu.scan <sum>, %add3A_3693 masked %reduce_sum3A_3698 : vector<16xf32>, vector<16xi1> -> vector<16xf32>
    %reduce_sum3A_3700 = vector.extract %reduce_sum3A_3699[15] : f32 from vector<16xf32>
    %broadcast_in_dim3A_3701 = vector.broadcast %reduce_sum3A_3700 : f32 to vector<16xf32>
    %select_n3A_3702 = arith.select %eq3A_3696, %broadcast_in_dim3A_3701, %select_n3A_3669 : vector<16xi1>, vector<16xf32>
    %get3A_3703 = arith.constant 1008 : index
    %get3A_3704 = tpu.vector_load %arg11[%get3A_3703] {strides = array<i32>} : memref<1024xf32, #tpu.memory_space<vmem>>, vector<16xf32>,
    %mul3A_3705 = arith.mulf %get3A_3704, %select_n3A_2968 : vector<16xf32>
    %get3A_3706 = arith.constant 896 : index
    %get3A_3707 = tpu.vector_load %arg11[%get3A_3706] {strides = array<i32>} : memref<1024xf32, #tpu.memory_space<vmem>>, vector<16xf32>,
    %add3A_3708 = arith.addf %mul3A_3705, %get3A_3707 : vector<16xf32>
    %get3A_3709 = arith.constant 912 : index
    %get3A_3710 = tpu.vector_load %arg11[%get3A_3709] {strides = array<i32>} : memref<1024xf32, #tpu.memory_space<vmem>>, vector<16xf32>,
    %add3A_3711 = arith.addf %add3A_3708, %get3A_3710 : vector<16xf32>
    %get3A_3712 = arith.constant 928 : index
    %get3A_3713 = tpu.vector_load %arg11[%get3A_3712] {strides = array<i32>} : memref<1024xf32, #tpu.memory_space<vmem>>, vector<16xf32>,
    %add3A_3714 = arith.addf %add3A_3711, %get3A_3713 : vector<16xf32>
    %get3A_3715 = arith.constant 944 : index
    %get3A_3716 = tpu.vector_load %arg11[%get3A_3715] {strides = array<i32>} : memref<1024xf32, #tpu.memory_space<vmem>>, vector<16xf32>,
    %add3A_3717 = arith.addf %add3A_3714, %get3A_3716 : vector<16xf32>
    %get3A_3718 = arith.constant 960 : index
    %get3A_3719 = tpu.vector_load %arg11[%get3A_3718] {strides = array<i32>} : memref<1024xf32, #tpu.memory_space<vmem>>, vector<16xf32>,
    %add3A_3720 = arith.addf %add3A_3717, %get3A_3719 : vector<16xf32>
    %get3A_3721 = arith.constant 976 : index
    %get3A_3722 = tpu.vector_load %arg11[%get3A_3721] {strides = array<i32>} : memref<1024xf32, #tpu.memory_space<vmem>>, vector<16xf32>,
    %add3A_3723 = arith.addf %add3A_3720, %get3A_3722 : vector<16xf32>
    %get3A_3724 = arith.constant 992 : index
    %get3A_3725 = tpu.vector_load %arg11[%get3A_3724] {strides = array<i32>} : memref<1024xf32, #tpu.memory_space<vmem>>, vector<16xf32>,
    %add3A_3726 = arith.addf %add3A_3723, %get3A_3725 : vector<16xf32>
    %eq3A_3727 = arith.constant 7 : i32
    %eq3A_3728 = vector.broadcast %eq3A_3727 : i32 to vector<16xi32>
    %eq3A_3729 = arith.cmpi eq, %iota3A, %eq3A_3728 : vector<16xi32>
    %reduce_sum3A_3730 = arith.constant true
    %reduce_sum3A_3731 = vector.broadcast %reduce_sum3A_3730 : i1 to vector<16xi1>
    %reduce_sum3A_3732 = tpu.scan <sum>, %add3A_3726 masked %reduce_sum3A_3731 : vector<16xf32>, vector<16xi1> -> vector<16xf32>
    %reduce_sum3A_3733 = vector.extract %reduce_sum3A_3732[15] : f32 from vector<16xf32>
    %broadcast_in_dim3A_3734 = vector.broadcast %reduce_sum3A_3733 : f32 to vector<16xf32>
    %select_n3A_3735 = arith.select %eq3A_3729, %broadcast_in_dim3A_3734, %select_n3A_3702 : vector<16xi1>, vector<16xf32>
    %mul3A_3736 = arith.mulf %add3A_3433, %select_n3A_3735 : vector<16xf32>
    %reduce_sum3A_3737 = arith.constant true
    %reduce_sum3A_3738 = vector.broadcast %reduce_sum3A_3737 : i1 to vector<16xi1>
    %reduce_sum3A_3739 = tpu.scan <sum>, %mul3A_3736 masked %reduce_sum3A_3738 : vector<16xf32>, vector<16xi1> -> vector<16xf32>
    %reduce_sum3A_3740 = vector.extract %reduce_sum3A_3739[15] : f32 from vector<16xf32>
    %eq3A_3741 = arith.constant 0 : i32
    %eq3A_3742 = vector.broadcast %eq3A_3741 : i32 to vector<16xi32>
    %eq3A_3743 = arith.cmpi eq, %iota3A, %eq3A_3742 : vector<16xi32>
    %jit3A_3744 = arith.constant 1.000000e+00 : f32
    %jit3A_3745 = arith.constant 0.000000e+00 : f32
    %broadcast_in_dim3A_3746 = vector.broadcast %jit3A_3744 : f32 to vector<16xf32>
    %broadcast_in_dim3A_3747 = vector.broadcast %jit3A_3745 : f32 to vector<16xf32>
    %select_n3A_3748 = arith.select %eq3A_3743, %broadcast_in_dim3A_3746, %broadcast_in_dim3A_3747 : vector<16xi1>, vector<16xf32>
    %mul3A_3749 = vector.broadcast %reduce_sum3A_3437 : f32 to vector<16xf32>
    %mul3A_3750 = arith.mulf %select_n3A_3748, %mul3A_3749 : vector<16xf32>
    %eq3A_3751 = arith.constant 1 : i32
    %eq3A_3752 = vector.broadcast %eq3A_3751 : i32 to vector<16xi32>
    %eq3A_3753 = arith.cmpi eq, %iota3A, %eq3A_3752 : vector<16xi32>
    %jit3A_3754 = arith.constant 1.000000e+00 : f32
    %jit3A_3755 = arith.constant 0.000000e+00 : f32
    %broadcast_in_dim3A_3756 = vector.broadcast %jit3A_3754 : f32 to vector<16xf32>
    %broadcast_in_dim3A_3757 = vector.broadcast %jit3A_3755 : f32 to vector<16xf32>
    %select_n3A_3758 = arith.select %eq3A_3753, %broadcast_in_dim3A_3756, %broadcast_in_dim3A_3757 : vector<16xi1>, vector<16xf32>
    %mul3A_3759 = vector.broadcast %reduce_sum3A_3442 : f32 to vector<16xf32>
    %mul3A_3760 = arith.mulf %select_n3A_3758, %mul3A_3759 : vector<16xf32>
    %add3A_3761 = arith.addf %mul3A_3750, %mul3A_3760 : vector<16xf32>
    %eq3A_3762 = arith.constant 2 : i32
    %eq3A_3763 = vector.broadcast %eq3A_3762 : i32 to vector<16xi32>
    %eq3A_3764 = arith.cmpi eq, %iota3A, %eq3A_3763 : vector<16xi32>
    %jit3A_3765 = arith.constant 1.000000e+00 : f32
    %jit3A_3766 = arith.constant 0.000000e+00 : f32
    %broadcast_in_dim3A_3767 = vector.broadcast %jit3A_3765 : f32 to vector<16xf32>
    %broadcast_in_dim3A_3768 = vector.broadcast %jit3A_3766 : f32 to vector<16xf32>
    %select_n3A_3769 = arith.select %eq3A_3764, %broadcast_in_dim3A_3767, %broadcast_in_dim3A_3768 : vector<16xi1>, vector<16xf32>
    %mul3A_3770 = vector.broadcast %reduce_sum3A_3740 : f32 to vector<16xf32>
    %mul3A_3771 = arith.mulf %select_n3A_3769, %mul3A_3770 : vector<16xf32>
    %add3A_3772 = arith.addf %add3A_3761, %mul3A_3771 : vector<16xf32>
    %eq3A_3773 = arith.constant 3 : i32
    %eq3A_3774 = vector.broadcast %eq3A_3773 : i32 to vector<16xi32>
    %eq3A_3775 = arith.cmpi eq, %iota3A, %eq3A_3774 : vector<16xi32>
    %jit3A_3776 = arith.constant 1.000000e+00 : f32
    %jit3A_3777 = arith.constant 0.000000e+00 : f32
    %broadcast_in_dim3A_3778 = vector.broadcast %jit3A_3776 : f32 to vector<16xf32>
    %broadcast_in_dim3A_3779 = vector.broadcast %jit3A_3777 : f32 to vector<16xf32>
    %select_n3A_3780 = arith.select %eq3A_3775, %broadcast_in_dim3A_3778, %broadcast_in_dim3A_3779 : vector<16xi1>, vector<16xf32>
    %mul3A_3781 = vector.broadcast %add3A_3467 : f32 to vector<16xf32>
    %mul3A_3782 = arith.mulf %select_n3A_3780, %mul3A_3781 : vector<16xf32>
    %add3A_3783 = arith.addf %add3A_3772, %mul3A_3782 : vector<16xf32>
    %swap3A_3784 = arith.constant 0 : index
    %swap3A_3785 = tpu.vector_load %arg19[%swap3A_3784] {strides = array<i32>} : memref<16xf32, #tpu.memory_space<vmem>>, vector<16xf32>,
    tpu.vector_store %arg19[%swap3A_3784], %add3A_3783 {strides = array<i32>} : memref<16xf32, #tpu.memory_space<vmem>>, vector<16xf32>,
    "tpu.region"() ({
      %run_scoped3A = tpu.sem_alloc : memref<!tpu.dma_semaphore, #tpu.memory_space<semaphore_mem>>
      %dma_start3A_3786 = arith.constant 0 : i32
      %dma_start3A_3787 = tpu.memref_slice %arg7[%add3A, %dma_start3A_3786] : memref<32x16xf32, #tpu.memory_space<hbm>> -> memref<1x16xf32, #tpu.memory_space<hbm>>
      %dma_start3A_3788 = tpu.memref_squeeze %dma_start3A_3787 : memref<1x16xf32, #tpu.memory_space<hbm>> -> memref<16xf32, #tpu.memory_space<hbm>>
      %dma_start3A_3789 = arith.constant 0 : i32
      %dma_start3A_3790 = tpu.memref_slice %arg7[%add3A, %dma_start3A_3789] : memref<32x16xf32, #tpu.memory_space<hbm>> -> memref<1x16xf32, #tpu.memory_space<hbm>>
      %dma_start3A_3791 = tpu.memref_squeeze %dma_start3A_3790 : memref<1x16xf32, #tpu.memory_space<hbm>> -> memref<16xf32, #tpu.memory_space<hbm>>
      tpu.enqueue_dma source(%arg19 : memref<16xf32, #tpu.memory_space<vmem>>) target(%dma_start3A_3791 : memref<16xf32, #tpu.memory_space<hbm>>) target_semaphore(%run_scoped3A : memref<!tpu.dma_semaphore, #tpu.memory_space<semaphore_mem>>)
      %dma_wait3A_3792 = arith.constant 0 : i32
      %dma_wait3A_3793 = tpu.memref_slice %arg7[%add3A, %dma_wait3A_3792] : memref<32x16xf32, #tpu.memory_space<hbm>> -> memref<1x16xf32, #tpu.memory_space<hbm>>
      %dma_wait3A_3794 = tpu.memref_squeeze %dma_wait3A_3793 : memref<1x16xf32, #tpu.memory_space<hbm>> -> memref<16xf32, #tpu.memory_space<hbm>>
      %dma_wait3A_3795 = arith.constant 0 : i32
      %dma_wait3A_3796 = tpu.memref_slice %arg7[%add3A, %dma_wait3A_3795] : memref<32x16xf32, #tpu.memory_space<hbm>> -> memref<1x16xf32, #tpu.memory_space<hbm>>
      %dma_wait3A_3797 = tpu.memref_squeeze %dma_wait3A_3796 : memref<1x16xf32, #tpu.memory_space<hbm>> -> memref<16xf32, #tpu.memory_space<hbm>>
      tpu.wait_dma2 semaphore(%run_scoped3A : memref<!tpu.dma_semaphore, #tpu.memory_space<semaphore_mem>>) src(%arg19 : memref<16xf32, #tpu.memory_space<vmem>>) dst(%dma_wait3A_3797 : memref<16xf32, #tpu.memory_space<hbm>>)
      tpu.yield
    }) : () -> ()
    return
  }
}

</mosaic_0001>

<sc_bundles>
// kernel: kernel.3.cloned.1.call-start
scs
__scs_entry_jumppad:
0x0: {  	(pc) =	sbr.rel $0x88, $3  }
0x1: {  	(tag) =	ssettag $0x0;
	lr =	simm.s32 $0x1  }
0x2: {  	[smem:$0x3F9C] =	sst lr;
	_ =	strace $0xD0000000  }
0x3: {  	_ = 	snop  }
0x4: {  	_ = 	snop  }
0x5: {  	_ = 	snop  }
0x6: {  	_ = 	snop  }
0x7: {  	_ = 	snop  }
__scs_overlays_trampoline_lowered:
0x8: {  	[smem:$0x3FAB] =	sst s0  }
0x9: {  	[smem:$0x3FAC] =	sst s1  }
0xa: {  	[smem:$0x3FAD] =	sst s2  }
0xb: {  	[smem:$0x3FAE] =	sst s3  }
0xc: {  	[smem:$0x3FAF] =	sst s4  }
0xd: {  	[smem:$0x3FB0] =	sst s5  }
0xe: {  	[smem:$0x3FB1] =	sst s6  }
0xf: {  	[smem:$0x3FB2] =	sst s7  }
0x10: {  	[smem:$0x3FB3] =	sst s8  }
0x11: {  	[smem:$0x3FB4] =	sst s9;
	s0 =	simm.s32 @!p0 $0x0  }
0x12: {  	s1 =	sld [smem:$0x3F9A];
	s0 =	simm.s32 @p0 $0x1  }
0x13: {  	[smem:$0x3FB5] =	sst s0;
	s0 =	simm.s32 @!p1 $0x0  }
0x14: {  	s2 =	sld [smem:$0x3F99];
	s0 =	simm.s32 @p1 $0x1  }
0x15: {  	[smem:$0x3FB6] =	sst s0;
	s0 =	simm.s32 @!p2 $0x0  }
0x16: {  	s3 =	sld [smem:$0x3FDB];
	s0 =	simm.s32 @p2 $0x1  }
0x17: {  	s4 =	simm.s32 $0x1BF5;
	[smem:$0x3FB8] =	sst s0  }
0x18: {  	s0 =	sld [smem:$0x3F9B];
	_ =	swait.ge [sflag:s4], $0x0  }
0x19: {  	s7 =	sld [smem:$0x3F9C]  }
0x1a: {  	s8 =	sadd.s32 $0xFFFFE003, lr  }
0x1b: {  	s9 =	sadd.s32 $0xFFFFFEF7, lr;
	s5 =	simm.s32 $0xFFFFFFFF;
	p2 =	slt.u32 s8, $0xFFFFF086  }
0x1c: {  	p1 =	slt.u32 s9, $0xF7A;
	s5 =	simm.s32 @!p2 $0x0  }
0x1d: {  	s5 =	simm.s32 @p1 $0x1;
	p0 =	seq.s32 s7, s2  }
0x1e: {  	s7 =	smul.u32 @!p0 $0xF7A, s2;
	p2 =	seq.s32 @!p0 s5, $0x0  }
0x1f: {  	s9 =	smul.u32 $0xF7A, s1;
	s8 =	simm.s32 @!p0 $0x1BF5;
	p2 =	por !p2, p0  }
0x20: {  	[sflag:s8] =	ssyncset.s32 @!p0 $0xFFFFF086;
	s6 =	sadd.s32 @!p0 s3, s7;
	s7 =	simm.s32 @!p0 $0x108  }
0x21: {  	s3 =	sadd.s32 s3, s9;
	s6 =	sadd.s32 @!p0 $0x88, s6;
	s7 =	simm.s32 @p2 $0x1082  }
0x22: {  	[simem:s7], [sflag:s8] =	dma.local @!p0 [hbm:s6], $0xF7A  }
0x23: {  	s9 =	sor.u32 $0xD0000000, s2;
	s6 =	simm.s32 $0x108;
	_ =	swait.ge @!p0 [sflag:s8], $0x0  }
0x24: {  	s3 =	sadd.s32 $0x88, s3;
	s6 =	simm.s32 @!p1 $0x1082;
	[sflag:s4] =	ssyncset.s32 $0xFFFFF086  }
0x25: {  	[simem:s6], [sflag:s4] =	dma.local [hbm:s3], $0xF7A  }
0x26: {  	[smem:$0x3F9C] =	sst s1;
	(tag) =	ssettag s2;
	_ =	strace s9  }
0x27: {  	s1 =	sld [smem:$0x3FAC]  }
0x28: {  	s2 =	sld [smem:$0x3FAD]  }
0x29: {  	s4 =	sld [smem:$0x3FAF]  }
0x2a: {  	p0 =	seq.s32 s5, $0x0;
	s5 =	sld [smem:$0x3FB0]  }
0x2b: {  	s6 =	sld [smem:$0x3FB1]  }
0x2c: {  	s7 =	sld [smem:$0x3FB2]  }
0x2d: {  	s3 =	simm.s32 $0x108;
	s8 =	sld [smem:$0x3FB3]  }
0x2e: {  	s3 =	simm.s32 @!p0 $0x1082;
	s9 =	sld [smem:$0x3FB4]  }
0x2f: {  	lr =	sadd.s32 s0, s3;
	s0 =	sld [smem:$0x3FAB]  }
0x30: {  	s3 =	sld [smem:$0x3FAE]  }
0x31: {  	[smem:$0x3FB7] =	sst s10  }
0x32: {  	s10 =	sld [smem:$0x3FB5];
	_ =	sdelay $0x3  }
0x33: {  	p0 =	seq.s32 s10, $0x1;
	s10 =	sld [smem:$0x3FB7];
	_ =	sdelay $0x3  }
0x34: {  	[smem:$0x3FB7] =	sst s10  }
0x35: {  	s10 =	sld [smem:$0x3FB6];
	_ =	sdelay $0x3  }
0x36: {  	p1 =	seq.s32 s10, $0x1;
	s10 =	sld [smem:$0x3FB7];
	_ =	sdelay $0x3  }
0x37: {  	[smem:$0x3FB7] =	sst s10  }
0x38: {  	s10 =	sld [smem:$0x3FB8]  }
0x39: {  	_ = 	snop;
	(pc) =	sbr.ind lr, $3  }
0x3a: {  	_ = 	snop  }
0x3b: {  	_ = 	snop  }
0x3c: {  	p2 =	seq.s32 s10, $0x1;
	s10 =	sld [smem:$0x3FB7]  }
0x3d: {  	_ =	shalt  }
0x3e: {  	_ =	shalt  }
0x3f: {  	_ =	shalt  }
0x40: {  	_ =	shalt  }
0x41: {  	_ =	shalt  }
0x42: {  	_ =	shalt  }
0x43: {  	_ =	shalt  }
0x44: {  	_ =	shalt  }
0x45: {  	_ =	shalt  }
0x46: {  	_ =	shalt  }
0x47: {  	_ =	shalt  }
0x48: {  	_ =	shalt  }
0x49: {  	_ =	shalt  }
0x4a: {  	_ =	shalt  }
0x4b: {  	_ =	shalt  }
0x4c: {  	_ =	shalt  }
0x4d: {  	_ =	shalt  }
0x4e: {  	_ =	shalt  }
0x4f: {  	_ =	shalt  }
0x50: {  	_ =	shalt  }
0x51: {  	_ =	shalt  }
0x52: {  	_ =	shalt  }
0x53: {  	_ =	shalt  }
0x54: {  	_ =	shalt  }
0x55: {  	_ =	shalt  }
0x56: {  	_ =	shalt  }
0x57: {  	_ =	shalt  }
0x58: {  	_ =	shalt  }
0x59: {  	_ =	shalt  }
0x5a: {  	_ =	shalt  }
0x5b: {  	_ =	shalt  }
0x5c: {  	_ =	shalt  }
0x5d: {  	_ =	shalt  }
0x5e: {  	_ =	shalt  }
0x5f: {  	_ =	shalt  }
0x60: {  	_ =	shalt  }
0x61: {  	_ =	shalt  }
0x62: {  	_ =	shalt  }
0x63: {  	_ =	shalt  }
0x64: {  	_ =	shalt  }
0x65: {  	_ =	shalt  }
0x66: {  	_ =	shalt  }
0x67: {  	_ =	shalt  }
0x68: {  	_ =	shalt  }
0x69: {  	_ =	shalt  }
0x6a: {  	_ =	shalt  }
0x6b: {  	_ =	shalt  }
0x6c: {  	_ =	shalt  }
0x6d: {  	_ =	shalt  }
0x6e: {  	_ =	shalt  }
0x6f: {  	_ =	shalt  }
0x70: {  	_ =	shalt  }
0x71: {  	_ =	shalt  }
0x72: {  	_ =	shalt  }
0x73: {  	_ =	shalt  }
0x74: {  	_ =	shalt  }
0x75: {  	_ =	shalt  }
0x76: {  	_ =	shalt  }
0x77: {  	_ =	shalt  }
0x78: {  	_ =	shalt  }
0x79: {  	_ =	shalt  }
0x7a: {  	_ =	shalt  }
0x7b: {  	_ =	shalt  }
0x7c: {  	_ =	shalt  }
0x7d: {  	_ =	shalt  }
0x7e: {  	_ =	shalt  }
0x7f: {  	_ =	shalt  }
0x80: {  	_ =	shalt  }
0x81: {  	_ =	shalt  }
0x82: {  	_ =	shalt  }
0x83: {  	_ =	shalt  }
0x84: {  	_ =	shalt  }
0x85: {  	_ =	shalt  }
0x86: {  	_ =	shalt  }
0x87: {  	_ =	shalt  }
.Lfunc_end0:
.L_simem_size_0:
called_computation_lowered:
.L_overlay_start_0:
0x88: {  	s2 =	sld [smem:$0x3FD9]  }
0x89: {  	s3 =	sld [smem:$0x3FFE];
	_ =	sdelay $0x1  }
0x8a: {  	s1 =	srdreg.scid  }
0x8b: {  	s0 =	sand.u32 $0x1, s1  }
0x8c: {  	s17 =	sshll.u32 s0, $0xA;
	s2 =	sadd.s32 s3, s2  }
0x8d: {  	s2 =	sadd.s32 s2, s17  }
0x8e: {  	[smem:$0x3FC3] =	sst s2  }
0x8f: {  	_ = 	snop  }
0x90: {  	s2 =	sld [smem:$0x3FC9]  }
0x91: {  	s18 =	sld [smem:$0x3FC8]  }
0x92: {  	s4 =	sld [smem:$0x3FC7]  }
0x93: {  	s5 =	sld [smem:$0x3FC6]  }
0x94: {  	s6 =	sld [smem:$0x3FC5];
	(tm) =	ssettm $0x1  }
0x95: {  	s7 =	sld [smem:$0x3FFB];
	_ =	sdelay $0x3  }
0x96: {  	_ =	strace s7  }
0x97: {  	s7 =	sld [smem:$0x3FFC];
	_ =	sdelay $0x3  }
0x98: {  	_ =	strace s7  }
0x99: {  	s7 =	sld [smem:$0x3FFD];
	_ =	sdelay $0x3  }
0x9a: {  	_ =	strace s7  }
0x9b: {  	_ =	strace $0x8FFFFFFF  }
0x9c: {  	s19 =	sld [smem:$0x3FDB];
	_ =	sdelay $0x1  }
0x9d: {  	s8 =	simm.s32 $_scs_section_size  }
0x9e: {  	s9 =	simm.s32 $_size__tile_overlayer_lowered;
	s10 =	simm.s32 $_tile_overlayer_lowered  }
0x9f: {  	s22 =	simm.s32 $0x1BFF;
	s21 =	sshll.u32 s10, $0x1;
	s7 =	sadd.s32 s8, s19  }
0xa0: {  	s11 =	simm.s32 $0x0;
	s20 =	sshll.u32 s9, $0x1;
	s9 =	sadd.s32 s21, s7  }
0xa1: {  	[timem:s11], [sflag:s22] =	dma.local [hbm:s9], s20  }
0xa2: {  	_ =	swait.ge [sflag:s22], s20  }
0xa3: {  	s8 =	ssub.s32 $0x0, s20;
	[sflag:s22] =	ssyncset.done $0x0  }
0xa4: {  	[sflag:s22] =	ssyncadd.s32 s8;
	_ =	sdelay $0x1  }
0xa5: {  	s23 =	simm.s32 $0x1B8B  }
0xa6: {  	_ =	swait.ge [sflag:s23], $0x1  }
0xa7: {  	[sflag:s23] =	ssyncset.done $0x0  }
0xa8: {  	s25 =	simm.s32 $0x1B8E;
	s24 =	sld [smem:$0x3FFE];
	[sflag:s23] =	ssyncadd.s32 $0xFFFFFFFF  }
0xa9: {  	s26 =	simm.s32 $execute0_lowered;
	[smem:$0x3FD2] =	sst s25  }
0xaa: {  	s9 =	sshll.u32 s26, $0x1;
	_ =	strace $0x80000046;
	[dreg:$0x1] =	wrdreg $0xFFFFFFFF  }
0xab: {  	s28 =	simm.s32 $_size_execute0_lowered;
	s7 =	sadd.s32 s7, s9;
	[dreg:$0x0] =	wrdreg $0x0  }
0xac: {  	s9 =	sshll.u32 s28, $0x1;
	[dreg:$0x2] =	wrdreg s7  }
0xad: {  	[dreg:$0x3] =	wrdreg s9  }
0xae: {  	[dreg:$0x4] =	wrdreg $0xC0  }
0xaf: {  	_ =	task [dreg:s11], $0x5FFFF  }
0xb0: {  	[dreg:$0x1] =	wrdreg $0xFFFFFFFF  }
0xb1: {  	[dreg:$0x0] =	wrdreg $0x60  }
0xb2: {  	[dreg:$0x2] =	wrdreg s2  }
0xb3: {  	[dreg:$0x3] =	wrdreg s5  }
0xb4: {  	[dreg:$0x4] =	wrdreg s18  }
0xb5: {  	[dreg:$0x5] =	wrdreg s4  }
0xb6: {  	[dreg:$0x6] =	wrdreg s6  }
0xb7: {  	[dreg:$0x7] =	wrdreg s24  }
0xb8: {  	[dreg:$0x8] =	wrdreg $0x9  }
0xb9: {  	_ =	task.clear_ibuf [dreg:s11], $0x9FFFF;
	_ =	strace $0x90000046  }
0xba: {  	s29 =	simm.s32 $0x9;
	_ =	strace $0x80000048  }
0xbb: {  	_ =	swait.ge [sflag:s29], $0x1  }
0xbc: {  	[sflag:s29] =	ssyncadd.s32 $0xFFFFFFFF  }
0xbd: {  	_ =	strace $0x90000048  }
0xbe: {  	_ =	sfence  }
0xbf: {  	s30 =	sld [smem:$0x0];
	_ =	sdelay $0x2  }
0xc0: {  	s31 =	sshll.u32 s1, $0xD;
	s1 =	sshrl.u32 s1, $0x2  }
0xc1: {  	s3 =	sand.u32 $0x4000, s31;
	s1 =	sadd.s32 s1, s30  }
0xc2: {  	s0 =	sor.u32 s3, s0;
	s1 =	sshll.u32 s1, $0x11  }
0xc3: {  	s0 =	sor.u32 s1, s0  }
0xc4: {  	s0 =	sadd.s32 $0x8F2B, s0  }
0xc5: {  	[sflag:s0] =	ssyncadd.remote.s32 $0x1  }
0xc6: {  	_ =	sfence.sel $0xFFFF  }
0xc7: {  	[dreg:$0x0] =	wrdreg $0xFFFFFFFF;
	(pc) =	sbr.abs _section_cstart, $3  }
0xc8: {  	[dreg:$0x1] =	wrdreg $0xFFFFFFFF  }
0xc9: {  	_ =	task.clear_ibuf [dreg:s11], $0x2FFFF;
	_ =	strace $0x9FFFFFFF  }
0xca: {  	(tm) =	ssettm $0x7FFFFFFF  }
0xcb: {  	_ =	shalt  }
tec
execute0_lowered:
.L_overlay_start_1:
0x0: {  	(tag) =	ssettag $0x1  }
0x1: {  	v0 =	vimm.s32 $0x390  }
0x2: {  	vm8 =	vcmask $0x300;
	vm9 =	vcmask $0x704;
	vm10 =	vcmask $0xB08  }
0x3: {  	vm11 =	vcmask $0xF0C;
	vm0 =	vcmask $0x1310;
	v31 =	vlaneseq.u32  }
0x4: {  	vm12 =	vcmask $0x2320;
	v62 =	vimm.f32 $0.0e+00;
	v17 =	vimm.s32 $0x0  }
0x5: {  	vm13 =	vcmask $0x3B00;
	vm7 =	vcmask $0x1B20;
	v0 =	vsel vm8, $0x1, v0  }
0x6: {  	v3 =	vmul.u32 $0x1000, v31;
	v6 =	vadd.s32 $0x1, v31;
	v8 =	vand.u32 $0x7, v31  }
0x7: {  	s1 =	srdreg.scid;
	s0 =	stileid.u32;
	v18 =	vsel vm13, $0x3F800000, v62;
	vm13 =	vcmask $0x1F00;
	v20 =	vsel vm12, $0x3F800000, v62  }
0x8: {  	s7 =	sand.u32 $0x1, s1;
	s11 =	sshll.u32 s0, $0x1;
	v21 =	vsel vm8, $0x3F800000, v62;
	v22 =	vsel vm9, $0x3F800000, v62;
	v23 =	vsel vm10, $0x3F800000, v62  }
0x9: {  	v24 =	vsel vm11, $0x3F800000, v62;
	v0 =	vsel vm9, $0x82, v0;
	s6 =	sor.u32 s7, s11;
	v8 =	vmul.u32 $0x80, v8  }
0xa: {  	v19 =	vsel vm13, $0x3F800000, v62;
	v0 =	vsel vm10, $0x103, v0;
	s8 =	sshll.u32 s6, $0x7;
	v34 =	vmov s6;
	s26 =	sxor.u32 $0xFFF, s6  }
0xb: {  	v0 =	vsel vm11, $0x184, v0;
	v1 =	vmov s8;
	v63 =	vmov s26  }
0xc: {  	s12 =	sor.u32 $0x10, s8;
	v2 =	vsel vm0, $0x205, v0;
	vm0 =	vcmask $0x1714;
	v4 =	vshll.u32 v1, $0xC  }
0xd: {  	s13 =	sor.u32 $0x20, s8;
	s14 =	sor.u32 $0x30, s8;
	v1 =	vshll.u32 v1, $0x3;
	v32 =	vor.u32 s12, v31;
	v33 =	vadd.s32 s12, v6  }
0xe: {  	s3 =	sor.u32 $0x40, s8;
	v36 =	vor.u32 s13, v31;
	v37 =	vor.u32 s13, v6;
	v42 =	vor.u32 s14, v31  }
0xf: {  	s5 =	rddreg [dreg:$0x4];
	s16 =	sor.u32 $0x50, s8;
	s11 =	sor.u32 $0x60, s8;
	v43 =	vadd.s32 s14, v6;
	v47 =	vor.u32 s3, v31;
	v48 =	vor.u32 s3, v6  }
0x10: {  	s5 =	sadd.s32 s5, s8;
	s8 =	sor.u32 $0x70, s8;
	v52 =	vor.u32 s16, v31;
	v53 =	vadd.s32 s16, v6;
	v58 =	vor.u32 s11, v31  }
0x11: {  	v0 =	vor.u32 s8, v31;
	v2 =	vsel vm0, $0x286, v2;
	vm0 =	vcmask $0x1B18  }
0x12: {  	v3 =	vor.u32 v3, v4;
	v1 =	vand.u32 $0x7C00, v1;
	v5 =	vshll.u32 v32, $0xC  }
0x13: {  	v4 =	vmin.u32 v33, $0xFFF;
	v38 =	vmin.u32 v37, $0xFFF;
	v39 =	vshll.u32 v36, $0xC  }
0x14: {  	v44 =	vshll.u32 v42, $0xC;
	vm1 =	vlt.u32 v36, $0xFFF;
	v49 =	vshll.u32 v47, $0xC  }
0x15: {  	vm2 =	vlt.u32 v42, $0xFFF;
	vm3 =	vlt.u32 v47, $0xFFF;
	v54 =	vmin.u32 v53, $0xFFF  }
0x16: {  	v55 =	vshll.u32 v52, $0xC;
	vm4 =	vlt.u32 v52, $0xFFF;
	vm5 =	vlt.u32 v58, $0xFFF  }
0x17: {  	vm6 =	vlt.u32 v0, $0xFFF;
	v2 =	vsel vm0, $0x307, v2;
	vm0 =	vcmask $0x1F1C  }
0x18: {  	v3 =	vand.u32 $0x7FF88000, v3;
	v5 =	vand.u32 $0xFFF98000, v5;
	v7 =	vand.u32 $0x7F, v4  }
0x19: {  	v4 =	vshll.u32 v4, $0x3;
	v40 =	vand.u32 $0x7F, v38;
	v10 =	vshll.u32 v54, $0x3  }
0x1a: {  	v2 =	vsel vm0, $0x388, v2;
	vm0 =	vcmask $0x2724;
	v1 =	vor.u32 v3, v1  }
0x1b: {  	v5 =	vor.u32 v7, v5;
	v4 =	vand.u32 $0x7FFFFC00, v4;
	v2 =	vsel vm12, $0x9, v2  }
0x1c: {  	v3 =	vshll.u32 v38, $0x3;
	v2 =	vsel vm0, $0x8A, v2;
	vm0 =	vcmask $0x2B28  }
0x1d: {  	v35 =	vor.u32 v5, v4;
	v2 =	vsel vm0, $0x10B, v2;
	vm0 =	vcmask $0x2F2C  }
0x1e: {  	v4 =	vand.u32 $0xFFFA8000, v39;
	v2 =	vsel vm0, $0x18C, v2;
	vm0 =	vcmask $0x3330  }
0x1f: {  	v41 =	vor.u32 v40, v4;
	v2 =	vsel vm0, $0x20D, v2;
	vm0 =	vcmask $0x3734  }
0x20: {  	s2 =	rddreg [dreg:$0x1];
	v4 =	vmin.u32 v43, $0xFFF;
	v2 =	vsel vm0, $0x28E, v2;
	vm0 =	vcmask $0x3B38  }
0x21: {  	s4 =	rddreg [dreg:$0x2];
	v5 =	vand.u32 $0xFFFB8000, v44;
	v45 =	vand.u32 $0x7F, v4;
	v2 =	vsel vm0, $0x30F, v2  }
0x22: {  	s15 =	rddreg [dreg:$0x3];
	v4 =	vshll.u32 v4, $0x3;
	v46 =	vor.u32 v45, v5;
	v1 =	vor.u32 v2, v1  }
0x23: {  	s9 =	rddreg [dreg:$0x5];
	v4 =	vand.u32 $0x7FFFFC00, v4;
	vm0 =	vlt.u32 v32, $0xFFF;
	[tilespmem:$0x1FF60] =	vst v1;
	v1 =	vor.u32 v8, v35  }
0x24: {  	s29 =	simm.s32 $0x100;
	s1 =	rddreg [dreg:$0x0];
	v3 =	vand.u32 $0x7FFFFC00, v3;
	v2 =	vor.u32 v46, v4;
	v1 =	vnsel vm0, s6, v1  }
0x25: {  	s30 =	simm.s32 $0x180;
	s31 =	simm.s32 $0x200;
	[dreg:$0x7] =	wrdreg s4;
	v12 =	vsel vm2, $0x3F800000, v62;
	v2 =	vor.u32 v8, v2;
	[tilespmem:$0x1FF80] =	vst v1;
	v1 =	vor.u32 v41, v3  }
0x26: {  	s28 =	simm.s32 $0x4;
	[dreg:$0x8] =	wrdreg s15;
	s4 =	simm.s32 $0x0;
	[tilespmem:$0x1FF70] =	vst v34;
	v13 =	vsel vm3, $0x3F800000, v62;
	v50 =	vnsel vm2, s6, v2;
	v1 =	vor.u32 v8, v1  }
0x27: {  	s15 =	simm.s32 $0x400;
	[smem:$0x7FF] =	sst s4;
	s7 =	ssub.s32 $0x2, s7;
	v14 =	vsel vm4, $0x3F800000, v62;
	v15 =	vsel vm5, $0x3F800000, v62;
	[tilespmem:$0x1FFA0] =	vst v50;
	v1 =	vnsel vm1, s6, v1  }
0x28: {  	s21 =	sshll.u32 s6, $0x4;
	p0 =	seq.s32 s6, $0x0;
	s10 =	sadd.s32 $0x10, s5;
	v16 =	vsel vm6, $0x3F800000, v62;
	v7 =	vand.u32 $0xFFFC8000, v49;
	v4 =	vmin.u32 v48, $0xFFF;
	[tilespmem:$0x1FF90] =	vst v1  }
0x29: {  	s17 =	sadd.s32 $0x20, s5;
	v57 =	vand.u32 $0x7FFFFC00, v10;
	v9 =	vand.u32 $0x7F, v4;
	v4 =	vshll.u32 v4, $0x3;
	_ =	strace $0x80000047;
	[dreg:$0x9] =	wrdreg s10  }
0x2a: {  	s25 =	sshrl.u32 s7, $0x1;
	s18 =	sadd.s32 $0x30, s5;
	v10 =	vshll.u32 v58, $0xC;
	v7 =	vor.u32 v9, v7;
	v9 =	vand.u32 $0x7FFFFC00, v4;
	[dreg:$0xa] =	wrdreg s17  }
0x2b: {  	s23 =	sadd.s32 s21, s9;
	s19 =	sadd.s32 $0x40, s5;
	v51 =	vor.u32 v7, v9;
	v7 =	vand.u32 $0xFFFD8000, v55;
	v9 =	vand.u32 $0x7F, v54;
	[dreg:$0xb] =	wrdreg s18  }
0x2c: {  	s7 =	ssub.s32 s7, s25;
	s20 =	sadd.s32 $0x50, s5;
	v10 =	vand.u32 $0xFFFE8000, v10;
	v56 =	vor.u32 v9, v7;
	v9 =	vor.u32 s11, v6;
	[dreg:$0xc] =	wrdreg s19  }
0x2d: {  	s9 =	simm.s32 $0x300;
	s22 =	sadd.s32 $0x60, s5;
	vm2 =	vcmask $0x720;
	v6 =	vadd.s32 s8, v6;
	v9 =	vmin.u32 v9, $0xFFF;
	[dreg:$0xd] =	wrdreg s20  }
0x2e: {  	s21 =	simm.s32 $0x1680;
	s24 =	sadd.s32 $0x70, s5;
	v6 =	vmin.u32 v6, $0xFFF;
	v1 =	vor.u32 v8, v51;
	v11 =	vand.u32 $0x7F, v9;
	[dreg:$0xe] =	wrdreg s22  }
0x2f: {  	s25 =	simm.s32 $0x3;
	s8 =	sadd.s32 $0x200, s23;
	v9 =	vshll.u32 v9, $0x3;
	v1 =	vnsel vm3, s6, v1;
	v59 =	vor.u32 v11, v10;
	[dreg:$0xf] =	wrdreg s24  }
0x30: {  	s26 =	simm.s32 $0x1780;
	s12 =	simm.s32 $0x1480;
	v9 =	vand.u32 $0x7FFFFC00, v9;
	v10 =	vand.u32 $0x7F, v6;
	v6 =	vshll.u32 v6, $0x3;
	[dreg:$0x11] =	wrdreg s8  }
0x31: {  	s13 =	simm.s32 $0x1500;
	s14 =	simm.s32 $0x2;
	[dreg:$0x12] =	wrdreg s29;
	v11 =	vsel vm1, $0x3F800000, v62;
	v2 =	vor.u32 v59, v9;
	v9 =	vshll.u32 v0, $0xC  }
0x32: {  	s16 =	simm.s32 $0x800;
	s11 =	simm.s32 $0x1400;
	[dreg:$0x13] =	wrdreg s30;
	vm1 =	vcmask $0x320;
	[tilespmem:$0x1FFB0] =	vst v1;
	v1 =	vor.u32 v56, v57;
	v9 =	vand.u32 $0xFFFF8000, v9  }
0x33: {  	s23 =	simm.s32 $0x1700;
	s10 =	simm.f32 $1.000000000e+00;
	[dreg:$0x14] =	wrdreg s31;
	v1 =	vor.u32 v8, v1;
	v9 =	vor.u32 v10, v9;
	v10 =	vand.u32 $0x7FFFFC00, v6  }
0x34: {  	[tilespmem:$0x1FFF0] =	vst v63;
	s8 =	simm.s32 $0x280;
	s17 =	simm.s32 $0xC00;
	s18 =	simm.s32 $0x1000;
	v2 =	vor.u32 v8, v2;
	v1 =	vnsel vm4, s6, v1;
	v61 =	vor.u32 v9, v10  }
0x35: {  	vm3 =	vcmask $0xB20;
	s19 =	simm.s32 $0x10;
	s20 =	simm.s32 $0x1580;
	s10 =	simm.s32 @!p0 $0x0;
	v60 =	vnsel vm5, s6, v2;
	[tilespmem:$0x1FFC0] =	vst v1;
	v1 =	vor.u32 v8, v61  }
0x36: {  	s22 =	simm.s32 $0x1600;
	s24 =	simm.s32 $0x1;
	[dreg:$0x10] =	wrdreg s10;
	vm4 =	vcmask $0xF20;
	vm5 =	vcmask $0x1320;
	[tilespmem:$0x1FFD0] =	vst v60;
	v1 =	vnsel vm6, s6, v1  }
0x37: {  	s10 =	simm.s32 $0x380;
	v10 =	vsel vm0, $0x3F800000, v62;
	vm0 =	vmmov $0x1;
	s6 =	smax.u32 s7, $0x1;
	s7 =	simm.s32 $0x80;
	vm6 =	vcmask $0x1720;
	[tilespmem:$0x1FFE0] =	vst v1  }
.LBB2_1:
0x38: {  	[tilespmem:s4], [sflag:$0x2] =	stream.linear.gather [hbm4b:s5+s4], $0x80, $0x38;
	[tilespmem:$0x1800] =	vst v63  }
0x39: {  	s29 =	rddreg [dreg:$0x9]  }
0x3a: {  	s30 =	rddreg [dreg:$0xa]  }
0x3b: {  	s31 =	rddreg [dreg:$0x12]  }
0x3c: {  	s3 =	rddreg [dreg:$0x14]  }
0x3d: {  	[tilespmem:s7], [sflag:$0x2] =	stream.linear.gather [hbm4b:s29+s4], $0x80, $0x38;
	[tilespmem:$0x1800] =	vst v63  }
0x3e: {  	s29 =	rddreg [dreg:$0xb]  }
0x3f: {  	[tilespmem:s31], [sflag:$0x2] =	stream.linear.gather [hbm4b:s30+s4], $0x80, $0x38;
	[tilespmem:$0x1800] =	vst v63  }
0x40: {  	s30 =	rddreg [dreg:$0x13]  }
0x41: {  	[tilespmem:s30], [sflag:$0x2] =	stream.linear.gather [hbm4b:s29+s4], $0x80, $0x38;
	[tilespmem:$0x1800] =	vst v63  }
0x42: {  	s31 =	rddreg [dreg:$0xc]  }
0x43: {  	[tilespmem:s3], [sflag:$0x2] =	stream.linear.gather [hbm4b:s31+s4], $0x80, $0x38;
	[tilespmem:$0x1800] =	vst v63  }
0x44: {  	s29 =	rddreg [dreg:$0xd]  }
0x45: {  	v0 =	vld [tilespmem:$0x1FF60];
	[tilespmem:s8], [sflag:$0x2] =	stream.linear.gather [hbm4b:s29+s4], $0x80, $0x38  }
0x46: {  	v52 =	vld [tilespmem:$0x1FF80];
	s30 =	rddreg [dreg:$0xe]  }
0x47: {  	v53 =	vld [tilespmem:$0x1FF90];
	[tilespmem:s9], [sflag:$0x2] =	stream.linear.gather [hbm4b:s30+s4], $0x80, $0x38  }
0x48: {  	v54 =	vld [tilespmem:$0x1FFA0];
	s31 =	rddreg [dreg:$0xf]  }
0x49: {  	v55 =	vld [tilespmem:$0x1FFB0];
	[tilespmem:s10], [sflag:$0x2] =	stream.linear.gather [hbm4b:s31+s4], $0x80, $0x38  }
0x4a: {  	v56 =	vld [tilespmem:$0x1FFC0];
	[tilespmem:$0x1400] =	vst v0  }
0x4b: {  	v57 =	vld [tilespmem:$0x1FFD0];
	[tilespmem:$0x1410] =	vst v52  }
0x4c: {  	v58 =	vld [tilespmem:$0x1FFE0];
	[tilespmem:$0x1420] =	vst v53  }
0x4d: {  	[tilespmem:$0x1430] =	vst v54  }
0x4e: {  	[tilespmem:$0x1440] =	vst v55  }
0x4f: {  	[tilespmem:$0x1450] =	vst v56  }
0x50: {  	[tilespmem:$0x1460] =	vst v57  }
0x51: {  	[tilespmem:$0x1470] =	vst v58  }
0x52: {  	[tilespmem:s12], [sflag:$0x1] =	stream.indirect.gather [hbm4b:s1+s7], $0x1, s11, s7, $0xb8;
	[tilespmem:$0x1800] =	vst v63  }
0x53: {  	_ = 	snop  }
0x54: {  	[tilespmem:s13], [sflag:$0x1] =	stream.indirect.gather [hbm4b:s2+s7], $0x1, s11, s7, $0xb8;
	[tilespmem:$0x1800] =	vst v63  }
0x55: {  	_ =	swait.ge [sflag:s14], $0x80  }
0x56: {  	[sflag:s14] =	ssyncset.done $0x0  }
0x57: {  	[sflag:s14] =	ssyncadd.s32 $0xFFFFFF80  }
0x58: {  	_ =	swait.ge [sflag:s14], $0x80  }
0x59: {  	[sflag:s14] =	ssyncset.done $0x0  }
0x5a: {  	[sflag:s14] =	ssyncadd.s32 $0xFFFFFF80  }
0x5b: {  	_ =	swait.ge [sflag:s14], $0x80  }
0x5c: {  	[sflag:s14] =	ssyncset.done $0x0  }
0x5d: {  	[sflag:s14] =	ssyncadd.s32 $0xFFFFFF80  }
0x5e: {  	_ =	swait.ge [sflag:s14], $0x80  }
0x5f: {  	[sflag:s14] =	ssyncset.done $0x0  }
0x60: {  	[sflag:s14] =	ssyncadd.s32 $0xFFFFFF80  }
0x61: {  	_ =	swait.ge [sflag:s14], $0x80  }
0x62: {  	[sflag:s14] =	ssyncset.done $0x0  }
0x63: {  	[sflag:s14] =	ssyncadd.s32 $0xFFFFFF80  }
0x64: {  	_ =	swait.ge [sflag:s14], $0x80  }
0x65: {  	[sflag:s14] =	ssyncset.done $0x0  }
0x66: {  	[sflag:s14] =	ssyncadd.s32 $0xFFFFFF80  }
0x67: {  	_ =	swait.ge [sflag:s14], $0x80  }
0x68: {  	[sflag:s14] =	ssyncset.done $0x0  }
0x69: {  	[sflag:s14] =	ssyncadd.s32 $0xFFFFFF80  }
0x6a: {  	_ =	swait.ge [sflag:s14], $0x80  }
0x6b: {  	[sflag:s14] =	ssyncset.done $0x0  }
0x6c: {  	[sflag:s14] =	ssyncadd.s32 $0xFFFFFF80  }
0x6d: {  	v59 =	vld [tilespmem:$0x0]  }
0x6e: {  	v2 =	vld [tilespmem:$0x10]  }
0x6f: {  	v26 =	vld [tilespmem:$0x11]  }
0x70: {  	v60 =	vld [tilespmem:$0x21]  }
0x71: {  	v63 =	vld [tilespmem:$0x31]  }
0x72: {  	v6 =	vld [tilespmem:$0x40]  }
0x73: {  	v7 =	vld [tilespmem:$0x41]  }
0x74: {  	v32 =	vld [tilespmem:$0x50]  }
0x75: {  	v39 =	vld [tilespmem:$0x51]  }
0x76: {  	v43 =	vld [tilespmem:$0x60]  }
0x77: {  	v48 =	vld [tilespmem:$0x61];
	v25 =	vshll.u32 v59, $0xC  }
0x78: {  	v51 =	vld [tilespmem:$0x70];
	v0 =	vshll.u32 v59, $0x7;
	v61 =	vshll.u32 v2, $0xC;
	v2 =	vshll.u32 v2, $0x7  }
0x79: {  	v53 =	vld [tilespmem:$0x71];
	v28 =	vshll.u32 v26, $0x3;
	v26 =	vand.u32 $0x7F, v26;
	v31 =	vshll.u32 v60, $0x3  }
0x7a: {  	v37 =	vshll.u32 v63, $0x3;
	v40 =	vshll.u32 v6, $0xC;
	v41 =	vshll.u32 v6, $0x7  }
0x7b: {  	v42 =	vshll.u32 v7, $0x3;
	v45 =	vand.u32 $0x7F, v7;
	v46 =	vshll.u32 v32, $0xC  }
0x7c: {  	v47 =	vshll.u32 v32, $0x7;
	v34 =	vshll.u32 v39, $0x3;
	v52 =	vshll.u32 v43, $0xC  }
0x7d: {  	v58 =	vld [tilespmem:$0x81];
	v55 =	vshll.u32 v48, $0x3;
	v32 =	vand.u32 $0x7F, v48;
	v59 =	vshll.u32 v51, $0xC  }
0x7e: {  	v1 =	vld [tilespmem:$0x1];
	v3 =	vand.u32 $0x7F, v53;
	v25 =	vand.u32 $0xFFFF8000, v25;
	v0 =	vand.u32 $0x380, v0  }
0x7f: {  	v2 =	vand.u32 $0x380, v2;
	v62 =	vand.u32 $0xFFFFFC00, v28;
	v5 =	vand.u32 $0xFFFFFC00, v31  }
0x80: {  	v28 =	vand.u32 $0x7F, v63;
	v38 =	vand.u32 $0xFFFFFC00, v37;
	v44 =	vand.u32 $0xFFFFFC00, v42  }
0x81: {  	v33 =	vand.u32 $0xFFFF8000, v46;
	v31 =	vand.u32 $0x380, v47;
	v50 =	vand.u32 $0xFFFFFC00, v34  }
0x82: {  	v27 =	vld [tilespmem:$0x20];
	v54 =	vand.u32 $0xFFFF8000, v52;
	v56 =	vand.u32 $0xFFFFFC00, v55;
	v37 =	vshll.u32 v58, $0x3  }
0x83: {  	v52 =	vld [tilespmem:$0xC0];
	v0 =	vor.u32 v0, v25;
	v25 =	vshll.u32 v1, $0x3;
	v1 =	vand.u32 $0x7F, v1  }
0x84: {  	v49 =	vor.u32 v31, v33;
	v25 =	vand.u32 $0xFFFFFC00, v25;
	v0 =	vor.u32 v1, v0  }
0x85: {  	v29 =	vld [tilespmem:$0x30];
	v1 =	vand.u32 $0x7F, v60;
	v25 =	vadd.s32 v25, v0;
	v0 =	vand.u32 $0xFFFF8000, v61  }
0x86: {  	v60 =	vshll.u32 v51, $0x7;
	v61 =	vshll.u32 v53, $0x3;
	v0 =	vor.u32 v2, v0  }
0x87: {  	v35 =	vld [tilespmem:$0x80];
	v2 =	vand.u32 $0x7F, v39;
	v63 =	vand.u32 $0xFFFFFC00, v61;
	v0 =	vor.u32 v26, v0  }
0x88: {  	v26 =	vshll.u32 v27, $0xC;
	v27 =	vshll.u32 v27, $0x7;
	v61 =	vshll.u32 v52, $0xC  }
0x89: {  	v30 =	vand.u32 $0xFFFF8000, v26;
	v27 =	vand.u32 $0x380, v27;
	v26 =	vadd.s32 v62, v0  }
0x8a: {  	v6 =	vld [tilespmem:$0x91];
	v4 =	vor.u32 v27, v30;
	v27 =	vshll.u32 v29, $0xC;
	v29 =	vshll.u32 v29, $0x7  }
0x8b: {  	v30 =	vshll.u32 v43, $0x7;
	v0 =	vor.u32 v1, v4;
	v36 =	vand.u32 $0xFFFF8000, v27  }
0x8c: {  	v62 =	vld [tilespmem:$0x90];
	v27 =	vand.u32 $0x380, v29;
	v30 =	vand.u32 $0x380, v30;
	v4 =	vshll.u32 v35, $0xC  }
0x8d: {  	v1 =	vor.u32 v27, v36;
	v27 =	vadd.s32 v5, v0;
	v0 =	vand.u32 $0xFFFF8000, v40  }
0x8e: {  	v43 =	vld [tilespmem:$0xA1];
	v5 =	vshll.u32 v35, $0x7;
	v36 =	vand.u32 $0xFFFF8000, v4;
	v40 =	vand.u32 $0xFFFFFC00, v37  }
0x8f: {  	v35 =	vand.u32 $0x7F, v6;
	v1 =	vor.u32 v28, v1;
	v34 =	vand.u32 $0x380, v5  }
0x90: {  	v28 =	vadd.s32 v38, v1;
	v1 =	vand.u32 $0x380, v41;
	v7 =	vor.u32 v34, v36  }
0x91: {  	v42 =	vshll.u32 v62, $0xC;
	v33 =	vshll.u32 v62, $0x7;
	v36 =	vshll.u32 v52, $0x7  }
0x92: {  	v0 =	vor.u32 v1, v0;
	v1 =	vand.u32 $0x380, v60;
	v33 =	vand.u32 $0x380, v33  }
0x93: {  	v41 =	vld [tilespmem:$0xA0];
	v51 =	vshll.u32 v43, $0x3;
	v36 =	vand.u32 $0x380, v36;
	v0 =	vor.u32 v45, v0  }
0x94: {  	v38 =	vld [tilespmem:$0xB0];
	v45 =	vshll.u32 v6, $0x3;
	v53 =	vand.u32 $0xFFFFFC00, v51;
	v29 =	vadd.s32 v44, v0  }
0x95: {  	v62 =	vld [tilespmem:$0xD1];
	v0 =	vor.u32 v2, v49;
	v2 =	vor.u32 v30, v54;
	v44 =	vand.u32 $0xFFFF8000, v42  }
0x96: {  	v60 =	vld [tilespmem:$0xD0];
	v46 =	vand.u32 $0xFFFFFC00, v45;
	v54 =	vand.u32 $0x7F, v43;
	v31 =	vadd.s32 v50, v0  }
0x97: {  	v57 =	vor.u32 v32, v2;
	v0 =	vand.u32 $0xFFFF8000, v59;
	v2 =	vand.u32 $0x7F, v58  }
0x98: {  	v30 =	vadd.s32 v56, v57;
	v0 =	vor.u32 v1, v0;
	v49 =	vshll.u32 v41, $0xC  }
0x99: {  	v48 =	vld [tilespmem:$0xB1];
	v50 =	vshll.u32 v41, $0x7;
	v55 =	vshll.u32 v38, $0xC;
	v56 =	vshll.u32 v38, $0x7  }
0x9a: {  	v0 =	vor.u32 v3, v0;
	v1 =	vand.u32 $0x380, v50;
	v39 =	vand.u32 $0xFFFF8000, v55  }
0x9b: {  	v37 =	vand.u32 $0x380, v56;
	v45 =	vshll.u32 v60, $0xC;
	v50 =	vand.u32 $0x7F, v62  }
0x9c: {  	v57 =	vld [tilespmem:$0xC1];
	v32 =	vadd.s32 v63, v0;
	v0 =	vor.u32 v2, v7;
	v2 =	vor.u32 v33, v44  }
0x9d: {  	v41 =	vld [tilespmem:$0xE0];
	v58 =	vor.u32 v37, v39;
	v63 =	vand.u32 $0xFFFF8000, v61;
	v34 =	vadd.s32 v40, v0  }
0x9e: {  	v47 =	vor.u32 v35, v2;
	v0 =	vand.u32 $0xFFFF8000, v49;
	v40 =	vshll.u32 v48, $0x3  }
0x9f: {  	v2 =	vand.u32 $0x7F, v48;
	v33 =	vadd.s32 v46, v47;
	v0 =	vor.u32 v1, v0  }
0xa0: {  	v56 =	vld [tilespmem:$0x100];
	v59 =	vand.u32 $0xFFFFFC00, v40;
	v46 =	vshll.u32 v60, $0x7;
	v47 =	vshll.u32 v62, $0x3  }
0xa1: {  	v7 =	vld [tilespmem:$0xE1];
	v0 =	vor.u32 v54, v0;
	v4 =	vshll.u32 v57, $0x3;
	v38 =	vand.u32 $0x7F, v57  }
0xa2: {  	v44 =	vld [tilespmem:$0x110];
	v1 =	vand.u32 $0x380, v46;
	v49 =	vand.u32 $0xFFFFFC00, v47;
	v51 =	vshll.u32 v41, $0xC  }
0xa3: {  	v52 =	vshll.u32 v41, $0x7;
	v35 =	vadd.s32 v53, v0;
	v0 =	vor.u32 v2, v58  }
0xa4: {  	v48 =	vld [tilespmem:$0xF0];
	v2 =	vor.u32 v36, v63;
	v5 =	vand.u32 $0xFFFFFC00, v4;
	v42 =	vand.u32 $0xFFFF8000, v51  }
0xa5: {  	v40 =	vand.u32 $0x380, v52;
	v4 =	vshll.u32 v56, $0xC;
	v37 =	vadd.s32 v59, v0  }
0xa6: {  	v6 =	vor.u32 v38, v2;
	v0 =	vand.u32 $0xFFFF8000, v45;
	v43 =	vshll.u32 v7, $0x3  }
0xa7: {  	v47 =	vld [tilespmem:$0x140];
	v54 =	vor.u32 v40, v42;
	v2 =	vand.u32 $0x7F, v7;
	v51 =	vshll.u32 v44, $0x7  }
0xa8: {  	v53 =	vld [tilespmem:$0xF1];
	v36 =	vadd.s32 v5, v6;
	v0 =	vor.u32 v1, v0;
	v55 =	vand.u32 $0xFFFFFC00, v43  }
0xa9: {  	v58 =	vld [tilespmem:$0x101];
	v57 =	vshll.u32 v48, $0xC;
	v39 =	vshll.u32 v48, $0x7;
	v5 =	vshll.u32 v56, $0x7  }
0xaa: {  	v63 =	vld [tilespmem:$0x111];
	v43 =	vand.u32 $0x380, v51;
	v0 =	vor.u32 v50, v0;
	v59 =	vand.u32 $0xFFFF8000, v57  }
0xab: {  	v52 =	vld [tilespmem:$0x121];
	v39 =	vand.u32 $0x380, v39;
	v1 =	vand.u32 $0x380, v5;
	v50 =	vshll.u32 v44, $0xC  }
0xac: {  	v38 =	vadd.s32 v49, v0;
	v0 =	vor.u32 v2, v54;
	v2 =	vor.u32 v39, v59  }
0xad: {  	v45 =	vand.u32 $0xFFFF8000, v50;
	v60 =	vshll.u32 v53, $0x3;
	v41 =	vand.u32 $0x7F, v53  }
0xae: {  	v7 =	vld [tilespmem:$0x120];
	v40 =	vadd.s32 v55, v0;
	v0 =	vand.u32 $0xFFFF8000, v4;
	v6 =	vshll.u32 v58, $0x3  }
0xaf: {  	v49 =	vand.u32 $0x7F, v58;
	v46 =	vshll.u32 v63, $0x3;
	v53 =	vor.u32 v43, v45  }
0xb0: {  	v59 =	vshll.u32 v52, $0x3;
	v44 =	vand.u32 $0x7F, v52;
	v52 =	vshll.u32 v47, $0xC  }
0xb1: {  	v57 =	vld [tilespmem:$0x131];
	v61 =	vand.u32 $0xFFFFFC00, v60;
	v62 =	vor.u32 v41, v2;
	v0 =	vor.u32 v1, v0  }
0xb2: {  	v48 =	vand.u32 $0xFFFFFC00, v6;
	v54 =	vand.u32 $0xFFFFFC00, v46;
	v2 =	vand.u32 $0x7F, v63  }
0xb3: {  	v56 =	vshll.u32 v7, $0xC;
	v42 =	vshll.u32 v7, $0x7;
	v60 =	vand.u32 $0xFFFFFC00, v59  }
0xb4: {  	v55 =	vld [tilespmem:$0x130];
	v39 =	vadd.s32 v61, v62;
	v0 =	vor.u32 v49, v0;
	v58 =	vand.u32 $0xFFFF8000, v56  }
0xb5: {  	v6 =	vld [tilespmem:$0x150];
	v42 =	vand.u32 $0x380, v42;
	v41 =	vadd.s32 v48, v0;
	v0 =	vor.u32 v2, v53  }
0xb6: {  	v59 =	vld [tilespmem:$0x161];
	v2 =	vor.u32 v42, v58;
	v5 =	vshll.u32 v57, $0x3;
	v51 =	vand.u32 $0x7F, v57  }
0xb7: {  	v62 =	vld [tilespmem:$0x141];
	v53 =	vshll.u32 v47, $0x7;
	v48 =	vand.u32 $0xFFFF8000, v52;
	v42 =	vadd.s32 v54, v0  }
0xb8: {  	v50 =	vld [tilespmem:$0x170];
	v61 =	vor.u32 v44, v2;
	v7 =	vand.u32 $0xFFFFFC00, v5;
	v46 =	vand.u32 $0x380, v53  }
0xb9: {  	v57 =	vld [tilespmem:$0x160];
	v43 =	vadd.s32 v60, v61;
	v63 =	vshll.u32 v55, $0xC;
	v4 =	vshll.u32 v55, $0x7  }
0xba: {  	v55 =	vor.u32 v46, v48;
	v0 =	vand.u32 $0xFFFF8000, v63;
	v1 =	vand.u32 $0x380, v4  }
0xbb: {  	v58 =	vshll.u32 v6, $0xC;
	v45 =	vshll.u32 v6, $0x7;
	v6 =	vshll.u32 v59, $0x3  }
0xbc: {  	v54 =	vld [tilespmem:$0x151];
	v0 =	vor.u32 v1, v0;
	v49 =	vshll.u32 v62, $0x3;
	v2 =	vand.u32 $0x7F, v62  }
0xbd: {  	v53 =	vld [tilespmem:$0x1A0];
	v60 =	vand.u32 $0xFFFF8000, v58;
	v45 =	vand.u32 $0x380, v45;
	v58 =	vshll.u32 v50, $0xC  }
0xbe: {  	v0 =	vor.u32 v51, v0;
	v56 =	vand.u32 $0xFFFFFC00, v49;
	v4 =	vshll.u32 v57, $0xC  }
0xbf: {  	v5 =	vshll.u32 v57, $0x7;
	v57 =	vand.u32 $0x7F, v59;
	v59 =	vshll.u32 v50, $0x7  }
0xc0: {  	v51 =	vand.u32 $0xFFFF8000, v58;
	v44 =	vadd.s32 v7, v0;
	v0 =	vor.u32 v2, v55;
	v7 =	vld [tilespmem:$0x180]  }
0xc1: {  	v2 =	vor.u32 v45, v60;
	v61 =	vshll.u32 v54, $0x3;
	v47 =	vand.u32 $0x7F, v54;
	v60 =	vld [tilespmem:$0x181]  }
0xc2: {  	v1 =	vand.u32 $0x380, v5;
	v49 =	vand.u32 $0x380, v59;
	v5 =	vld [tilespmem:$0x191];
	v3 =	vshll.u32 v53, $0x7  }
0xc3: {  	v46 =	vadd.s32 v56, v0;
	v63 =	vor.u32 v47, v2;
	v2 =	vld [tilespmem:$0x171];
	v0 =	vand.u32 $0xFFFF8000, v4  }
0xc4: {  	v62 =	vand.u32 $0xFFFFFC00, v61;
	v56 =	vand.u32 $0xFFFFFC00, v6;
	v0 =	vor.u32 v1, v0  }
0xc5: {  	v61 =	vor.u32 v49, v51;
	v45 =	vadd.s32 v62, v63;
	v63 =	vld [tilespmem:$0x190];
	v0 =	vor.u32 v57, v0  }
0xc6: {  	v47 =	vadd.s32 v56, v0;
	v4 =	vshll.u32 v7, $0xC;
	v48 =	vshll.u32 v7, $0x7  }
0xc7: {  	v7 =	vshll.u32 v60, $0x3;
	v50 =	vand.u32 $0x7F, v60;
	v59 =	vshll.u32 v5, $0x3  }
0xc8: {  	v52 =	vshll.u32 v2, $0x3;
	v2 =	vand.u32 $0x7F, v2;
	v6 =	vand.u32 $0xFFFF8000, v4  }
0xc9: {  	v48 =	vand.u32 $0x380, v48;
	v55 =	vand.u32 $0xFFFFFC00, v7;
	v62 =	vand.u32 $0xFFFFFC00, v52  }
0xca: {  	v60 =	vld [tilespmem:$0x1B0];
	v0 =	vor.u32 v2, v61;
	v2 =	vor.u32 v48, v6;
	v57 =	vshll.u32 v63, $0xC  }
0xcb: {  	v4 =	vld [tilespmem:$0x1B1];
	v58 =	vshll.u32 v63, $0x7;
	v61 =	vand.u32 $0xFFFFFC00, v59;
	v63 =	vshll.u32 v53, $0xC  }
0xcc: {  	v7 =	vld [tilespmem:$0x1C0];
	v52 =	vand.u32 $0x380, v3;
	v49 =	vadd.s32 v62, v0;
	v56 =	vor.u32 v50, v2  }
0xcd: {  	v2 =	vld [tilespmem:$0x1A1];
	v0 =	vand.u32 $0xFFFF8000, v57;
	v1 =	vand.u32 $0x380, v58;
	v62 =	vand.u32 $0x7F, v5  }
0xce: {  	v54 =	vand.u32 $0xFFFF8000, v63;
	v48 =	vadd.s32 v55, v56;
	v0 =	vor.u32 v1, v0  }
0xcf: {  	v5 =	vor.u32 v52, v54;
	v0 =	vor.u32 v62, v0;
	v59 =	vshll.u32 v60, $0xC  }
0xd0: {  	v56 =	vld [tilespmem:$0x1D0];
	v51 =	vshll.u32 v60, $0x7;
	v50 =	vadd.s32 v61, v0;
	v60 =	vand.u32 $0xFFFF8000, v59  }
0xd1: {  	v51 =	vand.u32 $0x380, v51;
	v61 =	vshll.u32 v4, $0x3;
	v53 =	vand.u32 $0x7F, v4  }
0xd2: {  	[tilespmem:$0x960] =	vst v47;
	v47 =	vld [tilespmem:$0x351];
	v4 =	vshll.u32 v7, $0xC;
	v55 =	vshll.u32 v2, $0x3;
	v2 =	vand.u32 $0x7F, v2  }
0xd3: {  	v6 =	vand.u32 $0xFFFFFC00, v55;
	v55 =	vld [tilespmem:$0x1C1];
	v0 =	vor.u32 v2, v5;
	v2 =	vor.u32 v51, v60  }
0xd4: {  	v62 =	vand.u32 $0xFFFFFC00, v61;
	v5 =	vshll.u32 v7, $0x7;
	v63 =	vor.u32 v53, v2;
	v2 =	vld [tilespmem:$0x1D1]  }
0xd5: {  	v61 =	vshll.u32 v56, $0xC;
	v51 =	vadd.s32 v6, v0;
	v0 =	vand.u32 $0xFFFF8000, v4  }
0xd6: {  	v54 =	vld [tilespmem:$0x1E0];
	v1 =	vand.u32 $0x380, v5;
	v57 =	vand.u32 $0xFFFF8000, v61;
	v52 =	vadd.s32 v62, v63  }
0xd7: {  	v0 =	vor.u32 v1, v0;
	v62 =	vshll.u32 v56, $0x7;
	[tilespmem:$0x9B0] =	vst v52;
	v52 =	vshll.u32 v47, $0x3  }
0xd8: {  	v63 =	vld [tilespmem:$0x1E1];
	v6 =	vshll.u32 v55, $0x3;
	v60 =	vand.u32 $0x7F, v55;
	v55 =	vand.u32 $0x380, v62  }
0xd9: {  	[tilespmem:$0x970] =	vst v49;
	v49 =	vld [tilespmem:$0x360];
	v7 =	vand.u32 $0xFFFFFC00, v6;
	v0 =	vor.u32 v60, v0;
	v58 =	vshll.u32 v2, $0x3  }
0xda: {  	v4 =	vor.u32 v55, v57;
	v6 =	vld [tilespmem:$0x1F0];
	v2 =	vand.u32 $0x7F, v2;
	v53 =	vadd.s32 v7, v0  }
0xdb: {  	v5 =	vand.u32 $0xFFFFFC00, v58;
	v7 =	vshll.u32 v54, $0xC;
	v54 =	vshll.u32 v54, $0x7;
	v58 =	vld [tilespmem:$0x1F1]  }
0xdc: {  	v59 =	vld [tilespmem:$0x200];
	v0 =	vor.u32 v2, v4;
	v60 =	vand.u32 $0xFFFF8000, v7;
	v54 =	vand.u32 $0x380, v54  }
0xdd: {  	v61 =	vshll.u32 v63, $0x3;
	v56 =	vand.u32 $0x7F, v63;
	v2 =	vor.u32 v54, v60  }
0xde: {  	v55 =	vadd.s32 v5, v0;
	v62 =	vand.u32 $0xFFFFFC00, v61;
	v63 =	vor.u32 v56, v2  }
0xdf: {  	v57 =	vld [tilespmem:$0x210];
	v54 =	vadd.s32 v62, v63;
	v4 =	vshll.u32 v6, $0xC;
	v5 =	vshll.u32 v6, $0x7  }
0xe0: {  	v2 =	vld [tilespmem:$0x201];
	v0 =	vand.u32 $0xFFFF8000, v4;
	v1 =	vand.u32 $0x380, v5;
	v6 =	vshll.u32 v58, $0x3  }
0xe1: {  	v4 =	vand.u32 $0x7F, v58;
	v5 =	vshll.u32 v59, $0xC;
	[tilespmem:$0x9E0] =	vst v54;
	v54 =	vshll.u32 v49, $0xC  }
0xe2: {  	v0 =	vor.u32 v1, v0;
	v7 =	vand.u32 $0xFFFFFC00, v6;
	v6 =	vshll.u32 v59, $0x7;
	v59 =	vld [tilespmem:$0x211]  }
0xe3: {  	v60 =	vand.u32 $0xFFFF8000, v5;
	v0 =	vor.u32 v4, v0;
	v58 =	vand.u32 $0x380, v6  }
0xe4: {  	v5 =	vshll.u32 v57, $0xC;
	v56 =	vadd.s32 v7, v0;
	v7 =	vor.u32 v58, v60;
	v60 =	vld [tilespmem:$0x220]  }
0xe5: {  	v62 =	vld [tilespmem:$0x230];
	v57 =	vshll.u32 v57, $0x7;
	v6 =	vand.u32 $0xFFFF8000, v5;
	v61 =	vshll.u32 v2, $0x3  }
0xe6: {  	v57 =	vand.u32 $0x380, v57;
	v2 =	vand.u32 $0x7F, v2;
	v4 =	vand.u32 $0xFFFFFC00, v61;
	v61 =	vld [tilespmem:$0x221]  }
0xe7: {  	v0 =	vor.u32 v2, v7;
	v2 =	vor.u32 v57, v6;
	v7 =	vshll.u32 v59, $0x3  }
0xe8: {  	v57 =	vadd.s32 v4, v0;
	v59 =	vand.u32 $0x7F, v59;
	v58 =	vand.u32 $0xFFFFFC00, v7  }
0xe9: {  	v63 =	vor.u32 v59, v2;
	v2 =	vld [tilespmem:$0x231];
	v4 =	vshll.u32 v60, $0xC;
	v5 =	vshll.u32 v60, $0x7  }
0xea: {  	[tilespmem:$0x9A0] =	vst v51;
	v51 =	vld [tilespmem:$0x361];
	v58 =	vadd.s32 v58, v63;
	v0 =	vand.u32 $0xFFFF8000, v4;
	v1 =	vand.u32 $0x380, v5  }
0xeb: {  	v60 =	vld [tilespmem:$0x240];
	v6 =	vshll.u32 v61, $0x3;
	v4 =	vand.u32 $0x7F, v61;
	v5 =	vshll.u32 v62, $0xC  }
0xec: {  	v0 =	vor.u32 v1, v0;
	v7 =	vand.u32 $0xFFFFFC00, v6;
	v6 =	vshll.u32 v62, $0x7  }
0xed: {  	v62 =	vld [tilespmem:$0x241];
	v63 =	vand.u32 $0xFFFF8000, v5;
	v0 =	vor.u32 v4, v0;
	v61 =	vand.u32 $0x380, v6  }
0xee: {  	[tilespmem:$0x9F0] =	vst v56;
	v3 =	vshll.u32 v2, $0x3;
	v59 =	vadd.s32 v7, v0;
	v7 =	vor.u32 v61, v63;
	v63 =	vld [tilespmem:$0x251]  }
0xef: {  	v56 =	vand.u32 $0xFFFF8000, v54;
	[tilespmem:$0xA00] =	vst v57;
	v57 =	vshll.u32 v51, $0x3;
	v1 =	vand.u32 $0xFFFFFC00, v3;
	v3 =	vld [tilespmem:$0x250]  }
0xf0: {  	v4 =	vld [tilespmem:$0x260];
	v2 =	vand.u32 $0x7F, v2;
	v6 =	vshll.u32 v60, $0xC;
	v60 =	vshll.u32 v60, $0x7  }
0xf1: {  	v0 =	vor.u32 v2, v7;
	v7 =	vand.u32 $0xFFFF8000, v6;
	v60 =	vand.u32 $0x380, v60  }
0xf2: {  	v2 =	vor.u32 v60, v7;
	v61 =	vshll.u32 v62, $0x3;
	v62 =	vand.u32 $0x7F, v62  }
0xf3: {  	v60 =	vadd.s32 v1, v0;
	v61 =	vand.u32 $0xFFFFFC00, v61;
	v5 =	vor.u32 v62, v2;
	v2 =	vld [tilespmem:$0x261]  }
0xf4: {  	v61 =	vadd.s32 v61, v5;
	v62 =	vshll.u32 v63, $0x3;
	v6 =	vshll.u32 v3, $0xC  }
0xf5: {  	v5 =	vld [tilespmem:$0x270];
	v7 =	vshll.u32 v3, $0x7;
	v3 =	vshll.u32 v4, $0xC;
	v4 =	vshll.u32 v4, $0x7  }
0xf6: {  	v0 =	vand.u32 $0xFFFF8000, v6;
	v1 =	vand.u32 $0x380, v7;
	v3 =	vand.u32 $0xFFFF8000, v3  }
0xf7: {  	v0 =	vor.u32 v1, v0;
	v1 =	vand.u32 $0xFFFFFC00, v62;
	v62 =	vand.u32 $0x7F, v63;
	v63 =	vld [tilespmem:$0x271]  }
0xf8: {  	v4 =	vand.u32 $0x380, v4;
	v0 =	vor.u32 v62, v0;
	v6 =	vshll.u32 v2, $0x3  }
0xf9: {  	v2 =	vand.u32 $0x7F, v2;
	v62 =	vadd.s32 v1, v0;
	v0 =	vor.u32 v4, v3;
	v3 =	vld [tilespmem:$0x280]  }
0xfa: {  	v1 =	vand.u32 $0xFFFFFC00, v6;
	v4 =	vshll.u32 v5, $0xC;
	v5 =	vshll.u32 v5, $0x7;
	v6 =	vld [tilespmem:$0x281]  }
0xfb: {  	v0 =	vor.u32 v2, v0;
	v2 =	vand.u32 $0xFFFF8000, v4;
	v4 =	vand.u32 $0x380, v5  }
0xfc: {  	v7 =	vld [tilespmem:$0x290];
	v2 =	vor.u32 v4, v2;
	v4 =	vshll.u32 v63, $0x3;
	v5 =	vand.u32 $0x7F, v63  }
0xfd: {  	v0 =	vadd.s32 v1, v0;
	v63 =	vand.u32 $0xFFFFFC00, v4;
	v2 =	vor.u32 v5, v2;
	v4 =	vld [tilespmem:$0x291]  }
0xfe: {  	v63 =	vadd.s32 v63, v2;
	v1 =	vshll.u32 v3, $0xC;
	v5 =	vshll.u32 v3, $0x7  }
0xff: {  	v3 =	vshll.u32 v6, $0x3;
	v1 =	vand.u32 $0xFFFF8000, v1;
	v2 =	vand.u32 $0x380, v5;
	v5 =	vld [tilespmem:$0x2A0]  }
0x100: {  	v6 =	vand.u32 $0x7F, v6;
	v1 =	vor.u32 v2, v1;
	v2 =	vand.u32 $0xFFFFFC00, v3  }
0x101: {  	v3 =	vshll.u32 v7, $0xC;
	v1 =	vor.u32 v6, v1;
	v6 =	vshll.u32 v7, $0x7;
	v7 =	vld [tilespmem:$0x2A1]  }
0x102: {  	v3 =	vand.u32 $0xFFFF8000, v3;
	v6 =	vand.u32 $0x380, v6;
	v8 =	vshll.u32 v4, $0x3  }
0x103: {  	v1 =	vadd.s32 v2, v1;
	v4 =	vand.u32 $0x7F, v4;
	v2 =	vor.u32 v6, v3;
	v6 =	vld [tilespmem:$0x2B0]  }
0x104: {  	v9 =	vld [tilespmem:$0x2B1];
	v3 =	vand.u32 $0xFFFFFC00, v8;
	v8 =	vshll.u32 v5, $0xC;
	v5 =	vshll.u32 v5, $0x7  }
0x105: {  	[tilespmem:$0x9D0] =	vst v55;
	v55 =	vld [tilespmem:$0x371];
	v2 =	vor.u32 v4, v2;
	v4 =	vand.u32 $0xFFFF8000, v8;
	v5 =	vand.u32 $0x380, v5  }
0x106: {  	v8 =	vld [tilespmem:$0x2C0];
	v4 =	vor.u32 v5, v4;
	v5 =	vshll.u32 v7, $0x3;
	v7 =	vand.u32 $0x7F, v7  }
0x107: {  	v2 =	vadd.s32 v3, v2;
	v3 =	vand.u32 $0xFFFFFC00, v5;
	v4 =	vor.u32 v7, v4  }
0x108: {  	[tilespmem:$0x800] =	vst v25;
	v5 =	vld [tilespmem:$0x2C1];
	v25 =	vadd.s32 v3, v4;
	v3 =	vshll.u32 v6, $0xC;
	v4 =	vshll.u32 v6, $0x7  }
0x109: {  	v7 =	vld [tilespmem:$0x2D0];
	v6 =	vshll.u32 v9, $0x3;
	v3 =	vand.u32 $0xFFFF8000, v3;
	v4 =	vand.u32 $0x380, v4  }
0x10a: {  	[tilespmem:$0xA30] =	vst v60;
	v60 =	vshll.u32 v55, $0x3;
	v3 =	vor.u32 v4, v3;
	v4 =	vand.u32 $0xFFFFFC00, v6  }
0x10b: {  	[tilespmem:$0x830] =	vst v28;
	v6 =	vand.u32 $0x7F, v9;
	v28 =	vshll.u32 v8, $0xC;
	v8 =	vshll.u32 v8, $0x7;
	v9 =	vld [tilespmem:$0x2D1]  }
0x10c: {  	[tilespmem:$0x840] =	vst v29;
	v3 =	vor.u32 v6, v3;
	v29 =	vand.u32 $0xFFFF8000, v28;
	v28 =	vand.u32 $0x380, v8  }
0x10d: {  	[tilespmem:$0x810] =	vst v26;
	v6 =	vld [tilespmem:$0x2E0];
	v26 =	vadd.s32 v4, v3;
	v3 =	vor.u32 v28, v29;
	v29 =	vshll.u32 v5, $0x3  }
0x10e: {  	[tilespmem:$0x850] =	vst v31;
	v8 =	vld [tilespmem:$0x2E1];
	v5 =	vand.u32 $0x7F, v5;
	v31 =	vshll.u32 v7, $0xC;
	v7 =	vshll.u32 v7, $0x7  }
0x10f: {  	[tilespmem:$0x820] =	vst v27;
	v3 =	vor.u32 v5, v3;
	v5 =	vand.u32 $0xFFFF8000, v31;
	v7 =	vand.u32 $0x380, v7  }
0x110: {  	[tilespmem:$0x870] =	vst v32;
	v4 =	vand.u32 $0xFFFFFC00, v29;
	v29 =	vld [tilespmem:$0x2F0];
	v5 =	vor.u32 v7, v5;
	v32 =	vshll.u32 v9, $0x3  }
0x111: {  	[tilespmem:$0x880] =	vst v34;
	v27 =	vadd.s32 v4, v3;
	v9 =	vand.u32 $0x7F, v9;
	v34 =	vand.u32 $0xFFFFFC00, v32  }
0x112: {  	[tilespmem:$0x860] =	vst v30;
	v28 =	vor.u32 v9, v5;
	v30 =	vshll.u32 v6, $0xC;
	v31 =	vshll.u32 v6, $0x7  }
0x113: {  	v7 =	vld [tilespmem:$0x300];
	v32 =	vshll.u32 v8, $0x3;
	v28 =	vadd.s32 v34, v28;
	v3 =	vand.u32 $0xFFFF8000, v30  }
0x114: {  	[tilespmem:$0x890] =	vst v33;
	v5 =	vld [tilespmem:$0x2F1];
	v4 =	vand.u32 $0x380, v31;
	v33 =	vand.u32 $0xFFFFFC00, v32;
	v34 =	vand.u32 $0x7F, v8  }
0x115: {  	[tilespmem:$0x8A0] =	vst v35;
	v3 =	vor.u32 v4, v3;
	v35 =	vshll.u32 v29, $0xC;
	v8 =	vshll.u32 v29, $0x7  }
0x116: {  	v9 =	vld [tilespmem:$0x301];
	v3 =	vor.u32 v34, v3;
	v6 =	vand.u32 $0xFFFF8000, v35;
	v8 =	vand.u32 $0x380, v8  }
0x117: {  	[tilespmem:$0x8B0] =	vst v37;
	v32 =	vld [tilespmem:$0x311];
	v34 =	vshll.u32 v49, $0x7;
	v29 =	vadd.s32 v33, v3;
	v37 =	vor.u32 v8, v6  }
0x118: {  	[tilespmem:$0x920] =	vst v43;
	v43 =	vld [tilespmem:$0x330];
	v8 =	vshll.u32 v7, $0xC;
	v7 =	vshll.u32 v7, $0x7;
	v34 =	vand.u32 $0x380, v34  }
0x119: {  	[tilespmem:$0x8C0] =	vst v36;
	v49 =	vld [tilespmem:$0x3A1];
	v33 =	vand.u32 $0x7F, v51;
	v36 =	vshll.u32 v5, $0x3;
	v5 =	vand.u32 $0x7F, v5  }
0x11a: {  	[tilespmem:$0x8D0] =	vst v38;
	v6 =	vld [tilespmem:$0x310];
	v7 =	vand.u32 $0x380, v7;
	v38 =	vand.u32 $0xFFFFFC00, v36;
	v3 =	vor.u32 v5, v37  }
0x11b: {  	[tilespmem:$0x8E0] =	vst v40;
	v36 =	vand.u32 $0xFFFF8000, v8;
	v37 =	vshll.u32 v9, $0x3;
	v8 =	vand.u32 $0x7F, v9  }
0x11c: {  	[tilespmem:$0x910] =	vst v42;
	v9 =	vld [tilespmem:$0x320];
	v42 =	vshll.u32 v32, $0x3;
	v5 =	vor.u32 v7, v36;
	v31 =	vadd.s32 v38, v3  }
0x11d: {  	[tilespmem:$0x8F0] =	vst v39;
	v38 =	vand.u32 $0xFFFFFC00, v37;
	v36 =	vand.u32 $0xFFFFFC00, v42;
	v42 =	vld [tilespmem:$0x340];
	v7 =	vshll.u32 v43, $0x7  }
0x11e: {  	[tilespmem:$0x900] =	vst v41;
	v37 =	vand.u32 $0x7F, v32;
	v39 =	vor.u32 v8, v5;
	v5 =	vld [tilespmem:$0x321];
	v7 =	vand.u32 $0x380, v7  }
0x11f: {  	[tilespmem:$0xAB0] =	vst v26;
	v26 =	vshll.u32 v49, $0x3;
	v40 =	vshll.u32 v6, $0xC;
	v41 =	vshll.u32 v6, $0x7  }
0x120: {  	[tilespmem:$0xA10] =	vst v58;
	v58 =	vld [tilespmem:$0x380];
	v30 =	vadd.s32 v38, v39;
	v3 =	vand.u32 $0xFFFF8000, v40;
	v4 =	vand.u32 $0x380, v41  }
0x121: {  	v3 =	vor.u32 v4, v3;
	v38 =	vshll.u32 v9, $0xC;
	v8 =	vshll.u32 v9, $0x7;
	v9 =	vld [tilespmem:$0x331]  }
0x122: {  	v3 =	vor.u32 v37, v3;
	v6 =	vand.u32 $0xFFFF8000, v38;
	v8 =	vand.u32 $0x380, v8  }
0x123: {  	[tilespmem:$0x980] =	vst v48;
	v48 =	vshll.u32 v42, $0xC;
	v39 =	vshll.u32 v5, $0x3;
	v32 =	vadd.s32 v36, v3  }
0x124: {  	v40 =	vor.u32 v8, v6;
	v5 =	vand.u32 $0x7F, v5;
	v8 =	vshll.u32 v43, $0xC;
	v43 =	vld [tilespmem:$0x341]  }
0x125: {  	[tilespmem:$0x930] =	vst v44;
	v6 =	vshll.u32 v42, $0x7;
	v42 =	vshll.u32 v58, $0x7;
	v41 =	vand.u32 $0xFFFFFC00, v39  }
0x126: {  	[tilespmem:$0x950] =	vst v45;
	v44 =	vand.u32 $0xFFFF8000, v8;
	v45 =	vshll.u32 v9, $0x3;
	v8 =	vand.u32 $0x7F, v9;
	v9 =	vld [tilespmem:$0x350]  }
0x127: {  	[tilespmem:$0x940] =	vst v46;
	v3 =	vor.u32 v5, v40;
	v6 =	vand.u32 $0x380, v6;
	v5 =	vor.u32 v7, v44  }
0x128: {  	[tilespmem:$0xA20] =	vst v59;
	v59 =	vld [tilespmem:$0x381];
	v40 =	vand.u32 $0x7F, v55;
	v46 =	vand.u32 $0xFFFFFC00, v45;
	v5 =	vor.u32 v8, v5  }
0x129: {  	[tilespmem:$0xA40] =	vst v61;
	v61 =	vld [tilespmem:$0x390];
	v4 =	vadd.s32 v46, v5;
	v5 =	vand.u32 $0xFFFF8000, v48;
	v8 =	vshll.u32 v43, $0x3  }
0x12a: {  	[tilespmem:$0x990] =	vst v50;
	v55 =	vld [tilespmem:$0x3D0];
	v5 =	vor.u32 v6, v5;
	v50 =	vand.u32 $0xFFFFFC00, v8;
	v8 =	vand.u32 $0x7F, v43  }
0x12b: {  	v5 =	vor.u32 v8, v5;
	v8 =	vshll.u32 v9, $0xC;
	v9 =	vshll.u32 v9, $0x7  }
0x12c: {  	[tilespmem:$0x400] =	vst v17;
	v3 =	vadd.s32 v41, v3;
	v8 =	vand.u32 $0xFFFF8000, v8;
	v9 =	vand.u32 $0x380, v9  }
0x12d: {  	[tilespmem:$0x9C0] =	vst v53;
	v7 =	vand.u32 $0x7F, v47;
	v44 =	vshll.u32 v59, $0x3;
	v53 =	vor.u32 v9, v8;
	v9 =	vld [tilespmem:$0x370]  }
0x12e: {  	[tilespmem:$0x480] =	vst v17;
	v47 =	vshll.u32 v61, $0xC;
	v46 =	vand.u32 $0x7F, v59;
	v48 =	vshll.u32 v61, $0x7  }
0x12f: {  	[tilespmem:$0xA50] =	vst v62;
	v51 =	vld [tilespmem:$0x3B0];
	v61 =	vshll.u32 v55, $0xC;
	v62 =	vshll.u32 v55, $0x7;
	v5 =	vadd.s32 v50, v5  }
0x130: {  	[tilespmem:$0x500] =	vst v17;
	v8 =	vand.u32 $0xFFFFFC00, v52;
	v6 =	vor.u32 v7, v53;
	v7 =	vor.u32 v34, v56  }
0x131: {  	[tilespmem:$0x580] =	vst v17;
	v43 =	vld [tilespmem:$0x391];
	v6 =	vadd.s32 v8, v6;
	v8 =	vand.u32 $0xFFFFFC00, v57;
	v7 =	vor.u32 v33, v7  }
0x132: {  	[tilespmem:$0xAC0] =	vst v27;
	v27 =	vld [tilespmem:$0x3C0];
	v7 =	vadd.s32 v8, v7;
	v8 =	vshll.u32 v9, $0xC;
	v9 =	vshll.u32 v9, $0x7  }
0x133: {  	[tilespmem:$0x600] =	vst v17;
	v50 =	vand.u32 $0xFFFF8000, v47;
	v8 =	vand.u32 $0xFFFF8000, v8;
	v9 =	vand.u32 $0x380, v9  }
0x134: {  	[tilespmem:$0xB40] =	vst v5;
	v5 =	vand.u32 $0xFFFF8000, v61;
	v52 =	vshll.u32 v51, $0x7;
	v8 =	vor.u32 v9, v8  }
0x135: {  	[tilespmem:$0xAA0] =	vst v25;
	v34 =	vand.u32 $0x380, v42;
	v41 =	vor.u32 v40, v8;
	v8 =	vshll.u32 v58, $0xC  }
0x136: {  	[tilespmem:$0xAD0] =	vst v28;
	v45 =	vld [tilespmem:$0x3A0];
	v25 =	vand.u32 $0x7F, v43;
	v28 =	vand.u32 $0x380, v52;
	v8 =	vand.u32 $0xFFFF8000, v8  }
0x137: {  	[tilespmem:$0xA60] =	vst v0;
	v56 =	vshll.u32 v27, $0xC;
	v9 =	vand.u32 $0xFFFFFC00, v60;
	v8 =	vor.u32 v34, v8  }
0x138: {  	[tilespmem:$0xA80] =	vst v1;
	v0 =	vadd.s32 v9, v41;
	v1 =	vor.u32 v46, v8;
	v8 =	vand.u32 $0x380, v48  }
0x139: {  	[tilespmem:$0xA90] =	vst v2;
	v9 =	vand.u32 $0xFFFFFC00, v44;
	v2 =	vor.u32 v8, v50;
	v8 =	vshll.u32 v43, $0x3  }
0x13a: {  	[tilespmem:$0x680] =	vst v17;
	v1 =	vadd.s32 v9, v1;
	v9 =	vld [tilespmem:$0x3B1];
	v8 =	vand.u32 $0xFFFFFC00, v8;
	v2 =	vor.u32 v25, v2  }
0x13b: {  	[tilespmem:$0x700] =	vst v17;
	v25 =	vshll.u32 v45, $0x7;
	v2 =	vadd.s32 v8, v2;
	v8 =	vshll.u32 v45, $0xC  }
0x13c: {  	[tilespmem:$0x780] =	vst v17;
	v27 =	vshll.u32 v27, $0x7;
	v25 =	vand.u32 $0x380, v25;
	v8 =	vand.u32 $0xFFFF8000, v8  }
0x13d: {  	[tilespmem:$0xA70] =	vst v63;
	v53 =	vld [tilespmem:$0x3C1];
	v8 =	vor.u32 v25, v8;
	v25 =	vand.u32 $0xFFFFFC00, v26;
	v26 =	vand.u32 $0x7F, v49  }
0x13e: {  	v57 =	vld [tilespmem:$0x3D1];
	[tilespmem:$0xB50] =	vst v6;
	v6 =	vand.u32 $0x380, v62;
	v8 =	vor.u32 v26, v8;
	v26 =	vshll.u32 v51, $0xC  }
0x13f: {  	[tilespmem:$0xAE0] =	vst v29;
	v54 =	vshll.u32 v9, $0x3;
	v9 =	vand.u32 $0x7F, v9;
	v26 =	vand.u32 $0xFFFF8000, v26  }
0x140: {  	[tilespmem:$0xAF0] =	vst v31;
	v8 =	vadd.s32 v25, v8;
	v25 =	vor.u32 v28, v26;
	v26 =	vand.u32 $0xFFFFFC00, v54  }
0x141: {  	[tilespmem:$0xB00] =	vst v30;
	v58 =	vor.u32 v9, v25;
	v9 =	vand.u32 $0xFFFF8000, v56;
	v25 =	vand.u32 $0x380, v27;
	v27 =	vld [tilespmem:$0x3E0]  }
0x142: {  	[tilespmem:$0xB20] =	vst v3;
	v59 =	vor.u32 v25, v9;
	v9 =	vshll.u32 v53, $0x3;
	v3 =	vadd.s32 v26, v58;
	v26 =	vld [tilespmem:$0x3F1]  }
0x143: {  	[tilespmem:$0xB10] =	vst v32;
	v63 =	vshll.u32 v57, $0x3;
	v25 =	vand.u32 $0x7F, v53;
	v60 =	vand.u32 $0xFFFFFC00, v9;
	v9 =	vld [tilespmem:$0x3E1]  }
0x144: {  	[tilespmem:$0xB30] =	vst v4;
	v30 =	vand.u32 $0x7F, v57;
	v28 =	vor.u32 v6, v5;
	v4 =	vor.u32 v25, v59;
	v25 =	vld [tilespmem:$0x3F0]  }
0x145: {  	v29 =	vand.u32 $0xFFFFFC00, v63;
	[tilespmem:$0xB70] =	vst v0;
	v0 =	vor.u32 v30, v28  }
0x146: {  	[tilespmem:$0xB60] =	vst v7;
	v0 =	vadd.s32 v29, v0;
	v31 =	vshll.u32 v27, $0xC;
	v32 =	vshll.u32 v27, $0x7  }
0x147: {  	[tilespmem:$0xB80] =	vst v1;
	v4 =	vadd.s32 v60, v4;
	v33 =	vand.u32 $0xFFFF8000, v31;
	v34 =	vand.u32 $0x380, v32  }
0x148: {  	[tilespmem:$0xB90] =	vst v2;
	v42 =	vshll.u32 v26, $0x3;
	v43 =	vand.u32 $0x7F, v26;
	v35 =	vshll.u32 v9, $0x3  }
0x149: {  	[tilespmem:$0xBA0] =	vst v8;
	v1 =	vor.u32 v34, v33;
	v38 =	vshll.u32 v25, $0xC;
	v39 =	vshll.u32 v25, $0x7  }
0x14a: {  	[tilespmem:$0xBB0] =	vst v3;
	v37 =	vand.u32 $0x7F, v9;
	v40 =	vand.u32 $0xFFFF8000, v38;
	v41 =	vand.u32 $0x380, v39  }
0x14b: {  	[tilespmem:$0xBD0] =	vst v0;
	v36 =	vand.u32 $0xFFFFFC00, v35;
	v1 =	vor.u32 v37, v1;
	v3 =	vor.u32 v41, v40  }
0x14c: {  	[tilespmem:$0xBC0] =	vst v4;
	v45 =	vand.u32 $0xFFFFFC00, v42;
	v44 =	vadd.s32 v36, v1;
	v46 =	vor.u32 v43, v3  }
0x14d: {  	[tilespmem:$0xBE0] =	vst v44;
	v47 =	vadd.s32 v45, v46  }
0x14e: {  	[tilespmem:$0xBF0] =	vst v47  }
0x14f: {  	[tilespmem:s17], [sflag:$0x2] =	stream.indirect.gather [hbm4b:s1+s15], $0x1, s16, s15, $0xb8;
	[tilespmem:$0x1800] =	vst v63  }
0x150: {  	v56 =	vld [tilespmem:$0x1FF70]  }
0x151: {  	v58 =	vld [tilespmem:$0x1FFF0];
	[tilespmem:s18], [sflag:$0x3] =	stream.indirect.gather [hbm4b:s2+s15], $0x1, s16, s15, $0xb8  }
0x152: {  	v48 =	vld [tilespmem:$0x0]  }
0x153: {  	v49 =	vld [tilespmem:$0x70]  }
0x154: {  	v50 =	vld.msk [tilespmem:$0x80 ss:$0x0], $0xffff  }
0x155: {  	v51 =	vld [tilespmem:$0xF0]  }
0x156: {  	v52 =	vld.msk [tilespmem:$0x100 ss:$0x0], $0xffff  }
0x157: {  	v53 =	vld [tilespmem:$0x170]  }
0x158: {  	v54 =	vld.msk [tilespmem:$0x180 ss:$0x0], $0xffff  }
0x159: {  	v55 =	vld [tilespmem:$0x1F0]  }
0x15a: {  	v8 =	vld.msk [tilespmem:$0x200 ss:$0x0], $0xffff  }
0x15b: {  	v9 =	vld [tilespmem:$0x270]  }
0x15c: {  	v25 =	vld.msk [tilespmem:$0x280 ss:$0x0], $0xffff  }
0x15d: {  	v26 =	vld [tilespmem:$0x2F0]  }
0x15e: {  	v27 =	vld.msk [tilespmem:$0x300 ss:$0x0], $0xffff;
	v1 =	vbroadcast v49, $0xF  }
0x15f: {  	v57 =	vld [tilespmem:$0x370];
	v0 =	vsel vm0, v48, v56;
	v3 =	vbroadcast v51, $0xF  }
0x160: {  	v60 =	vld [tilespmem:$0x3F0];
	v59 =	vbroadcast v53, $0xF;
	v0 =	vsel vm1, v0, v50;
	v1 =	vsel vm0, v1, v58  }
0x161: {  	v62 =	vld.msk [tilespmem:$0x380 ss:$0x0], $0xffff;
	v61 =	vbroadcast v55, $0xF;
	v0 =	vsel vm2, v0, v52;
	v1 =	vsel vm1, v1, v3  }
0x162: {  	v63 =	vbroadcast v9, $0xF;
	v0 =	vsel vm3, v0, v54;
	v1 =	vsel vm2, v1, v59  }
0x163: {  	v6 =	vbroadcast v26, $0xF;
	v0 =	vsel vm4, v0, v8;
	v1 =	vsel vm3, v1, v61  }
0x164: {  	v7 =	vbroadcast v57, $0xF;
	v0 =	vsel vm5, v0, v25;
	v1 =	vsel vm4, v1, v63  }
0x165: {  	v28 =	vbroadcast v60, $0xF;
	v0 =	vsel vm6, v0, v27;
	v1 =	vsel vm5, v1, v6  }
0x166: {  	v0 =	vsel vm7, v0, v62;
	v1 =	vsel vm6, v1, v7  }
0x167: {  	[tilespmem:$0x1580] =	vst v0;
	v1 =	vsel vm7, v1, v28  }
0x168: {  	s30 =	rddreg [dreg:$0x7];
	[tilespmem:$0x1600] =	vst v1  }
0x169: {  	[tilespmem:s21], [sflag:$0x2] =	stream.indirect.gather [hbm4b:s30+s19], $0x1, s20, s19, $0xb8;
	[tilespmem:$0x1800] =	vst v63  }
0x16a: {  	s31 =	rddreg [dreg:$0x8]  }
0x16b: {  	[tilespmem:s23], [sflag:$0x2] =	stream.indirect.gather [hbm4b:s31+s19], $0x1, s22, s19, $0xb8;
	[tilespmem:$0x1800] =	vst v63  }
0x16c: {  	_ =	swait.ge [sflag:s24], $0x80  }
0x16d: {  	[sflag:s24] =	ssyncset.done $0x0  }
0x16e: {  	[sflag:s24] =	ssyncadd.s32 $0xFFFFFF80  }
0x16f: {  	_ =	swait.ge [sflag:s24], $0x80  }
0x170: {  	[sflag:s24] =	ssyncset.done $0x0  }
0x171: {  	[sflag:s24] =	ssyncadd.s32 $0xFFFFFF80  }
0x172: {  	v29 =	vld [tilespmem:$0x1480]  }
0x173: {  	v30 =	vld [tilespmem:$0x1500]  }
0x174: {  	v31 =	vld [tilespmem:$0x1490]  }
0x175: {  	v32 =	vld [tilespmem:$0x1510]  }
0x176: {  	v33 =	vld [tilespmem:$0x14A0]  }
0x177: {  	v34 =	vld [tilespmem:$0x1520]  }
0x178: {  	v35 =	vld [tilespmem:$0x14B0]  }
0x179: {  	v36 =	vld [tilespmem:$0x1530]  }
0x17a: {  	v38 =	vld [tilespmem:$0x14C0];
	v0 =	vadd.f32 v30, v29;
	v37 =	vadd.f32 v32, v31  }
0x17b: {  	v39 =	vld [tilespmem:$0x1540]  }
0x17c: {  	v40 =	vld [tilespmem:$0x14D0];
	v4 =	vadd.f32 v34, v33;
	v0 =	vadd.f32 $0.0e+00, v0;
	v1 =	vmul.f32 v37, v10  }
0x17d: {  	v8 =	vld [tilespmem:$0x1550]  }
0x17e: {  	v43 =	vld [tilespmem:$0x14E0];
	v42 =	vadd.f32 v36, v35;
	v41 =	vmul.f32 v4, v11;
	v0 =	vadd.f32 v1, v0  }
0x17f: {  	v44 =	vld [tilespmem:$0x1560]  }
0x180: {  	v46 =	vld [tilespmem:$0x14F0];
	v2 =	vadd.f32 v39, v38;
	v45 =	vmul.f32 v42, v12;
	v0 =	vadd.f32 v41, v0  }
0x181: {  	v47 =	vld [tilespmem:$0x1570]  }
0x182: {  	v49 =	vadd.f32 v8, v40;
	v48 =	vmul.f32 v2, v13;
	v0 =	vadd.f32 v45, v0;
	_ =	sdelay $0x1  }
0x183: {  	v51 =	vadd.f32 v44, v43;
	v50 =	vmul.f32 v49, v14;
	v0 =	vadd.f32 v48, v0;
	_ =	sdelay $0x1  }
0x184: {  	v53 =	vadd.f32 v47, v46;
	v52 =	vmul.f32 v51, v15;
	v0 =	vadd.f32 v50, v0;
	_ =	sdelay $0x1  }
0x185: {  	v54 =	vmul.f32 v53, v16;
	v0 =	vadd.f32 v52, v0;
	_ =	sdelay $0x1  }
0x186: {  	v0 =	vadd.f32 v54, v0;
	_ =	sdelay $0x1  }
0x187: {  	(xrf2) =	vadd.scan.msk.f32 $0xffff, v0;
	_ =	sdelay $0x9  }
0x188: {  	v0, _, _ =	vpop (xrf2)  }
0x189: {  	(v2sf) =	vpush v0, $0xF;
	_ =	sdelay $0xe  }
0x18a: {  	s29 =	spop (v2sf)  }
0x18b: {  	_ =	swait.ge [sflag:s14], $0x400  }
0x18c: {  	[sflag:s14] =	ssyncset.done $0x0  }
0x18d: {  	[sflag:s14] =	ssyncadd.s32 $0xFFFFFC00  }
0x18e: {  	_ =	swait.ge [sflag:s14], $0x10  }
0x18f: {  	[sflag:s14] =	ssyncset.done $0x0  }
0x190: {  	[sflag:s14] =	ssyncadd.s32 $0xFFFFFFF0  }
0x191: {  	_ =	swait.ge [sflag:s14], $0x10  }
0x192: {  	[sflag:s14] =	ssyncset.done $0x0  }
0x193: {  	[sflag:s14] =	ssyncadd.s32 $0xFFFFFFF0  }
0x194: {  	v55 =	vld [tilespmem:$0xC70]  }
0x195: {  	v60 =	vld [tilespmem:$0xC00]  }
0x196: {  	v2 =	vld [tilespmem:$0xC10]  }
0x197: {  	v3 =	vld [tilespmem:$0xC20]  }
0x198: {  	v4 =	vld [tilespmem:$0xC30]  }
0x199: {  	v5 =	vld [tilespmem:$0xC40]  }
0x19a: {  	v6 =	vld [tilespmem:$0xC50]  }
0x19b: {  	v7 =	vld [tilespmem:$0xC60]  }
0x19c: {  	v8 =	vld [tilespmem:$0xCF0]  }
0x19d: {  	v9 =	vld [tilespmem:$0xC80]  }
0x19e: {  	v25 =	vld [tilespmem:$0xC90]  }
0x19f: {  	v26 =	vld [tilespmem:$0xCA0]  }
0x1a0: {  	v27 =	vld [tilespmem:$0xCB0]  }
0x1a1: {  	v28 =	vld [tilespmem:$0xCC0]  }
0x1a2: {  	v29 =	vld [tilespmem:$0xCD0]  }
0x1a3: {  	v30 =	vld [tilespmem:$0xCE0]  }
0x1a4: {  	v61 =	vld [tilespmem:$0xD70]  }
0x1a5: {  	v32 =	vld [tilespmem:$0xD00]  }
0x1a6: {  	v33 =	vld [tilespmem:$0xD10]  }
0x1a7: {  	v34 =	vld [tilespmem:$0xD20]  }
0x1a8: {  	v35 =	vld [tilespmem:$0xD30]  }
0x1a9: {  	v36 =	vld [tilespmem:$0xD40]  }
0x1aa: {  	v37 =	vld [tilespmem:$0xD50]  }
0x1ab: {  	v38 =	vld [tilespmem:$0xD60]  }
0x1ac: {  	v62 =	vld [tilespmem:$0xDF0]  }
0x1ad: {  	v63 =	vld [tilespmem:$0xD80]  }
0x1ae: {  	v41 =	vld [tilespmem:$0xD90]  }
0x1af: {  	v42 =	vld [tilespmem:$0xDA0]  }
0x1b0: {  	v43 =	vld [tilespmem:$0xDB0]  }
0x1b1: {  	v44 =	vld [tilespmem:$0xDC0]  }
0x1b2: {  	v56 =	vld [tilespmem:$0xDD0]  }
0x1b3: {  	v46 =	vld [tilespmem:$0xDE0]  }
0x1b4: {  	v57 =	vld [tilespmem:$0xE70]  }
0x1b5: {  	v58 =	vld [tilespmem:$0xE00]  }
0x1b6: {  	v59 =	vld [tilespmem:$0xE10]  }
0x1b7: {  	v50 =	vld [tilespmem:$0xE20]  }
0x1b8: {  	v51 =	vld [tilespmem:$0xE30]  }
0x1b9: {  	v52 =	vld [tilespmem:$0xE40];
	v0 =	vmul.f32 v18, v55  }
0x1ba: {  	v53 =	vld [tilespmem:$0xE50];
	v8 =	vmul.f32 v18, v8  }
0x1bb: {  	v31 =	vld [tilespmem:$0xE60];
	v0 =	vadd.f32 v60, v0;
	v60 =	vmul.f32 v18, v61  }
0x1bc: {  	v8 =	vadd.f32 v9, v8;
	v9 =	vmul.f32 v18, v62;
	v61 =	vld [tilespmem:$0xEF0]  }
0x1bd: {  	v40 =	vld [tilespmem:$0xEC0];
	v0 =	vadd.f32 v2, v0;
	v1 =	vadd.f32 v32, v60  }
0x1be: {  	v62 =	vld [tilespmem:$0xE80];
	v8 =	vadd.f32 v25, v8;
	v9 =	vadd.f32 v63, v9  }
0x1bf: {  	v54 =	vld [tilespmem:$0xF80];
	v0 =	vadd.f32 v3, v0;
	v1 =	vadd.f32 v33, v1  }
0x1c0: {  	v47 =	vmul.f32 v18, v57;
	v25 =	vld [tilespmem:$0xE90];
	v8 =	vadd.f32 v26, v8;
	v9 =	vadd.f32 v41, v9  }
0x1c1: {  	v57 =	vld [tilespmem:$0xF90];
	v55 =	vmul.f32 v18, v61;
	v0 =	vadd.f32 v4, v0;
	v1 =	vadd.f32 v34, v1  }
0x1c2: {  	v63 =	vld [tilespmem:$0xEA0];
	v8 =	vadd.f32 v27, v8;
	v9 =	vadd.f32 v42, v9  }
0x1c3: {  	v60 =	vld [tilespmem:$0xFB0];
	v2 =	vadd.f32 v62, v55;
	v0 =	vadd.f32 v5, v0  }
0x1c4: {  	v42 =	vld [tilespmem:$0xF70];
	v1 =	vadd.f32 v35, v1;
	v9 =	vadd.f32 v43, v9  }
0x1c5: {  	v8 =	vadd.f32 v28, v8;
	v43 =	vld [tilespmem:$0xFF0];
	v2 =	vadd.f32 v25, v2  }
0x1c6: {  	v0 =	vadd.f32 v6, v0;
	v9 =	vadd.f32 v44, v9;
	v44 =	vld [tilespmem:$0xF00]  }
0x1c7: {  	v26 =	vld [tilespmem:$0xEB0];
	v1 =	vadd.f32 v36, v1;
	v8 =	vadd.f32 v29, v8  }
0x1c8: {  	v2 =	vadd.f32 v63, v2;
	v9 =	vadd.f32 v56, v9;
	v56 =	vld [tilespmem:$0xF10]  }
0x1c9: {  	v41 =	vld [tilespmem:$0xEE0];
	v28 =	vmul.f32 v18, v42;
	v0 =	vadd.f32 v7, v0;
	v7 =	vadd.f32 v58, v47  }
0x1ca: {  	v1 =	vadd.f32 v37, v1;
	v8 =	vadd.f32 v30, v8;
	v58 =	vld [tilespmem:$0xF20];
	v6 =	vmul.f32 v18, v43  }
0x1cb: {  	v7 =	vadd.f32 v59, v7;
	v59 =	vld [tilespmem:$0xFA0];
	v28 =	vadd.f32 v44, v28  }
0x1cc: {  	v25 =	vld [tilespmem:$0xF30];
	v2 =	vadd.f32 v26, v2;
	v6 =	vadd.f32 v54, v6  }
0x1cd: {  	v61 =	vld [tilespmem:$0xF40];
	v7 =	vadd.f32 v50, v7;
	v28 =	vadd.f32 v56, v28  }
0x1ce: {  	v27 =	vld [tilespmem:$0xED0];
	v1 =	vadd.f32 v38, v1;
	v6 =	vadd.f32 v57, v6  }
0x1cf: {  	v62 =	vld [tilespmem:$0xFC0];
	v7 =	vadd.f32 v51, v7;
	v28 =	vadd.f32 v58, v28  }
0x1d0: {  	v26 =	vld [tilespmem:$0xF50];
	v9 =	vadd.f32 v46, v9;
	v6 =	vadd.f32 v59, v6  }
0x1d1: {  	v63 =	vld [tilespmem:$0xFD0];
	v7 =	vadd.f32 v52, v7;
	v25 =	vadd.f32 v25, v28  }
0x1d2: {  	v29 =	vld [tilespmem:$0xF60];
	v2 =	vadd.f32 v40, v2;
	v6 =	vadd.f32 v60, v6  }
0x1d3: {  	v34 =	vld [tilespmem:$0xFE0];
	(xrf2) =	vadd.scan.msk.f32 $0xffff, v0;
	v33 =	vadd.f32 v53, v7;
	v3 =	vadd.f32 v61, v25  }
0x1d4: {  	(xrf2) =	vadd.scan.msk.f32 $0xffff, v8;
	v2 =	vadd.f32 v27, v2;
	v6 =	vadd.f32 v62, v6  }
0x1d5: {  	(xrf2) =	vadd.scan.msk.f32 $0xffff, v1;
	v0 =	vadd.f32 v31, v33;
	v35 =	vadd.f32 v26, v3  }
0x1d6: {  	(xrf2) =	vadd.scan.msk.f32 $0xffff, v9;
	v2 =	vadd.f32 v41, v2;
	v36 =	vadd.f32 v63, v6  }
0x1d7: {  	(xrf2) =	vadd.scan.msk.f32 $0xffff, v0;
	v37 =	vadd.f32 v29, v35  }
0x1d8: {  	(xrf2) =	vadd.scan.msk.f32 $0xffff, v2;
	v38 =	vadd.f32 v34, v36  }
0x1d9: {  	(xrf2) =	vadd.scan.msk.f32 $0xffff, v37  }
0x1da: {  	(xrf2) =	vadd.scan.msk.f32 $0xffff, v38;
	_ =	sdelay $0x2  }
0x1db: {  	v39, _, _ =	vpop (xrf2)  }
0x1dc: {  	v40, _, _ =	vpop (xrf2);
	v0 =	vbroadcast v39, $0xF  }
0x1dd: {  	v1 =	vbroadcast v40, $0xF;
	v41, _, _ =	vpop (xrf2)  }
0x1de: {  	v2 =	vbroadcast v41, $0xF;
	v42, _, _ =	vpop (xrf2);
	v0 =	vnsel vm0, $0x0, v0  }
0x1df: {  	v45 =	vld [tilespmem:$0x1680];
	v43 =	vbroadcast v42, $0xF;
	v0 =	vsel vm1, v0, v1;
	v44, _, _ =	vpop (xrf2)  }
0x1e0: {  	v0 =	vsel vm2, v0, v2;
	v46 =	vbroadcast v44, $0xF;
	v47, _, _ =	vpop (xrf2)  }
0x1e1: {  	v50 =	vld [tilespmem:$0x1700];
	v0 =	vsel vm3, v0, v43;
	v48 =	vbroadcast v47, $0xF;
	v49, _, _ =	vpop (xrf2)  }
0x1e2: {  	v0 =	vsel vm4, v0, v46;
	v51 =	vbroadcast v49, $0xF;
	v52, _, _ =	vpop (xrf2)  }
0x1e3: {  	v0 =	vsel vm5, v0, v48;
	v53 =	vbroadcast v52, $0xF  }
0x1e4: {  	v54 =	vmul.f32 v19, v45;
	v0 =	vsel vm6, v0, v51  }
0x1e5: {  	v0 =	vsel vm7, v0, v53  }
0x1e6: {  	v55 =	vmul.f32 v19, v50;
	v0 =	vadd.f32 v0, v54;
	_ =	sdelay $0x1  }
0x1e7: {  	v0 =	vadd.f32 v0, v55  }
0x1e8: {  	v56 =	vadd.f32 v50, v45  }
0x1e9: {  	v57 =	vmul.f32 v0, v0  }
0x1ea: {  	v1 =	vmul.f32 v20, v56;
	(xrf2) =	vadd.scan.msk.f32 $0xffff, v0  }
0x1eb: {  	(xrf2) =	vadd.scan.msk.f32 $0xffff, v57  }
0x1ec: {  	(xrf2) =	vadd.scan.msk.f32 $0xffff, v1;
	_ =	sdelay $0x7  }
0x1ed: {  	v1, _, _ =	vpop (xrf2)  }
0x1ee: {  	v2, _, _ =	vpop (xrf2)  }
0x1ef: {  	v58, _, _ =	vpop (xrf2)  }
0x1f0: {  	(v2sf) =	vpush v58, $0xF;
	_ =	sdelay $0xe  }
0x1f1: {  	s30 =	spop (v2sf)  }
0x1f2: {  	s3 =	rddreg [dreg:$0x10];
	_ =	swait.ge [sflag:s25], $0x400  }
0x1f3: {  	[sflag:s25] =	ssyncset.done $0x0  }
0x1f4: {  	[sflag:s25] =	ssyncadd.s32 $0xFFFFFC00  }
0x1f5: {  	v59 =	vld [tilespmem:$0x1070]  }
0x1f6: {  	v60 =	vld [tilespmem:$0x1000]  }
0x1f7: {  	v5 =	vld [tilespmem:$0x1010]  }
0x1f8: {  	v6 =	vld [tilespmem:$0x1020]  }
0x1f9: {  	v7 =	vld [tilespmem:$0x1030]  }
0x1fa: {  	v8 =	vld [tilespmem:$0x1040]  }
0x1fb: {  	v9 =	vld [tilespmem:$0x1050]  }
0x1fc: {  	v25 =	vld [tilespmem:$0x1060]  }
0x1fd: {  	v26 =	vld [tilespmem:$0x10F0]  }
0x1fe: {  	v27 =	vld [tilespmem:$0x1080]  }
0x1ff: {  	v28 =	vld [tilespmem:$0x1090]  }
0x200: {  	v29 =	vld [tilespmem:$0x10A0]  }
0x201: {  	v30 =	vld [tilespmem:$0x10B0]  }
0x202: {  	v31 =	vld [tilespmem:$0x10C0]  }
0x203: {  	v32 =	vld [tilespmem:$0x10D0]  }
0x204: {  	v33 =	vld [tilespmem:$0x10E0]  }
0x205: {  	v61 =	vld [tilespmem:$0x1170]  }
0x206: {  	v35 =	vld [tilespmem:$0x1100]  }
0x207: {  	v36 =	vld [tilespmem:$0x1110]  }
0x208: {  	v37 =	vld [tilespmem:$0x1120]  }
0x209: {  	v38 =	vld [tilespmem:$0x1130]  }
0x20a: {  	v39 =	vld [tilespmem:$0x1140]  }
0x20b: {  	v40 =	vld [tilespmem:$0x1150]  }
0x20c: {  	v41 =	vld [tilespmem:$0x1160]  }
0x20d: {  	v62 =	vld [tilespmem:$0x11F0]  }
0x20e: {  	v63 =	vld [tilespmem:$0x1180]  }
0x20f: {  	v44 =	vld [tilespmem:$0x1190]  }
0x210: {  	v45 =	vld [tilespmem:$0x11A0]  }
0x211: {  	v46 =	vld [tilespmem:$0x11B0]  }
0x212: {  	v47 =	vld [tilespmem:$0x11C0]  }
0x213: {  	v48 =	vld [tilespmem:$0x11D0]  }
0x214: {  	v49 =	vld [tilespmem:$0x11E0]  }
0x215: {  	v50 =	vld [tilespmem:$0x1270]  }
0x216: {  	v51 =	vld [tilespmem:$0x1200]  }
0x217: {  	v52 =	vld [tilespmem:$0x1210]  }
0x218: {  	v53 =	vld [tilespmem:$0x1220]  }
0x219: {  	v54 =	vld [tilespmem:$0x1230]  }
0x21a: {  	v55 =	vld [tilespmem:$0x1240];
	v3 =	vmul.f32 v18, v59  }
0x21b: {  	v56 =	vld [tilespmem:$0x1250];
	v26 =	vmul.f32 v18, v26  }
0x21c: {  	v34 =	vld [tilespmem:$0x1260];
	v3 =	vadd.f32 v60, v3;
	v60 =	vmul.f32 v18, v61  }
0x21d: {  	v26 =	vadd.f32 v27, v26;
	v27 =	vmul.f32 v18, v62;
	v61 =	vld [tilespmem:$0x12F0]  }
0x21e: {  	v43 =	vld [tilespmem:$0x12B0];
	v3 =	vadd.f32 v5, v3;
	v4 =	vadd.f32 v35, v60  }
0x21f: {  	v62 =	vld [tilespmem:$0x1280];
	v26 =	vadd.f32 v28, v26;
	v27 =	vadd.f32 v63, v27  }
0x220: {  	v57 =	vld [tilespmem:$0x1380];
	v3 =	vadd.f32 v6, v3;
	v4 =	vadd.f32 v36, v4  }
0x221: {  	v59 =	vld [tilespmem:$0x1310];
	v26 =	vadd.f32 v29, v26;
	v27 =	vadd.f32 v44, v27  }
0x222: {  	v63 =	vld [tilespmem:$0x1290];
	v58 =	vmul.f32 v18, v61;
	v3 =	vadd.f32 v7, v3;
	v4 =	vadd.f32 v37, v4  }
0x223: {  	v60 =	vld [tilespmem:$0x1390];
	v26 =	vadd.f32 v30, v26;
	v27 =	vadd.f32 v45, v27  }
0x224: {  	v6 =	vld [tilespmem:$0x12A0];
	v5 =	vadd.f32 v62, v58;
	v3 =	vadd.f32 v8, v3  }
0x225: {  	v4 =	vadd.f32 v38, v4;
	v27 =	vadd.f32 v46, v27;
	v46 =	vld [tilespmem:$0x1370]  }
0x226: {  	v26 =	vadd.f32 v31, v26;
	v3 =	vadd.f32 v9, v3;
	v9 =	vld [tilespmem:$0x13F0]  }
0x227: {  	v5 =	vadd.f32 v63, v5;
	v27 =	vadd.f32 v47, v27;
	v47 =	vld [tilespmem:$0x1300]  }
0x228: {  	v44 =	vld [tilespmem:$0x12C0];
	v4 =	vadd.f32 v39, v4;
	v3 =	vadd.f32 v25, v3;
	v25 =	vmul.f32 v18, v50  }
0x229: {  	v36 =	vld [tilespmem:$0x13B0];
	v26 =	vadd.f32 v32, v26;
	v5 =	vadd.f32 v6, v5  }
0x22a: {  	v61 =	vld [tilespmem:$0x1320];
	v4 =	vadd.f32 v40, v4;
	v31 =	vmul.f32 v18, v46;
	v25 =	vadd.f32 v51, v25  }
0x22b: {  	v45 =	vld [tilespmem:$0x12D0];
	v26 =	vadd.f32 v33, v26;
	v27 =	vadd.f32 v48, v27;
	v9 =	vmul.f32 v18, v9  }
0x22c: {  	v62 =	vld [tilespmem:$0x13A0];
	v31 =	vadd.f32 v47, v31;
	v25 =	vadd.f32 v52, v25  }
0x22d: {  	v63 =	vld [tilespmem:$0x1330];
	v5 =	vadd.f32 v43, v5;
	v9 =	vadd.f32 v57, v9  }
0x22e: {  	v8 =	vld [tilespmem:$0x12E0];
	v31 =	vadd.f32 v59, v31;
	v25 =	vadd.f32 v53, v25  }
0x22f: {  	v4 =	vadd.f32 v41, v4;
	v37 =	vadd.f32 v60, v9;
	v9 =	vld [tilespmem:$0x1340]  }
0x230: {  	v38 =	vld [tilespmem:$0x13C0];
	v31 =	vadd.f32 v61, v31;
	v25 =	vadd.f32 v54, v25  }
0x231: {  	v39 =	vld [tilespmem:$0x1350];
	v27 =	vadd.f32 v49, v27;
	v6 =	vadd.f32 v62, v37  }
0x232: {  	v40 =	vld [tilespmem:$0x13D0];
	v28 =	vadd.f32 v63, v31;
	v25 =	vadd.f32 v55, v25  }
0x233: {  	v41 =	vld [tilespmem:$0x1360];
	v5 =	vadd.f32 v44, v5;
	v6 =	vadd.f32 v36, v6  }
0x234: {  	(xrf2) =	vadd.scan.msk.f32 $0xffff, v3;
	v42 =	vadd.f32 v56, v25;
	v9 =	vadd.f32 v9, v28;
	v25 =	vld [tilespmem:$0x13E0]  }
0x235: {  	(xrf2) =	vadd.scan.msk.f32 $0xffff, v26;
	v5 =	vadd.f32 v45, v5;
	v6 =	vadd.f32 v38, v6  }
0x236: {  	(xrf2) =	vadd.scan.msk.f32 $0xffff, v4;
	v3 =	vadd.f32 v34, v42;
	v43 =	vadd.f32 v39, v9  }
0x237: {  	(xrf2) =	vadd.scan.msk.f32 $0xffff, v27;
	v5 =	vadd.f32 v8, v5;
	v6 =	vadd.f32 v40, v6  }
0x238: {  	(xrf2) =	vadd.scan.msk.f32 $0xffff, v3;
	v44 =	vadd.f32 v41, v43  }
0x239: {  	(xrf2) =	vadd.scan.msk.f32 $0xffff, v5;
	v45 =	vadd.f32 v25, v6  }
0x23a: {  	(xrf2) =	vadd.scan.msk.f32 $0xffff, v44  }
0x23b: {  	(xrf2) =	vadd.scan.msk.f32 $0xffff, v45;
	_ =	sdelay $0x2  }
0x23c: {  	v46, _, _ =	vpop (xrf2)  }
0x23d: {  	v47, _, _ =	vpop (xrf2);
	v3 =	vbroadcast v46, $0xF  }
0x23e: {  	v48, _, _ =	vpop (xrf2);
	v4 =	vbroadcast v47, $0xF  }
0x23f: {  	v49, _, _ =	vpop (xrf2);
	v5 =	vbroadcast v48, $0xF;
	v3 =	vnsel vm0, $0x0, v3  }
0x240: {  	v51 =	vbroadcast v49, $0xF;
	v3 =	vsel vm1, v3, v4;
	v50, _, _ =	vpop (xrf2)  }
0x241: {  	v3 =	vsel vm2, v3, v5;
	v52, _, _ =	vpop (xrf2);
	v53 =	vbroadcast v50, $0xF  }
0x242: {  	v3 =	vsel vm3, v3, v51;
	v54, _, _ =	vpop (xrf2);
	v55 =	vbroadcast v52, $0xF  }
0x243: {  	v3 =	vsel vm4, v3, v53;
	v56 =	vbroadcast v54, $0xF;
	v57, _, _ =	vpop (xrf2)  }
0x244: {  	v3 =	vsel vm5, v3, v55;
	v58 =	vbroadcast v57, $0xF  }
0x245: {  	v3 =	vsel vm6, v3, v56  }
0x246: {  	v3 =	vsel vm7, v3, v58  }
0x247: {  	v0 =	vmul.f32 v3, v0;
	_ =	sdelay $0x1  }
0x248: {  	(xrf2) =	vadd.scan.msk.f32 $0xffff, v0;
	_ =	sdelay $0x7  }
0x249: {  	v60 =	vbroadcast v2, $0xF  }
0x24a: {  	v59 =	vbroadcast v1, $0xF  }
0x24b: {  	v1 =	vmul.f32 v22, v60;
	v61, _, _ =	vpop (xrf2)  }
0x24c: {  	s30 =	smul.f32 s30, s3;
	v0 =	vmul.f32 v21, v59;
	v2 =	vbroadcast v61, $0xF;
	_ =	sdelay $0x1  }
0x24d: {  	s3 =	sadd.f32 s30, s29;
	v0 =	vadd.f32 v1, v0;
	v62 =	vmul.f32 v23, v2;
	_ =	sdelay $0x1  }
0x24e: {  	v63 =	vmul.f32 s3, v24;
	v0 =	vadd.f32 v62, v0;
	_ =	sdelay $0x1  }
0x24f: {  	v0 =	vadd.f32 v0, v63  }
0x250: {  	p0 =	sne.s32 s6, $0x1  }
.Ltmp0:
0x251: {  	s31 =	rddreg [dreg:$0x11];
	[tilespmem:$0x1780] =	vst v0;
	(pc) =	sbr.rel @p0 .LBB2_1-.Ltmp0, $4  }
0x252: {  	[hbm4b:s31+s4] =	stream.linear.scatter [tilespmem:s26], [sflag:$0x4], $0x80, $0x38;
	[tilespmem:$0x1800] =	vst v63  }
0x253: {  	_ =	swait.ge [sflag:s28], $0x80  }
0x254: {  	[sflag:s28] =	ssyncset.done $0x0  }
0x255: {  	s6 =	sadd.s32 $0xFFFFFFFF, s6;
	[sflag:s28] =	ssyncadd.s32 $0xFFFFFF80  }
0x256: {  	_ =	sfence.sel $0x180000  }
0x257: {  	[bflag:$0x0] =	sbarrier.arrive $0xFFFF  }
0x258: {  	_ =	strace $0x90000047  }
0x259: {  	[bflag:$0x2] =	sbarrier.arrive $0xFFFF  }
0x25a: {  	p0 =	sne.s32 s0, $0x0;
	s0 =	rddreg [dreg:$0x6]  }
0x25b: {  	s0 =	sadd.s32 @!p0 $0x100000, s0  }
0x25c: {  	[sflag:s0] =	ssyncadd.tile.s32 @!p0 $0x1;
	_ =	shalt  }
.Lfunc_end2:
_tile_overlayer_lowered:
.L_overlay_start_2:
0x25d: {  	(tag) =	ssettag $0x2  }
0x25e: {  	s0 =	rddreg [dreg:$0x0];
	s2 =	stileid.u32  }
0x25f: {  	s1 =	rddreg [dreg:$0x1];
	p0 =	sne.s32 s2, $0x0  }
0x260: {  	s3 =	rddreg [dreg:$0x2];
	[bflag:$0x3] =	sbarrier.arrive $0xFFFF;
	s2 =	simm.s32 @!p0 $0x1C04  }
0x261: {  	[timem:s3], [sflag:s2] =	dma.local @!p0 [hbm:s0], s1  }
0x262: {  	s0 =	simm.s32 @!p0 $0x4  }
0x263: {  	_ =	swait.ge @!p0 [sflag:s0], s1  }
0x264: {  	s1 =	ssub.s32 @!p0 $0x0, s1;
	[sflag:s0] =	ssyncset.done @!p0 $0x0  }
0x265: {  	[sflag:s0] =	ssyncadd.s32 @!p0 s1  }
0x266: {  	[bflag:$0x3] =	sbarrier.arrive $0xFFFF  }
0x267: {  	_ =	shalt  }

</sc_bundles>
